<compile_context>
chip_gen: v7x
topology: tpu7x:2x2x1
jax: 0.10.2.dev20260603
libtpu: 0.0.44.dev20260713+nightly
codegen_flags: <defaults>
</compile_context>

<pallas_src>
import jax
import jax.numpy as jnp
from jax import lax
from jax.experimental import pallas as pl
from jax.experimental.pallas import tpu as pltpu
from jax.experimental.pallas import tpu_sc as plsc

_N = 10000
_E = 320000
_DF = 128
_DH = 64
_G = 64
_DT = 10

_NC = 2
_NS = 16
_NW = _NC * _NS

_N_PAD = 10112
_RPT = _N_PAD // _NS
_CH = 256
_NBUF = 4
_NIF = 3
_EPT = ((_E // _NW + _NBUF * _CH - 1) // (_NBUF * _CH)) * (_NBUF * _CH)
_NCH = _EPT // _CH
_E_PAD = _EPT * _NW

_NBLK = 2
_MB = _N_PAD // _NBLK

_mesh = plsc.VectorSubcoreMesh(core_axis_name="c", subcore_axis_name="s")



assert _NCH % _NBUF == 0 and _NIF <= _NBUF


def _make_agg(with_counts):
    def body(*args):
        if with_counts:
            (table, src, dst, zeros, ones, zeros16, out, cout, acc, src_v,
             dst_v, acc16, ones_v, *bufs) = args
        else:
            (table, src, dst, zeros, out, acc, src_v, dst_v, *bufs) = args
        rows = list(bufs[:_NBUF])
        gsem = list(bufs[_NBUF:2 * _NBUF])
        ssem = list(bufs[2 * _NBUF:3 * _NBUF])
        csem = bufs[3 * _NBUF] if with_counts else None
        c = lax.axis_index("c")
        s = lax.axis_index("s")
        wid = s * _NC + c
        pltpu.sync_copy(zeros, acc.at[pl.ds(s * _RPT, _RPT)])
        if with_counts:
            pltpu.sync_copy(zeros16, acc16.at[pl.ds(s * _RPT, _RPT)])
            pltpu.sync_copy(ones, ones_v)
        pltpu.sync_copy(src.at[wid], src_v)
        pltpu.sync_copy(dst.at[wid], dst_v)
        plsc.subcore_barrier()

        for k in range(_NIF):
            pltpu.async_copy(table.at[src_v.at[k]], rows[k], gsem[k])

        def step(i, carry):
            base = i * _NBUF
            for k in range(_NBUF):
                j = base + k
                jn = j + _NIF
                bn = (k + _NIF) % _NBUF

                @pl.when(jnp.logical_and(jn < _NCH, j >= _NBUF - _NIF))
                def _():
                    pltpu.make_async_copy(
                        rows[bn], acc.at[dst_v.at[jn - _NBUF]],
                        ssem[bn]).wait()

                @pl.when(jn < _NCH)
                def _():
                    pltpu.async_copy(table.at[src_v.at[jn]], rows[bn],
                                     gsem[bn])

                pltpu.make_async_copy(table.at[src_v.at[j]], rows[k],
                                      gsem[k]).wait()
                pltpu.async_copy(rows[k], acc.at[dst_v.at[j]], ssem[k],
                                 add=True)
                if with_counts:
                    @pl.when(j >= _NBUF)
                    def _():
                        pltpu.make_async_copy(
                            ones_v, acc16.at[dst_v.at[j - _NBUF]],
                            csem).wait()

                    pltpu.async_copy(ones_v, acc16.at[dst_v.at[j]], csem,
                                     add=True)
            return carry

        lax.fori_loop(0, _NCH // _NBUF, step, 0)
        for k in range(_NBUF):
            jt = _NCH - _NBUF + k
            pltpu.make_async_copy(rows[k], acc.at[dst_v.at[jt]],
                                  ssem[k]).wait()
            if with_counts:
                pltpu.make_async_copy(ones_v, acc16.at[dst_v.at[jt]],
                                      csem).wait()
        plsc.subcore_barrier()
        pltpu.sync_copy(acc.at[pl.ds(s * _RPT, _RPT)],
                        out.at[c, pl.ds(s * _RPT, _RPT), pl.ds(0, _DH)])
        if with_counts:
            pltpu.sync_copy(acc16.at[pl.ds(s * _RPT, _RPT)],
                            cout.at[c, pl.ds(s * _RPT, _RPT), pl.ds(0, 16)])

    out_type = jax.ShapeDtypeStruct((_NC, _N_PAD, 2 * _DH), jnp.float32)
    scratch = [pltpu.VMEM_SHARED((_N_PAD, _DH), jnp.float32)]
    if with_counts:
        out_type = (out_type,
                    jax.ShapeDtypeStruct((_NC, _N_PAD, 2 * _DH), jnp.float32))
    scratch += [
        pltpu.VMEM((_NCH, _CH), jnp.int32),
        pltpu.VMEM((_NCH, _CH), jnp.int32),
    ]
    if with_counts:
        scratch += [
            pltpu.VMEM_SHARED((_N_PAD, 16), jnp.float32),
            pltpu.VMEM((_CH, 16), jnp.float32),
        ]
    scratch += [pltpu.VMEM((_CH, _DH), jnp.float32)] * _NBUF
    scratch += [pltpu.SemaphoreType.DMA] * (2 * _NBUF + with_counts)
    return pl.kernel(
        body,
        out_type=out_type,
        mesh=_mesh,
        compiler_params=pltpu.CompilerParams(use_tc_tiling_on_sc=False),
        scratch_types=scratch,
    )


_agg = _make_agg(False)


def _cnt_body(dst, ones, zeros, out, acc, dst_v, ones_v, csem):
    c = lax.axis_index("c")
    s = lax.axis_index("s")
    wid = s * _NC + c
    pltpu.sync_copy(zeros, acc.at[pl.ds(s * _RPT, _RPT)])
    pltpu.sync_copy(dst.at[wid], dst_v)
    pltpu.sync_copy(ones, ones_v)
    plsc.subcore_barrier()

    def step(i, carry):
        base = i * _NBUF
        for k in range(_NBUF):
            j = base + k

            @pl.when(j >= _NBUF)
            def _():
                pltpu.make_async_copy(ones_v, acc.at[dst_v.at[j - _NBUF]],
                                      csem).wait()

            pltpu.async_copy(ones_v, acc.at[dst_v.at[j]], csem, add=True)
        return carry

    lax.fori_loop(0, _NCH // _NBUF, step, 0)
    for k in range(_NBUF):
        pltpu.make_async_copy(ones_v, acc.at[dst_v.at[_NCH - _NBUF + k]],
                              csem).wait()
    plsc.subcore_barrier()
    pltpu.sync_copy(acc.at[pl.ds(s * _RPT, _RPT)],
                    out.at[c, pl.ds(s * _RPT, _RPT), pl.ds(0, 16)])


_cnt = pl.kernel(
    _cnt_body,
    out_type=jax.ShapeDtypeStruct((_NC, _N_PAD, 2 * _DH), jnp.float32),
    mesh=_mesh,
    compiler_params=pltpu.CompilerParams(use_tc_tiling_on_sc=False),
    scratch_types=[
        pltpu.VMEM_SHARED((_N_PAD, 16), jnp.float32),
        pltpu.VMEM((_NCH, _CH), jnp.int32),
        pltpu.VMEM((_CH, 16), jnp.float32),
        pltpu.SemaphoreType.DMA,
    ],
)



def _wfold_kernel(wl0_ref, wr0_ref, wl1_ref, wr1_ref, wl2_ref, wr2_ref,
                  wm_ref, bl0_ref, bl1_ref, bl2_ref, bm_ref, *out_refs):
    wm = wm_ref[...]
    for k, (wl_ref, wr_ref) in enumerate(
            ((wl0_ref, wr0_ref), (wl1_ref, wr1_ref), (wl2_ref, wr2_ref))):
        out_refs[k][:, :_DH] = jnp.dot(wl_ref[...], wm,
                                       preferred_element_type=jnp.float32)
        out_refs[k][:, _DH:] = jnp.dot(wr_ref[...], wm,
                                       preferred_element_type=jnp.float32)
    bm = bm_ref[...]
    for k, b_ref in enumerate((bl0_ref, bl1_ref, bl2_ref)):
        out_refs[3 + k][...] = jnp.dot(b_ref[...], wm,
                                       preferred_element_type=jnp.float32) + bm


def _wfold(wl0, wr0, wl1, wr1, wl2, wr2, wm, bl0, bl1, bl2, bm):
    full = lambda shape: pl.BlockSpec(shape, lambda: (0, 0))
    return pl.pallas_call(
        _wfold_kernel,
        in_specs=[full((_DF, _DH)), full((_DF, _DH))] +
                 [full((_DH, _DH))] * 5 + [full((1, _DH))] * 4,
        out_specs=[full((_DF, 2 * _DH))] + [full((_DH, 2 * _DH))] * 2 +
                  [full((1, _DH))] * 3,
        out_shape=[jax.ShapeDtypeStruct((_DF, 2 * _DH), jnp.float32)] +
                  [jax.ShapeDtypeStruct((_DH, 2 * _DH), jnp.float32)] * 2 +
                  [jax.ShapeDtypeStruct((1, _DH), jnp.float32)] * 3,
    )(wl0, wr0, wl1, wr1, wl2, wr2, wm, bl0, bl1, bl2, bm)


def _mm2_kernel(h_ref, wab_ref, a_ref, r_ref):
    z = jnp.dot(h_ref[...], wab_ref[...], preferred_element_type=jnp.float32)
    a_ref[...] = z[:, :_DH]
    r_ref[...] = z[:, _DH:]


def _mm2(h, wab):
    d = h.shape[1]
    return pl.pallas_call(
        _mm2_kernel,
        grid=(_NBLK,),
        in_specs=[
            pl.BlockSpec((_MB, d), lambda i: (i, 0)),
            pl.BlockSpec((d, 2 * _DH), lambda i: (0, 0)),
        ],
        out_specs=[
            pl.BlockSpec((_MB, _DH), lambda i: (i, 0)),
            pl.BlockSpec((_MB, _DH), lambda i: (i, 0)),
        ],
        out_shape=[
            jax.ShapeDtypeStruct((_N_PAD, _DH), jnp.float32),
            jax.ShapeDtypeStruct((_N_PAD, _DH), jnp.float32),
        ],
    )(h, wab)


def _hcomb(pv, cpv, r, bb):
    psum = (pv[0] + pv[1])[:, :_DH]
    cnt = (cpv[0] + cpv[1])[:, 0:1]
    rcp = 1.0 / jnp.clip(cnt, 1.0, None)
    return jnp.maximum(psum * rcp + bb + r, 0.0)


def _cmb2_kernel(p_ref, cp_ref, r_ref, bb_ref, wab_ref, h_ref, a_ref,
                 r2_ref):
    h = _hcomb(p_ref[...], cp_ref[...], r_ref[...], bb_ref[...])
    h_ref[...] = h
    z = jnp.dot(h, wab_ref[...], preferred_element_type=jnp.float32)
    a_ref[...] = z[:, :_DH]
    r2_ref[...] = z[:, _DH:]


def _cmb2(p, cp, r, bb, wab):
    return pl.pallas_call(
        _cmb2_kernel,
        grid=(_NBLK,),
        in_specs=[
            pl.BlockSpec((_NC, _MB, 2 * _DH), lambda i: (0, i, 0)),
            pl.BlockSpec((_NC, _MB, 2 * _DH), lambda i: (0, i, 0)),
            pl.BlockSpec((_MB, _DH), lambda i: (i, 0)),
            pl.BlockSpec((1, _DH), lambda i: (0, 0)),
            pl.BlockSpec((_DH, 2 * _DH), lambda i: (0, 0)),
        ],
        out_specs=[
            pl.BlockSpec((_MB, _DH), lambda i: (i, 0)),
            pl.BlockSpec((_MB, _DH), lambda i: (i, 0)),
            pl.BlockSpec((_MB, _DH), lambda i: (i, 0)),
        ],
        out_shape=[jax.ShapeDtypeStruct((_N_PAD, _DH), jnp.float32)] * 3,
    )(p, cp, r, bb, wab)


def _pool_kernel(b_ref, h1_ref, h2_ref, p_ref, cp_ref, r_ref, bb_ref,
                 w1_ref, b1_ref, w2_ref, b2_ref, o_ref, acc_ref):
    i = pl.program_id(0)

    @pl.when(i == 0)
    def _():
        acc_ref[...] = jnp.zeros_like(acc_ref)

    h3 = _hcomb(p_ref[...], cp_ref[...], r_ref[...], bb_ref[...])
    bb = b_ref[0, 0, :]
    onehot = (bb[:, None] ==
              lax.broadcasted_iota(jnp.int32, (1, _G), 1)).astype(jnp.float32)
    dn = (((0,), (0,)), ((), ()))
    for k, h in enumerate((h1_ref[...], h2_ref[...], h3)):
        acc_ref[:, k * _DH:(k + 1) * _DH] += lax.dot_general(
            onehot, h, dn, preferred_element_type=jnp.float32)
    acc_ref[:, 3 * _DH:3 * _DH + 1] += jnp.sum(onehot, axis=0)[:, None]

    @pl.when(i == _NBLK - 1)
    def _():
        accv = acc_ref[...]
        rcp = 1.0 / jnp.clip(accv[:, 3 * _DH:3 * _DH + 1], 1.0, None)
        pooled = accv[:, :3 * _DH] * rcp
        z = jnp.dot(pooled, w1_ref[...], preferred_element_type=jnp.float32)
        z = jnp.maximum(z + b1_ref[...], 0.0)
        o_ref[...] = jnp.dot(
            z, w2_ref[...], preferred_element_type=jnp.float32) + b2_ref[...]


def _pool(batch_r, h1, h2, p, cp, r, bb, w1, b1, w2, b2):
    return pl.pallas_call(
        _pool_kernel,
        grid=(_NBLK,),
        in_specs=[
            pl.BlockSpec((1, 1, _MB), lambda i: (i, 0, 0)),
            pl.BlockSpec((_MB, _DH), lambda i: (i, 0)),
            pl.BlockSpec((_MB, _DH), lambda i: (i, 0)),
            pl.BlockSpec((_NC, _MB, 2 * _DH), lambda i: (0, i, 0)),
            pl.BlockSpec((_NC, _MB, 2 * _DH), lambda i: (0, i, 0)),
            pl.BlockSpec((_MB, _DH), lambda i: (i, 0)),
            pl.BlockSpec((1, _DH), lambda i: (0, 0)),
            pl.BlockSpec((3 * _DH, _DH), lambda i: (0, 0)),
            pl.BlockSpec((1, _DH), lambda i: (0, 0)),
            pl.BlockSpec((_DH, _DT), lambda i: (0, 0)),
            pl.BlockSpec((1, _DT), lambda i: (0, 0)),
        ],
        out_specs=pl.BlockSpec((_G, _DT), lambda i: (0, 0)),
        out_shape=jax.ShapeDtypeStruct((_G, _DT), jnp.float32),
        scratch_shapes=[pltpu.VMEM((_G, 3 * _DH + 128), jnp.float32)],
    )(batch_r, h1, h2, p, cp, r, bb, w1, b1, w2, b2)



def kernel(x, edge_index, batch, Wl0, bl0, Wr0, Wl1, bl1, Wr1, Wl2, bl2,
           Wr2, Wm, bm, W1, b1, W2, b2):
    x_p = jnp.pad(x, ((0, _N_PAD - _N), (0, 0)))
    src = edge_index[0].astype(jnp.int32)
    dst = edge_index[1].astype(jnp.int32)
    npad = _E_PAD - _E
    ar = jnp.arange(npad, dtype=jnp.int32)
    src_p = jnp.concatenate([src, (ar * 97) % _N]).reshape(_NW, _NCH, _CH)
    dst_p = jnp.concatenate([dst, _N + ar % (_N_PAD - _N)]).reshape(_NW, _NCH, _CH)
    zeros64 = jnp.zeros((_RPT, _DH), jnp.float32)
    zeros16 = jnp.zeros((_RPT, 16), jnp.float32)
    ones16 = jnp.ones((_CH, 16), jnp.float32)
    batch_r = jnp.pad(batch.astype(jnp.int32), (0, _N_PAD - _N),
                      constant_values=_G).reshape(_NBLK, 1, _MB)
    blr0, blr1, blr2 = (b.reshape(1, _DH) for b in (bl0, bl1, bl2))
    bmr = bm.reshape(1, _DH)
    b1r = b1.reshape(1, _DH)
    b2r = b2.reshape(1, _DT)

    (wab0, wab1, wab2, bb0, bb1, bb2) = _wfold(
        Wl0, Wr0, Wl1, Wr1, Wl2, Wr2, Wm, blr0, blr1, blr2, bmr)

    cp = _cnt(dst_p, ones16, zeros16)
    a0, r0 = _mm2(x_p, wab0)
    p0 = _agg(a0, src_p, dst_p, zeros64)
    h1, a1, r1 = _cmb2(p0, cp, r0, bb0, wab1)

    p1 = _agg(a1, src_p, dst_p, zeros64)
    h2, a2, r2 = _cmb2(p1, cp, r1, bb1, wab2)

    p2 = _agg(a2, src_p, dst_p, zeros64)

    return _pool(batch_r, h1, h2, p2, cp, r2, bb2, W1, b1r, W2, b2r)

# --- scband reference (transcript-rebuilt; emitter-appended) ---
"""Pipeline reference for scband-graph-sage-5574867550247 (READ-ONLY COPY).

The authoritative reference and input builder live on the scoring server;
editing this copy changes nothing except your own understanding.
"""

import jax, jax.numpy as jnp
import numpy as np

N = 10000
E = 320000
DF = 128
DH = 64
G = 64
DT = 10

def setup_inputs(seed: int = 0):
    key = jax.random.key(seed)
    ks = jax.random.split(key, 18)
    inp = {}
    inp['x'] = jax.random.normal(ks[0], (N, DF), dtype=jnp.float32)
    inp['edge_index'] = jax.random.randint(ks[1], (2, E), 0, N)
    inp['batch'] = jnp.sort(jax.random.randint(ks[2], (N,), 0, G))
    dims = [DF, DH, DH]
    for i in range(3):
        inp['Wl%d' % i] = jax.random.normal(ks[3 + 3 * i], (dims[i], DH), dtype=jnp.float32) * 0.05
        inp['bl%d' % i] = jnp.zeros((DH,), dtype=jnp.float32)
        inp['Wr%d' % i] = jax.random.normal(ks[4 + 3 * i], (dims[i], DH), dtype=jnp.float32) * 0.05
    inp['Wm'] = jax.random.normal(ks[12], (DH, DH), dtype=jnp.float32) * 0.05
    inp['bm'] = jnp.zeros((DH,), dtype=jnp.float32)
    inp['W1'] = jax.random.normal(ks[13], (3 * DH, DH), dtype=jnp.float32) * 0.05
    inp['b1'] = jnp.zeros((DH,), dtype=jnp.float32)
    inp['W2'] = jax.random.normal(ks[14], (DH, DT), dtype=jnp.float32) * 0.05
    inp['b2'] = jnp.zeros((DT,), dtype=jnp.float32)
    return inp

def _sage_conv(x, edge_index, Wl, bl, Wr):
    # PyG SAGEConv (mean aggregation): lin_l(mean_{j in N(i)} x_j) + lin_r(x_i)
    src = edge_index[0]
    dst = edge_index[1]
    msgs = jnp.take(x, src, axis=0)
    agg = jax.ops.segment_sum(msgs, dst, num_segments=N)
    cnt = jax.ops.segment_sum(jnp.ones((dst.shape[0],), x.dtype), dst, num_segments=N)
    mean = agg / jnp.clip(cnt, 1.0, None)[:, None]
    return mean @ Wl + bl + x @ Wr

def reference(x, edge_index, batch, Wl0, bl0, Wr0, Wl1, bl1, Wr1, Wl2, bl2, Wr2, Wm, bm, W1, b1, W2, b2):
    h = x
    outs = []
    for (Wl, bl, Wr) in ((Wl0, bl0, Wr0), (Wl1, bl1, Wr1), (Wl2, bl2, Wr2)):
        h = _sage_conv(h, edge_index, Wl, bl, Wr)
        h = jax.nn.relu(h @ Wm + bm)
        outs.append(h)
    hc = jnp.concatenate(outs, axis=1)
    gsum = jax.ops.segment_sum(hc, batch, num_segments=G)
    gcnt = jax.ops.segment_sum(jnp.ones((N,), hc.dtype), batch, num_segments=G)
    pooled = gsum / jnp.clip(gcnt, 1.0, None)[:, None]
    z = jax.nn.relu(pooled @ W1 + b1)
    return z @ W2 + b2

if __name__ == "__main__":
    import jax
    _d = setup_inputs()
    print(jax.jit(kernel)(*tuple(_d.values())))

</pallas_src>

<mosaic_0001>
#map = affine_map<(d0, d1) -> (0, 0, 0)>
#map1 = affine_map<(d0, d1) -> (0, 0)>
module attributes {stable_mosaic.version = 14 : i64} {
  func.func @_cnt_body(%arg0: i32, %arg1: i32, %arg2: memref<32x40x256xi32, #tpu.memory_space<hbm>>, %arg3: memref<256x16xf32, #tpu.memory_space<hbm>>, %arg4: memref<632x16xf32, #tpu.memory_space<hbm>>, %arg5: memref<2x10112x128xf32, #tpu.memory_space<hbm>>, %arg6: memref<10112x16xf32, #tpu.memory_space<vmem_shared>>, %arg7: memref<40x256xi32, #tpu.memory_space<vmem>>, %arg8: memref<256x16xf32, #tpu.memory_space<vmem>>, %arg9: memref<!tpu.dma_semaphore, #tpu.memory_space<semaphore_mem>>) attributes {dimension_semantics = [#tpu.dimension_semantics<core_parallel>, #tpu.dimension_semantics<subcore_parallel>], iteration_bounds = array<i64: 2, 16>, scalar_prefetch = 0 : i64, scratch_operands = 4 : i64, tpu.core_type = #tpu.core_type<sc_vector_subcore>, window_params = [{transform_indices = #map}, {transform_indices = #map1}, {transform_indices = #map1}, {transform_indices = #map}]} {
    %mul3A = arith.constant 2 : i32
    %mul3A_0 = arith.muli %arg1, %mul3A : i32
    %add3A = arith.addi %mul3A_0, %arg0 : i32
    %mul3A_1 = arith.constant 632 : i32
    %mul3A_2 = arith.muli %arg1, %mul3A_1 : i32
    "tpu.region"() ({
      %run_scoped3A = tpu.sem_alloc : memref<!tpu.dma_semaphore, #tpu.memory_space<semaphore_mem>>
      %dma_start3A = arith.constant 0 : i32
      %dma_start3A_40 = tpu.memref_slice %arg6[%mul3A_2, %dma_start3A] : memref<10112x16xf32, #tpu.memory_space<vmem_shared>> -> memref<632x16xf32, #tpu.memory_space<vmem_shared>>
      tpu.enqueue_dma source(%arg4 : memref<632x16xf32, #tpu.memory_space<hbm>>) target(%dma_start3A_40 : memref<632x16xf32, #tpu.memory_space<vmem_shared>>) target_semaphore(%run_scoped3A : memref<!tpu.dma_semaphore, #tpu.memory_space<semaphore_mem>>)
      %dma_wait3A_41 = arith.constant 0 : i32
      %dma_wait3A_42 = tpu.memref_slice %arg6[%mul3A_2, %dma_wait3A_41] : memref<10112x16xf32, #tpu.memory_space<vmem_shared>> -> memref<632x16xf32, #tpu.memory_space<vmem_shared>>
      tpu.wait_dma2 semaphore(%run_scoped3A : memref<!tpu.dma_semaphore, #tpu.memory_space<semaphore_mem>>) src(%arg4 : memref<632x16xf32, #tpu.memory_space<hbm>>) dst(%dma_wait3A_42 : memref<632x16xf32, #tpu.memory_space<vmem_shared>>)
      tpu.yield
    }) : () -> ()
    "tpu.region"() ({
      %run_scoped3A = tpu.sem_alloc : memref<!tpu.dma_semaphore, #tpu.memory_space<semaphore_mem>>
      %dma_start3A = arith.constant 0 : i32
      %dma_start3A_40 = arith.constant 0 : i32
      %dma_start3A_41 = tpu.memref_slice %arg2[%add3A, %dma_start3A, %dma_start3A_40] : memref<32x40x256xi32, #tpu.memory_space<hbm>> -> memref<1x40x256xi32, #tpu.memory_space<hbm>>
      %dma_start3A_42 = tpu.memref_squeeze %dma_start3A_41 : memref<1x40x256xi32, #tpu.memory_space<hbm>> -> memref<40x256xi32, #tpu.memory_space<hbm>>
      %dma_start3A_43 = arith.constant 0 : i32
      %dma_start3A_44 = arith.constant 0 : i32
      %dma_start3A_45 = tpu.memref_slice %arg2[%add3A, %dma_start3A_43, %dma_start3A_44] : memref<32x40x256xi32, #tpu.memory_space<hbm>> -> memref<1x40x256xi32, #tpu.memory_space<hbm>>
      %dma_start3A_46 = tpu.memref_squeeze %dma_start3A_45 : memref<1x40x256xi32, #tpu.memory_space<hbm>> -> memref<40x256xi32, #tpu.memory_space<hbm>>
      tpu.enqueue_dma source(%dma_start3A_46 : memref<40x256xi32, #tpu.memory_space<hbm>>) target(%arg7 : memref<40x256xi32, #tpu.memory_space<vmem>>) target_semaphore(%run_scoped3A : memref<!tpu.dma_semaphore, #tpu.memory_space<semaphore_mem>>)
      %dma_wait3A_47 = arith.constant 0 : i32
      %dma_wait3A_48 = arith.constant 0 : i32
      %dma_wait3A_49 = tpu.memref_slice %arg2[%add3A, %dma_wait3A_47, %dma_wait3A_48] : memref<32x40x256xi32, #tpu.memory_space<hbm>> -> memref<1x40x256xi32, #tpu.memory_space<hbm>>
      %dma_wait3A_50 = tpu.memref_squeeze %dma_wait3A_49 : memref<1x40x256xi32, #tpu.memory_space<hbm>> -> memref<40x256xi32, #tpu.memory_space<hbm>>
      %dma_wait3A_51 = arith.constant 0 : i32
      %dma_wait3A_52 = arith.constant 0 : i32
      %dma_wait3A_53 = tpu.memref_slice %arg2[%add3A, %dma_wait3A_51, %dma_wait3A_52] : memref<32x40x256xi32, #tpu.memory_space<hbm>> -> memref<1x40x256xi32, #tpu.memory_space<hbm>>
      %dma_wait3A_54 = tpu.memref_squeeze %dma_wait3A_53 : memref<1x40x256xi32, #tpu.memory_space<hbm>> -> memref<40x256xi32, #tpu.memory_space<hbm>>
      tpu.wait_dma2 semaphore(%run_scoped3A : memref<!tpu.dma_semaphore, #tpu.memory_space<semaphore_mem>>) src(%dma_wait3A_54 : memref<40x256xi32, #tpu.memory_space<hbm>>) dst(%arg7 : memref<40x256xi32, #tpu.memory_space<vmem>>)
      tpu.yield
    }) : () -> ()
    "tpu.region"() ({
      %run_scoped3A = tpu.sem_alloc : memref<!tpu.dma_semaphore, #tpu.memory_space<semaphore_mem>>
      tpu.enqueue_dma source(%arg3 : memref<256x16xf32, #tpu.memory_space<hbm>>) target(%arg8 : memref<256x16xf32, #tpu.memory_space<vmem>>) target_semaphore(%run_scoped3A : memref<!tpu.dma_semaphore, #tpu.memory_space<semaphore_mem>>)
      tpu.wait_dma2 semaphore(%run_scoped3A : memref<!tpu.dma_semaphore, #tpu.memory_space<semaphore_mem>>) src(%arg3 : memref<256x16xf32, #tpu.memory_space<hbm>>) dst(%arg8 : memref<256x16xf32, #tpu.memory_space<vmem>>)
      tpu.yield
    }) : () -> ()
    %barrier3A = arith.constant 0 : index
    tpu.barrier barrier_id(%barrier3A)
    %scan3A = arith.constant 0 : i32
    %scan3A_3 = arith.constant 0 : i32
    %scan3A_4 = arith.constant 10 : i32
    %scan3A_5 = arith.addi %scan3A_3, %scan3A_4 : i32
    %scan3A_6 = arith.constant 1 : i32
    scf.for %scan3A_40 = %scan3A_3 to %scan3A_5 step %scan3A_6  : i32 {
      %mul3A_41 = arith.constant 4 : i32
      %mul3A_42 = arith.muli %scan3A_40, %mul3A_41 : i32
      %add3A_43 = arith.constant 0 : i32
      %add3A_44 = arith.addi %mul3A_42, %add3A_43 : i32
      %ge3A = arith.constant 4 : i32
      %ge3A_45 = arith.cmpi sge, %add3A_44, %ge3A : i32
      %convert_element_type3A = arith.extui %ge3A_45 : i1 to i32
      %cond3A = arith.constant 0 : i32
      %cond3A_46 = arith.cmpi ne, %convert_element_type3A, %cond3A : i32
      scf.if %cond3A_46 {
        %sub3A = arith.constant 4 : i32
        %sub3A_91 = arith.subi %add3A_44, %sub3A : i32
        %dma_wait3A_92 = arith.constant 0 : i32
        %dma_wait3A_93 = tpu.memref_slice %arg7[%sub3A_91, %dma_wait3A_92] : memref<40x256xi32, #tpu.memory_space<vmem>> -> memref<1x256xi32, #tpu.memory_space<vmem>>
        %dma_wait3A_94 = tpu.memref_squeeze %dma_wait3A_93 : memref<1x256xi32, #tpu.memory_space<vmem>> -> memref<256xi32, #tpu.memory_space<vmem>>
        %dma_wait3A_95 = arith.constant 0 : i32
        %dma_wait3A_96 = arith.constant 0 : i32
        %dma_wait3A_97 = tpu.memref_slice %arg6[%dma_wait3A_95, %dma_wait3A_96] : memref<10112x16xf32, #tpu.memory_space<vmem_shared>> -> memref<10112x16xf32, #tpu.memory_space<vmem_shared>>
        tpu.wait_indirect_dma semaphore(%arg9 : memref<!tpu.dma_semaphore, #tpu.memory_space<semaphore_mem>>) src(%arg8 : memref<256x16xf32, #tpu.memory_space<vmem>>) dst(%dma_wait3A_97 : memref<10112x16xf32, #tpu.memory_space<vmem_shared>>)
      } else {
      }
      %dma_start3A = arith.constant 0 : i32
      %dma_start3A_47 = tpu.memref_slice %arg7[%add3A_44, %dma_start3A] : memref<40x256xi32, #tpu.memory_space<vmem>> -> memref<1x256xi32, #tpu.memory_space<vmem>>
      %dma_start3A_48 = tpu.memref_squeeze %dma_start3A_47 : memref<1x256xi32, #tpu.memory_space<vmem>> -> memref<256xi32, #tpu.memory_space<vmem>>
      %dma_start3A_49 = arith.constant 0 : i32
      %dma_start3A_50 = arith.constant 0 : i32
      %dma_start3A_51 = tpu.memref_slice %arg6[%dma_start3A_49, %dma_start3A_50] : memref<10112x16xf32, #tpu.memory_space<vmem_shared>> -> memref<10112x16xf32, #tpu.memory_space<vmem_shared>>
      tpu.enqueue_indirect_dma source(%arg8 : memref<256x16xf32, #tpu.memory_space<vmem>>) target(%dma_start3A_51 : memref<10112x16xf32, #tpu.memory_space<vmem_shared>>) offsets(%dma_start3A_48 : memref<256xi32, #tpu.memory_space<vmem>>) semaphore(%arg9 : memref<!tpu.dma_semaphore, #tpu.memory_space<semaphore_mem>>) {add = true}
      %add3A_52 = arith.constant 1 : i32
      %add3A_53 = arith.addi %mul3A_42, %add3A_52 : i32
      %ge3A_54 = arith.constant 4 : i32
      %ge3A_55 = arith.cmpi sge, %add3A_53, %ge3A_54 : i32
      %convert_element_type3A_56 = arith.extui %ge3A_55 : i1 to i32
      %cond3A_57 = arith.constant 0 : i32
      %cond3A_58 = arith.cmpi ne, %convert_element_type3A_56, %cond3A_57 : i32
      scf.if %cond3A_58 {
        %sub3A = arith.constant 4 : i32
        %sub3A_91 = arith.subi %add3A_53, %sub3A : i32
        %dma_wait3A_92 = arith.constant 0 : i32
        %dma_wait3A_93 = tpu.memref_slice %arg7[%sub3A_91, %dma_wait3A_92] : memref<40x256xi32, #tpu.memory_space<vmem>> -> memref<1x256xi32, #tpu.memory_space<vmem>>
        %dma_wait3A_94 = tpu.memref_squeeze %dma_wait3A_93 : memref<1x256xi32, #tpu.memory_space<vmem>> -> memref<256xi32, #tpu.memory_space<vmem>>
        %dma_wait3A_95 = arith.constant 0 : i32
        %dma_wait3A_96 = arith.constant 0 : i32
        %dma_wait3A_97 = tpu.memref_slice %arg6[%dma_wait3A_95, %dma_wait3A_96] : memref<10112x16xf32, #tpu.memory_space<vmem_shared>> -> memref<10112x16xf32, #tpu.memory_space<vmem_shared>>
        tpu.wait_indirect_dma semaphore(%arg9 : memref<!tpu.dma_semaphore, #tpu.memory_space<semaphore_mem>>) src(%arg8 : memref<256x16xf32, #tpu.memory_space<vmem>>) dst(%dma_wait3A_97 : memref<10112x16xf32, #tpu.memory_space<vmem_shared>>)
      } else {
      }
      %dma_start3A_59 = arith.constant 0 : i32
      %dma_start3A_60 = tpu.memref_slice %arg7[%add3A_53, %dma_start3A_59] : memref<40x256xi32, #tpu.memory_space<vmem>> -> memref<1x256xi32, #tpu.memory_space<vmem>>
      %dma_start3A_61 = tpu.memref_squeeze %dma_start3A_60 : memref<1x256xi32, #tpu.memory_space<vmem>> -> memref<256xi32, #tpu.memory_space<vmem>>
      %dma_start3A_62 = arith.constant 0 : i32
      %dma_start3A_63 = arith.constant 0 : i32
      %dma_start3A_64 = tpu.memref_slice %arg6[%dma_start3A_62, %dma_start3A_63] : memref<10112x16xf32, #tpu.memory_space<vmem_shared>> -> memref<10112x16xf32, #tpu.memory_space<vmem_shared>>
      tpu.enqueue_indirect_dma source(%arg8 : memref<256x16xf32, #tpu.memory_space<vmem>>) target(%dma_start3A_64 : memref<10112x16xf32, #tpu.memory_space<vmem_shared>>) offsets(%dma_start3A_61 : memref<256xi32, #tpu.memory_space<vmem>>) semaphore(%arg9 : memref<!tpu.dma_semaphore, #tpu.memory_space<semaphore_mem>>) {add = true}
      %add3A_65 = arith.constant 2 : i32
      %add3A_66 = arith.addi %mul3A_42, %add3A_65 : i32
      %ge3A_67 = arith.constant 4 : i32
      %ge3A_68 = arith.cmpi sge, %add3A_66, %ge3A_67 : i32
      %convert_element_type3A_69 = arith.extui %ge3A_68 : i1 to i32
      %cond3A_70 = arith.constant 0 : i32
      %cond3A_71 = arith.cmpi ne, %convert_element_type3A_69, %cond3A_70 : i32
      scf.if %cond3A_71 {
        %sub3A = arith.constant 4 : i32
        %sub3A_91 = arith.subi %add3A_66, %sub3A : i32
        %dma_wait3A_92 = arith.constant 0 : i32
        %dma_wait3A_93 = tpu.memref_slice %arg7[%sub3A_91, %dma_wait3A_92] : memref<40x256xi32, #tpu.memory_space<vmem>> -> memref<1x256xi32, #tpu.memory_space<vmem>>
        %dma_wait3A_94 = tpu.memref_squeeze %dma_wait3A_93 : memref<1x256xi32, #tpu.memory_space<vmem>> -> memref<256xi32, #tpu.memory_space<vmem>>
        %dma_wait3A_95 = arith.constant 0 : i32
        %dma_wait3A_96 = arith.constant 0 : i32
        %dma_wait3A_97 = tpu.memref_slice %arg6[%dma_wait3A_95, %dma_wait3A_96] : memref<10112x16xf32, #tpu.memory_space<vmem_shared>> -> memref<10112x16xf32, #tpu.memory_space<vmem_shared>>
        tpu.wait_indirect_dma semaphore(%arg9 : memref<!tpu.dma_semaphore, #tpu.memory_space<semaphore_mem>>) src(%arg8 : memref<256x16xf32, #tpu.memory_space<vmem>>) dst(%dma_wait3A_97 : memref<10112x16xf32, #tpu.memory_space<vmem_shared>>)
      } else {
      }
      %dma_start3A_72 = arith.constant 0 : i32
      %dma_start3A_73 = tpu.memref_slice %arg7[%add3A_66, %dma_start3A_72] : memref<40x256xi32, #tpu.memory_space<vmem>> -> memref<1x256xi32, #tpu.memory_space<vmem>>
      %dma_start3A_74 = tpu.memref_squeeze %dma_start3A_73 : memref<1x256xi32, #tpu.memory_space<vmem>> -> memref<256xi32, #tpu.memory_space<vmem>>
      %dma_start3A_75 = arith.constant 0 : i32
      %dma_start3A_76 = arith.constant 0 : i32
      %dma_start3A_77 = tpu.memref_slice %arg6[%dma_start3A_75, %dma_start3A_76] : memref<10112x16xf32, #tpu.memory_space<vmem_shared>> -> memref<10112x16xf32, #tpu.memory_space<vmem_shared>>
      tpu.enqueue_indirect_dma source(%arg8 : memref<256x16xf32, #tpu.memory_space<vmem>>) target(%dma_start3A_77 : memref<10112x16xf32, #tpu.memory_space<vmem_shared>>) offsets(%dma_start3A_74 : memref<256xi32, #tpu.memory_space<vmem>>) semaphore(%arg9 : memref<!tpu.dma_semaphore, #tpu.memory_space<semaphore_mem>>) {add = true}
      %add3A_78 = arith.constant 3 : i32
      %add3A_79 = arith.addi %mul3A_42, %add3A_78 : i32
      %ge3A_80 = arith.constant 4 : i32
      %ge3A_81 = arith.cmpi sge, %add3A_79, %ge3A_80 : i32
      %convert_element_type3A_82 = arith.extui %ge3A_81 : i1 to i32
      %cond3A_83 = arith.constant 0 : i32
      %cond3A_84 = arith.cmpi ne, %convert_element_type3A_82, %cond3A_83 : i32
      scf.if %cond3A_84 {
        %sub3A = arith.constant 4 : i32
        %sub3A_91 = arith.subi %add3A_79, %sub3A : i32
        %dma_wait3A_92 = arith.constant 0 : i32
        %dma_wait3A_93 = tpu.memref_slice %arg7[%sub3A_91, %dma_wait3A_92] : memref<40x256xi32, #tpu.memory_space<vmem>> -> memref<1x256xi32, #tpu.memory_space<vmem>>
        %dma_wait3A_94 = tpu.memref_squeeze %dma_wait3A_93 : memref<1x256xi32, #tpu.memory_space<vmem>> -> memref<256xi32, #tpu.memory_space<vmem>>
        %dma_wait3A_95 = arith.constant 0 : i32
        %dma_wait3A_96 = arith.constant 0 : i32
        %dma_wait3A_97 = tpu.memref_slice %arg6[%dma_wait3A_95, %dma_wait3A_96] : memref<10112x16xf32, #tpu.memory_space<vmem_shared>> -> memref<10112x16xf32, #tpu.memory_space<vmem_shared>>
        tpu.wait_indirect_dma semaphore(%arg9 : memref<!tpu.dma_semaphore, #tpu.memory_space<semaphore_mem>>) src(%arg8 : memref<256x16xf32, #tpu.memory_space<vmem>>) dst(%dma_wait3A_97 : memref<10112x16xf32, #tpu.memory_space<vmem_shared>>)
      } else {
      }
      %dma_start3A_85 = arith.constant 0 : i32
      %dma_start3A_86 = tpu.memref_slice %arg7[%add3A_79, %dma_start3A_85] : memref<40x256xi32, #tpu.memory_space<vmem>> -> memref<1x256xi32, #tpu.memory_space<vmem>>
      %dma_start3A_87 = tpu.memref_squeeze %dma_start3A_86 : memref<1x256xi32, #tpu.memory_space<vmem>> -> memref<256xi32, #tpu.memory_space<vmem>>
      %dma_start3A_88 = arith.constant 0 : i32
      %dma_start3A_89 = arith.constant 0 : i32
      %dma_start3A_90 = tpu.memref_slice %arg6[%dma_start3A_88, %dma_start3A_89] : memref<10112x16xf32, #tpu.memory_space<vmem_shared>> -> memref<10112x16xf32, #tpu.memory_space<vmem_shared>>
      tpu.enqueue_indirect_dma source(%arg8 : memref<256x16xf32, #tpu.memory_space<vmem>>) target(%dma_start3A_90 : memref<10112x16xf32, #tpu.memory_space<vmem_shared>>) offsets(%dma_start3A_87 : memref<256xi32, #tpu.memory_space<vmem>>) semaphore(%arg9 : memref<!tpu.dma_semaphore, #tpu.memory_space<semaphore_mem>>) {add = true}
    }
    %scan3A_7 = arith.constant 10 : i32
    %dma_wait3A = arith.constant 36 : i32
    %dma_wait3A_8 = arith.constant 0 : i32
    %dma_wait3A_9 = tpu.memref_slice %arg7[%dma_wait3A, %dma_wait3A_8] : memref<40x256xi32, #tpu.memory_space<vmem>> -> memref<1x256xi32, #tpu.memory_space<vmem>>
    %dma_wait3A_10 = tpu.memref_squeeze %dma_wait3A_9 : memref<1x256xi32, #tpu.memory_space<vmem>> -> memref<256xi32, #tpu.memory_space<vmem>>
    %dma_wait3A_11 = arith.constant 0 : i32
    %dma_wait3A_12 = arith.constant 0 : i32
    %dma_wait3A_13 = tpu.memref_slice %arg6[%dma_wait3A_11, %dma_wait3A_12] : memref<10112x16xf32, #tpu.memory_space<vmem_shared>> -> memref<10112x16xf32, #tpu.memory_space<vmem_shared>>
    tpu.wait_indirect_dma semaphore(%arg9 : memref<!tpu.dma_semaphore, #tpu.memory_space<semaphore_mem>>) src(%arg8 : memref<256x16xf32, #tpu.memory_space<vmem>>) dst(%dma_wait3A_13 : memref<10112x16xf32, #tpu.memory_space<vmem_shared>>)
    %dma_wait3A_14 = arith.constant 37 : i32
    %dma_wait3A_15 = arith.constant 0 : i32
    %dma_wait3A_16 = tpu.memref_slice %arg7[%dma_wait3A_14, %dma_wait3A_15] : memref<40x256xi32, #tpu.memory_space<vmem>> -> memref<1x256xi32, #tpu.memory_space<vmem>>
    %dma_wait3A_17 = tpu.memref_squeeze %dma_wait3A_16 : memref<1x256xi32, #tpu.memory_space<vmem>> -> memref<256xi32, #tpu.memory_space<vmem>>
    %dma_wait3A_18 = arith.constant 0 : i32
    %dma_wait3A_19 = arith.constant 0 : i32
    %dma_wait3A_20 = tpu.memref_slice %arg6[%dma_wait3A_18, %dma_wait3A_19] : memref<10112x16xf32, #tpu.memory_space<vmem_shared>> -> memref<10112x16xf32, #tpu.memory_space<vmem_shared>>
    tpu.wait_indirect_dma semaphore(%arg9 : memref<!tpu.dma_semaphore, #tpu.memory_space<semaphore_mem>>) src(%arg8 : memref<256x16xf32, #tpu.memory_space<vmem>>) dst(%dma_wait3A_20 : memref<10112x16xf32, #tpu.memory_space<vmem_shared>>)
    %dma_wait3A_21 = arith.constant 38 : i32
    %dma_wait3A_22 = arith.constant 0 : i32
    %dma_wait3A_23 = tpu.memref_slice %arg7[%dma_wait3A_21, %dma_wait3A_22] : memref<40x256xi32, #tpu.memory_space<vmem>> -> memref<1x256xi32, #tpu.memory_space<vmem>>
    %dma_wait3A_24 = tpu.memref_squeeze %dma_wait3A_23 : memref<1x256xi32, #tpu.memory_space<vmem>> -> memref<256xi32, #tpu.memory_space<vmem>>
    %dma_wait3A_25 = arith.constant 0 : i32
    %dma_wait3A_26 = arith.constant 0 : i32
    %dma_wait3A_27 = tpu.memref_slice %arg6[%dma_wait3A_25, %dma_wait3A_26] : memref<10112x16xf32, #tpu.memory_space<vmem_shared>> -> memref<10112x16xf32, #tpu.memory_space<vmem_shared>>
    tpu.wait_indirect_dma semaphore(%arg9 : memref<!tpu.dma_semaphore, #tpu.memory_space<semaphore_mem>>) src(%arg8 : memref<256x16xf32, #tpu.memory_space<vmem>>) dst(%dma_wait3A_27 : memref<10112x16xf32, #tpu.memory_space<vmem_shared>>)
    %dma_wait3A_28 = arith.constant 39 : i32
    %dma_wait3A_29 = arith.constant 0 : i32
    %dma_wait3A_30 = tpu.memref_slice %arg7[%dma_wait3A_28, %dma_wait3A_29] : memref<40x256xi32, #tpu.memory_space<vmem>> -> memref<1x256xi32, #tpu.memory_space<vmem>>
    %dma_wait3A_31 = tpu.memref_squeeze %dma_wait3A_30 : memref<1x256xi32, #tpu.memory_space<vmem>> -> memref<256xi32, #tpu.memory_space<vmem>>
    %dma_wait3A_32 = arith.constant 0 : i32
    %dma_wait3A_33 = arith.constant 0 : i32
    %dma_wait3A_34 = tpu.memref_slice %arg6[%dma_wait3A_32, %dma_wait3A_33] : memref<10112x16xf32, #tpu.memory_space<vmem_shared>> -> memref<10112x16xf32, #tpu.memory_space<vmem_shared>>
    tpu.wait_indirect_dma semaphore(%arg9 : memref<!tpu.dma_semaphore, #tpu.memory_space<semaphore_mem>>) src(%arg8 : memref<256x16xf32, #tpu.memory_space<vmem>>) dst(%dma_wait3A_34 : memref<10112x16xf32, #tpu.memory_space<vmem_shared>>)
    %barrier3A_35 = arith.constant 0 : index
    tpu.barrier barrier_id(%barrier3A_35)
    %mul3A_36 = arith.constant 632 : i32
    %mul3A_37 = arith.muli %arg1, %mul3A_36 : i32
    %mul3A_38 = arith.constant 632 : i32
    %mul3A_39 = arith.muli %arg1, %mul3A_38 : i32
    "tpu.region"() ({
      %run_scoped3A = tpu.sem_alloc : memref<!tpu.dma_semaphore, #tpu.memory_space<semaphore_mem>>
      %dma_start3A = arith.constant 0 : i32
      %dma_start3A_40 = tpu.memref_slice %arg5[%arg0, %mul3A_39, %dma_start3A] : memref<2x10112x128xf32, #tpu.memory_space<hbm>> -> memref<1x632x16xf32, #tpu.memory_space<hbm>>
      %dma_start3A_41 = tpu.memref_squeeze %dma_start3A_40 : memref<1x632x16xf32, #tpu.memory_space<hbm>> -> memref<632x16xf32, #tpu.memory_space<hbm>>
      %dma_start3A_42 = arith.constant 0 : i32
      %dma_start3A_43 = tpu.memref_slice %arg6[%mul3A_37, %dma_start3A_42] : memref<10112x16xf32, #tpu.memory_space<vmem_shared>> -> memref<632x16xf32, #tpu.memory_space<vmem_shared>>
      tpu.enqueue_dma source(%dma_start3A_43 : memref<632x16xf32, #tpu.memory_space<vmem_shared>>) target(%dma_start3A_41 : memref<632x16xf32, #tpu.memory_space<hbm>>) target_semaphore(%run_scoped3A : memref<!tpu.dma_semaphore, #tpu.memory_space<semaphore_mem>>)
      %dma_wait3A_44 = arith.constant 0 : i32
      %dma_wait3A_45 = tpu.memref_slice %arg5[%arg0, %mul3A_39, %dma_wait3A_44] : memref<2x10112x128xf32, #tpu.memory_space<hbm>> -> memref<1x632x16xf32, #tpu.memory_space<hbm>>
      %dma_wait3A_46 = tpu.memref_squeeze %dma_wait3A_45 : memref<1x632x16xf32, #tpu.memory_space<hbm>> -> memref<632x16xf32, #tpu.memory_space<hbm>>
      %dma_wait3A_47 = arith.constant 0 : i32
      %dma_wait3A_48 = tpu.memref_slice %arg6[%mul3A_37, %dma_wait3A_47] : memref<10112x16xf32, #tpu.memory_space<vmem_shared>> -> memref<632x16xf32, #tpu.memory_space<vmem_shared>>
      tpu.wait_dma2 semaphore(%run_scoped3A : memref<!tpu.dma_semaphore, #tpu.memory_space<semaphore_mem>>) src(%dma_wait3A_48 : memref<632x16xf32, #tpu.memory_space<vmem_shared>>) dst(%dma_wait3A_46 : memref<632x16xf32, #tpu.memory_space<hbm>>)
      tpu.yield
    }) : () -> ()
    return
  }
}

#map = affine_map<(d0, d1) -> (0, 0)>
#map1 = affine_map<(d0, d1) -> (0, 0, 0)>
module attributes {stable_mosaic.version = 14 : i64} {
  func.func @body(%arg0: i32, %arg1: i32, %arg2: memref<10112x64xf32, #tpu.memory_space<hbm>>, %arg3: memref<32x40x256xi32, #tpu.memory_space<hbm>>, %arg4: memref<32x40x256xi32, #tpu.memory_space<hbm>>, %arg5: memref<632x64xf32, #tpu.memory_space<hbm>>, %arg6: memref<2x10112x128xf32, #tpu.memory_space<hbm>>, %arg7: memref<10112x64xf32, #tpu.memory_space<vmem_shared>>, %arg8: memref<40x256xi32, #tpu.memory_space<vmem>>, %arg9: memref<40x256xi32, #tpu.memory_space<vmem>>, %arg10: memref<256x64xf32, #tpu.memory_space<vmem>>, %arg11: memref<256x64xf32, #tpu.memory_space<vmem>>, %arg12: memref<256x64xf32, #tpu.memory_space<vmem>>, %arg13: memref<256x64xf32, #tpu.memory_space<vmem>>, %arg14: memref<!tpu.dma_semaphore, #tpu.memory_space<semaphore_mem>>, %arg15: memref<!tpu.dma_semaphore, #tpu.memory_space<semaphore_mem>>, %arg16: memref<!tpu.dma_semaphore, #tpu.memory_space<semaphore_mem>>, %arg17: memref<!tpu.dma_semaphore, #tpu.memory_space<semaphore_mem>>, %arg18: memref<!tpu.dma_semaphore, #tpu.memory_space<semaphore_mem>>, %arg19: memref<!tpu.dma_semaphore, #tpu.memory_space<semaphore_mem>>, %arg20: memref<!tpu.dma_semaphore, #tpu.memory_space<semaphore_mem>>, %arg21: memref<!tpu.dma_semaphore, #tpu.memory_space<semaphore_mem>>) attributes {dimension_semantics = [#tpu.dimension_semantics<core_parallel>, #tpu.dimension_semantics<subcore_parallel>], iteration_bounds = array<i64: 2, 16>, scalar_prefetch = 0 : i64, scratch_operands = 15 : i64, tpu.core_type = #tpu.core_type<sc_vector_subcore>, window_params = [{transform_indices = #map}, {transform_indices = #map1}, {transform_indices = #map1}, {transform_indices = #map}, {transform_indices = #map1}]} {
    %mul3A = arith.constant 2 : i32
    %mul3A_0 = arith.muli %arg1, %mul3A : i32
    %add3A = arith.addi %mul3A_0, %arg0 : i32
    %mul3A_1 = arith.constant 632 : i32
    %mul3A_2 = arith.muli %arg1, %mul3A_1 : i32
    "tpu.region"() ({
      %run_scoped3A = tpu.sem_alloc : memref<!tpu.dma_semaphore, #tpu.memory_space<semaphore_mem>>
      %dma_start3A_60 = arith.constant 0 : i32
      %dma_start3A_61 = tpu.memref_slice %arg7[%mul3A_2, %dma_start3A_60] : memref<10112x64xf32, #tpu.memory_space<vmem_shared>> -> memref<632x64xf32, #tpu.memory_space<vmem_shared>>
      tpu.enqueue_dma source(%arg5 : memref<632x64xf32, #tpu.memory_space<hbm>>) target(%dma_start3A_61 : memref<632x64xf32, #tpu.memory_space<vmem_shared>>) target_semaphore(%run_scoped3A : memref<!tpu.dma_semaphore, #tpu.memory_space<semaphore_mem>>)
      %dma_wait3A_62 = arith.constant 0 : i32
      %dma_wait3A_63 = tpu.memref_slice %arg7[%mul3A_2, %dma_wait3A_62] : memref<10112x64xf32, #tpu.memory_space<vmem_shared>> -> memref<632x64xf32, #tpu.memory_space<vmem_shared>>
      tpu.wait_dma2 semaphore(%run_scoped3A : memref<!tpu.dma_semaphore, #tpu.memory_space<semaphore_mem>>) src(%arg5 : memref<632x64xf32, #tpu.memory_space<hbm>>) dst(%dma_wait3A_63 : memref<632x64xf32, #tpu.memory_space<vmem_shared>>)
      tpu.yield
    }) : () -> ()
    "tpu.region"() ({
      %run_scoped3A = tpu.sem_alloc : memref<!tpu.dma_semaphore, #tpu.memory_space<semaphore_mem>>
      %dma_start3A_60 = arith.constant 0 : i32
      %dma_start3A_61 = arith.constant 0 : i32
      %dma_start3A_62 = tpu.memref_slice %arg3[%add3A, %dma_start3A_60, %dma_start3A_61] : memref<32x40x256xi32, #tpu.memory_space<hbm>> -> memref<1x40x256xi32, #tpu.memory_space<hbm>>
      %dma_start3A_63 = tpu.memref_squeeze %dma_start3A_62 : memref<1x40x256xi32, #tpu.memory_space<hbm>> -> memref<40x256xi32, #tpu.memory_space<hbm>>
      %dma_start3A_64 = arith.constant 0 : i32
      %dma_start3A_65 = arith.constant 0 : i32
      %dma_start3A_66 = tpu.memref_slice %arg3[%add3A, %dma_start3A_64, %dma_start3A_65] : memref<32x40x256xi32, #tpu.memory_space<hbm>> -> memref<1x40x256xi32, #tpu.memory_space<hbm>>
      %dma_start3A_67 = tpu.memref_squeeze %dma_start3A_66 : memref<1x40x256xi32, #tpu.memory_space<hbm>> -> memref<40x256xi32, #tpu.memory_space<hbm>>
      tpu.enqueue_dma source(%dma_start3A_67 : memref<40x256xi32, #tpu.memory_space<hbm>>) target(%arg8 : memref<40x256xi32, #tpu.memory_space<vmem>>) target_semaphore(%run_scoped3A : memref<!tpu.dma_semaphore, #tpu.memory_space<semaphore_mem>>)
      %dma_wait3A_68 = arith.constant 0 : i32
      %dma_wait3A_69 = arith.constant 0 : i32
      %dma_wait3A_70 = tpu.memref_slice %arg3[%add3A, %dma_wait3A_68, %dma_wait3A_69] : memref<32x40x256xi32, #tpu.memory_space<hbm>> -> memref<1x40x256xi32, #tpu.memory_space<hbm>>
      %dma_wait3A_71 = tpu.memref_squeeze %dma_wait3A_70 : memref<1x40x256xi32, #tpu.memory_space<hbm>> -> memref<40x256xi32, #tpu.memory_space<hbm>>
      %dma_wait3A_72 = arith.constant 0 : i32
      %dma_wait3A_73 = arith.constant 0 : i32
      %dma_wait3A_74 = tpu.memref_slice %arg3[%add3A, %dma_wait3A_72, %dma_wait3A_73] : memref<32x40x256xi32, #tpu.memory_space<hbm>> -> memref<1x40x256xi32, #tpu.memory_space<hbm>>
      %dma_wait3A_75 = tpu.memref_squeeze %dma_wait3A_74 : memref<1x40x256xi32, #tpu.memory_space<hbm>> -> memref<40x256xi32, #tpu.memory_space<hbm>>
      tpu.wait_dma2 semaphore(%run_scoped3A : memref<!tpu.dma_semaphore, #tpu.memory_space<semaphore_mem>>) src(%dma_wait3A_75 : memref<40x256xi32, #tpu.memory_space<hbm>>) dst(%arg8 : memref<40x256xi32, #tpu.memory_space<vmem>>)
      tpu.yield
    }) : () -> ()
    "tpu.region"() ({
      %run_scoped3A = tpu.sem_alloc : memref<!tpu.dma_semaphore, #tpu.memory_space<semaphore_mem>>
      %dma_start3A_60 = arith.constant 0 : i32
      %dma_start3A_61 = arith.constant 0 : i32
      %dma_start3A_62 = tpu.memref_slice %arg4[%add3A, %dma_start3A_60, %dma_start3A_61] : memref<32x40x256xi32, #tpu.memory_space<hbm>> -> memref<1x40x256xi32, #tpu.memory_space<hbm>>
      %dma_start3A_63 = tpu.memref_squeeze %dma_start3A_62 : memref<1x40x256xi32, #tpu.memory_space<hbm>> -> memref<40x256xi32, #tpu.memory_space<hbm>>
      %dma_start3A_64 = arith.constant 0 : i32
      %dma_start3A_65 = arith.constant 0 : i32
      %dma_start3A_66 = tpu.memref_slice %arg4[%add3A, %dma_start3A_64, %dma_start3A_65] : memref<32x40x256xi32, #tpu.memory_space<hbm>> -> memref<1x40x256xi32, #tpu.memory_space<hbm>>
      %dma_start3A_67 = tpu.memref_squeeze %dma_start3A_66 : memref<1x40x256xi32, #tpu.memory_space<hbm>> -> memref<40x256xi32, #tpu.memory_space<hbm>>
      tpu.enqueue_dma source(%dma_start3A_67 : memref<40x256xi32, #tpu.memory_space<hbm>>) target(%arg9 : memref<40x256xi32, #tpu.memory_space<vmem>>) target_semaphore(%run_scoped3A : memref<!tpu.dma_semaphore, #tpu.memory_space<semaphore_mem>>)
      %dma_wait3A_68 = arith.constant 0 : i32
      %dma_wait3A_69 = arith.constant 0 : i32
      %dma_wait3A_70 = tpu.memref_slice %arg4[%add3A, %dma_wait3A_68, %dma_wait3A_69] : memref<32x40x256xi32, #tpu.memory_space<hbm>> -> memref<1x40x256xi32, #tpu.memory_space<hbm>>
      %dma_wait3A_71 = tpu.memref_squeeze %dma_wait3A_70 : memref<1x40x256xi32, #tpu.memory_space<hbm>> -> memref<40x256xi32, #tpu.memory_space<hbm>>
      %dma_wait3A_72 = arith.constant 0 : i32
      %dma_wait3A_73 = arith.constant 0 : i32
      %dma_wait3A_74 = tpu.memref_slice %arg4[%add3A, %dma_wait3A_72, %dma_wait3A_73] : memref<32x40x256xi32, #tpu.memory_space<hbm>> -> memref<1x40x256xi32, #tpu.memory_space<hbm>>
      %dma_wait3A_75 = tpu.memref_squeeze %dma_wait3A_74 : memref<1x40x256xi32, #tpu.memory_space<hbm>> -> memref<40x256xi32, #tpu.memory_space<hbm>>
      tpu.wait_dma2 semaphore(%run_scoped3A : memref<!tpu.dma_semaphore, #tpu.memory_space<semaphore_mem>>) src(%dma_wait3A_75 : memref<40x256xi32, #tpu.memory_space<hbm>>) dst(%arg9 : memref<40x256xi32, #tpu.memory_space<vmem>>)
      tpu.yield
    }) : () -> ()
    %barrier3A = arith.constant 0 : index
    tpu.barrier barrier_id(%barrier3A)
    %dma_start3A = arith.constant 0 : i32
    %dma_start3A_3 = arith.constant 0 : i32
    %dma_start3A_4 = tpu.memref_slice %arg8[%dma_start3A, %dma_start3A_3] : memref<40x256xi32, #tpu.memory_space<vmem>> -> memref<1x256xi32, #tpu.memory_space<vmem>>
    %dma_start3A_5 = tpu.memref_squeeze %dma_start3A_4 : memref<1x256xi32, #tpu.memory_space<vmem>> -> memref<256xi32, #tpu.memory_space<vmem>>
    %dma_start3A_6 = arith.constant 0 : i32
    %dma_start3A_7 = arith.constant 0 : i32
    %dma_start3A_8 = tpu.memref_slice %arg2[%dma_start3A_6, %dma_start3A_7] : memref<10112x64xf32, #tpu.memory_space<hbm>> -> memref<10112x64xf32, #tpu.memory_space<hbm>>
    tpu.enqueue_indirect_dma source(%dma_start3A_8 : memref<10112x64xf32, #tpu.memory_space<hbm>>) target(%arg10 : memref<256x64xf32, #tpu.memory_space<vmem>>) offsets(%dma_start3A_5 : memref<256xi32, #tpu.memory_space<vmem>>) semaphore(%arg14 : memref<!tpu.dma_semaphore, #tpu.memory_space<semaphore_mem>>)
    %dma_start3A_9 = arith.constant 1 : i32
    %dma_start3A_10 = arith.constant 0 : i32
    %dma_start3A_11 = tpu.memref_slice %arg8[%dma_start3A_9, %dma_start3A_10] : memref<40x256xi32, #tpu.memory_space<vmem>> -> memref<1x256xi32, #tpu.memory_space<vmem>>
    %dma_start3A_12 = tpu.memref_squeeze %dma_start3A_11 : memref<1x256xi32, #tpu.memory_space<vmem>> -> memref<256xi32, #tpu.memory_space<vmem>>
    %dma_start3A_13 = arith.constant 0 : i32
    %dma_start3A_14 = arith.constant 0 : i32
    %dma_start3A_15 = tpu.memref_slice %arg2[%dma_start3A_13, %dma_start3A_14] : memref<10112x64xf32, #tpu.memory_space<hbm>> -> memref<10112x64xf32, #tpu.memory_space<hbm>>
    tpu.enqueue_indirect_dma source(%dma_start3A_15 : memref<10112x64xf32, #tpu.memory_space<hbm>>) target(%arg11 : memref<256x64xf32, #tpu.memory_space<vmem>>) offsets(%dma_start3A_12 : memref<256xi32, #tpu.memory_space<vmem>>) semaphore(%arg15 : memref<!tpu.dma_semaphore, #tpu.memory_space<semaphore_mem>>)
    %dma_start3A_16 = arith.constant 2 : i32
    %dma_start3A_17 = arith.constant 0 : i32
    %dma_start3A_18 = tpu.memref_slice %arg8[%dma_start3A_16, %dma_start3A_17] : memref<40x256xi32, #tpu.memory_space<vmem>> -> memref<1x256xi32, #tpu.memory_space<vmem>>
    %dma_start3A_19 = tpu.memref_squeeze %dma_start3A_18 : memref<1x256xi32, #tpu.memory_space<vmem>> -> memref<256xi32, #tpu.memory_space<vmem>>
    %dma_start3A_20 = arith.constant 0 : i32
    %dma_start3A_21 = arith.constant 0 : i32
    %dma_start3A_22 = tpu.memref_slice %arg2[%dma_start3A_20, %dma_start3A_21] : memref<10112x64xf32, #tpu.memory_space<hbm>> -> memref<10112x64xf32, #tpu.memory_space<hbm>>
    tpu.enqueue_indirect_dma source(%dma_start3A_22 : memref<10112x64xf32, #tpu.memory_space<hbm>>) target(%arg12 : memref<256x64xf32, #tpu.memory_space<vmem>>) offsets(%dma_start3A_19 : memref<256xi32, #tpu.memory_space<vmem>>) semaphore(%arg16 : memref<!tpu.dma_semaphore, #tpu.memory_space<semaphore_mem>>)
    %scan3A = arith.constant 0 : i32
    %scan3A_23 = arith.constant 0 : i32
    %scan3A_24 = arith.constant 10 : i32
    %scan3A_25 = arith.addi %scan3A_23, %scan3A_24 : i32
    %scan3A_26 = arith.constant 1 : i32
    scf.for %scan3A_60 = %scan3A_23 to %scan3A_25 step %scan3A_26  : i32 {
      %mul3A_61 = arith.constant 4 : i32
      %mul3A_62 = arith.muli %scan3A_60, %mul3A_61 : i32
      %add3A_63 = arith.constant 0 : i32
      %add3A_64 = arith.addi %mul3A_62, %add3A_63 : i32
      %add3A_65 = arith.constant 3 : i32
      %add3A_66 = arith.addi %add3A_64, %add3A_65 : i32
      %lt3A = arith.constant 40 : i32
      %lt3A_67 = arith.cmpi slt, %add3A_66, %lt3A : i32
      %ge3A = arith.constant 1 : i32
      %ge3A_68 = arith.cmpi sge, %add3A_64, %ge3A : i32
      %and3A = arith.andi %lt3A_67, %ge3A_68 : i1
      %convert_element_type3A = arith.extui %and3A : i1 to i32
      %cond3A = arith.constant 0 : i32
      %cond3A_69 = arith.cmpi ne, %convert_element_type3A, %cond3A : i32
      scf.if %cond3A_69 {
        %sub3A = arith.constant 4 : i32
        %sub3A_174 = arith.subi %add3A_66, %sub3A : i32
        %dma_wait3A_175 = arith.constant 0 : i32
        %dma_wait3A_176 = tpu.memref_slice %arg9[%sub3A_174, %dma_wait3A_175] : memref<40x256xi32, #tpu.memory_space<vmem>> -> memref<1x256xi32, #tpu.memory_space<vmem>>
        %dma_wait3A_177 = tpu.memref_squeeze %dma_wait3A_176 : memref<1x256xi32, #tpu.memory_space<vmem>> -> memref<256xi32, #tpu.memory_space<vmem>>
        %dma_wait3A_178 = arith.constant 0 : i32
        %dma_wait3A_179 = arith.constant 0 : i32
        %dma_wait3A_180 = tpu.memref_slice %arg7[%dma_wait3A_178, %dma_wait3A_179] : memref<10112x64xf32, #tpu.memory_space<vmem_shared>> -> memref<10112x64xf32, #tpu.memory_space<vmem_shared>>
        tpu.wait_indirect_dma semaphore(%arg21 : memref<!tpu.dma_semaphore, #tpu.memory_space<semaphore_mem>>) src(%arg13 : memref<256x64xf32, #tpu.memory_space<vmem>>) dst(%dma_wait3A_180 : memref<10112x64xf32, #tpu.memory_space<vmem_shared>>)
      } else {
      }
      %lt3A_70 = arith.constant 40 : i32
      %lt3A_71 = arith.cmpi slt, %add3A_66, %lt3A_70 : i32
      %convert_element_type3A_72 = arith.extui %lt3A_71 : i1 to i32
      %cond3A_73 = arith.constant 0 : i32
      %cond3A_74 = arith.cmpi ne, %convert_element_type3A_72, %cond3A_73 : i32
      scf.if %cond3A_74 {
        %dma_start3A_174 = arith.constant 0 : i32
        %dma_start3A_175 = tpu.memref_slice %arg8[%add3A_66, %dma_start3A_174] : memref<40x256xi32, #tpu.memory_space<vmem>> -> memref<1x256xi32, #tpu.memory_space<vmem>>
        %dma_start3A_176 = tpu.memref_squeeze %dma_start3A_175 : memref<1x256xi32, #tpu.memory_space<vmem>> -> memref<256xi32, #tpu.memory_space<vmem>>
        %dma_start3A_177 = arith.constant 0 : i32
        %dma_start3A_178 = arith.constant 0 : i32
        %dma_start3A_179 = tpu.memref_slice %arg2[%dma_start3A_177, %dma_start3A_178] : memref<10112x64xf32, #tpu.memory_space<hbm>> -> memref<10112x64xf32, #tpu.memory_space<hbm>>
        tpu.enqueue_indirect_dma source(%dma_start3A_179 : memref<10112x64xf32, #tpu.memory_space<hbm>>) target(%arg13 : memref<256x64xf32, #tpu.memory_space<vmem>>) offsets(%dma_start3A_176 : memref<256xi32, #tpu.memory_space<vmem>>) semaphore(%arg17 : memref<!tpu.dma_semaphore, #tpu.memory_space<semaphore_mem>>)
      } else {
      }
      %dma_wait3A_75 = arith.constant 0 : i32
      %dma_wait3A_76 = tpu.memref_slice %arg8[%add3A_64, %dma_wait3A_75] : memref<40x256xi32, #tpu.memory_space<vmem>> -> memref<1x256xi32, #tpu.memory_space<vmem>>
      %dma_wait3A_77 = tpu.memref_squeeze %dma_wait3A_76 : memref<1x256xi32, #tpu.memory_space<vmem>> -> memref<256xi32, #tpu.memory_space<vmem>>
      %dma_wait3A_78 = arith.constant 0 : i32
      %dma_wait3A_79 = arith.constant 0 : i32
      %dma_wait3A_80 = tpu.memref_slice %arg2[%dma_wait3A_78, %dma_wait3A_79] : memref<10112x64xf32, #tpu.memory_space<hbm>> -> memref<10112x64xf32, #tpu.memory_space<hbm>>
      tpu.wait_indirect_dma semaphore(%arg14 : memref<!tpu.dma_semaphore, #tpu.memory_space<semaphore_mem>>) src(%dma_wait3A_80 : memref<10112x64xf32, #tpu.memory_space<hbm>>) dst(%arg10 : memref<256x64xf32, #tpu.memory_space<vmem>>)
      %dma_start3A_81 = arith.constant 0 : i32
      %dma_start3A_82 = tpu.memref_slice %arg9[%add3A_64, %dma_start3A_81] : memref<40x256xi32, #tpu.memory_space<vmem>> -> memref<1x256xi32, #tpu.memory_space<vmem>>
      %dma_start3A_83 = tpu.memref_squeeze %dma_start3A_82 : memref<1x256xi32, #tpu.memory_space<vmem>> -> memref<256xi32, #tpu.memory_space<vmem>>
      %dma_start3A_84 = arith.constant 0 : i32
      %dma_start3A_85 = arith.constant 0 : i32
      %dma_start3A_86 = tpu.memref_slice %arg7[%dma_start3A_84, %dma_start3A_85] : memref<10112x64xf32, #tpu.memory_space<vmem_shared>> -> memref<10112x64xf32, #tpu.memory_space<vmem_shared>>
      tpu.enqueue_indirect_dma source(%arg10 : memref<256x64xf32, #tpu.memory_space<vmem>>) target(%dma_start3A_86 : memref<10112x64xf32, #tpu.memory_space<vmem_shared>>) offsets(%dma_start3A_83 : memref<256xi32, #tpu.memory_space<vmem>>) semaphore(%arg18 : memref<!tpu.dma_semaphore, #tpu.memory_space<semaphore_mem>>) {add = true}
      %add3A_87 = arith.constant 1 : i32
      %add3A_88 = arith.addi %mul3A_62, %add3A_87 : i32
      %add3A_89 = arith.constant 3 : i32
      %add3A_90 = arith.addi %add3A_88, %add3A_89 : i32
      %lt3A_91 = arith.constant 40 : i32
      %lt3A_92 = arith.cmpi slt, %add3A_90, %lt3A_91 : i32
      %ge3A_93 = arith.constant 1 : i32
      %ge3A_94 = arith.cmpi sge, %add3A_88, %ge3A_93 : i32
      %and3A_95 = arith.andi %lt3A_92, %ge3A_94 : i1
      %convert_element_type3A_96 = arith.extui %and3A_95 : i1 to i32
      %cond3A_97 = arith.constant 0 : i32
      %cond3A_98 = arith.cmpi ne, %convert_element_type3A_96, %cond3A_97 : i32
      scf.if %cond3A_98 {
        %sub3A = arith.constant 4 : i32
        %sub3A_174 = arith.subi %add3A_90, %sub3A : i32
        %dma_wait3A_175 = arith.constant 0 : i32
        %dma_wait3A_176 = tpu.memref_slice %arg9[%sub3A_174, %dma_wait3A_175] : memref<40x256xi32, #tpu.memory_space<vmem>> -> memref<1x256xi32, #tpu.memory_space<vmem>>
        %dma_wait3A_177 = tpu.memref_squeeze %dma_wait3A_176 : memref<1x256xi32, #tpu.memory_space<vmem>> -> memref<256xi32, #tpu.memory_space<vmem>>
        %dma_wait3A_178 = arith.constant 0 : i32
        %dma_wait3A_179 = arith.constant 0 : i32
        %dma_wait3A_180 = tpu.memref_slice %arg7[%dma_wait3A_178, %dma_wait3A_179] : memref<10112x64xf32, #tpu.memory_space<vmem_shared>> -> memref<10112x64xf32, #tpu.memory_space<vmem_shared>>
        tpu.wait_indirect_dma semaphore(%arg18 : memref<!tpu.dma_semaphore, #tpu.memory_space<semaphore_mem>>) src(%arg10 : memref<256x64xf32, #tpu.memory_space<vmem>>) dst(%dma_wait3A_180 : memref<10112x64xf32, #tpu.memory_space<vmem_shared>>)
      } else {
      }
      %lt3A_99 = arith.constant 40 : i32
      %lt3A_100 = arith.cmpi slt, %add3A_90, %lt3A_99 : i32
      %convert_element_type3A_101 = arith.extui %lt3A_100 : i1 to i32
      %cond3A_102 = arith.constant 0 : i32
      %cond3A_103 = arith.cmpi ne, %convert_element_type3A_101, %cond3A_102 : i32
      scf.if %cond3A_103 {
        %dma_start3A_174 = arith.constant 0 : i32
        %dma_start3A_175 = tpu.memref_slice %arg8[%add3A_90, %dma_start3A_174] : memref<40x256xi32, #tpu.memory_space<vmem>> -> memref<1x256xi32, #tpu.memory_space<vmem>>
        %dma_start3A_176 = tpu.memref_squeeze %dma_start3A_175 : memref<1x256xi32, #tpu.memory_space<vmem>> -> memref<256xi32, #tpu.memory_space<vmem>>
        %dma_start3A_177 = arith.constant 0 : i32
        %dma_start3A_178 = arith.constant 0 : i32
        %dma_start3A_179 = tpu.memref_slice %arg2[%dma_start3A_177, %dma_start3A_178] : memref<10112x64xf32, #tpu.memory_space<hbm>> -> memref<10112x64xf32, #tpu.memory_space<hbm>>
        tpu.enqueue_indirect_dma source(%dma_start3A_179 : memref<10112x64xf32, #tpu.memory_space<hbm>>) target(%arg10 : memref<256x64xf32, #tpu.memory_space<vmem>>) offsets(%dma_start3A_176 : memref<256xi32, #tpu.memory_space<vmem>>) semaphore(%arg14 : memref<!tpu.dma_semaphore, #tpu.memory_space<semaphore_mem>>)
      } else {
      }
      %dma_wait3A_104 = arith.constant 0 : i32
      %dma_wait3A_105 = tpu.memref_slice %arg8[%add3A_88, %dma_wait3A_104] : memref<40x256xi32, #tpu.memory_space<vmem>> -> memref<1x256xi32, #tpu.memory_space<vmem>>
      %dma_wait3A_106 = tpu.memref_squeeze %dma_wait3A_105 : memref<1x256xi32, #tpu.memory_space<vmem>> -> memref<256xi32, #tpu.memory_space<vmem>>
      %dma_wait3A_107 = arith.constant 0 : i32
      %dma_wait3A_108 = arith.constant 0 : i32
      %dma_wait3A_109 = tpu.memref_slice %arg2[%dma_wait3A_107, %dma_wait3A_108] : memref<10112x64xf32, #tpu.memory_space<hbm>> -> memref<10112x64xf32, #tpu.memory_space<hbm>>
      tpu.wait_indirect_dma semaphore(%arg15 : memref<!tpu.dma_semaphore, #tpu.memory_space<semaphore_mem>>) src(%dma_wait3A_109 : memref<10112x64xf32, #tpu.memory_space<hbm>>) dst(%arg11 : memref<256x64xf32, #tpu.memory_space<vmem>>)
      %dma_start3A_110 = arith.constant 0 : i32
      %dma_start3A_111 = tpu.memref_slice %arg9[%add3A_88, %dma_start3A_110] : memref<40x256xi32, #tpu.memory_space<vmem>> -> memref<1x256xi32, #tpu.memory_space<vmem>>
      %dma_start3A_112 = tpu.memref_squeeze %dma_start3A_111 : memref<1x256xi32, #tpu.memory_space<vmem>> -> memref<256xi32, #tpu.memory_space<vmem>>
      %dma_start3A_113 = arith.constant 0 : i32
      %dma_start3A_114 = arith.constant 0 : i32
      %dma_start3A_115 = tpu.memref_slice %arg7[%dma_start3A_113, %dma_start3A_114] : memref<10112x64xf32, #tpu.memory_space<vmem_shared>> -> memref<10112x64xf32, #tpu.memory_space<vmem_shared>>
      tpu.enqueue_indirect_dma source(%arg11 : memref<256x64xf32, #tpu.memory_space<vmem>>) target(%dma_start3A_115 : memref<10112x64xf32, #tpu.memory_space<vmem_shared>>) offsets(%dma_start3A_112 : memref<256xi32, #tpu.memory_space<vmem>>) semaphore(%arg19 : memref<!tpu.dma_semaphore, #tpu.memory_space<semaphore_mem>>) {add = true}
      %add3A_116 = arith.constant 2 : i32
      %add3A_117 = arith.addi %mul3A_62, %add3A_116 : i32
      %add3A_118 = arith.constant 3 : i32
      %add3A_119 = arith.addi %add3A_117, %add3A_118 : i32
      %lt3A_120 = arith.constant 40 : i32
      %lt3A_121 = arith.cmpi slt, %add3A_119, %lt3A_120 : i32
      %ge3A_122 = arith.constant 1 : i32
      %ge3A_123 = arith.cmpi sge, %add3A_117, %ge3A_122 : i32
      %and3A_124 = arith.andi %lt3A_121, %ge3A_123 : i1
      %convert_element_type3A_125 = arith.extui %and3A_124 : i1 to i32
      %cond3A_126 = arith.constant 0 : i32
      %cond3A_127 = arith.cmpi ne, %convert_element_type3A_125, %cond3A_126 : i32
      scf.if %cond3A_127 {
        %sub3A = arith.constant 4 : i32
        %sub3A_174 = arith.subi %add3A_119, %sub3A : i32
        %dma_wait3A_175 = arith.constant 0 : i32
        %dma_wait3A_176 = tpu.memref_slice %arg9[%sub3A_174, %dma_wait3A_175] : memref<40x256xi32, #tpu.memory_space<vmem>> -> memref<1x256xi32, #tpu.memory_space<vmem>>
        %dma_wait3A_177 = tpu.memref_squeeze %dma_wait3A_176 : memref<1x256xi32, #tpu.memory_space<vmem>> -> memref<256xi32, #tpu.memory_space<vmem>>
        %dma_wait3A_178 = arith.constant 0 : i32
        %dma_wait3A_179 = arith.constant 0 : i32
        %dma_wait3A_180 = tpu.memref_slice %arg7[%dma_wait3A_178, %dma_wait3A_179] : memref<10112x64xf32, #tpu.memory_space<vmem_shared>> -> memref<10112x64xf32, #tpu.memory_space<vmem_shared>>
        tpu.wait_indirect_dma semaphore(%arg19 : memref<!tpu.dma_semaphore, #tpu.memory_space<semaphore_mem>>) src(%arg11 : memref<256x64xf32, #tpu.memory_space<vmem>>) dst(%dma_wait3A_180 : memref<10112x64xf32, #tpu.memory_space<vmem_shared>>)
      } else {
      }
      %lt3A_128 = arith.constant 40 : i32
      %lt3A_129 = arith.cmpi slt, %add3A_119, %lt3A_128 : i32
      %convert_element_type3A_130 = arith.extui %lt3A_129 : i1 to i32
      %cond3A_131 = arith.constant 0 : i32
      %cond3A_132 = arith.cmpi ne, %convert_element_type3A_130, %cond3A_131 : i32
      scf.if %cond3A_132 {
        %dma_start3A_174 = arith.constant 0 : i32
        %dma_start3A_175 = tpu.memref_slice %arg8[%add3A_119, %dma_start3A_174] : memref<40x256xi32, #tpu.memory_space<vmem>> -> memref<1x256xi32, #tpu.memory_space<vmem>>
        %dma_start3A_176 = tpu.memref_squeeze %dma_start3A_175 : memref<1x256xi32, #tpu.memory_space<vmem>> -> memref<256xi32, #tpu.memory_space<vmem>>
        %dma_start3A_177 = arith.constant 0 : i32
        %dma_start3A_178 = arith.constant 0 : i32
        %dma_start3A_179 = tpu.memref_slice %arg2[%dma_start3A_177, %dma_start3A_178] : memref<10112x64xf32, #tpu.memory_space<hbm>> -> memref<10112x64xf32, #tpu.memory_space<hbm>>
        tpu.enqueue_indirect_dma source(%dma_start3A_179 : memref<10112x64xf32, #tpu.memory_space<hbm>>) target(%arg11 : memref<256x64xf32, #tpu.memory_space<vmem>>) offsets(%dma_start3A_176 : memref<256xi32, #tpu.memory_space<vmem>>) semaphore(%arg15 : memref<!tpu.dma_semaphore, #tpu.memory_space<semaphore_mem>>)
      } else {
      }
      %dma_wait3A_133 = arith.constant 0 : i32
      %dma_wait3A_134 = tpu.memref_slice %arg8[%add3A_117, %dma_wait3A_133] : memref<40x256xi32, #tpu.memory_space<vmem>> -> memref<1x256xi32, #tpu.memory_space<vmem>>
      %dma_wait3A_135 = tpu.memref_squeeze %dma_wait3A_134 : memref<1x256xi32, #tpu.memory_space<vmem>> -> memref<256xi32, #tpu.memory_space<vmem>>
      %dma_wait3A_136 = arith.constant 0 : i32
      %dma_wait3A_137 = arith.constant 0 : i32
      %dma_wait3A_138 = tpu.memref_slice %arg2[%dma_wait3A_136, %dma_wait3A_137] : memref<10112x64xf32, #tpu.memory_space<hbm>> -> memref<10112x64xf32, #tpu.memory_space<hbm>>
      tpu.wait_indirect_dma semaphore(%arg16 : memref<!tpu.dma_semaphore, #tpu.memory_space<semaphore_mem>>) src(%dma_wait3A_138 : memref<10112x64xf32, #tpu.memory_space<hbm>>) dst(%arg12 : memref<256x64xf32, #tpu.memory_space<vmem>>)
      %dma_start3A_139 = arith.constant 0 : i32
      %dma_start3A_140 = tpu.memref_slice %arg9[%add3A_117, %dma_start3A_139] : memref<40x256xi32, #tpu.memory_space<vmem>> -> memref<1x256xi32, #tpu.memory_space<vmem>>
      %dma_start3A_141 = tpu.memref_squeeze %dma_start3A_140 : memref<1x256xi32, #tpu.memory_space<vmem>> -> memref<256xi32, #tpu.memory_space<vmem>>
      %dma_start3A_142 = arith.constant 0 : i32
      %dma_start3A_143 = arith.constant 0 : i32
      %dma_start3A_144 = tpu.memref_slice %arg7[%dma_start3A_142, %dma_start3A_143] : memref<10112x64xf32, #tpu.memory_space<vmem_shared>> -> memref<10112x64xf32, #tpu.memory_space<vmem_shared>>
      tpu.enqueue_indirect_dma source(%arg12 : memref<256x64xf32, #tpu.memory_space<vmem>>) target(%dma_start3A_144 : memref<10112x64xf32, #tpu.memory_space<vmem_shared>>) offsets(%dma_start3A_141 : memref<256xi32, #tpu.memory_space<vmem>>) semaphore(%arg20 : memref<!tpu.dma_semaphore, #tpu.memory_space<semaphore_mem>>) {add = true}
      %add3A_145 = arith.constant 3 : i32
      %add3A_146 = arith.addi %mul3A_62, %add3A_145 : i32
      %add3A_147 = arith.constant 3 : i32
      %add3A_148 = arith.addi %add3A_146, %add3A_147 : i32
      %lt3A_149 = arith.constant 40 : i32
      %lt3A_150 = arith.cmpi slt, %add3A_148, %lt3A_149 : i32
      %ge3A_151 = arith.constant 1 : i32
      %ge3A_152 = arith.cmpi sge, %add3A_146, %ge3A_151 : i32
      %and3A_153 = arith.andi %lt3A_150, %ge3A_152 : i1
      %convert_element_type3A_154 = arith.extui %and3A_153 : i1 to i32
      %cond3A_155 = arith.constant 0 : i32
      %cond3A_156 = arith.cmpi ne, %convert_element_type3A_154, %cond3A_155 : i32
      scf.if %cond3A_156 {
        %sub3A = arith.constant 4 : i32
        %sub3A_174 = arith.subi %add3A_148, %sub3A : i32
        %dma_wait3A_175 = arith.constant 0 : i32
        %dma_wait3A_176 = tpu.memref_slice %arg9[%sub3A_174, %dma_wait3A_175] : memref<40x256xi32, #tpu.memory_space<vmem>> -> memref<1x256xi32, #tpu.memory_space<vmem>>
        %dma_wait3A_177 = tpu.memref_squeeze %dma_wait3A_176 : memref<1x256xi32, #tpu.memory_space<vmem>> -> memref<256xi32, #tpu.memory_space<vmem>>
        %dma_wait3A_178 = arith.constant 0 : i32
        %dma_wait3A_179 = arith.constant 0 : i32
        %dma_wait3A_180 = tpu.memref_slice %arg7[%dma_wait3A_178, %dma_wait3A_179] : memref<10112x64xf32, #tpu.memory_space<vmem_shared>> -> memref<10112x64xf32, #tpu.memory_space<vmem_shared>>
        tpu.wait_indirect_dma semaphore(%arg20 : memref<!tpu.dma_semaphore, #tpu.memory_space<semaphore_mem>>) src(%arg12 : memref<256x64xf32, #tpu.memory_space<vmem>>) dst(%dma_wait3A_180 : memref<10112x64xf32, #tpu.memory_space<vmem_shared>>)
      } else {
      }
      %lt3A_157 = arith.constant 40 : i32
      %lt3A_158 = arith.cmpi slt, %add3A_148, %lt3A_157 : i32
      %convert_element_type3A_159 = arith.extui %lt3A_158 : i1 to i32
      %cond3A_160 = arith.constant 0 : i32
      %cond3A_161 = arith.cmpi ne, %convert_element_type3A_159, %cond3A_160 : i32
      scf.if %cond3A_161 {
        %dma_start3A_174 = arith.constant 0 : i32
        %dma_start3A_175 = tpu.memref_slice %arg8[%add3A_148, %dma_start3A_174] : memref<40x256xi32, #tpu.memory_space<vmem>> -> memref<1x256xi32, #tpu.memory_space<vmem>>
        %dma_start3A_176 = tpu.memref_squeeze %dma_start3A_175 : memref<1x256xi32, #tpu.memory_space<vmem>> -> memref<256xi32, #tpu.memory_space<vmem>>
        %dma_start3A_177 = arith.constant 0 : i32
        %dma_start3A_178 = arith.constant 0 : i32
        %dma_start3A_179 = tpu.memref_slice %arg2[%dma_start3A_177, %dma_start3A_178] : memref<10112x64xf32, #tpu.memory_space<hbm>> -> memref<10112x64xf32, #tpu.memory_space<hbm>>
        tpu.enqueue_indirect_dma source(%dma_start3A_179 : memref<10112x64xf32, #tpu.memory_space<hbm>>) target(%arg12 : memref<256x64xf32, #tpu.memory_space<vmem>>) offsets(%dma_start3A_176 : memref<256xi32, #tpu.memory_space<vmem>>) semaphore(%arg16 : memref<!tpu.dma_semaphore, #tpu.memory_space<semaphore_mem>>)
      } else {
      }
      %dma_wait3A_162 = arith.constant 0 : i32
      %dma_wait3A_163 = tpu.memref_slice %arg8[%add3A_146, %dma_wait3A_162] : memref<40x256xi32, #tpu.memory_space<vmem>> -> memref<1x256xi32, #tpu.memory_space<vmem>>
      %dma_wait3A_164 = tpu.memref_squeeze %dma_wait3A_163 : memref<1x256xi32, #tpu.memory_space<vmem>> -> memref<256xi32, #tpu.memory_space<vmem>>
      %dma_wait3A_165 = arith.constant 0 : i32
      %dma_wait3A_166 = arith.constant 0 : i32
      %dma_wait3A_167 = tpu.memref_slice %arg2[%dma_wait3A_165, %dma_wait3A_166] : memref<10112x64xf32, #tpu.memory_space<hbm>> -> memref<10112x64xf32, #tpu.memory_space<hbm>>
      tpu.wait_indirect_dma semaphore(%arg17 : memref<!tpu.dma_semaphore, #tpu.memory_space<semaphore_mem>>) src(%dma_wait3A_167 : memref<10112x64xf32, #tpu.memory_space<hbm>>) dst(%arg13 : memref<256x64xf32, #tpu.memory_space<vmem>>)
      %dma_start3A_168 = arith.constant 0 : i32
      %dma_start3A_169 = tpu.memref_slice %arg9[%add3A_146, %dma_start3A_168] : memref<40x256xi32, #tpu.memory_space<vmem>> -> memref<1x256xi32, #tpu.memory_space<vmem>>
      %dma_start3A_170 = tpu.memref_squeeze %dma_start3A_169 : memref<1x256xi32, #tpu.memory_space<vmem>> -> memref<256xi32, #tpu.memory_space<vmem>>
      %dma_start3A_171 = arith.constant 0 : i32
      %dma_start3A_172 = arith.constant 0 : i32
      %dma_start3A_173 = tpu.memref_slice %arg7[%dma_start3A_171, %dma_start3A_172] : memref<10112x64xf32, #tpu.memory_space<vmem_shared>> -> memref<10112x64xf32, #tpu.memory_space<vmem_shared>>
      tpu.enqueue_indirect_dma source(%arg13 : memref<256x64xf32, #tpu.memory_space<vmem>>) target(%dma_start3A_173 : memref<10112x64xf32, #tpu.memory_space<vmem_shared>>) offsets(%dma_start3A_170 : memref<256xi32, #tpu.memory_space<vmem>>) semaphore(%arg21 : memref<!tpu.dma_semaphore, #tpu.memory_space<semaphore_mem>>) {add = true}
    }
    %scan3A_27 = arith.constant 10 : i32
    %dma_wait3A = arith.constant 36 : i32
    %dma_wait3A_28 = arith.constant 0 : i32
    %dma_wait3A_29 = tpu.memref_slice %arg9[%dma_wait3A, %dma_wait3A_28] : memref<40x256xi32, #tpu.memory_space<vmem>> -> memref<1x256xi32, #tpu.memory_space<vmem>>
    %dma_wait3A_30 = tpu.memref_squeeze %dma_wait3A_29 : memref<1x256xi32, #tpu.memory_space<vmem>> -> memref<256xi32, #tpu.memory_space<vmem>>
    %dma_wait3A_31 = arith.constant 0 : i32
    %dma_wait3A_32 = arith.constant 0 : i32
    %dma_wait3A_33 = tpu.memref_slice %arg7[%dma_wait3A_31, %dma_wait3A_32] : memref<10112x64xf32, #tpu.memory_space<vmem_shared>> -> memref<10112x64xf32, #tpu.memory_space<vmem_shared>>
    tpu.wait_indirect_dma semaphore(%arg18 : memref<!tpu.dma_semaphore, #tpu.memory_space<semaphore_mem>>) src(%arg10 : memref<256x64xf32, #tpu.memory_space<vmem>>) dst(%dma_wait3A_33 : memref<10112x64xf32, #tpu.memory_space<vmem_shared>>)
    %dma_wait3A_34 = arith.constant 37 : i32
    %dma_wait3A_35 = arith.constant 0 : i32
    %dma_wait3A_36 = tpu.memref_slice %arg9[%dma_wait3A_34, %dma_wait3A_35] : memref<40x256xi32, #tpu.memory_space<vmem>> -> memref<1x256xi32, #tpu.memory_space<vmem>>
    %dma_wait3A_37 = tpu.memref_squeeze %dma_wait3A_36 : memref<1x256xi32, #tpu.memory_space<vmem>> -> memref<256xi32, #tpu.memory_space<vmem>>
    %dma_wait3A_38 = arith.constant 0 : i32
    %dma_wait3A_39 = arith.constant 0 : i32
    %dma_wait3A_40 = tpu.memref_slice %arg7[%dma_wait3A_38, %dma_wait3A_39] : memref<10112x64xf32, #tpu.memory_space<vmem_shared>> -> memref<10112x64xf32, #tpu.memory_space<vmem_shared>>
    tpu.wait_indirect_dma semaphore(%arg19 : memref<!tpu.dma_semaphore, #tpu.memory_space<semaphore_mem>>) src(%arg11 : memref<256x64xf32, #tpu.memory_space<vmem>>) dst(%dma_wait3A_40 : memref<10112x64xf32, #tpu.memory_space<vmem_shared>>)
    %dma_wait3A_41 = arith.constant 38 : i32
    %dma_wait3A_42 = arith.constant 0 : i32
    %dma_wait3A_43 = tpu.memref_slice %arg9[%dma_wait3A_41, %dma_wait3A_42] : memref<40x256xi32, #tpu.memory_space<vmem>> -> memref<1x256xi32, #tpu.memory_space<vmem>>
    %dma_wait3A_44 = tpu.memref_squeeze %dma_wait3A_43 : memref<1x256xi32, #tpu.memory_space<vmem>> -> memref<256xi32, #tpu.memory_space<vmem>>
    %dma_wait3A_45 = arith.constant 0 : i32
    %dma_wait3A_46 = arith.constant 0 : i32
    %dma_wait3A_47 = tpu.memref_slice %arg7[%dma_wait3A_45, %dma_wait3A_46] : memref<10112x64xf32, #tpu.memory_space<vmem_shared>> -> memref<10112x64xf32, #tpu.memory_space<vmem_shared>>
    tpu.wait_indirect_dma semaphore(%arg20 : memref<!tpu.dma_semaphore, #tpu.memory_space<semaphore_mem>>) src(%arg12 : memref<256x64xf32, #tpu.memory_space<vmem>>) dst(%dma_wait3A_47 : memref<10112x64xf32, #tpu.memory_space<vmem_shared>>)
    %dma_wait3A_48 = arith.constant 39 : i32
    %dma_wait3A_49 = arith.constant 0 : i32
    %dma_wait3A_50 = tpu.memref_slice %arg9[%dma_wait3A_48, %dma_wait3A_49] : memref<40x256xi32, #tpu.memory_space<vmem>> -> memref<1x256xi32, #tpu.memory_space<vmem>>
    %dma_wait3A_51 = tpu.memref_squeeze %dma_wait3A_50 : memref<1x256xi32, #tpu.memory_space<vmem>> -> memref<256xi32, #tpu.memory_space<vmem>>
    %dma_wait3A_52 = arith.constant 0 : i32
    %dma_wait3A_53 = arith.constant 0 : i32
    %dma_wait3A_54 = tpu.memref_slice %arg7[%dma_wait3A_52, %dma_wait3A_53] : memref<10112x64xf32, #tpu.memory_space<vmem_shared>> -> memref<10112x64xf32, #tpu.memory_space<vmem_shared>>
    tpu.wait_indirect_dma semaphore(%arg21 : memref<!tpu.dma_semaphore, #tpu.memory_space<semaphore_mem>>) src(%arg13 : memref<256x64xf32, #tpu.memory_space<vmem>>) dst(%dma_wait3A_54 : memref<10112x64xf32, #tpu.memory_space<vmem_shared>>)
    %barrier3A_55 = arith.constant 0 : index
    tpu.barrier barrier_id(%barrier3A_55)
    %mul3A_56 = arith.constant 632 : i32
    %mul3A_57 = arith.muli %arg1, %mul3A_56 : i32
    %mul3A_58 = arith.constant 632 : i32
    %mul3A_59 = arith.muli %arg1, %mul3A_58 : i32
    "tpu.region"() ({
      %run_scoped3A = tpu.sem_alloc : memref<!tpu.dma_semaphore, #tpu.memory_space<semaphore_mem>>
      %dma_start3A_60 = arith.constant 0 : i32
      %dma_start3A_61 = tpu.memref_slice %arg6[%arg0, %mul3A_59, %dma_start3A_60] : memref<2x10112x128xf32, #tpu.memory_space<hbm>> -> memref<1x632x64xf32, #tpu.memory_space<hbm>>
      %dma_start3A_62 = tpu.memref_squeeze %dma_start3A_61 : memref<1x632x64xf32, #tpu.memory_space<hbm>> -> memref<632x64xf32, #tpu.memory_space<hbm>>
      %dma_start3A_63 = arith.constant 0 : i32
      %dma_start3A_64 = tpu.memref_slice %arg7[%mul3A_57, %dma_start3A_63] : memref<10112x64xf32, #tpu.memory_space<vmem_shared>> -> memref<632x64xf32, #tpu.memory_space<vmem_shared>>
      tpu.enqueue_dma source(%dma_start3A_64 : memref<632x64xf32, #tpu.memory_space<vmem_shared>>) target(%dma_start3A_62 : memref<632x64xf32, #tpu.memory_space<hbm>>) target_semaphore(%run_scoped3A : memref<!tpu.dma_semaphore, #tpu.memory_space<semaphore_mem>>)
      %dma_wait3A_65 = arith.constant 0 : i32
      %dma_wait3A_66 = tpu.memref_slice %arg6[%arg0, %mul3A_59, %dma_wait3A_65] : memref<2x10112x128xf32, #tpu.memory_space<hbm>> -> memref<1x632x64xf32, #tpu.memory_space<hbm>>
      %dma_wait3A_67 = tpu.memref_squeeze %dma_wait3A_66 : memref<1x632x64xf32, #tpu.memory_space<hbm>> -> memref<632x64xf32, #tpu.memory_space<hbm>>
      %dma_wait3A_68 = arith.constant 0 : i32
      %dma_wait3A_69 = tpu.memref_slice %arg7[%mul3A_57, %dma_wait3A_68] : memref<10112x64xf32, #tpu.memory_space<vmem_shared>> -> memref<632x64xf32, #tpu.memory_space<vmem_shared>>
      tpu.wait_dma2 semaphore(%run_scoped3A : memref<!tpu.dma_semaphore, #tpu.memory_space<semaphore_mem>>) src(%dma_wait3A_69 : memref<632x64xf32, #tpu.memory_space<vmem_shared>>) dst(%dma_wait3A_67 : memref<632x64xf32, #tpu.memory_space<hbm>>)
      tpu.yield
    }) : () -> ()
    return
  }
}

#map = affine_map<(d0, d1) -> (0, 0)>
#map1 = affine_map<(d0, d1) -> (0, 0, 0)>
module attributes {stable_mosaic.version = 14 : i64} {
  func.func @body(%arg0: i32, %arg1: i32, %arg2: memref<10112x64xf32, #tpu.memory_space<hbm>>, %arg3: memref<32x40x256xi32, #tpu.memory_space<hbm>>, %arg4: memref<32x40x256xi32, #tpu.memory_space<hbm>>, %arg5: memref<632x64xf32, #tpu.memory_space<hbm>>, %arg6: memref<2x10112x128xf32, #tpu.memory_space<hbm>>, %arg7: memref<10112x64xf32, #tpu.memory_space<vmem_shared>>, %arg8: memref<40x256xi32, #tpu.memory_space<vmem>>, %arg9: memref<40x256xi32, #tpu.memory_space<vmem>>, %arg10: memref<256x64xf32, #tpu.memory_space<vmem>>, %arg11: memref<256x64xf32, #tpu.memory_space<vmem>>, %arg12: memref<256x64xf32, #tpu.memory_space<vmem>>, %arg13: memref<256x64xf32, #tpu.memory_space<vmem>>, %arg14: memref<!tpu.dma_semaphore, #tpu.memory_space<semaphore_mem>>, %arg15: memref<!tpu.dma_semaphore, #tpu.memory_space<semaphore_mem>>, %arg16: memref<!tpu.dma_semaphore, #tpu.memory_space<semaphore_mem>>, %arg17: memref<!tpu.dma_semaphore, #tpu.memory_space<semaphore_mem>>, %arg18: memref<!tpu.dma_semaphore, #tpu.memory_space<semaphore_mem>>, %arg19: memref<!tpu.dma_semaphore, #tpu.memory_space<semaphore_mem>>, %arg20: memref<!tpu.dma_semaphore, #tpu.memory_space<semaphore_mem>>, %arg21: memref<!tpu.dma_semaphore, #tpu.memory_space<semaphore_mem>>) attributes {dimension_semantics = [#tpu.dimension_semantics<core_parallel>, #tpu.dimension_semantics<subcore_parallel>], iteration_bounds = array<i64: 2, 16>, scalar_prefetch = 0 : i64, scratch_operands = 15 : i64, tpu.core_type = #tpu.core_type<sc_vector_subcore>, window_params = [{transform_indices = #map}, {transform_indices = #map1}, {transform_indices = #map1}, {transform_indices = #map}, {transform_indices = #map1}]} {
    %mul3A = arith.constant 2 : i32
    %mul3A_0 = arith.muli %arg1, %mul3A : i32
    %add3A = arith.addi %mul3A_0, %arg0 : i32
    %mul3A_1 = arith.constant 632 : i32
    %mul3A_2 = arith.muli %arg1, %mul3A_1 : i32
    "tpu.region"() ({
      %run_scoped3A = tpu.sem_alloc : memref<!tpu.dma_semaphore, #tpu.memory_space<semaphore_mem>>
      %dma_start3A_60 = arith.constant 0 : i32
      %dma_start3A_61 = tpu.memref_slice %arg7[%mul3A_2, %dma_start3A_60] : memref<10112x64xf32, #tpu.memory_space<vmem_shared>> -> memref<632x64xf32, #tpu.memory_space<vmem_shared>>
      tpu.enqueue_dma source(%arg5 : memref<632x64xf32, #tpu.memory_space<hbm>>) target(%dma_start3A_61 : memref<632x64xf32, #tpu.memory_space<vmem_shared>>) target_semaphore(%run_scoped3A : memref<!tpu.dma_semaphore, #tpu.memory_space<semaphore_mem>>)
      %dma_wait3A_62 = arith.constant 0 : i32
      %dma_wait3A_63 = tpu.memref_slice %arg7[%mul3A_2, %dma_wait3A_62] : memref<10112x64xf32, #tpu.memory_space<vmem_shared>> -> memref<632x64xf32, #tpu.memory_space<vmem_shared>>
      tpu.wait_dma2 semaphore(%run_scoped3A : memref<!tpu.dma_semaphore, #tpu.memory_space<semaphore_mem>>) src(%arg5 : memref<632x64xf32, #tpu.memory_space<hbm>>) dst(%dma_wait3A_63 : memref<632x64xf32, #tpu.memory_space<vmem_shared>>)
      tpu.yield
    }) : () -> ()
    "tpu.region"() ({
      %run_scoped3A = tpu.sem_alloc : memref<!tpu.dma_semaphore, #tpu.memory_space<semaphore_mem>>
      %dma_start3A_60 = arith.constant 0 : i32
      %dma_start3A_61 = arith.constant 0 : i32
      %dma_start3A_62 = tpu.memref_slice %arg3[%add3A, %dma_start3A_60, %dma_start3A_61] : memref<32x40x256xi32, #tpu.memory_space<hbm>> -> memref<1x40x256xi32, #tpu.memory_space<hbm>>
      %dma_start3A_63 = tpu.memref_squeeze %dma_start3A_62 : memref<1x40x256xi32, #tpu.memory_space<hbm>> -> memref<40x256xi32, #tpu.memory_space<hbm>>
      %dma_start3A_64 = arith.constant 0 : i32
      %dma_start3A_65 = arith.constant 0 : i32
      %dma_start3A_66 = tpu.memref_slice %arg3[%add3A, %dma_start3A_64, %dma_start3A_65] : memref<32x40x256xi32, #tpu.memory_space<hbm>> -> memref<1x40x256xi32, #tpu.memory_space<hbm>>
      %dma_start3A_67 = tpu.memref_squeeze %dma_start3A_66 : memref<1x40x256xi32, #tpu.memory_space<hbm>> -> memref<40x256xi32, #tpu.memory_space<hbm>>
      tpu.enqueue_dma source(%dma_start3A_67 : memref<40x256xi32, #tpu.memory_space<hbm>>) target(%arg8 : memref<40x256xi32, #tpu.memory_space<vmem>>) target_semaphore(%run_scoped3A : memref<!tpu.dma_semaphore, #tpu.memory_space<semaphore_mem>>)
      %dma_wait3A_68 = arith.constant 0 : i32
      %dma_wait3A_69 = arith.constant 0 : i32
      %dma_wait3A_70 = tpu.memref_slice %arg3[%add3A, %dma_wait3A_68, %dma_wait3A_69] : memref<32x40x256xi32, #tpu.memory_space<hbm>> -> memref<1x40x256xi32, #tpu.memory_space<hbm>>
      %dma_wait3A_71 = tpu.memref_squeeze %dma_wait3A_70 : memref<1x40x256xi32, #tpu.memory_space<hbm>> -> memref<40x256xi32, #tpu.memory_space<hbm>>
      %dma_wait3A_72 = arith.constant 0 : i32
      %dma_wait3A_73 = arith.constant 0 : i32
      %dma_wait3A_74 = tpu.memref_slice %arg3[%add3A, %dma_wait3A_72, %dma_wait3A_73] : memref<32x40x256xi32, #tpu.memory_space<hbm>> -> memref<1x40x256xi32, #tpu.memory_space<hbm>>
      %dma_wait3A_75 = tpu.memref_squeeze %dma_wait3A_74 : memref<1x40x256xi32, #tpu.memory_space<hbm>> -> memref<40x256xi32, #tpu.memory_space<hbm>>
      tpu.wait_dma2 semaphore(%run_scoped3A : memref<!tpu.dma_semaphore, #tpu.memory_space<semaphore_mem>>) src(%dma_wait3A_75 : memref<40x256xi32, #tpu.memory_space<hbm>>) dst(%arg8 : memref<40x256xi32, #tpu.memory_space<vmem>>)
      tpu.yield
    }) : () -> ()
    "tpu.region"() ({
      %run_scoped3A = tpu.sem_alloc : memref<!tpu.dma_semaphore, #tpu.memory_space<semaphore_mem>>
      %dma_start3A_60 = arith.constant 0 : i32
      %dma_start3A_61 = arith.constant 0 : i32
      %dma_start3A_62 = tpu.memref_slice %arg4[%add3A, %dma_start3A_60, %dma_start3A_61] : memref<32x40x256xi32, #tpu.memory_space<hbm>> -> memref<1x40x256xi32, #tpu.memory_space<hbm>>
      %dma_start3A_63 = tpu.memref_squeeze %dma_start3A_62 : memref<1x40x256xi32, #tpu.memory_space<hbm>> -> memref<40x256xi32, #tpu.memory_space<hbm>>
      %dma_start3A_64 = arith.constant 0 : i32
      %dma_start3A_65 = arith.constant 0 : i32
      %dma_start3A_66 = tpu.memref_slice %arg4[%add3A, %dma_start3A_64, %dma_start3A_65] : memref<32x40x256xi32, #tpu.memory_space<hbm>> -> memref<1x40x256xi32, #tpu.memory_space<hbm>>
      %dma_start3A_67 = tpu.memref_squeeze %dma_start3A_66 : memref<1x40x256xi32, #tpu.memory_space<hbm>> -> memref<40x256xi32, #tpu.memory_space<hbm>>
      tpu.enqueue_dma source(%dma_start3A_67 : memref<40x256xi32, #tpu.memory_space<hbm>>) target(%arg9 : memref<40x256xi32, #tpu.memory_space<vmem>>) target_semaphore(%run_scoped3A : memref<!tpu.dma_semaphore, #tpu.memory_space<semaphore_mem>>)
      %dma_wait3A_68 = arith.constant 0 : i32
      %dma_wait3A_69 = arith.constant 0 : i32
      %dma_wait3A_70 = tpu.memref_slice %arg4[%add3A, %dma_wait3A_68, %dma_wait3A_69] : memref<32x40x256xi32, #tpu.memory_space<hbm>> -> memref<1x40x256xi32, #tpu.memory_space<hbm>>
      %dma_wait3A_71 = tpu.memref_squeeze %dma_wait3A_70 : memref<1x40x256xi32, #tpu.memory_space<hbm>> -> memref<40x256xi32, #tpu.memory_space<hbm>>
      %dma_wait3A_72 = arith.constant 0 : i32
      %dma_wait3A_73 = arith.constant 0 : i32
      %dma_wait3A_74 = tpu.memref_slice %arg4[%add3A, %dma_wait3A_72, %dma_wait3A_73] : memref<32x40x256xi32, #tpu.memory_space<hbm>> -> memref<1x40x256xi32, #tpu.memory_space<hbm>>
      %dma_wait3A_75 = tpu.memref_squeeze %dma_wait3A_74 : memref<1x40x256xi32, #tpu.memory_space<hbm>> -> memref<40x256xi32, #tpu.memory_space<hbm>>
      tpu.wait_dma2 semaphore(%run_scoped3A : memref<!tpu.dma_semaphore, #tpu.memory_space<semaphore_mem>>) src(%dma_wait3A_75 : memref<40x256xi32, #tpu.memory_space<hbm>>) dst(%arg9 : memref<40x256xi32, #tpu.memory_space<vmem>>)
      tpu.yield
    }) : () -> ()
    %barrier3A = arith.constant 0 : index
    tpu.barrier barrier_id(%barrier3A)
    %dma_start3A = arith.constant 0 : i32
    %dma_start3A_3 = arith.constant 0 : i32
    %dma_start3A_4 = tpu.memref_slice %arg8[%dma_start3A, %dma_start3A_3] : memref<40x256xi32, #tpu.memory_space<vmem>> -> memref<1x256xi32, #tpu.memory_space<vmem>>
    %dma_start3A_5 = tpu.memref_squeeze %dma_start3A_4 : memref<1x256xi32, #tpu.memory_space<vmem>> -> memref<256xi32, #tpu.memory_space<vmem>>
    %dma_start3A_6 = arith.constant 0 : i32
    %dma_start3A_7 = arith.constant 0 : i32
    %dma_start3A_8 = tpu.memref_slice %arg2[%dma_start3A_6, %dma_start3A_7] : memref<10112x64xf32, #tpu.memory_space<hbm>> -> memref<10112x64xf32, #tpu.memory_space<hbm>>
    tpu.enqueue_indirect_dma source(%dma_start3A_8 : memref<10112x64xf32, #tpu.memory_space<hbm>>) target(%arg10 : memref<256x64xf32, #tpu.memory_space<vmem>>) offsets(%dma_start3A_5 : memref<256xi32, #tpu.memory_space<vmem>>) semaphore(%arg14 : memref<!tpu.dma_semaphore, #tpu.memory_space<semaphore_mem>>)
    %dma_start3A_9 = arith.constant 1 : i32
    %dma_start3A_10 = arith.constant 0 : i32
    %dma_start3A_11 = tpu.memref_slice %arg8[%dma_start3A_9, %dma_start3A_10] : memref<40x256xi32, #tpu.memory_space<vmem>> -> memref<1x256xi32, #tpu.memory_space<vmem>>
    %dma_start3A_12 = tpu.memref_squeeze %dma_start3A_11 : memref<1x256xi32, #tpu.memory_space<vmem>> -> memref<256xi32, #tpu.memory_space<vmem>>
    %dma_start3A_13 = arith.constant 0 : i32
    %dma_start3A_14 = arith.constant 0 : i32
    %dma_start3A_15 = tpu.memref_slice %arg2[%dma_start3A_13, %dma_start3A_14] : memref<10112x64xf32, #tpu.memory_space<hbm>> -> memref<10112x64xf32, #tpu.memory_space<hbm>>
    tpu.enqueue_indirect_dma source(%dma_start3A_15 : memref<10112x64xf32, #tpu.memory_space<hbm>>) target(%arg11 : memref<256x64xf32, #tpu.memory_space<vmem>>) offsets(%dma_start3A_12 : memref<256xi32, #tpu.memory_space<vmem>>) semaphore(%arg15 : memref<!tpu.dma_semaphore, #tpu.memory_space<semaphore_mem>>)
    %dma_start3A_16 = arith.constant 2 : i32
    %dma_start3A_17 = arith.constant 0 : i32
    %dma_start3A_18 = tpu.memref_slice %arg8[%dma_start3A_16, %dma_start3A_17] : memref<40x256xi32, #tpu.memory_space<vmem>> -> memref<1x256xi32, #tpu.memory_space<vmem>>
    %dma_start3A_19 = tpu.memref_squeeze %dma_start3A_18 : memref<1x256xi32, #tpu.memory_space<vmem>> -> memref<256xi32, #tpu.memory_space<vmem>>
    %dma_start3A_20 = arith.constant 0 : i32
    %dma_start3A_21 = arith.constant 0 : i32
    %dma_start3A_22 = tpu.memref_slice %arg2[%dma_start3A_20, %dma_start3A_21] : memref<10112x64xf32, #tpu.memory_space<hbm>> -> memref<10112x64xf32, #tpu.memory_space<hbm>>
    tpu.enqueue_indirect_dma source(%dma_start3A_22 : memref<10112x64xf32, #tpu.memory_space<hbm>>) target(%arg12 : memref<256x64xf32, #tpu.memory_space<vmem>>) offsets(%dma_start3A_19 : memref<256xi32, #tpu.memory_space<vmem>>) semaphore(%arg16 : memref<!tpu.dma_semaphore, #tpu.memory_space<semaphore_mem>>)
    %scan3A = arith.constant 0 : i32
    %scan3A_23 = arith.constant 0 : i32
    %scan3A_24 = arith.constant 10 : i32
    %scan3A_25 = arith.addi %scan3A_23, %scan3A_24 : i32
    %scan3A_26 = arith.constant 1 : i32
    scf.for %scan3A_60 = %scan3A_23 to %scan3A_25 step %scan3A_26  : i32 {
      %mul3A_61 = arith.constant 4 : i32
      %mul3A_62 = arith.muli %scan3A_60, %mul3A_61 : i32
      %add3A_63 = arith.constant 0 : i32
      %add3A_64 = arith.addi %mul3A_62, %add3A_63 : i32
      %add3A_65 = arith.constant 3 : i32
      %add3A_66 = arith.addi %add3A_64, %add3A_65 : i32
      %lt3A = arith.constant 40 : i32
      %lt3A_67 = arith.cmpi slt, %add3A_66, %lt3A : i32
      %ge3A = arith.constant 1 : i32
      %ge3A_68 = arith.cmpi sge, %add3A_64, %ge3A : i32
      %and3A = arith.andi %lt3A_67, %ge3A_68 : i1
      %convert_element_type3A = arith.extui %and3A : i1 to i32
      %cond3A = arith.constant 0 : i32
      %cond3A_69 = arith.cmpi ne, %convert_element_type3A, %cond3A : i32
      scf.if %cond3A_69 {
        %sub3A = arith.constant 4 : i32
        %sub3A_174 = arith.subi %add3A_66, %sub3A : i32
        %dma_wait3A_175 = arith.constant 0 : i32
        %dma_wait3A_176 = tpu.memref_slice %arg9[%sub3A_174, %dma_wait3A_175] : memref<40x256xi32, #tpu.memory_space<vmem>> -> memref<1x256xi32, #tpu.memory_space<vmem>>
        %dma_wait3A_177 = tpu.memref_squeeze %dma_wait3A_176 : memref<1x256xi32, #tpu.memory_space<vmem>> -> memref<256xi32, #tpu.memory_space<vmem>>
        %dma_wait3A_178 = arith.constant 0 : i32
        %dma_wait3A_179 = arith.constant 0 : i32
        %dma_wait3A_180 = tpu.memref_slice %arg7[%dma_wait3A_178, %dma_wait3A_179] : memref<10112x64xf32, #tpu.memory_space<vmem_shared>> -> memref<10112x64xf32, #tpu.memory_space<vmem_shared>>
        tpu.wait_indirect_dma semaphore(%arg21 : memref<!tpu.dma_semaphore, #tpu.memory_space<semaphore_mem>>) src(%arg13 : memref<256x64xf32, #tpu.memory_space<vmem>>) dst(%dma_wait3A_180 : memref<10112x64xf32, #tpu.memory_space<vmem_shared>>)
      } else {
      }
      %lt3A_70 = arith.constant 40 : i32
      %lt3A_71 = arith.cmpi slt, %add3A_66, %lt3A_70 : i32
      %convert_element_type3A_72 = arith.extui %lt3A_71 : i1 to i32
      %cond3A_73 = arith.constant 0 : i32
      %cond3A_74 = arith.cmpi ne, %convert_element_type3A_72, %cond3A_73 : i32
      scf.if %cond3A_74 {
        %dma_start3A_174 = arith.constant 0 : i32
        %dma_start3A_175 = tpu.memref_slice %arg8[%add3A_66, %dma_start3A_174] : memref<40x256xi32, #tpu.memory_space<vmem>> -> memref<1x256xi32, #tpu.memory_space<vmem>>
        %dma_start3A_176 = tpu.memref_squeeze %dma_start3A_175 : memref<1x256xi32, #tpu.memory_space<vmem>> -> memref<256xi32, #tpu.memory_space<vmem>>
        %dma_start3A_177 = arith.constant 0 : i32
        %dma_start3A_178 = arith.constant 0 : i32
        %dma_start3A_179 = tpu.memref_slice %arg2[%dma_start3A_177, %dma_start3A_178] : memref<10112x64xf32, #tpu.memory_space<hbm>> -> memref<10112x64xf32, #tpu.memory_space<hbm>>
        tpu.enqueue_indirect_dma source(%dma_start3A_179 : memref<10112x64xf32, #tpu.memory_space<hbm>>) target(%arg13 : memref<256x64xf32, #tpu.memory_space<vmem>>) offsets(%dma_start3A_176 : memref<256xi32, #tpu.memory_space<vmem>>) semaphore(%arg17 : memref<!tpu.dma_semaphore, #tpu.memory_space<semaphore_mem>>)
      } else {
      }
      %dma_wait3A_75 = arith.constant 0 : i32
      %dma_wait3A_76 = tpu.memref_slice %arg8[%add3A_64, %dma_wait3A_75] : memref<40x256xi32, #tpu.memory_space<vmem>> -> memref<1x256xi32, #tpu.memory_space<vmem>>
      %dma_wait3A_77 = tpu.memref_squeeze %dma_wait3A_76 : memref<1x256xi32, #tpu.memory_space<vmem>> -> memref<256xi32, #tpu.memory_space<vmem>>
      %dma_wait3A_78 = arith.constant 0 : i32
      %dma_wait3A_79 = arith.constant 0 : i32
      %dma_wait3A_80 = tpu.memref_slice %arg2[%dma_wait3A_78, %dma_wait3A_79] : memref<10112x64xf32, #tpu.memory_space<hbm>> -> memref<10112x64xf32, #tpu.memory_space<hbm>>
      tpu.wait_indirect_dma semaphore(%arg14 : memref<!tpu.dma_semaphore, #tpu.memory_space<semaphore_mem>>) src(%dma_wait3A_80 : memref<10112x64xf32, #tpu.memory_space<hbm>>) dst(%arg10 : memref<256x64xf32, #tpu.memory_space<vmem>>)
      %dma_start3A_81 = arith.constant 0 : i32
      %dma_start3A_82 = tpu.memref_slice %arg9[%add3A_64, %dma_start3A_81] : memref<40x256xi32, #tpu.memory_space<vmem>> -> memref<1x256xi32, #tpu.memory_space<vmem>>
      %dma_start3A_83 = tpu.memref_squeeze %dma_start3A_82 : memref<1x256xi32, #tpu.memory_space<vmem>> -> memref<256xi32, #tpu.memory_space<vmem>>
      %dma_start3A_84 = arith.constant 0 : i32
      %dma_start3A_85 = arith.constant 0 : i32
      %dma_start3A_86 = tpu.memref_slice %arg7[%dma_start3A_84, %dma_start3A_85] : memref<10112x64xf32, #tpu.memory_space<vmem_shared>> -> memref<10112x64xf32, #tpu.memory_space<vmem_shared>>
      tpu.enqueue_indirect_dma source(%arg10 : memref<256x64xf32, #tpu.memory_space<vmem>>) target(%dma_start3A_86 : memref<10112x64xf32, #tpu.memory_space<vmem_shared>>) offsets(%dma_start3A_83 : memref<256xi32, #tpu.memory_space<vmem>>) semaphore(%arg18 : memref<!tpu.dma_semaphore, #tpu.memory_space<semaphore_mem>>) {add = true}
      %add3A_87 = arith.constant 1 : i32
      %add3A_88 = arith.addi %mul3A_62, %add3A_87 : i32
      %add3A_89 = arith.constant 3 : i32
      %add3A_90 = arith.addi %add3A_88, %add3A_89 : i32
      %lt3A_91 = arith.constant 40 : i32
      %lt3A_92 = arith.cmpi slt, %add3A_90, %lt3A_91 : i32
      %ge3A_93 = arith.constant 1 : i32
      %ge3A_94 = arith.cmpi sge, %add3A_88, %ge3A_93 : i32
      %and3A_95 = arith.andi %lt3A_92, %ge3A_94 : i1
      %convert_element_type3A_96 = arith.extui %and3A_95 : i1 to i32
      %cond3A_97 = arith.constant 0 : i32
      %cond3A_98 = arith.cmpi ne, %convert_element_type3A_96, %cond3A_97 : i32
      scf.if %cond3A_98 {
        %sub3A = arith.constant 4 : i32
        %sub3A_174 = arith.subi %add3A_90, %sub3A : i32
        %dma_wait3A_175 = arith.constant 0 : i32
        %dma_wait3A_176 = tpu.memref_slice %arg9[%sub3A_174, %dma_wait3A_175] : memref<40x256xi32, #tpu.memory_space<vmem>> -> memref<1x256xi32, #tpu.memory_space<vmem>>
        %dma_wait3A_177 = tpu.memref_squeeze %dma_wait3A_176 : memref<1x256xi32, #tpu.memory_space<vmem>> -> memref<256xi32, #tpu.memory_space<vmem>>
        %dma_wait3A_178 = arith.constant 0 : i32
        %dma_wait3A_179 = arith.constant 0 : i32
        %dma_wait3A_180 = tpu.memref_slice %arg7[%dma_wait3A_178, %dma_wait3A_179] : memref<10112x64xf32, #tpu.memory_space<vmem_shared>> -> memref<10112x64xf32, #tpu.memory_space<vmem_shared>>
        tpu.wait_indirect_dma semaphore(%arg18 : memref<!tpu.dma_semaphore, #tpu.memory_space<semaphore_mem>>) src(%arg10 : memref<256x64xf32, #tpu.memory_space<vmem>>) dst(%dma_wait3A_180 : memref<10112x64xf32, #tpu.memory_space<vmem_shared>>)
      } else {
      }
      %lt3A_99 = arith.constant 40 : i32
      %lt3A_100 = arith.cmpi slt, %add3A_90, %lt3A_99 : i32
      %convert_element_type3A_101 = arith.extui %lt3A_100 : i1 to i32
      %cond3A_102 = arith.constant 0 : i32
      %cond3A_103 = arith.cmpi ne, %convert_element_type3A_101, %cond3A_102 : i32
      scf.if %cond3A_103 {
        %dma_start3A_174 = arith.constant 0 : i32
        %dma_start3A_175 = tpu.memref_slice %arg8[%add3A_90, %dma_start3A_174] : memref<40x256xi32, #tpu.memory_space<vmem>> -> memref<1x256xi32, #tpu.memory_space<vmem>>
        %dma_start3A_176 = tpu.memref_squeeze %dma_start3A_175 : memref<1x256xi32, #tpu.memory_space<vmem>> -> memref<256xi32, #tpu.memory_space<vmem>>
        %dma_start3A_177 = arith.constant 0 : i32
        %dma_start3A_178 = arith.constant 0 : i32
        %dma_start3A_179 = tpu.memref_slice %arg2[%dma_start3A_177, %dma_start3A_178] : memref<10112x64xf32, #tpu.memory_space<hbm>> -> memref<10112x64xf32, #tpu.memory_space<hbm>>
        tpu.enqueue_indirect_dma source(%dma_start3A_179 : memref<10112x64xf32, #tpu.memory_space<hbm>>) target(%arg10 : memref<256x64xf32, #tpu.memory_space<vmem>>) offsets(%dma_start3A_176 : memref<256xi32, #tpu.memory_space<vmem>>) semaphore(%arg14 : memref<!tpu.dma_semaphore, #tpu.memory_space<semaphore_mem>>)
      } else {
      }
      %dma_wait3A_104 = arith.constant 0 : i32
      %dma_wait3A_105 = tpu.memref_slice %arg8[%add3A_88, %dma_wait3A_104] : memref<40x256xi32, #tpu.memory_space<vmem>> -> memref<1x256xi32, #tpu.memory_space<vmem>>
      %dma_wait3A_106 = tpu.memref_squeeze %dma_wait3A_105 : memref<1x256xi32, #tpu.memory_space<vmem>> -> memref<256xi32, #tpu.memory_space<vmem>>
      %dma_wait3A_107 = arith.constant 0 : i32
      %dma_wait3A_108 = arith.constant 0 : i32
      %dma_wait3A_109 = tpu.memref_slice %arg2[%dma_wait3A_107, %dma_wait3A_108] : memref<10112x64xf32, #tpu.memory_space<hbm>> -> memref<10112x64xf32, #tpu.memory_space<hbm>>
      tpu.wait_indirect_dma semaphore(%arg15 : memref<!tpu.dma_semaphore, #tpu.memory_space<semaphore_mem>>) src(%dma_wait3A_109 : memref<10112x64xf32, #tpu.memory_space<hbm>>) dst(%arg11 : memref<256x64xf32, #tpu.memory_space<vmem>>)
      %dma_start3A_110 = arith.constant 0 : i32
      %dma_start3A_111 = tpu.memref_slice %arg9[%add3A_88, %dma_start3A_110] : memref<40x256xi32, #tpu.memory_space<vmem>> -> memref<1x256xi32, #tpu.memory_space<vmem>>
      %dma_start3A_112 = tpu.memref_squeeze %dma_start3A_111 : memref<1x256xi32, #tpu.memory_space<vmem>> -> memref<256xi32, #tpu.memory_space<vmem>>
      %dma_start3A_113 = arith.constant 0 : i32
      %dma_start3A_114 = arith.constant 0 : i32
      %dma_start3A_115 = tpu.memref_slice %arg7[%dma_start3A_113, %dma_start3A_114] : memref<10112x64xf32, #tpu.memory_space<vmem_shared>> -> memref<10112x64xf32, #tpu.memory_space<vmem_shared>>
      tpu.enqueue_indirect_dma source(%arg11 : memref<256x64xf32, #tpu.memory_space<vmem>>) target(%dma_start3A_115 : memref<10112x64xf32, #tpu.memory_space<vmem_shared>>) offsets(%dma_start3A_112 : memref<256xi32, #tpu.memory_space<vmem>>) semaphore(%arg19 : memref<!tpu.dma_semaphore, #tpu.memory_space<semaphore_mem>>) {add = true}
      %add3A_116 = arith.constant 2 : i32
      %add3A_117 = arith.addi %mul3A_62, %add3A_116 : i32
      %add3A_118 = arith.constant 3 : i32
      %add3A_119 = arith.addi %add3A_117, %add3A_118 : i32
      %lt3A_120 = arith.constant 40 : i32
      %lt3A_121 = arith.cmpi slt, %add3A_119, %lt3A_120 : i32
      %ge3A_122 = arith.constant 1 : i32
      %ge3A_123 = arith.cmpi sge, %add3A_117, %ge3A_122 : i32
      %and3A_124 = arith.andi %lt3A_121, %ge3A_123 : i1
      %convert_element_type3A_125 = arith.extui %and3A_124 : i1 to i32
      %cond3A_126 = arith.constant 0 : i32
      %cond3A_127 = arith.cmpi ne, %convert_element_type3A_125, %cond3A_126 : i32
      scf.if %cond3A_127 {
        %sub3A = arith.constant 4 : i32
        %sub3A_174 = arith.subi %add3A_119, %sub3A : i32
        %dma_wait3A_175 = arith.constant 0 : i32
        %dma_wait3A_176 = tpu.memref_slice %arg9[%sub3A_174, %dma_wait3A_175] : memref<40x256xi32, #tpu.memory_space<vmem>> -> memref<1x256xi32, #tpu.memory_space<vmem>>
        %dma_wait3A_177 = tpu.memref_squeeze %dma_wait3A_176 : memref<1x256xi32, #tpu.memory_space<vmem>> -> memref<256xi32, #tpu.memory_space<vmem>>
        %dma_wait3A_178 = arith.constant 0 : i32
        %dma_wait3A_179 = arith.constant 0 : i32
        %dma_wait3A_180 = tpu.memref_slice %arg7[%dma_wait3A_178, %dma_wait3A_179] : memref<10112x64xf32, #tpu.memory_space<vmem_shared>> -> memref<10112x64xf32, #tpu.memory_space<vmem_shared>>
        tpu.wait_indirect_dma semaphore(%arg19 : memref<!tpu.dma_semaphore, #tpu.memory_space<semaphore_mem>>) src(%arg11 : memref<256x64xf32, #tpu.memory_space<vmem>>) dst(%dma_wait3A_180 : memref<10112x64xf32, #tpu.memory_space<vmem_shared>>)
      } else {
      }
      %lt3A_128 = arith.constant 40 : i32
      %lt3A_129 = arith.cmpi slt, %add3A_119, %lt3A_128 : i32
      %convert_element_type3A_130 = arith.extui %lt3A_129 : i1 to i32
      %cond3A_131 = arith.constant 0 : i32
      %cond3A_132 = arith.cmpi ne, %convert_element_type3A_130, %cond3A_131 : i32
      scf.if %cond3A_132 {
        %dma_start3A_174 = arith.constant 0 : i32
        %dma_start3A_175 = tpu.memref_slice %arg8[%add3A_119, %dma_start3A_174] : memref<40x256xi32, #tpu.memory_space<vmem>> -> memref<1x256xi32, #tpu.memory_space<vmem>>
        %dma_start3A_176 = tpu.memref_squeeze %dma_start3A_175 : memref<1x256xi32, #tpu.memory_space<vmem>> -> memref<256xi32, #tpu.memory_space<vmem>>
        %dma_start3A_177 = arith.constant 0 : i32
        %dma_start3A_178 = arith.constant 0 : i32
        %dma_start3A_179 = tpu.memref_slice %arg2[%dma_start3A_177, %dma_start3A_178] : memref<10112x64xf32, #tpu.memory_space<hbm>> -> memref<10112x64xf32, #tpu.memory_space<hbm>>
        tpu.enqueue_indirect_dma source(%dma_start3A_179 : memref<10112x64xf32, #tpu.memory_space<hbm>>) target(%arg11 : memref<256x64xf32, #tpu.memory_space<vmem>>) offsets(%dma_start3A_176 : memref<256xi32, #tpu.memory_space<vmem>>) semaphore(%arg15 : memref<!tpu.dma_semaphore, #tpu.memory_space<semaphore_mem>>)
      } else {
      }
      %dma_wait3A_133 = arith.constant 0 : i32
      %dma_wait3A_134 = tpu.memref_slice %arg8[%add3A_117, %dma_wait3A_133] : memref<40x256xi32, #tpu.memory_space<vmem>> -> memref<1x256xi32, #tpu.memory_space<vmem>>
      %dma_wait3A_135 = tpu.memref_squeeze %dma_wait3A_134 : memref<1x256xi32, #tpu.memory_space<vmem>> -> memref<256xi32, #tpu.memory_space<vmem>>
      %dma_wait3A_136 = arith.constant 0 : i32
      %dma_wait3A_137 = arith.constant 0 : i32
      %dma_wait3A_138 = tpu.memref_slice %arg2[%dma_wait3A_136, %dma_wait3A_137] : memref<10112x64xf32, #tpu.memory_space<hbm>> -> memref<10112x64xf32, #tpu.memory_space<hbm>>
      tpu.wait_indirect_dma semaphore(%arg16 : memref<!tpu.dma_semaphore, #tpu.memory_space<semaphore_mem>>) src(%dma_wait3A_138 : memref<10112x64xf32, #tpu.memory_space<hbm>>) dst(%arg12 : memref<256x64xf32, #tpu.memory_space<vmem>>)
      %dma_start3A_139 = arith.constant 0 : i32
      %dma_start3A_140 = tpu.memref_slice %arg9[%add3A_117, %dma_start3A_139] : memref<40x256xi32, #tpu.memory_space<vmem>> -> memref<1x256xi32, #tpu.memory_space<vmem>>
      %dma_start3A_141 = tpu.memref_squeeze %dma_start3A_140 : memref<1x256xi32, #tpu.memory_space<vmem>> -> memref<256xi32, #tpu.memory_space<vmem>>
      %dma_start3A_142 = arith.constant 0 : i32
      %dma_start3A_143 = arith.constant 0 : i32
      %dma_start3A_144 = tpu.memref_slice %arg7[%dma_start3A_142, %dma_start3A_143] : memref<10112x64xf32, #tpu.memory_space<vmem_shared>> -> memref<10112x64xf32, #tpu.memory_space<vmem_shared>>
      tpu.enqueue_indirect_dma source(%arg12 : memref<256x64xf32, #tpu.memory_space<vmem>>) target(%dma_start3A_144 : memref<10112x64xf32, #tpu.memory_space<vmem_shared>>) offsets(%dma_start3A_141 : memref<256xi32, #tpu.memory_space<vmem>>) semaphore(%arg20 : memref<!tpu.dma_semaphore, #tpu.memory_space<semaphore_mem>>) {add = true}
      %add3A_145 = arith.constant 3 : i32
      %add3A_146 = arith.addi %mul3A_62, %add3A_145 : i32
      %add3A_147 = arith.constant 3 : i32
      %add3A_148 = arith.addi %add3A_146, %add3A_147 : i32
      %lt3A_149 = arith.constant 40 : i32
      %lt3A_150 = arith.cmpi slt, %add3A_148, %lt3A_149 : i32
      %ge3A_151 = arith.constant 1 : i32
      %ge3A_152 = arith.cmpi sge, %add3A_146, %ge3A_151 : i32
      %and3A_153 = arith.andi %lt3A_150, %ge3A_152 : i1
      %convert_element_type3A_154 = arith.extui %and3A_153 : i1 to i32
      %cond3A_155 = arith.constant 0 : i32
      %cond3A_156 = arith.cmpi ne, %convert_element_type3A_154, %cond3A_155 : i32
      scf.if %cond3A_156 {
        %sub3A = arith.constant 4 : i32
        %sub3A_174 = arith.subi %add3A_148, %sub3A : i32
        %dma_wait3A_175 = arith.constant 0 : i32
        %dma_wait3A_176 = tpu.memref_slice %arg9[%sub3A_174, %dma_wait3A_175] : memref<40x256xi32, #tpu.memory_space<vmem>> -> memref<1x256xi32, #tpu.memory_space<vmem>>
        %dma_wait3A_177 = tpu.memref_squeeze %dma_wait3A_176 : memref<1x256xi32, #tpu.memory_space<vmem>> -> memref<256xi32, #tpu.memory_space<vmem>>
        %dma_wait3A_178 = arith.constant 0 : i32
        %dma_wait3A_179 = arith.constant 0 : i32
        %dma_wait3A_180 = tpu.memref_slice %arg7[%dma_wait3A_178, %dma_wait3A_179] : memref<10112x64xf32, #tpu.memory_space<vmem_shared>> -> memref<10112x64xf32, #tpu.memory_space<vmem_shared>>
        tpu.wait_indirect_dma semaphore(%arg20 : memref<!tpu.dma_semaphore, #tpu.memory_space<semaphore_mem>>) src(%arg12 : memref<256x64xf32, #tpu.memory_space<vmem>>) dst(%dma_wait3A_180 : memref<10112x64xf32, #tpu.memory_space<vmem_shared>>)
      } else {
      }
      %lt3A_157 = arith.constant 40 : i32
      %lt3A_158 = arith.cmpi slt, %add3A_148, %lt3A_157 : i32
      %convert_element_type3A_159 = arith.extui %lt3A_158 : i1 to i32
      %cond3A_160 = arith.constant 0 : i32
      %cond3A_161 = arith.cmpi ne, %convert_element_type3A_159, %cond3A_160 : i32
      scf.if %cond3A_161 {
        %dma_start3A_174 = arith.constant 0 : i32
        %dma_start3A_175 = tpu.memref_slice %arg8[%add3A_148, %dma_start3A_174] : memref<40x256xi32, #tpu.memory_space<vmem>> -> memref<1x256xi32, #tpu.memory_space<vmem>>
        %dma_start3A_176 = tpu.memref_squeeze %dma_start3A_175 : memref<1x256xi32, #tpu.memory_space<vmem>> -> memref<256xi32, #tpu.memory_space<vmem>>
        %dma_start3A_177 = arith.constant 0 : i32
        %dma_start3A_178 = arith.constant 0 : i32
        %dma_start3A_179 = tpu.memref_slice %arg2[%dma_start3A_177, %dma_start3A_178] : memref<10112x64xf32, #tpu.memory_space<hbm>> -> memref<10112x64xf32, #tpu.memory_space<hbm>>
        tpu.enqueue_indirect_dma source(%dma_start3A_179 : memref<10112x64xf32, #tpu.memory_space<hbm>>) target(%arg12 : memref<256x64xf32, #tpu.memory_space<vmem>>) offsets(%dma_start3A_176 : memref<256xi32, #tpu.memory_space<vmem>>) semaphore(%arg16 : memref<!tpu.dma_semaphore, #tpu.memory_space<semaphore_mem>>)
      } else {
      }
      %dma_wait3A_162 = arith.constant 0 : i32
      %dma_wait3A_163 = tpu.memref_slice %arg8[%add3A_146, %dma_wait3A_162] : memref<40x256xi32, #tpu.memory_space<vmem>> -> memref<1x256xi32, #tpu.memory_space<vmem>>
      %dma_wait3A_164 = tpu.memref_squeeze %dma_wait3A_163 : memref<1x256xi32, #tpu.memory_space<vmem>> -> memref<256xi32, #tpu.memory_space<vmem>>
      %dma_wait3A_165 = arith.constant 0 : i32
      %dma_wait3A_166 = arith.constant 0 : i32
      %dma_wait3A_167 = tpu.memref_slice %arg2[%dma_wait3A_165, %dma_wait3A_166] : memref<10112x64xf32, #tpu.memory_space<hbm>> -> memref<10112x64xf32, #tpu.memory_space<hbm>>
      tpu.wait_indirect_dma semaphore(%arg17 : memref<!tpu.dma_semaphore, #tpu.memory_space<semaphore_mem>>) src(%dma_wait3A_167 : memref<10112x64xf32, #tpu.memory_space<hbm>>) dst(%arg13 : memref<256x64xf32, #tpu.memory_space<vmem>>)
      %dma_start3A_168 = arith.constant 0 : i32
      %dma_start3A_169 = tpu.memref_slice %arg9[%add3A_146, %dma_start3A_168] : memref<40x256xi32, #tpu.memory_space<vmem>> -> memref<1x256xi32, #tpu.memory_space<vmem>>
      %dma_start3A_170 = tpu.memref_squeeze %dma_start3A_169 : memref<1x256xi32, #tpu.memory_space<vmem>> -> memref<256xi32, #tpu.memory_space<vmem>>
      %dma_start3A_171 = arith.constant 0 : i32
      %dma_start3A_172 = arith.constant 0 : i32
      %dma_start3A_173 = tpu.memref_slice %arg7[%dma_start3A_171, %dma_start3A_172] : memref<10112x64xf32, #tpu.memory_space<vmem_shared>> -> memref<10112x64xf32, #tpu.memory_space<vmem_shared>>
      tpu.enqueue_indirect_dma source(%arg13 : memref<256x64xf32, #tpu.memory_space<vmem>>) target(%dma_start3A_173 : memref<10112x64xf32, #tpu.memory_space<vmem_shared>>) offsets(%dma_start3A_170 : memref<256xi32, #tpu.memory_space<vmem>>) semaphore(%arg21 : memref<!tpu.dma_semaphore, #tpu.memory_space<semaphore_mem>>) {add = true}
    }
    %scan3A_27 = arith.constant 10 : i32
    %dma_wait3A = arith.constant 36 : i32
    %dma_wait3A_28 = arith.constant 0 : i32
    %dma_wait3A_29 = tpu.memref_slice %arg9[%dma_wait3A, %dma_wait3A_28] : memref<40x256xi32, #tpu.memory_space<vmem>> -> memref<1x256xi32, #tpu.memory_space<vmem>>
    %dma_wait3A_30 = tpu.memref_squeeze %dma_wait3A_29 : memref<1x256xi32, #tpu.memory_space<vmem>> -> memref<256xi32, #tpu.memory_space<vmem>>
    %dma_wait3A_31 = arith.constant 0 : i32
    %dma_wait3A_32 = arith.constant 0 : i32
    %dma_wait3A_33 = tpu.memref_slice %arg7[%dma_wait3A_31, %dma_wait3A_32] : memref<10112x64xf32, #tpu.memory_space<vmem_shared>> -> memref<10112x64xf32, #tpu.memory_space<vmem_shared>>
    tpu.wait_indirect_dma semaphore(%arg18 : memref<!tpu.dma_semaphore, #tpu.memory_space<semaphore_mem>>) src(%arg10 : memref<256x64xf32, #tpu.memory_space<vmem>>) dst(%dma_wait3A_33 : memref<10112x64xf32, #tpu.memory_space<vmem_shared>>)
    %dma_wait3A_34 = arith.constant 37 : i32
    %dma_wait3A_35 = arith.constant 0 : i32
    %dma_wait3A_36 = tpu.memref_slice %arg9[%dma_wait3A_34, %dma_wait3A_35] : memref<40x256xi32, #tpu.memory_space<vmem>> -> memref<1x256xi32, #tpu.memory_space<vmem>>
    %dma_wait3A_37 = tpu.memref_squeeze %dma_wait3A_36 : memref<1x256xi32, #tpu.memory_space<vmem>> -> memref<256xi32, #tpu.memory_space<vmem>>
    %dma_wait3A_38 = arith.constant 0 : i32
    %dma_wait3A_39 = arith.constant 0 : i32
    %dma_wait3A_40 = tpu.memref_slice %arg7[%dma_wait3A_38, %dma_wait3A_39] : memref<10112x64xf32, #tpu.memory_space<vmem_shared>> -> memref<10112x64xf32, #tpu.memory_space<vmem_shared>>
    tpu.wait_indirect_dma semaphore(%arg19 : memref<!tpu.dma_semaphore, #tpu.memory_space<semaphore_mem>>) src(%arg11 : memref<256x64xf32, #tpu.memory_space<vmem>>) dst(%dma_wait3A_40 : memref<10112x64xf32, #tpu.memory_space<vmem_shared>>)
    %dma_wait3A_41 = arith.constant 38 : i32
    %dma_wait3A_42 = arith.constant 0 : i32
    %dma_wait3A_43 = tpu.memref_slice %arg9[%dma_wait3A_41, %dma_wait3A_42] : memref<40x256xi32, #tpu.memory_space<vmem>> -> memref<1x256xi32, #tpu.memory_space<vmem>>
    %dma_wait3A_44 = tpu.memref_squeeze %dma_wait3A_43 : memref<1x256xi32, #tpu.memory_space<vmem>> -> memref<256xi32, #tpu.memory_space<vmem>>
    %dma_wait3A_45 = arith.constant 0 : i32
    %dma_wait3A_46 = arith.constant 0 : i32
    %dma_wait3A_47 = tpu.memref_slice %arg7[%dma_wait3A_45, %dma_wait3A_46] : memref<10112x64xf32, #tpu.memory_space<vmem_shared>> -> memref<10112x64xf32, #tpu.memory_space<vmem_shared>>
    tpu.wait_indirect_dma semaphore(%arg20 : memref<!tpu.dma_semaphore, #tpu.memory_space<semaphore_mem>>) src(%arg12 : memref<256x64xf32, #tpu.memory_space<vmem>>) dst(%dma_wait3A_47 : memref<10112x64xf32, #tpu.memory_space<vmem_shared>>)
    %dma_wait3A_48 = arith.constant 39 : i32
    %dma_wait3A_49 = arith.constant 0 : i32
    %dma_wait3A_50 = tpu.memref_slice %arg9[%dma_wait3A_48, %dma_wait3A_49] : memref<40x256xi32, #tpu.memory_space<vmem>> -> memref<1x256xi32, #tpu.memory_space<vmem>>
    %dma_wait3A_51 = tpu.memref_squeeze %dma_wait3A_50 : memref<1x256xi32, #tpu.memory_space<vmem>> -> memref<256xi32, #tpu.memory_space<vmem>>
    %dma_wait3A_52 = arith.constant 0 : i32
    %dma_wait3A_53 = arith.constant 0 : i32
    %dma_wait3A_54 = tpu.memref_slice %arg7[%dma_wait3A_52, %dma_wait3A_53] : memref<10112x64xf32, #tpu.memory_space<vmem_shared>> -> memref<10112x64xf32, #tpu.memory_space<vmem_shared>>
    tpu.wait_indirect_dma semaphore(%arg21 : memref<!tpu.dma_semaphore, #tpu.memory_space<semaphore_mem>>) src(%arg13 : memref<256x64xf32, #tpu.memory_space<vmem>>) dst(%dma_wait3A_54 : memref<10112x64xf32, #tpu.memory_space<vmem_shared>>)
    %barrier3A_55 = arith.constant 0 : index
    tpu.barrier barrier_id(%barrier3A_55)
    %mul3A_56 = arith.constant 632 : i32
    %mul3A_57 = arith.muli %arg1, %mul3A_56 : i32
    %mul3A_58 = arith.constant 632 : i32
    %mul3A_59 = arith.muli %arg1, %mul3A_58 : i32
    "tpu.region"() ({
      %run_scoped3A = tpu.sem_alloc : memref<!tpu.dma_semaphore, #tpu.memory_space<semaphore_mem>>
      %dma_start3A_60 = arith.constant 0 : i32
      %dma_start3A_61 = tpu.memref_slice %arg6[%arg0, %mul3A_59, %dma_start3A_60] : memref<2x10112x128xf32, #tpu.memory_space<hbm>> -> memref<1x632x64xf32, #tpu.memory_space<hbm>>
      %dma_start3A_62 = tpu.memref_squeeze %dma_start3A_61 : memref<1x632x64xf32, #tpu.memory_space<hbm>> -> memref<632x64xf32, #tpu.memory_space<hbm>>
      %dma_start3A_63 = arith.constant 0 : i32
      %dma_start3A_64 = tpu.memref_slice %arg7[%mul3A_57, %dma_start3A_63] : memref<10112x64xf32, #tpu.memory_space<vmem_shared>> -> memref<632x64xf32, #tpu.memory_space<vmem_shared>>
      tpu.enqueue_dma source(%dma_start3A_64 : memref<632x64xf32, #tpu.memory_space<vmem_shared>>) target(%dma_start3A_62 : memref<632x64xf32, #tpu.memory_space<hbm>>) target_semaphore(%run_scoped3A : memref<!tpu.dma_semaphore, #tpu.memory_space<semaphore_mem>>)
      %dma_wait3A_65 = arith.constant 0 : i32
      %dma_wait3A_66 = tpu.memref_slice %arg6[%arg0, %mul3A_59, %dma_wait3A_65] : memref<2x10112x128xf32, #tpu.memory_space<hbm>> -> memref<1x632x64xf32, #tpu.memory_space<hbm>>
      %dma_wait3A_67 = tpu.memref_squeeze %dma_wait3A_66 : memref<1x632x64xf32, #tpu.memory_space<hbm>> -> memref<632x64xf32, #tpu.memory_space<hbm>>
      %dma_wait3A_68 = arith.constant 0 : i32
      %dma_wait3A_69 = tpu.memref_slice %arg7[%mul3A_57, %dma_wait3A_68] : memref<10112x64xf32, #tpu.memory_space<vmem_shared>> -> memref<632x64xf32, #tpu.memory_space<vmem_shared>>
      tpu.wait_dma2 semaphore(%run_scoped3A : memref<!tpu.dma_semaphore, #tpu.memory_space<semaphore_mem>>) src(%dma_wait3A_69 : memref<632x64xf32, #tpu.memory_space<vmem_shared>>) dst(%dma_wait3A_67 : memref<632x64xf32, #tpu.memory_space<hbm>>)
      tpu.yield
    }) : () -> ()
    return
  }
}

#map = affine_map<(d0, d1) -> (0, 0)>
#map1 = affine_map<(d0, d1) -> (0, 0, 0)>
module attributes {stable_mosaic.version = 14 : i64} {
  func.func @body(%arg0: i32, %arg1: i32, %arg2: memref<10112x64xf32, #tpu.memory_space<hbm>>, %arg3: memref<32x40x256xi32, #tpu.memory_space<hbm>>, %arg4: memref<32x40x256xi32, #tpu.memory_space<hbm>>, %arg5: memref<632x64xf32, #tpu.memory_space<hbm>>, %arg6: memref<2x10112x128xf32, #tpu.memory_space<hbm>>, %arg7: memref<10112x64xf32, #tpu.memory_space<vmem_shared>>, %arg8: memref<40x256xi32, #tpu.memory_space<vmem>>, %arg9: memref<40x256xi32, #tpu.memory_space<vmem>>, %arg10: memref<256x64xf32, #tpu.memory_space<vmem>>, %arg11: memref<256x64xf32, #tpu.memory_space<vmem>>, %arg12: memref<256x64xf32, #tpu.memory_space<vmem>>, %arg13: memref<256x64xf32, #tpu.memory_space<vmem>>, %arg14: memref<!tpu.dma_semaphore, #tpu.memory_space<semaphore_mem>>, %arg15: memref<!tpu.dma_semaphore, #tpu.memory_space<semaphore_mem>>, %arg16: memref<!tpu.dma_semaphore, #tpu.memory_space<semaphore_mem>>, %arg17: memref<!tpu.dma_semaphore, #tpu.memory_space<semaphore_mem>>, %arg18: memref<!tpu.dma_semaphore, #tpu.memory_space<semaphore_mem>>, %arg19: memref<!tpu.dma_semaphore, #tpu.memory_space<semaphore_mem>>, %arg20: memref<!tpu.dma_semaphore, #tpu.memory_space<semaphore_mem>>, %arg21: memref<!tpu.dma_semaphore, #tpu.memory_space<semaphore_mem>>) attributes {dimension_semantics = [#tpu.dimension_semantics<core_parallel>, #tpu.dimension_semantics<subcore_parallel>], iteration_bounds = array<i64: 2, 16>, scalar_prefetch = 0 : i64, scratch_operands = 15 : i64, tpu.core_type = #tpu.core_type<sc_vector_subcore>, window_params = [{transform_indices = #map}, {transform_indices = #map1}, {transform_indices = #map1}, {transform_indices = #map}, {transform_indices = #map1}]} {
    %mul3A = arith.constant 2 : i32
    %mul3A_0 = arith.muli %arg1, %mul3A : i32
    %add3A = arith.addi %mul3A_0, %arg0 : i32
    %mul3A_1 = arith.constant 632 : i32
    %mul3A_2 = arith.muli %arg1, %mul3A_1 : i32
    "tpu.region"() ({
      %run_scoped3A = tpu.sem_alloc : memref<!tpu.dma_semaphore, #tpu.memory_space<semaphore_mem>>
      %dma_start3A_60 = arith.constant 0 : i32
      %dma_start3A_61 = tpu.memref_slice %arg7[%mul3A_2, %dma_start3A_60] : memref<10112x64xf32, #tpu.memory_space<vmem_shared>> -> memref<632x64xf32, #tpu.memory_space<vmem_shared>>
      tpu.enqueue_dma source(%arg5 : memref<632x64xf32, #tpu.memory_space<hbm>>) target(%dma_start3A_61 : memref<632x64xf32, #tpu.memory_space<vmem_shared>>) target_semaphore(%run_scoped3A : memref<!tpu.dma_semaphore, #tpu.memory_space<semaphore_mem>>)
      %dma_wait3A_62 = arith.constant 0 : i32
      %dma_wait3A_63 = tpu.memref_slice %arg7[%mul3A_2, %dma_wait3A_62] : memref<10112x64xf32, #tpu.memory_space<vmem_shared>> -> memref<632x64xf32, #tpu.memory_space<vmem_shared>>
      tpu.wait_dma2 semaphore(%run_scoped3A : memref<!tpu.dma_semaphore, #tpu.memory_space<semaphore_mem>>) src(%arg5 : memref<632x64xf32, #tpu.memory_space<hbm>>) dst(%dma_wait3A_63 : memref<632x64xf32, #tpu.memory_space<vmem_shared>>)
      tpu.yield
    }) : () -> ()
    "tpu.region"() ({
      %run_scoped3A = tpu.sem_alloc : memref<!tpu.dma_semaphore, #tpu.memory_space<semaphore_mem>>
      %dma_start3A_60 = arith.constant 0 : i32
      %dma_start3A_61 = arith.constant 0 : i32
      %dma_start3A_62 = tpu.memref_slice %arg3[%add3A, %dma_start3A_60, %dma_start3A_61] : memref<32x40x256xi32, #tpu.memory_space<hbm>> -> memref<1x40x256xi32, #tpu.memory_space<hbm>>
      %dma_start3A_63 = tpu.memref_squeeze %dma_start3A_62 : memref<1x40x256xi32, #tpu.memory_space<hbm>> -> memref<40x256xi32, #tpu.memory_space<hbm>>
      %dma_start3A_64 = arith.constant 0 : i32
      %dma_start3A_65 = arith.constant 0 : i32
      %dma_start3A_66 = tpu.memref_slice %arg3[%add3A, %dma_start3A_64, %dma_start3A_65] : memref<32x40x256xi32, #tpu.memory_space<hbm>> -> memref<1x40x256xi32, #tpu.memory_space<hbm>>
      %dma_start3A_67 = tpu.memref_squeeze %dma_start3A_66 : memref<1x40x256xi32, #tpu.memory_space<hbm>> -> memref<40x256xi32, #tpu.memory_space<hbm>>
      tpu.enqueue_dma source(%dma_start3A_67 : memref<40x256xi32, #tpu.memory_space<hbm>>) target(%arg8 : memref<40x256xi32, #tpu.memory_space<vmem>>) target_semaphore(%run_scoped3A : memref<!tpu.dma_semaphore, #tpu.memory_space<semaphore_mem>>)
      %dma_wait3A_68 = arith.constant 0 : i32
      %dma_wait3A_69 = arith.constant 0 : i32
      %dma_wait3A_70 = tpu.memref_slice %arg3[%add3A, %dma_wait3A_68, %dma_wait3A_69] : memref<32x40x256xi32, #tpu.memory_space<hbm>> -> memref<1x40x256xi32, #tpu.memory_space<hbm>>
      %dma_wait3A_71 = tpu.memref_squeeze %dma_wait3A_70 : memref<1x40x256xi32, #tpu.memory_space<hbm>> -> memref<40x256xi32, #tpu.memory_space<hbm>>
      %dma_wait3A_72 = arith.constant 0 : i32
      %dma_wait3A_73 = arith.constant 0 : i32
      %dma_wait3A_74 = tpu.memref_slice %arg3[%add3A, %dma_wait3A_72, %dma_wait3A_73] : memref<32x40x256xi32, #tpu.memory_space<hbm>> -> memref<1x40x256xi32, #tpu.memory_space<hbm>>
      %dma_wait3A_75 = tpu.memref_squeeze %dma_wait3A_74 : memref<1x40x256xi32, #tpu.memory_space<hbm>> -> memref<40x256xi32, #tpu.memory_space<hbm>>
      tpu.wait_dma2 semaphore(%run_scoped3A : memref<!tpu.dma_semaphore, #tpu.memory_space<semaphore_mem>>) src(%dma_wait3A_75 : memref<40x256xi32, #tpu.memory_space<hbm>>) dst(%arg8 : memref<40x256xi32, #tpu.memory_space<vmem>>)
      tpu.yield
    }) : () -> ()
    "tpu.region"() ({
      %run_scoped3A = tpu.sem_alloc : memref<!tpu.dma_semaphore, #tpu.memory_space<semaphore_mem>>
      %dma_start3A_60 = arith.constant 0 : i32
      %dma_start3A_61 = arith.constant 0 : i32
      %dma_start3A_62 = tpu.memref_slice %arg4[%add3A, %dma_start3A_60, %dma_start3A_61] : memref<32x40x256xi32, #tpu.memory_space<hbm>> -> memref<1x40x256xi32, #tpu.memory_space<hbm>>
      %dma_start3A_63 = tpu.memref_squeeze %dma_start3A_62 : memref<1x40x256xi32, #tpu.memory_space<hbm>> -> memref<40x256xi32, #tpu.memory_space<hbm>>
      %dma_start3A_64 = arith.constant 0 : i32
      %dma_start3A_65 = arith.constant 0 : i32
      %dma_start3A_66 = tpu.memref_slice %arg4[%add3A, %dma_start3A_64, %dma_start3A_65] : memref<32x40x256xi32, #tpu.memory_space<hbm>> -> memref<1x40x256xi32, #tpu.memory_space<hbm>>
      %dma_start3A_67 = tpu.memref_squeeze %dma_start3A_66 : memref<1x40x256xi32, #tpu.memory_space<hbm>> -> memref<40x256xi32, #tpu.memory_space<hbm>>
      tpu.enqueue_dma source(%dma_start3A_67 : memref<40x256xi32, #tpu.memory_space<hbm>>) target(%arg9 : memref<40x256xi32, #tpu.memory_space<vmem>>) target_semaphore(%run_scoped3A : memref<!tpu.dma_semaphore, #tpu.memory_space<semaphore_mem>>)
      %dma_wait3A_68 = arith.constant 0 : i32
      %dma_wait3A_69 = arith.constant 0 : i32
      %dma_wait3A_70 = tpu.memref_slice %arg4[%add3A, %dma_wait3A_68, %dma_wait3A_69] : memref<32x40x256xi32, #tpu.memory_space<hbm>> -> memref<1x40x256xi32, #tpu.memory_space<hbm>>
      %dma_wait3A_71 = tpu.memref_squeeze %dma_wait3A_70 : memref<1x40x256xi32, #tpu.memory_space<hbm>> -> memref<40x256xi32, #tpu.memory_space<hbm>>
      %dma_wait3A_72 = arith.constant 0 : i32
      %dma_wait3A_73 = arith.constant 0 : i32
      %dma_wait3A_74 = tpu.memref_slice %arg4[%add3A, %dma_wait3A_72, %dma_wait3A_73] : memref<32x40x256xi32, #tpu.memory_space<hbm>> -> memref<1x40x256xi32, #tpu.memory_space<hbm>>
      %dma_wait3A_75 = tpu.memref_squeeze %dma_wait3A_74 : memref<1x40x256xi32, #tpu.memory_space<hbm>> -> memref<40x256xi32, #tpu.memory_space<hbm>>
      tpu.wait_dma2 semaphore(%run_scoped3A : memref<!tpu.dma_semaphore, #tpu.memory_space<semaphore_mem>>) src(%dma_wait3A_75 : memref<40x256xi32, #tpu.memory_space<hbm>>) dst(%arg9 : memref<40x256xi32, #tpu.memory_space<vmem>>)
      tpu.yield
    }) : () -> ()
    %barrier3A = arith.constant 0 : index
    tpu.barrier barrier_id(%barrier3A)
    %dma_start3A = arith.constant 0 : i32
    %dma_start3A_3 = arith.constant 0 : i32
    %dma_start3A_4 = tpu.memref_slice %arg8[%dma_start3A, %dma_start3A_3] : memref<40x256xi32, #tpu.memory_space<vmem>> -> memref<1x256xi32, #tpu.memory_space<vmem>>
    %dma_start3A_5 = tpu.memref_squeeze %dma_start3A_4 : memref<1x256xi32, #tpu.memory_space<vmem>> -> memref<256xi32, #tpu.memory_space<vmem>>
    %dma_start3A_6 = arith.constant 0 : i32
    %dma_start3A_7 = arith.constant 0 : i32
    %dma_start3A_8 = tpu.memref_slice %arg2[%dma_start3A_6, %dma_start3A_7] : memref<10112x64xf32, #tpu.memory_space<hbm>> -> memref<10112x64xf32, #tpu.memory_space<hbm>>
    tpu.enqueue_indirect_dma source(%dma_start3A_8 : memref<10112x64xf32, #tpu.memory_space<hbm>>) target(%arg10 : memref<256x64xf32, #tpu.memory_space<vmem>>) offsets(%dma_start3A_5 : memref<256xi32, #tpu.memory_space<vmem>>) semaphore(%arg14 : memref<!tpu.dma_semaphore, #tpu.memory_space<semaphore_mem>>)
    %dma_start3A_9 = arith.constant 1 : i32
    %dma_start3A_10 = arith.constant 0 : i32
    %dma_start3A_11 = tpu.memref_slice %arg8[%dma_start3A_9, %dma_start3A_10] : memref<40x256xi32, #tpu.memory_space<vmem>> -> memref<1x256xi32, #tpu.memory_space<vmem>>
    %dma_start3A_12 = tpu.memref_squeeze %dma_start3A_11 : memref<1x256xi32, #tpu.memory_space<vmem>> -> memref<256xi32, #tpu.memory_space<vmem>>
    %dma_start3A_13 = arith.constant 0 : i32
    %dma_start3A_14 = arith.constant 0 : i32
    %dma_start3A_15 = tpu.memref_slice %arg2[%dma_start3A_13, %dma_start3A_14] : memref<10112x64xf32, #tpu.memory_space<hbm>> -> memref<10112x64xf32, #tpu.memory_space<hbm>>
    tpu.enqueue_indirect_dma source(%dma_start3A_15 : memref<10112x64xf32, #tpu.memory_space<hbm>>) target(%arg11 : memref<256x64xf32, #tpu.memory_space<vmem>>) offsets(%dma_start3A_12 : memref<256xi32, #tpu.memory_space<vmem>>) semaphore(%arg15 : memref<!tpu.dma_semaphore, #tpu.memory_space<semaphore_mem>>)
    %dma_start3A_16 = arith.constant 2 : i32
    %dma_start3A_17 = arith.constant 0 : i32
    %dma_start3A_18 = tpu.memref_slice %arg8[%dma_start3A_16, %dma_start3A_17] : memref<40x256xi32, #tpu.memory_space<vmem>> -> memref<1x256xi32, #tpu.memory_space<vmem>>
    %dma_start3A_19 = tpu.memref_squeeze %dma_start3A_18 : memref<1x256xi32, #tpu.memory_space<vmem>> -> memref<256xi32, #tpu.memory_space<vmem>>
    %dma_start3A_20 = arith.constant 0 : i32
    %dma_start3A_21 = arith.constant 0 : i32
    %dma_start3A_22 = tpu.memref_slice %arg2[%dma_start3A_20, %dma_start3A_21] : memref<10112x64xf32, #tpu.memory_space<hbm>> -> memref<10112x64xf32, #tpu.memory_space<hbm>>
    tpu.enqueue_indirect_dma source(%dma_start3A_22 : memref<10112x64xf32, #tpu.memory_space<hbm>>) target(%arg12 : memref<256x64xf32, #tpu.memory_space<vmem>>) offsets(%dma_start3A_19 : memref<256xi32, #tpu.memory_space<vmem>>) semaphore(%arg16 : memref<!tpu.dma_semaphore, #tpu.memory_space<semaphore_mem>>)
    %scan3A = arith.constant 0 : i32
    %scan3A_23 = arith.constant 0 : i32
    %scan3A_24 = arith.constant 10 : i32
    %scan3A_25 = arith.addi %scan3A_23, %scan3A_24 : i32
    %scan3A_26 = arith.constant 1 : i32
    scf.for %scan3A_60 = %scan3A_23 to %scan3A_25 step %scan3A_26  : i32 {
      %mul3A_61 = arith.constant 4 : i32
      %mul3A_62 = arith.muli %scan3A_60, %mul3A_61 : i32
      %add3A_63 = arith.constant 0 : i32
      %add3A_64 = arith.addi %mul3A_62, %add3A_63 : i32
      %add3A_65 = arith.constant 3 : i32
      %add3A_66 = arith.addi %add3A_64, %add3A_65 : i32
      %lt3A = arith.constant 40 : i32
      %lt3A_67 = arith.cmpi slt, %add3A_66, %lt3A : i32
      %ge3A = arith.constant 1 : i32
      %ge3A_68 = arith.cmpi sge, %add3A_64, %ge3A : i32
      %and3A = arith.andi %lt3A_67, %ge3A_68 : i1
      %convert_element_type3A = arith.extui %and3A : i1 to i32
      %cond3A = arith.constant 0 : i32
      %cond3A_69 = arith.cmpi ne, %convert_element_type3A, %cond3A : i32
      scf.if %cond3A_69 {
        %sub3A = arith.constant 4 : i32
        %sub3A_174 = arith.subi %add3A_66, %sub3A : i32
        %dma_wait3A_175 = arith.constant 0 : i32
        %dma_wait3A_176 = tpu.memref_slice %arg9[%sub3A_174, %dma_wait3A_175] : memref<40x256xi32, #tpu.memory_space<vmem>> -> memref<1x256xi32, #tpu.memory_space<vmem>>
        %dma_wait3A_177 = tpu.memref_squeeze %dma_wait3A_176 : memref<1x256xi32, #tpu.memory_space<vmem>> -> memref<256xi32, #tpu.memory_space<vmem>>
        %dma_wait3A_178 = arith.constant 0 : i32
        %dma_wait3A_179 = arith.constant 0 : i32
        %dma_wait3A_180 = tpu.memref_slice %arg7[%dma_wait3A_178, %dma_wait3A_179] : memref<10112x64xf32, #tpu.memory_space<vmem_shared>> -> memref<10112x64xf32, #tpu.memory_space<vmem_shared>>
        tpu.wait_indirect_dma semaphore(%arg21 : memref<!tpu.dma_semaphore, #tpu.memory_space<semaphore_mem>>) src(%arg13 : memref<256x64xf32, #tpu.memory_space<vmem>>) dst(%dma_wait3A_180 : memref<10112x64xf32, #tpu.memory_space<vmem_shared>>)
      } else {
      }
      %lt3A_70 = arith.constant 40 : i32
      %lt3A_71 = arith.cmpi slt, %add3A_66, %lt3A_70 : i32
      %convert_element_type3A_72 = arith.extui %lt3A_71 : i1 to i32
      %cond3A_73 = arith.constant 0 : i32
      %cond3A_74 = arith.cmpi ne, %convert_element_type3A_72, %cond3A_73 : i32
      scf.if %cond3A_74 {
        %dma_start3A_174 = arith.constant 0 : i32
        %dma_start3A_175 = tpu.memref_slice %arg8[%add3A_66, %dma_start3A_174] : memref<40x256xi32, #tpu.memory_space<vmem>> -> memref<1x256xi32, #tpu.memory_space<vmem>>
        %dma_start3A_176 = tpu.memref_squeeze %dma_start3A_175 : memref<1x256xi32, #tpu.memory_space<vmem>> -> memref<256xi32, #tpu.memory_space<vmem>>
        %dma_start3A_177 = arith.constant 0 : i32
        %dma_start3A_178 = arith.constant 0 : i32
        %dma_start3A_179 = tpu.memref_slice %arg2[%dma_start3A_177, %dma_start3A_178] : memref<10112x64xf32, #tpu.memory_space<hbm>> -> memref<10112x64xf32, #tpu.memory_space<hbm>>
        tpu.enqueue_indirect_dma source(%dma_start3A_179 : memref<10112x64xf32, #tpu.memory_space<hbm>>) target(%arg13 : memref<256x64xf32, #tpu.memory_space<vmem>>) offsets(%dma_start3A_176 : memref<256xi32, #tpu.memory_space<vmem>>) semaphore(%arg17 : memref<!tpu.dma_semaphore, #tpu.memory_space<semaphore_mem>>)
      } else {
      }
      %dma_wait3A_75 = arith.constant 0 : i32
      %dma_wait3A_76 = tpu.memref_slice %arg8[%add3A_64, %dma_wait3A_75] : memref<40x256xi32, #tpu.memory_space<vmem>> -> memref<1x256xi32, #tpu.memory_space<vmem>>
      %dma_wait3A_77 = tpu.memref_squeeze %dma_wait3A_76 : memref<1x256xi32, #tpu.memory_space<vmem>> -> memref<256xi32, #tpu.memory_space<vmem>>
      %dma_wait3A_78 = arith.constant 0 : i32
      %dma_wait3A_79 = arith.constant 0 : i32
      %dma_wait3A_80 = tpu.memref_slice %arg2[%dma_wait3A_78, %dma_wait3A_79] : memref<10112x64xf32, #tpu.memory_space<hbm>> -> memref<10112x64xf32, #tpu.memory_space<hbm>>
      tpu.wait_indirect_dma semaphore(%arg14 : memref<!tpu.dma_semaphore, #tpu.memory_space<semaphore_mem>>) src(%dma_wait3A_80 : memref<10112x64xf32, #tpu.memory_space<hbm>>) dst(%arg10 : memref<256x64xf32, #tpu.memory_space<vmem>>)
      %dma_start3A_81 = arith.constant 0 : i32
      %dma_start3A_82 = tpu.memref_slice %arg9[%add3A_64, %dma_start3A_81] : memref<40x256xi32, #tpu.memory_space<vmem>> -> memref<1x256xi32, #tpu.memory_space<vmem>>
      %dma_start3A_83 = tpu.memref_squeeze %dma_start3A_82 : memref<1x256xi32, #tpu.memory_space<vmem>> -> memref<256xi32, #tpu.memory_space<vmem>>
      %dma_start3A_84 = arith.constant 0 : i32
      %dma_start3A_85 = arith.constant 0 : i32
      %dma_start3A_86 = tpu.memref_slice %arg7[%dma_start3A_84, %dma_start3A_85] : memref<10112x64xf32, #tpu.memory_space<vmem_shared>> -> memref<10112x64xf32, #tpu.memory_space<vmem_shared>>
      tpu.enqueue_indirect_dma source(%arg10 : memref<256x64xf32, #tpu.memory_space<vmem>>) target(%dma_start3A_86 : memref<10112x64xf32, #tpu.memory_space<vmem_shared>>) offsets(%dma_start3A_83 : memref<256xi32, #tpu.memory_space<vmem>>) semaphore(%arg18 : memref<!tpu.dma_semaphore, #tpu.memory_space<semaphore_mem>>) {add = true}
      %add3A_87 = arith.constant 1 : i32
      %add3A_88 = arith.addi %mul3A_62, %add3A_87 : i32
      %add3A_89 = arith.constant 3 : i32
      %add3A_90 = arith.addi %add3A_88, %add3A_89 : i32
      %lt3A_91 = arith.constant 40 : i32
      %lt3A_92 = arith.cmpi slt, %add3A_90, %lt3A_91 : i32
      %ge3A_93 = arith.constant 1 : i32
      %ge3A_94 = arith.cmpi sge, %add3A_88, %ge3A_93 : i32
      %and3A_95 = arith.andi %lt3A_92, %ge3A_94 : i1
      %convert_element_type3A_96 = arith.extui %and3A_95 : i1 to i32
      %cond3A_97 = arith.constant 0 : i32
      %cond3A_98 = arith.cmpi ne, %convert_element_type3A_96, %cond3A_97 : i32
      scf.if %cond3A_98 {
        %sub3A = arith.constant 4 : i32
        %sub3A_174 = arith.subi %add3A_90, %sub3A : i32
        %dma_wait3A_175 = arith.constant 0 : i32
        %dma_wait3A_176 = tpu.memref_slice %arg9[%sub3A_174, %dma_wait3A_175] : memref<40x256xi32, #tpu.memory_space<vmem>> -> memref<1x256xi32, #tpu.memory_space<vmem>>
        %dma_wait3A_177 = tpu.memref_squeeze %dma_wait3A_176 : memref<1x256xi32, #tpu.memory_space<vmem>> -> memref<256xi32, #tpu.memory_space<vmem>>
        %dma_wait3A_178 = arith.constant 0 : i32
        %dma_wait3A_179 = arith.constant 0 : i32
        %dma_wait3A_180 = tpu.memref_slice %arg7[%dma_wait3A_178, %dma_wait3A_179] : memref<10112x64xf32, #tpu.memory_space<vmem_shared>> -> memref<10112x64xf32, #tpu.memory_space<vmem_shared>>
        tpu.wait_indirect_dma semaphore(%arg18 : memref<!tpu.dma_semaphore, #tpu.memory_space<semaphore_mem>>) src(%arg10 : memref<256x64xf32, #tpu.memory_space<vmem>>) dst(%dma_wait3A_180 : memref<10112x64xf32, #tpu.memory_space<vmem_shared>>)
      } else {
      }
      %lt3A_99 = arith.constant 40 : i32
      %lt3A_100 = arith.cmpi slt, %add3A_90, %lt3A_99 : i32
      %convert_element_type3A_101 = arith.extui %lt3A_100 : i1 to i32
      %cond3A_102 = arith.constant 0 : i32
      %cond3A_103 = arith.cmpi ne, %convert_element_type3A_101, %cond3A_102 : i32
      scf.if %cond3A_103 {
        %dma_start3A_174 = arith.constant 0 : i32
        %dma_start3A_175 = tpu.memref_slice %arg8[%add3A_90, %dma_start3A_174] : memref<40x256xi32, #tpu.memory_space<vmem>> -> memref<1x256xi32, #tpu.memory_space<vmem>>
        %dma_start3A_176 = tpu.memref_squeeze %dma_start3A_175 : memref<1x256xi32, #tpu.memory_space<vmem>> -> memref<256xi32, #tpu.memory_space<vmem>>
        %dma_start3A_177 = arith.constant 0 : i32
        %dma_start3A_178 = arith.constant 0 : i32
        %dma_start3A_179 = tpu.memref_slice %arg2[%dma_start3A_177, %dma_start3A_178] : memref<10112x64xf32, #tpu.memory_space<hbm>> -> memref<10112x64xf32, #tpu.memory_space<hbm>>
        tpu.enqueue_indirect_dma source(%dma_start3A_179 : memref<10112x64xf32, #tpu.memory_space<hbm>>) target(%arg10 : memref<256x64xf32, #tpu.memory_space<vmem>>) offsets(%dma_start3A_176 : memref<256xi32, #tpu.memory_space<vmem>>) semaphore(%arg14 : memref<!tpu.dma_semaphore, #tpu.memory_space<semaphore_mem>>)
      } else {
      }
      %dma_wait3A_104 = arith.constant 0 : i32
      %dma_wait3A_105 = tpu.memref_slice %arg8[%add3A_88, %dma_wait3A_104] : memref<40x256xi32, #tpu.memory_space<vmem>> -> memref<1x256xi32, #tpu.memory_space<vmem>>
      %dma_wait3A_106 = tpu.memref_squeeze %dma_wait3A_105 : memref<1x256xi32, #tpu.memory_space<vmem>> -> memref<256xi32, #tpu.memory_space<vmem>>
      %dma_wait3A_107 = arith.constant 0 : i32
      %dma_wait3A_108 = arith.constant 0 : i32
      %dma_wait3A_109 = tpu.memref_slice %arg2[%dma_wait3A_107, %dma_wait3A_108] : memref<10112x64xf32, #tpu.memory_space<hbm>> -> memref<10112x64xf32, #tpu.memory_space<hbm>>
      tpu.wait_indirect_dma semaphore(%arg15 : memref<!tpu.dma_semaphore, #tpu.memory_space<semaphore_mem>>) src(%dma_wait3A_109 : memref<10112x64xf32, #tpu.memory_space<hbm>>) dst(%arg11 : memref<256x64xf32, #tpu.memory_space<vmem>>)
      %dma_start3A_110 = arith.constant 0 : i32
      %dma_start3A_111 = tpu.memref_slice %arg9[%add3A_88, %dma_start3A_110] : memref<40x256xi32, #tpu.memory_space<vmem>> -> memref<1x256xi32, #tpu.memory_space<vmem>>
      %dma_start3A_112 = tpu.memref_squeeze %dma_start3A_111 : memref<1x256xi32, #tpu.memory_space<vmem>> -> memref<256xi32, #tpu.memory_space<vmem>>
      %dma_start3A_113 = arith.constant 0 : i32
      %dma_start3A_114 = arith.constant 0 : i32
      %dma_start3A_115 = tpu.memref_slice %arg7[%dma_start3A_113, %dma_start3A_114] : memref<10112x64xf32, #tpu.memory_space<vmem_shared>> -> memref<10112x64xf32, #tpu.memory_space<vmem_shared>>
      tpu.enqueue_indirect_dma source(%arg11 : memref<256x64xf32, #tpu.memory_space<vmem>>) target(%dma_start3A_115 : memref<10112x64xf32, #tpu.memory_space<vmem_shared>>) offsets(%dma_start3A_112 : memref<256xi32, #tpu.memory_space<vmem>>) semaphore(%arg19 : memref<!tpu.dma_semaphore, #tpu.memory_space<semaphore_mem>>) {add = true}
      %add3A_116 = arith.constant 2 : i32
      %add3A_117 = arith.addi %mul3A_62, %add3A_116 : i32
      %add3A_118 = arith.constant 3 : i32
      %add3A_119 = arith.addi %add3A_117, %add3A_118 : i32
      %lt3A_120 = arith.constant 40 : i32
      %lt3A_121 = arith.cmpi slt, %add3A_119, %lt3A_120 : i32
      %ge3A_122 = arith.constant 1 : i32
      %ge3A_123 = arith.cmpi sge, %add3A_117, %ge3A_122 : i32
      %and3A_124 = arith.andi %lt3A_121, %ge3A_123 : i1
      %convert_element_type3A_125 = arith.extui %and3A_124 : i1 to i32
      %cond3A_126 = arith.constant 0 : i32
      %cond3A_127 = arith.cmpi ne, %convert_element_type3A_125, %cond3A_126 : i32
      scf.if %cond3A_127 {
        %sub3A = arith.constant 4 : i32
        %sub3A_174 = arith.subi %add3A_119, %sub3A : i32
        %dma_wait3A_175 = arith.constant 0 : i32
        %dma_wait3A_176 = tpu.memref_slice %arg9[%sub3A_174, %dma_wait3A_175] : memref<40x256xi32, #tpu.memory_space<vmem>> -> memref<1x256xi32, #tpu.memory_space<vmem>>
        %dma_wait3A_177 = tpu.memref_squeeze %dma_wait3A_176 : memref<1x256xi32, #tpu.memory_space<vmem>> -> memref<256xi32, #tpu.memory_space<vmem>>
        %dma_wait3A_178 = arith.constant 0 : i32
        %dma_wait3A_179 = arith.constant 0 : i32
        %dma_wait3A_180 = tpu.memref_slice %arg7[%dma_wait3A_178, %dma_wait3A_179] : memref<10112x64xf32, #tpu.memory_space<vmem_shared>> -> memref<10112x64xf32, #tpu.memory_space<vmem_shared>>
        tpu.wait_indirect_dma semaphore(%arg19 : memref<!tpu.dma_semaphore, #tpu.memory_space<semaphore_mem>>) src(%arg11 : memref<256x64xf32, #tpu.memory_space<vmem>>) dst(%dma_wait3A_180 : memref<10112x64xf32, #tpu.memory_space<vmem_shared>>)
      } else {
      }
      %lt3A_128 = arith.constant 40 : i32
      %lt3A_129 = arith.cmpi slt, %add3A_119, %lt3A_128 : i32
      %convert_element_type3A_130 = arith.extui %lt3A_129 : i1 to i32
      %cond3A_131 = arith.constant 0 : i32
      %cond3A_132 = arith.cmpi ne, %convert_element_type3A_130, %cond3A_131 : i32
      scf.if %cond3A_132 {
        %dma_start3A_174 = arith.constant 0 : i32
        %dma_start3A_175 = tpu.memref_slice %arg8[%add3A_119, %dma_start3A_174] : memref<40x256xi32, #tpu.memory_space<vmem>> -> memref<1x256xi32, #tpu.memory_space<vmem>>
        %dma_start3A_176 = tpu.memref_squeeze %dma_start3A_175 : memref<1x256xi32, #tpu.memory_space<vmem>> -> memref<256xi32, #tpu.memory_space<vmem>>
        %dma_start3A_177 = arith.constant 0 : i32
        %dma_start3A_178 = arith.constant 0 : i32
        %dma_start3A_179 = tpu.memref_slice %arg2[%dma_start3A_177, %dma_start3A_178] : memref<10112x64xf32, #tpu.memory_space<hbm>> -> memref<10112x64xf32, #tpu.memory_space<hbm>>
        tpu.enqueue_indirect_dma source(%dma_start3A_179 : memref<10112x64xf32, #tpu.memory_space<hbm>>) target(%arg11 : memref<256x64xf32, #tpu.memory_space<vmem>>) offsets(%dma_start3A_176 : memref<256xi32, #tpu.memory_space<vmem>>) semaphore(%arg15 : memref<!tpu.dma_semaphore, #tpu.memory_space<semaphore_mem>>)
      } else {
      }
      %dma_wait3A_133 = arith.constant 0 : i32
      %dma_wait3A_134 = tpu.memref_slice %arg8[%add3A_117, %dma_wait3A_133] : memref<40x256xi32, #tpu.memory_space<vmem>> -> memref<1x256xi32, #tpu.memory_space<vmem>>
      %dma_wait3A_135 = tpu.memref_squeeze %dma_wait3A_134 : memref<1x256xi32, #tpu.memory_space<vmem>> -> memref<256xi32, #tpu.memory_space<vmem>>
      %dma_wait3A_136 = arith.constant 0 : i32
      %dma_wait3A_137 = arith.constant 0 : i32
      %dma_wait3A_138 = tpu.memref_slice %arg2[%dma_wait3A_136, %dma_wait3A_137] : memref<10112x64xf32, #tpu.memory_space<hbm>> -> memref<10112x64xf32, #tpu.memory_space<hbm>>
      tpu.wait_indirect_dma semaphore(%arg16 : memref<!tpu.dma_semaphore, #tpu.memory_space<semaphore_mem>>) src(%dma_wait3A_138 : memref<10112x64xf32, #tpu.memory_space<hbm>>) dst(%arg12 : memref<256x64xf32, #tpu.memory_space<vmem>>)
      %dma_start3A_139 = arith.constant 0 : i32
      %dma_start3A_140 = tpu.memref_slice %arg9[%add3A_117, %dma_start3A_139] : memref<40x256xi32, #tpu.memory_space<vmem>> -> memref<1x256xi32, #tpu.memory_space<vmem>>
      %dma_start3A_141 = tpu.memref_squeeze %dma_start3A_140 : memref<1x256xi32, #tpu.memory_space<vmem>> -> memref<256xi32, #tpu.memory_space<vmem>>
      %dma_start3A_142 = arith.constant 0 : i32
      %dma_start3A_143 = arith.constant 0 : i32
      %dma_start3A_144 = tpu.memref_slice %arg7[%dma_start3A_142, %dma_start3A_143] : memref<10112x64xf32, #tpu.memory_space<vmem_shared>> -> memref<10112x64xf32, #tpu.memory_space<vmem_shared>>
      tpu.enqueue_indirect_dma source(%arg12 : memref<256x64xf32, #tpu.memory_space<vmem>>) target(%dma_start3A_144 : memref<10112x64xf32, #tpu.memory_space<vmem_shared>>) offsets(%dma_start3A_141 : memref<256xi32, #tpu.memory_space<vmem>>) semaphore(%arg20 : memref<!tpu.dma_semaphore, #tpu.memory_space<semaphore_mem>>) {add = true}
      %add3A_145 = arith.constant 3 : i32
      %add3A_146 = arith.addi %mul3A_62, %add3A_145 : i32
      %add3A_147 = arith.constant 3 : i32
      %add3A_148 = arith.addi %add3A_146, %add3A_147 : i32
      %lt3A_149 = arith.constant 40 : i32
      %lt3A_150 = arith.cmpi slt, %add3A_148, %lt3A_149 : i32
      %ge3A_151 = arith.constant 1 : i32
      %ge3A_152 = arith.cmpi sge, %add3A_146, %ge3A_151 : i32
      %and3A_153 = arith.andi %lt3A_150, %ge3A_152 : i1
      %convert_element_type3A_154 = arith.extui %and3A_153 : i1 to i32
      %cond3A_155 = arith.constant 0 : i32
      %cond3A_156 = arith.cmpi ne, %convert_element_type3A_154, %cond3A_155 : i32
      scf.if %cond3A_156 {
        %sub3A = arith.constant 4 : i32
        %sub3A_174 = arith.subi %add3A_148, %sub3A : i32
        %dma_wait3A_175 = arith.constant 0 : i32
        %dma_wait3A_176 = tpu.memref_slice %arg9[%sub3A_174, %dma_wait3A_175] : memref<40x256xi32, #tpu.memory_space<vmem>> -> memref<1x256xi32, #tpu.memory_space<vmem>>
        %dma_wait3A_177 = tpu.memref_squeeze %dma_wait3A_176 : memref<1x256xi32, #tpu.memory_space<vmem>> -> memref<256xi32, #tpu.memory_space<vmem>>
        %dma_wait3A_178 = arith.constant 0 : i32
        %dma_wait3A_179 = arith.constant 0 : i32
        %dma_wait3A_180 = tpu.memref_slice %arg7[%dma_wait3A_178, %dma_wait3A_179] : memref<10112x64xf32, #tpu.memory_space<vmem_shared>> -> memref<10112x64xf32, #tpu.memory_space<vmem_shared>>
        tpu.wait_indirect_dma semaphore(%arg20 : memref<!tpu.dma_semaphore, #tpu.memory_space<semaphore_mem>>) src(%arg12 : memref<256x64xf32, #tpu.memory_space<vmem>>) dst(%dma_wait3A_180 : memref<10112x64xf32, #tpu.memory_space<vmem_shared>>)
      } else {
      }
      %lt3A_157 = arith.constant 40 : i32
      %lt3A_158 = arith.cmpi slt, %add3A_148, %lt3A_157 : i32
      %convert_element_type3A_159 = arith.extui %lt3A_158 : i1 to i32
      %cond3A_160 = arith.constant 0 : i32
      %cond3A_161 = arith.cmpi ne, %convert_element_type3A_159, %cond3A_160 : i32
      scf.if %cond3A_161 {
        %dma_start3A_174 = arith.constant 0 : i32
        %dma_start3A_175 = tpu.memref_slice %arg8[%add3A_148, %dma_start3A_174] : memref<40x256xi32, #tpu.memory_space<vmem>> -> memref<1x256xi32, #tpu.memory_space<vmem>>
        %dma_start3A_176 = tpu.memref_squeeze %dma_start3A_175 : memref<1x256xi32, #tpu.memory_space<vmem>> -> memref<256xi32, #tpu.memory_space<vmem>>
        %dma_start3A_177 = arith.constant 0 : i32
        %dma_start3A_178 = arith.constant 0 : i32
        %dma_start3A_179 = tpu.memref_slice %arg2[%dma_start3A_177, %dma_start3A_178] : memref<10112x64xf32, #tpu.memory_space<hbm>> -> memref<10112x64xf32, #tpu.memory_space<hbm>>
        tpu.enqueue_indirect_dma source(%dma_start3A_179 : memref<10112x64xf32, #tpu.memory_space<hbm>>) target(%arg12 : memref<256x64xf32, #tpu.memory_space<vmem>>) offsets(%dma_start3A_176 : memref<256xi32, #tpu.memory_space<vmem>>) semaphore(%arg16 : memref<!tpu.dma_semaphore, #tpu.memory_space<semaphore_mem>>)
      } else {
      }
      %dma_wait3A_162 = arith.constant 0 : i32
      %dma_wait3A_163 = tpu.memref_slice %arg8[%add3A_146, %dma_wait3A_162] : memref<40x256xi32, #tpu.memory_space<vmem>> -> memref<1x256xi32, #tpu.memory_space<vmem>>
      %dma_wait3A_164 = tpu.memref_squeeze %dma_wait3A_163 : memref<1x256xi32, #tpu.memory_space<vmem>> -> memref<256xi32, #tpu.memory_space<vmem>>
      %dma_wait3A_165 = arith.constant 0 : i32
      %dma_wait3A_166 = arith.constant 0 : i32
      %dma_wait3A_167 = tpu.memref_slice %arg2[%dma_wait3A_165, %dma_wait3A_166] : memref<10112x64xf32, #tpu.memory_space<hbm>> -> memref<10112x64xf32, #tpu.memory_space<hbm>>
      tpu.wait_indirect_dma semaphore(%arg17 : memref<!tpu.dma_semaphore, #tpu.memory_space<semaphore_mem>>) src(%dma_wait3A_167 : memref<10112x64xf32, #tpu.memory_space<hbm>>) dst(%arg13 : memref<256x64xf32, #tpu.memory_space<vmem>>)
      %dma_start3A_168 = arith.constant 0 : i32
      %dma_start3A_169 = tpu.memref_slice %arg9[%add3A_146, %dma_start3A_168] : memref<40x256xi32, #tpu.memory_space<vmem>> -> memref<1x256xi32, #tpu.memory_space<vmem>>
      %dma_start3A_170 = tpu.memref_squeeze %dma_start3A_169 : memref<1x256xi32, #tpu.memory_space<vmem>> -> memref<256xi32, #tpu.memory_space<vmem>>
      %dma_start3A_171 = arith.constant 0 : i32
      %dma_start3A_172 = arith.constant 0 : i32
      %dma_start3A_173 = tpu.memref_slice %arg7[%dma_start3A_171, %dma_start3A_172] : memref<10112x64xf32, #tpu.memory_space<vmem_shared>> -> memref<10112x64xf32, #tpu.memory_space<vmem_shared>>
      tpu.enqueue_indirect_dma source(%arg13 : memref<256x64xf32, #tpu.memory_space<vmem>>) target(%dma_start3A_173 : memref<10112x64xf32, #tpu.memory_space<vmem_shared>>) offsets(%dma_start3A_170 : memref<256xi32, #tpu.memory_space<vmem>>) semaphore(%arg21 : memref<!tpu.dma_semaphore, #tpu.memory_space<semaphore_mem>>) {add = true}
    }
    %scan3A_27 = arith.constant 10 : i32
    %dma_wait3A = arith.constant 36 : i32
    %dma_wait3A_28 = arith.constant 0 : i32
    %dma_wait3A_29 = tpu.memref_slice %arg9[%dma_wait3A, %dma_wait3A_28] : memref<40x256xi32, #tpu.memory_space<vmem>> -> memref<1x256xi32, #tpu.memory_space<vmem>>
    %dma_wait3A_30 = tpu.memref_squeeze %dma_wait3A_29 : memref<1x256xi32, #tpu.memory_space<vmem>> -> memref<256xi32, #tpu.memory_space<vmem>>
    %dma_wait3A_31 = arith.constant 0 : i32
    %dma_wait3A_32 = arith.constant 0 : i32
    %dma_wait3A_33 = tpu.memref_slice %arg7[%dma_wait3A_31, %dma_wait3A_32] : memref<10112x64xf32, #tpu.memory_space<vmem_shared>> -> memref<10112x64xf32, #tpu.memory_space<vmem_shared>>
    tpu.wait_indirect_dma semaphore(%arg18 : memref<!tpu.dma_semaphore, #tpu.memory_space<semaphore_mem>>) src(%arg10 : memref<256x64xf32, #tpu.memory_space<vmem>>) dst(%dma_wait3A_33 : memref<10112x64xf32, #tpu.memory_space<vmem_shared>>)
    %dma_wait3A_34 = arith.constant 37 : i32
    %dma_wait3A_35 = arith.constant 0 : i32
    %dma_wait3A_36 = tpu.memref_slice %arg9[%dma_wait3A_34, %dma_wait3A_35] : memref<40x256xi32, #tpu.memory_space<vmem>> -> memref<1x256xi32, #tpu.memory_space<vmem>>
    %dma_wait3A_37 = tpu.memref_squeeze %dma_wait3A_36 : memref<1x256xi32, #tpu.memory_space<vmem>> -> memref<256xi32, #tpu.memory_space<vmem>>
    %dma_wait3A_38 = arith.constant 0 : i32
    %dma_wait3A_39 = arith.constant 0 : i32
    %dma_wait3A_40 = tpu.memref_slice %arg7[%dma_wait3A_38, %dma_wait3A_39] : memref<10112x64xf32, #tpu.memory_space<vmem_shared>> -> memref<10112x64xf32, #tpu.memory_space<vmem_shared>>
    tpu.wait_indirect_dma semaphore(%arg19 : memref<!tpu.dma_semaphore, #tpu.memory_space<semaphore_mem>>) src(%arg11 : memref<256x64xf32, #tpu.memory_space<vmem>>) dst(%dma_wait3A_40 : memref<10112x64xf32, #tpu.memory_space<vmem_shared>>)
    %dma_wait3A_41 = arith.constant 38 : i32
    %dma_wait3A_42 = arith.constant 0 : i32
    %dma_wait3A_43 = tpu.memref_slice %arg9[%dma_wait3A_41, %dma_wait3A_42] : memref<40x256xi32, #tpu.memory_space<vmem>> -> memref<1x256xi32, #tpu.memory_space<vmem>>
    %dma_wait3A_44 = tpu.memref_squeeze %dma_wait3A_43 : memref<1x256xi32, #tpu.memory_space<vmem>> -> memref<256xi32, #tpu.memory_space<vmem>>
    %dma_wait3A_45 = arith.constant 0 : i32
    %dma_wait3A_46 = arith.constant 0 : i32
    %dma_wait3A_47 = tpu.memref_slice %arg7[%dma_wait3A_45, %dma_wait3A_46] : memref<10112x64xf32, #tpu.memory_space<vmem_shared>> -> memref<10112x64xf32, #tpu.memory_space<vmem_shared>>
    tpu.wait_indirect_dma semaphore(%arg20 : memref<!tpu.dma_semaphore, #tpu.memory_space<semaphore_mem>>) src(%arg12 : memref<256x64xf32, #tpu.memory_space<vmem>>) dst(%dma_wait3A_47 : memref<10112x64xf32, #tpu.memory_space<vmem_shared>>)
    %dma_wait3A_48 = arith.constant 39 : i32
    %dma_wait3A_49 = arith.constant 0 : i32
    %dma_wait3A_50 = tpu.memref_slice %arg9[%dma_wait3A_48, %dma_wait3A_49] : memref<40x256xi32, #tpu.memory_space<vmem>> -> memref<1x256xi32, #tpu.memory_space<vmem>>
    %dma_wait3A_51 = tpu.memref_squeeze %dma_wait3A_50 : memref<1x256xi32, #tpu.memory_space<vmem>> -> memref<256xi32, #tpu.memory_space<vmem>>
    %dma_wait3A_52 = arith.constant 0 : i32
    %dma_wait3A_53 = arith.constant 0 : i32
    %dma_wait3A_54 = tpu.memref_slice %arg7[%dma_wait3A_52, %dma_wait3A_53] : memref<10112x64xf32, #tpu.memory_space<vmem_shared>> -> memref<10112x64xf32, #tpu.memory_space<vmem_shared>>
    tpu.wait_indirect_dma semaphore(%arg21 : memref<!tpu.dma_semaphore, #tpu.memory_space<semaphore_mem>>) src(%arg13 : memref<256x64xf32, #tpu.memory_space<vmem>>) dst(%dma_wait3A_54 : memref<10112x64xf32, #tpu.memory_space<vmem_shared>>)
    %barrier3A_55 = arith.constant 0 : index
    tpu.barrier barrier_id(%barrier3A_55)
    %mul3A_56 = arith.constant 632 : i32
    %mul3A_57 = arith.muli %arg1, %mul3A_56 : i32
    %mul3A_58 = arith.constant 632 : i32
    %mul3A_59 = arith.muli %arg1, %mul3A_58 : i32
    "tpu.region"() ({
      %run_scoped3A = tpu.sem_alloc : memref<!tpu.dma_semaphore, #tpu.memory_space<semaphore_mem>>
      %dma_start3A_60 = arith.constant 0 : i32
      %dma_start3A_61 = tpu.memref_slice %arg6[%arg0, %mul3A_59, %dma_start3A_60] : memref<2x10112x128xf32, #tpu.memory_space<hbm>> -> memref<1x632x64xf32, #tpu.memory_space<hbm>>
      %dma_start3A_62 = tpu.memref_squeeze %dma_start3A_61 : memref<1x632x64xf32, #tpu.memory_space<hbm>> -> memref<632x64xf32, #tpu.memory_space<hbm>>
      %dma_start3A_63 = arith.constant 0 : i32
      %dma_start3A_64 = tpu.memref_slice %arg7[%mul3A_57, %dma_start3A_63] : memref<10112x64xf32, #tpu.memory_space<vmem_shared>> -> memref<632x64xf32, #tpu.memory_space<vmem_shared>>
      tpu.enqueue_dma source(%dma_start3A_64 : memref<632x64xf32, #tpu.memory_space<vmem_shared>>) target(%dma_start3A_62 : memref<632x64xf32, #tpu.memory_space<hbm>>) target_semaphore(%run_scoped3A : memref<!tpu.dma_semaphore, #tpu.memory_space<semaphore_mem>>)
      %dma_wait3A_65 = arith.constant 0 : i32
      %dma_wait3A_66 = tpu.memref_slice %arg6[%arg0, %mul3A_59, %dma_wait3A_65] : memref<2x10112x128xf32, #tpu.memory_space<hbm>> -> memref<1x632x64xf32, #tpu.memory_space<hbm>>
      %dma_wait3A_67 = tpu.memref_squeeze %dma_wait3A_66 : memref<1x632x64xf32, #tpu.memory_space<hbm>> -> memref<632x64xf32, #tpu.memory_space<hbm>>
      %dma_wait3A_68 = arith.constant 0 : i32
      %dma_wait3A_69 = tpu.memref_slice %arg7[%mul3A_57, %dma_wait3A_68] : memref<10112x64xf32, #tpu.memory_space<vmem_shared>> -> memref<632x64xf32, #tpu.memory_space<vmem_shared>>
      tpu.wait_dma2 semaphore(%run_scoped3A : memref<!tpu.dma_semaphore, #tpu.memory_space<semaphore_mem>>) src(%dma_wait3A_69 : memref<632x64xf32, #tpu.memory_space<vmem_shared>>) dst(%dma_wait3A_67 : memref<632x64xf32, #tpu.memory_space<hbm>>)
      tpu.yield
    }) : () -> ()
    return
  }
}

module attributes {stable_mosaic.version = 14 : i64} {
  func.func @_wfold_kernel(%arg0: memref<128x64xf32, #tpu.memory_space<vmem>>, %arg1: memref<128x64xf32, #tpu.memory_space<vmem>>, %arg2: memref<64x64xf32, #tpu.memory_space<vmem>>, %arg3: memref<64x64xf32, #tpu.memory_space<vmem>>, %arg4: memref<64x64xf32, #tpu.memory_space<vmem>>, %arg5: memref<64x64xf32, #tpu.memory_space<vmem>>, %arg6: memref<64x64xf32, #tpu.memory_space<vmem>>, %arg7: memref<1x64xf32, #tpu.memory_space<vmem>>, %arg8: memref<1x64xf32, #tpu.memory_space<vmem>>, %arg9: memref<1x64xf32, #tpu.memory_space<vmem>>, %arg10: memref<1x64xf32, #tpu.memory_space<vmem>>, %arg11: memref<128x128xf32, #tpu.memory_space<vmem>>, %arg12: memref<64x128xf32, #tpu.memory_space<vmem>>, %arg13: memref<64x128xf32, #tpu.memory_space<vmem>>, %arg14: memref<1x64xf32, #tpu.memory_space<vmem>>, %arg15: memref<1x64xf32, #tpu.memory_space<vmem>>, %arg16: memref<1x64xf32, #tpu.memory_space<vmem>>) attributes {dimension_semantics = [], scalar_prefetch = 0 : i64, scratch_operands = 0 : i64, tpu.core_type = #tpu.core_type<tc>} {
    %get3A = arith.constant 0 : index
    %get3A_0 = arith.constant 0 : index
    %get3A_1 = vector.load %arg6[%get3A, %get3A_0] : memref<64x64xf32, #tpu.memory_space<vmem>>, vector<64x64xf32>
    %get3A_2 = arith.constant 0 : index
    %get3A_3 = arith.constant 0 : index
    %get3A_4 = vector.load %arg0[%get3A_2, %get3A_3] : memref<128x64xf32, #tpu.memory_space<vmem>>, vector<128x64xf32>
    %dot_general3A = arith.constant dense<0.000000e+00> : vector<128x64xf32>
    %dot_general3A_5 = tpu.matmul %get3A_4, %get3A_1, %dot_general3A {dimension_numbers = #tpu.dot_dimension_numbers<[1], [0], [0], [1], [0, 0, 1, 1], [], []>, transpose_lhs_hint = false} : vector<128x64xf32>, vector<64x64xf32>, vector<128x64xf32> -> vector<128x64xf32>
    %swap3A = arith.constant 0 : index
    %swap3A_6 = arith.constant 0 : index
    %swap3A_7 = vector.load %arg11[%swap3A, %swap3A_6] : memref<128x128xf32, #tpu.memory_space<vmem>>, vector<128x64xf32>
    tpu.vector_store %arg11[%swap3A, %swap3A_6], %dot_general3A_5 {strides = array<i32>} : memref<128x128xf32, #tpu.memory_space<vmem>>, vector<128x64xf32>,
    %get3A_8 = arith.constant 0 : index
    %get3A_9 = arith.constant 0 : index
    %get3A_10 = vector.load %arg1[%get3A_8, %get3A_9] : memref<128x64xf32, #tpu.memory_space<vmem>>, vector<128x64xf32>
    %dot_general3A_11 = arith.constant dense<0.000000e+00> : vector<128x64xf32>
    %dot_general3A_12 = tpu.matmul %get3A_10, %get3A_1, %dot_general3A_11 {dimension_numbers = #tpu.dot_dimension_numbers<[1], [0], [0], [1], [0, 0, 1, 1], [], []>, transpose_lhs_hint = false} : vector<128x64xf32>, vector<64x64xf32>, vector<128x64xf32> -> vector<128x64xf32>
    %swap3A_13 = arith.constant 0 : index
    %swap3A_14 = arith.constant 64 : index
    %swap3A_15 = vector.load %arg11[%swap3A_13, %swap3A_14] : memref<128x128xf32, #tpu.memory_space<vmem>>, vector<128x64xf32>
    tpu.vector_store %arg11[%swap3A_13, %swap3A_14], %dot_general3A_12 {strides = array<i32>} : memref<128x128xf32, #tpu.memory_space<vmem>>, vector<128x64xf32>,
    %get3A_16 = arith.constant 0 : index
    %get3A_17 = arith.constant 0 : index
    %get3A_18 = vector.load %arg2[%get3A_16, %get3A_17] : memref<64x64xf32, #tpu.memory_space<vmem>>, vector<64x64xf32>
    %dot_general3A_19 = arith.constant dense<0.000000e+00> : vector<64x64xf32>
    %dot_general3A_20 = tpu.matmul %get3A_18, %get3A_1, %dot_general3A_19 {dimension_numbers = #tpu.dot_dimension_numbers<[1], [0], [0], [1], [0, 0, 1, 1], [], []>, transpose_lhs_hint = false} : vector<64x64xf32>, vector<64x64xf32>, vector<64x64xf32> -> vector<64x64xf32>
    %swap3A_21 = arith.constant 0 : index
    %swap3A_22 = arith.constant 0 : index
    %swap3A_23 = vector.load %arg12[%swap3A_21, %swap3A_22] : memref<64x128xf32, #tpu.memory_space<vmem>>, vector<64x64xf32>
    tpu.vector_store %arg12[%swap3A_21, %swap3A_22], %dot_general3A_20 {strides = array<i32>} : memref<64x128xf32, #tpu.memory_space<vmem>>, vector<64x64xf32>,
    %get3A_24 = arith.constant 0 : index
    %get3A_25 = arith.constant 0 : index
    %get3A_26 = vector.load %arg3[%get3A_24, %get3A_25] : memref<64x64xf32, #tpu.memory_space<vmem>>, vector<64x64xf32>
    %dot_general3A_27 = arith.constant dense<0.000000e+00> : vector<64x64xf32>
    %dot_general3A_28 = tpu.matmul %get3A_26, %get3A_1, %dot_general3A_27 {dimension_numbers = #tpu.dot_dimension_numbers<[1], [0], [0], [1], [0, 0, 1, 1], [], []>, transpose_lhs_hint = false} : vector<64x64xf32>, vector<64x64xf32>, vector<64x64xf32> -> vector<64x64xf32>
    %swap3A_29 = arith.constant 0 : index
    %swap3A_30 = arith.constant 64 : index
    %swap3A_31 = vector.load %arg12[%swap3A_29, %swap3A_30] : memref<64x128xf32, #tpu.memory_space<vmem>>, vector<64x64xf32>
    tpu.vector_store %arg12[%swap3A_29, %swap3A_30], %dot_general3A_28 {strides = array<i32>} : memref<64x128xf32, #tpu.memory_space<vmem>>, vector<64x64xf32>,
    %get3A_32 = arith.constant 0 : index
    %get3A_33 = arith.constant 0 : index
    %get3A_34 = vector.load %arg4[%get3A_32, %get3A_33] : memref<64x64xf32, #tpu.memory_space<vmem>>, vector<64x64xf32>
    %dot_general3A_35 = arith.constant dense<0.000000e+00> : vector<64x64xf32>
    %dot_general3A_36 = tpu.matmul %get3A_34, %get3A_1, %dot_general3A_35 {dimension_numbers = #tpu.dot_dimension_numbers<[1], [0], [0], [1], [0, 0, 1, 1], [], []>, transpose_lhs_hint = false} : vector<64x64xf32>, vector<64x64xf32>, vector<64x64xf32> -> vector<64x64xf32>
    %swap3A_37 = arith.constant 0 : index
    %swap3A_38 = arith.constant 0 : index
    %swap3A_39 = vector.load %arg13[%swap3A_37, %swap3A_38] : memref<64x128xf32, #tpu.memory_space<vmem>>, vector<64x64xf32>
    tpu.vector_store %arg13[%swap3A_37, %swap3A_38], %dot_general3A_36 {strides = array<i32>} : memref<64x128xf32, #tpu.memory_space<vmem>>, vector<64x64xf32>,
    %get3A_40 = arith.constant 0 : index
    %get3A_41 = arith.constant 0 : index
    %get3A_42 = vector.load %arg5[%get3A_40, %get3A_41] : memref<64x64xf32, #tpu.memory_space<vmem>>, vector<64x64xf32>
    %dot_general3A_43 = arith.constant dense<0.000000e+00> : vector<64x64xf32>
    %dot_general3A_44 = tpu.matmul %get3A_42, %get3A_1, %dot_general3A_43 {dimension_numbers = #tpu.dot_dimension_numbers<[1], [0], [0], [1], [0, 0, 1, 1], [], []>, transpose_lhs_hint = false} : vector<64x64xf32>, vector<64x64xf32>, vector<64x64xf32> -> vector<64x64xf32>
    %swap3A_45 = arith.constant 0 : index
    %swap3A_46 = arith.constant 64 : index
    %swap3A_47 = vector.load %arg13[%swap3A_45, %swap3A_46] : memref<64x128xf32, #tpu.memory_space<vmem>>, vector<64x64xf32>
    tpu.vector_store %arg13[%swap3A_45, %swap3A_46], %dot_general3A_44 {strides = array<i32>} : memref<64x128xf32, #tpu.memory_space<vmem>>, vector<64x64xf32>,
    %get3A_48 = arith.constant 0 : index
    %get3A_49 = arith.constant 0 : index
    %get3A_50 = vector.load %arg10[%get3A_48, %get3A_49] : memref<1x64xf32, #tpu.memory_space<vmem>>, vector<1x64xf32>
    %get3A_51 = arith.constant 0 : index
    %get3A_52 = arith.constant 0 : index
    %get3A_53 = vector.load %arg7[%get3A_51, %get3A_52] : memref<1x64xf32, #tpu.memory_space<vmem>>, vector<1x64xf32>
    %dot_general3A_54 = arith.constant dense<0.000000e+00> : vector<1x64xf32>
    %dot_general3A_55 = tpu.matmul %get3A_53, %get3A_1, %dot_general3A_54 {dimension_numbers = #tpu.dot_dimension_numbers<[1], [0], [0], [1], [0, 0, 1, 1], [], []>, transpose_lhs_hint = false} : vector<1x64xf32>, vector<64x64xf32>, vector<1x64xf32> -> vector<1x64xf32>
    %add3A = arith.addf %dot_general3A_55, %get3A_50 : vector<1x64xf32>
    %swap3A_56 = arith.constant 0 : index
    %swap3A_57 = arith.constant 0 : index
    %swap3A_58 = vector.load %arg14[%swap3A_56, %swap3A_57] : memref<1x64xf32, #tpu.memory_space<vmem>>, vector<1x64xf32>
    tpu.vector_store %arg14[%swap3A_56, %swap3A_57], %add3A {strides = array<i32>} : memref<1x64xf32, #tpu.memory_space<vmem>>, vector<1x64xf32>,
    %get3A_59 = arith.constant 0 : index
    %get3A_60 = arith.constant 0 : index
    %get3A_61 = vector.load %arg8[%get3A_59, %get3A_60] : memref<1x64xf32, #tpu.memory_space<vmem>>, vector<1x64xf32>
    %dot_general3A_62 = arith.constant dense<0.000000e+00> : vector<1x64xf32>
    %dot_general3A_63 = tpu.matmul %get3A_61, %get3A_1, %dot_general3A_62 {dimension_numbers = #tpu.dot_dimension_numbers<[1], [0], [0], [1], [0, 0, 1, 1], [], []>, transpose_lhs_hint = false} : vector<1x64xf32>, vector<64x64xf32>, vector<1x64xf32> -> vector<1x64xf32>
    %add3A_64 = arith.addf %dot_general3A_63, %get3A_50 : vector<1x64xf32>
    %swap3A_65 = arith.constant 0 : index
    %swap3A_66 = arith.constant 0 : index
    %swap3A_67 = vector.load %arg15[%swap3A_65, %swap3A_66] : memref<1x64xf32, #tpu.memory_space<vmem>>, vector<1x64xf32>
    tpu.vector_store %arg15[%swap3A_65, %swap3A_66], %add3A_64 {strides = array<i32>} : memref<1x64xf32, #tpu.memory_space<vmem>>, vector<1x64xf32>,
    %get3A_68 = arith.constant 0 : index
    %get3A_69 = arith.constant 0 : index
    %get3A_70 = vector.load %arg9[%get3A_68, %get3A_69] : memref<1x64xf32, #tpu.memory_space<vmem>>, vector<1x64xf32>
    %dot_general3A_71 = arith.constant dense<0.000000e+00> : vector<1x64xf32>
    %dot_general3A_72 = tpu.matmul %get3A_70, %get3A_1, %dot_general3A_71 {dimension_numbers = #tpu.dot_dimension_numbers<[1], [0], [0], [1], [0, 0, 1, 1], [], []>, transpose_lhs_hint = false} : vector<1x64xf32>, vector<64x64xf32>, vector<1x64xf32> -> vector<1x64xf32>
    %add3A_73 = arith.addf %dot_general3A_72, %get3A_50 : vector<1x64xf32>
    %swap3A_74 = arith.constant 0 : index
    %swap3A_75 = arith.constant 0 : index
    %swap3A_76 = vector.load %arg16[%swap3A_74, %swap3A_75] : memref<1x64xf32, #tpu.memory_space<vmem>>, vector<1x64xf32>
    tpu.vector_store %arg16[%swap3A_74, %swap3A_75], %add3A_73 {strides = array<i32>} : memref<1x64xf32, #tpu.memory_space<vmem>>, vector<1x64xf32>,
    return
  }
}

module attributes {stable_mosaic.version = 14 : i64} {
  func.func @_mm2_kernel(%arg0: i32, %arg1: memref<5056x128xf32, #tpu.memory_space<vmem>>, %arg2: memref<128x128xf32, #tpu.memory_space<vmem>>, %arg3: memref<5056x64xf32, #tpu.memory_space<vmem>>, %arg4: memref<5056x64xf32, #tpu.memory_space<vmem>>) attributes {dimension_semantics = [#tpu.dimension_semantics<arbitrary>], iteration_bounds = array<i64: 2>, scalar_prefetch = 0 : i64, scratch_operands = 0 : i64, tpu.core_type = #tpu.core_type<tc>, window_params = [{transform_indices = @transform_0, window_bounds = array<i64: 5056, 128>}, {pipeline_mode = #tpu.pipeline_mode<synchronous>, transform_indices = @transform_1, window_bounds = array<i64: 128, 128>}, {transform_indices = @transform_2, window_bounds = array<i64: 5056, 64>}, {transform_indices = @transform_3, window_bounds = array<i64: 5056, 64>}]} {
    %get3A = arith.constant 0 : index
    %get3A_0 = arith.constant 0 : index
    %get3A_1 = vector.load %arg1[%get3A, %get3A_0] : memref<5056x128xf32, #tpu.memory_space<vmem>>, vector<5056x128xf32>
    %get3A_2 = arith.constant 0 : index
    %get3A_3 = arith.constant 0 : index
    %get3A_4 = vector.load %arg2[%get3A_2, %get3A_3] : memref<128x128xf32, #tpu.memory_space<vmem>>, vector<128x128xf32>
    %dot_general3A = arith.constant dense<0.000000e+00> : vector<5056x128xf32>
    %dot_general3A_5 = tpu.matmul %get3A_1, %get3A_4, %dot_general3A {dimension_numbers = #tpu.dot_dimension_numbers<[1], [0], [0], [1], [0, 0, 1, 1], [], []>, transpose_lhs_hint = false} : vector<5056x128xf32>, vector<128x128xf32>, vector<5056x128xf32> -> vector<5056x128xf32>
    %slice3A = vector.extract_strided_slice %dot_general3A_5 {offsets = [0, 0], sizes = [5056, 64], strides = [1, 1]} : vector<5056x128xf32> to vector<5056x64xf32>
    %swap3A = arith.constant 0 : index
    %swap3A_6 = arith.constant 0 : index
    %swap3A_7 = vector.load %arg3[%swap3A, %swap3A_6] : memref<5056x64xf32, #tpu.memory_space<vmem>>, vector<5056x64xf32>
    tpu.vector_store %arg3[%swap3A, %swap3A_6], %slice3A {strides = array<i32>} : memref<5056x64xf32, #tpu.memory_space<vmem>>, vector<5056x64xf32>,
    %slice3A_8 = vector.extract_strided_slice %dot_general3A_5 {offsets = [0, 64], sizes = [5056, 64], strides = [1, 1]} : vector<5056x128xf32> to vector<5056x64xf32>
    %swap3A_9 = arith.constant 0 : index
    %swap3A_10 = arith.constant 0 : index
    %swap3A_11 = vector.load %arg4[%swap3A_9, %swap3A_10] : memref<5056x64xf32, #tpu.memory_space<vmem>>, vector<5056x64xf32>
    tpu.vector_store %arg4[%swap3A_9, %swap3A_10], %slice3A_8 {strides = array<i32>} : memref<5056x64xf32, #tpu.memory_space<vmem>>, vector<5056x64xf32>,
    return
  }
  func.func @transform_0(%arg0: i32) -> (i32, i32) {
    %c0_i32 = arith.constant 0 : i32
    %c0_i32_0 = arith.constant 0 : i32
    return %arg0, %c0_i32 : i32, i32
  }
  func.func @transform_1(%arg0: i32) -> (i32, i32) {
    %c0_i32 = arith.constant 0 : i32
    %c0_i32_0 = arith.constant 0 : i32
    %c0_i32_1 = arith.constant 0 : i32
    return %c0_i32, %c0_i32_0 : i32, i32
  }
  func.func @transform_2(%arg0: i32) -> (i32, i32) {
    %c0_i32 = arith.constant 0 : i32
    %c0_i32_0 = arith.constant 0 : i32
    return %arg0, %c0_i32 : i32, i32
  }
  func.func @transform_3(%arg0: i32) -> (i32, i32) {
    %c0_i32 = arith.constant 0 : i32
    %c0_i32_0 = arith.constant 0 : i32
    return %arg0, %c0_i32 : i32, i32
  }
}

module attributes {stable_mosaic.version = 14 : i64} {
  func.func @_cmb2_kernel(%arg0: i32, %arg1: memref<2x5056x128xf32, #tpu.memory_space<vmem>>, %arg2: memref<2x5056x128xf32, #tpu.memory_space<vmem>>, %arg3: memref<5056x64xf32, #tpu.memory_space<vmem>>, %arg4: memref<1x64xf32, #tpu.memory_space<vmem>>, %arg5: memref<64x128xf32, #tpu.memory_space<vmem>>, %arg6: memref<5056x64xf32, #tpu.memory_space<vmem>>, %arg7: memref<5056x64xf32, #tpu.memory_space<vmem>>, %arg8: memref<5056x64xf32, #tpu.memory_space<vmem>>) attributes {dimension_semantics = [#tpu.dimension_semantics<arbitrary>], iteration_bounds = array<i64: 2>, scalar_prefetch = 0 : i64, scratch_operands = 0 : i64, tpu.core_type = #tpu.core_type<tc>, window_params = [{transform_indices = @transform_0, window_bounds = array<i64: 2, 5056, 128>}, {transform_indices = @transform_1, window_bounds = array<i64: 2, 5056, 128>}, {transform_indices = @transform_2, window_bounds = array<i64: 5056, 64>}, {pipeline_mode = #tpu.pipeline_mode<synchronous>, transform_indices = @transform_3, window_bounds = array<i64: 1, 64>}, {pipeline_mode = #tpu.pipeline_mode<synchronous>, transform_indices = @transform_4, window_bounds = array<i64: 64, 128>}, {transform_indices = @transform_5, window_bounds = array<i64: 5056, 64>}, {transform_indices = @transform_6, window_bounds = array<i64: 5056, 64>}, {transform_indices = @transform_7, window_bounds = array<i64: 5056, 64>}]} {
    %get3A = arith.constant 0 : index
    %get3A_0 = arith.constant 0 : index
    %get3A_1 = arith.constant 0 : index
    %get3A_2 = vector.load %arg1[%get3A, %get3A_0, %get3A_1] : memref<2x5056x128xf32, #tpu.memory_space<vmem>>, vector<2x5056x128xf32>
    %get3A_3 = arith.constant 0 : index
    %get3A_4 = arith.constant 0 : index
    %get3A_5 = arith.constant 0 : index
    %get3A_6 = vector.load %arg2[%get3A_3, %get3A_4, %get3A_5] : memref<2x5056x128xf32, #tpu.memory_space<vmem>>, vector<2x5056x128xf32>
    %get3A_7 = arith.constant 0 : index
    %get3A_8 = arith.constant 0 : index
    %get3A_9 = vector.load %arg3[%get3A_7, %get3A_8] : memref<5056x64xf32, #tpu.memory_space<vmem>>, vector<5056x64xf32>
    %get3A_10 = arith.constant 0 : index
    %get3A_11 = arith.constant 0 : index
    %get3A_12 = vector.load %arg4[%get3A_10, %get3A_11] : memref<1x64xf32, #tpu.memory_space<vmem>>, vector<1x64xf32>
    %slice3A = vector.extract_strided_slice %get3A_2 {offsets = [0, 0, 0], sizes = [1, 5056, 128], strides = [1, 1, 1]} : vector<2x5056x128xf32> to vector<1x5056x128xf32>
    %squeeze3A = vector.shape_cast %slice3A : vector<1x5056x128xf32> to vector<5056x128xf32>
    %slice3A_13 = vector.extract_strided_slice %get3A_2 {offsets = [1, 0, 0], sizes = [1, 5056, 128], strides = [1, 1, 1]} : vector<2x5056x128xf32> to vector<1x5056x128xf32>
    %squeeze3A_14 = vector.shape_cast %slice3A_13 : vector<1x5056x128xf32> to vector<5056x128xf32>
    %add3A = arith.addf %squeeze3A, %squeeze3A_14 : vector<5056x128xf32>
    %slice3A_15 = vector.extract_strided_slice %add3A {offsets = [0, 0], sizes = [5056, 64], strides = [1, 1]} : vector<5056x128xf32> to vector<5056x64xf32>
    %slice3A_16 = vector.extract_strided_slice %get3A_6 {offsets = [0, 0, 0], sizes = [1, 5056, 128], strides = [1, 1, 1]} : vector<2x5056x128xf32> to vector<1x5056x128xf32>
    %squeeze3A_17 = vector.shape_cast %slice3A_16 : vector<1x5056x128xf32> to vector<5056x128xf32>
    %slice3A_18 = vector.extract_strided_slice %get3A_6 {offsets = [1, 0, 0], sizes = [1, 5056, 128], strides = [1, 1, 1]} : vector<2x5056x128xf32> to vector<1x5056x128xf32>
    %squeeze3A_19 = vector.shape_cast %slice3A_18 : vector<1x5056x128xf32> to vector<5056x128xf32>
    %add3A_20 = arith.addf %squeeze3A_17, %squeeze3A_19 : vector<5056x128xf32>
    %slice3A_21 = vector.extract_strided_slice %add3A_20 {offsets = [0, 0], sizes = [5056, 1], strides = [1, 1]} : vector<5056x128xf32> to vector<5056x1xf32>
    %jit3A = arith.constant 1.000000e+00 : f32
    %max3A = vector.broadcast %jit3A : f32 to vector<5056x1xf32>
    %max3A_22 = arith.maximumf %max3A, %slice3A_21 : vector<5056x1xf32>
    %div3A = arith.constant 1.000000e+00 : f32
    %div3A_23 = vector.broadcast %div3A : f32 to vector<5056x1xf32>
    %div3A_24 = arith.divf %div3A_23, %max3A_22 : vector<5056x1xf32>
    %mul3A = vector.broadcast %div3A_24 : vector<5056x1xf32> to vector<5056x64xf32>
    %mul3A_25 = arith.mulf %slice3A_15, %mul3A : vector<5056x64xf32>
    %add3A_26 = vector.broadcast %get3A_12 : vector<1x64xf32> to vector<5056x64xf32>
    %add3A_27 = arith.addf %mul3A_25, %add3A_26 : vector<5056x64xf32>
    %add3A_28 = arith.addf %add3A_27, %get3A_9 : vector<5056x64xf32>
    %max3A_29 = arith.constant 0.000000e+00 : f32
    %max3A_30 = vector.broadcast %max3A_29 : f32 to vector<5056x64xf32>
    %max3A_31 = arith.maximumf %add3A_28, %max3A_30 : vector<5056x64xf32>
    %swap3A = arith.constant 0 : index
    %swap3A_32 = arith.constant 0 : index
    %swap3A_33 = vector.load %arg6[%swap3A, %swap3A_32] : memref<5056x64xf32, #tpu.memory_space<vmem>>, vector<5056x64xf32>
    tpu.vector_store %arg6[%swap3A, %swap3A_32], %max3A_31 {strides = array<i32>} : memref<5056x64xf32, #tpu.memory_space<vmem>>, vector<5056x64xf32>,
    %get3A_34 = arith.constant 0 : index
    %get3A_35 = arith.constant 0 : index
    %get3A_36 = vector.load %arg5[%get3A_34, %get3A_35] : memref<64x128xf32, #tpu.memory_space<vmem>>, vector<64x128xf32>
    %dot_general3A = arith.constant dense<0.000000e+00> : vector<5056x128xf32>
    %dot_general3A_37 = tpu.matmul %max3A_31, %get3A_36, %dot_general3A {dimension_numbers = #tpu.dot_dimension_numbers<[1], [0], [0], [1], [0, 0, 1, 1], [], []>, transpose_lhs_hint = false} : vector<5056x64xf32>, vector<64x128xf32>, vector<5056x128xf32> -> vector<5056x128xf32>
    %slice3A_38 = vector.extract_strided_slice %dot_general3A_37 {offsets = [0, 0], sizes = [5056, 64], strides = [1, 1]} : vector<5056x128xf32> to vector<5056x64xf32>
    %swap3A_39 = arith.constant 0 : index
    %swap3A_40 = arith.constant 0 : index
    %swap3A_41 = vector.load %arg7[%swap3A_39, %swap3A_40] : memref<5056x64xf32, #tpu.memory_space<vmem>>, vector<5056x64xf32>
    tpu.vector_store %arg7[%swap3A_39, %swap3A_40], %slice3A_38 {strides = array<i32>} : memref<5056x64xf32, #tpu.memory_space<vmem>>, vector<5056x64xf32>,
    %slice3A_42 = vector.extract_strided_slice %dot_general3A_37 {offsets = [0, 64], sizes = [5056, 64], strides = [1, 1]} : vector<5056x128xf32> to vector<5056x64xf32>
    %swap3A_43 = arith.constant 0 : index
    %swap3A_44 = arith.constant 0 : index
    %swap3A_45 = vector.load %arg8[%swap3A_43, %swap3A_44] : memref<5056x64xf32, #tpu.memory_space<vmem>>, vector<5056x64xf32>
    tpu.vector_store %arg8[%swap3A_43, %swap3A_44], %slice3A_42 {strides = array<i32>} : memref<5056x64xf32, #tpu.memory_space<vmem>>, vector<5056x64xf32>,
    return
  }
  func.func @transform_0(%arg0: i32) -> (i32, i32, i32) {
    %c0_i32 = arith.constant 0 : i32
    %c0_i32_0 = arith.constant 0 : i32
    %c0_i32_1 = arith.constant 0 : i32
    return %c0_i32, %arg0, %c0_i32_0 : i32, i32, i32
  }
  func.func @transform_1(%arg0: i32) -> (i32, i32, i32) {
    %c0_i32 = arith.constant 0 : i32
    %c0_i32_0 = arith.constant 0 : i32
    %c0_i32_1 = arith.constant 0 : i32
    return %c0_i32, %arg0, %c0_i32_0 : i32, i32, i32
  }
  func.func @transform_2(%arg0: i32) -> (i32, i32) {
    %c0_i32 = arith.constant 0 : i32
    %c0_i32_0 = arith.constant 0 : i32
    return %arg0, %c0_i32 : i32, i32
  }
  func.func @transform_3(%arg0: i32) -> (i32, i32) {
    %c0_i32 = arith.constant 0 : i32
    %c0_i32_0 = arith.constant 0 : i32
    %c0_i32_1 = arith.constant 0 : i32
    return %c0_i32, %c0_i32_0 : i32, i32
  }
  func.func @transform_4(%arg0: i32) -> (i32, i32) {
    %c0_i32 = arith.constant 0 : i32
    %c0_i32_0 = arith.constant 0 : i32
    %c0_i32_1 = arith.constant 0 : i32
    return %c0_i32, %c0_i32_0 : i32, i32
  }
  func.func @transform_5(%arg0: i32) -> (i32, i32) {
    %c0_i32 = arith.constant 0 : i32
    %c0_i32_0 = arith.constant 0 : i32
    return %arg0, %c0_i32 : i32, i32
  }
  func.func @transform_6(%arg0: i32) -> (i32, i32) {
    %c0_i32 = arith.constant 0 : i32
    %c0_i32_0 = arith.constant 0 : i32
    return %arg0, %c0_i32 : i32, i32
  }
  func.func @transform_7(%arg0: i32) -> (i32, i32) {
    %c0_i32 = arith.constant 0 : i32
    %c0_i32_0 = arith.constant 0 : i32
    return %arg0, %c0_i32 : i32, i32
  }
}

module attributes {stable_mosaic.version = 14 : i64} {
  func.func @_pool_kernel(%arg0: i32, %arg1: memref<1x1x5056xi32, #tpu.memory_space<vmem>>, %arg2: memref<5056x64xf32, #tpu.memory_space<vmem>>, %arg3: memref<5056x64xf32, #tpu.memory_space<vmem>>, %arg4: memref<2x5056x128xf32, #tpu.memory_space<vmem>>, %arg5: memref<2x5056x128xf32, #tpu.memory_space<vmem>>, %arg6: memref<5056x64xf32, #tpu.memory_space<vmem>>, %arg7: memref<1x64xf32, #tpu.memory_space<vmem>>, %arg8: memref<192x64xf32, #tpu.memory_space<vmem>>, %arg9: memref<1x64xf32, #tpu.memory_space<vmem>>, %arg10: memref<64x10xf32, #tpu.memory_space<vmem>>, %arg11: memref<1x10xf32, #tpu.memory_space<vmem>>, %arg12: memref<64x10xf32, #tpu.memory_space<vmem>>, %arg13: memref<64x320xf32, #tpu.memory_space<vmem>>) attributes {dimension_semantics = [#tpu.dimension_semantics<arbitrary>], iteration_bounds = array<i64: 2>, scalar_prefetch = 0 : i64, scratch_operands = 1 : i64, tpu.core_type = #tpu.core_type<tc>, window_params = [{transform_indices = @transform_0, window_bounds = array<i64: 1, 1, 5056>}, {transform_indices = @transform_1, window_bounds = array<i64: 5056, 64>}, {transform_indices = @transform_2, window_bounds = array<i64: 5056, 64>}, {transform_indices = @transform_3, window_bounds = array<i64: 2, 5056, 128>}, {transform_indices = @transform_4, window_bounds = array<i64: 2, 5056, 128>}, {transform_indices = @transform_5, window_bounds = array<i64: 5056, 64>}, {pipeline_mode = #tpu.pipeline_mode<synchronous>, transform_indices = @transform_6, window_bounds = array<i64: 1, 64>}, {pipeline_mode = #tpu.pipeline_mode<synchronous>, transform_indices = @transform_7, window_bounds = array<i64: 192, 64>}, {pipeline_mode = #tpu.pipeline_mode<synchronous>, transform_indices = @transform_8, window_bounds = array<i64: 1, 64>}, {pipeline_mode = #tpu.pipeline_mode<synchronous>, transform_indices = @transform_9, window_bounds = array<i64: 64, 10>}, {pipeline_mode = #tpu.pipeline_mode<synchronous>, transform_indices = @transform_10, window_bounds = array<i64: 1, 10>}, {pipeline_mode = #tpu.pipeline_mode<synchronous>, transform_indices = @transform_11, window_bounds = array<i64: 64, 10>}]} {
    %eq3A = arith.constant 0 : i32
    %eq3A_0 = arith.cmpi eq, %arg0, %eq3A : i32
    %convert_element_type3A = arith.extui %eq3A_0 : i1 to i32
    %cond3A = arith.constant 0 : i32
    %cond3A_1 = arith.cmpi ne, %convert_element_type3A, %cond3A : i32
    scf.if %cond3A_1 {
      %broadcast_in_dim3A_89 = arith.constant 0.000000e+00 : f32
      %broadcast_in_dim3A_90 = vector.broadcast %broadcast_in_dim3A_89 : f32 to vector<64x320xf32>
      %swap3A_91 = arith.constant 0 : index
      %swap3A_92 = arith.constant 0 : index
      %swap3A_93 = vector.load %arg13[%swap3A_91, %swap3A_92] : memref<64x320xf32, #tpu.memory_space<vmem>>, vector<64x320xf32>
      tpu.vector_store %arg13[%swap3A_91, %swap3A_92], %broadcast_in_dim3A_90 {strides = array<i32>} : memref<64x320xf32, #tpu.memory_space<vmem>>, vector<64x320xf32>,
    } else {
    }
    %get3A = arith.constant 0 : index
    %get3A_2 = arith.constant 0 : index
    %get3A_3 = arith.constant 0 : index
    %get3A_4 = vector.load %arg4[%get3A, %get3A_2, %get3A_3] : memref<2x5056x128xf32, #tpu.memory_space<vmem>>, vector<2x5056x128xf32>
    %get3A_5 = arith.constant 0 : index
    %get3A_6 = arith.constant 0 : index
    %get3A_7 = arith.constant 0 : index
    %get3A_8 = vector.load %arg5[%get3A_5, %get3A_6, %get3A_7] : memref<2x5056x128xf32, #tpu.memory_space<vmem>>, vector<2x5056x128xf32>
    %get3A_9 = arith.constant 0 : index
    %get3A_10 = arith.constant 0 : index
    %get3A_11 = vector.load %arg6[%get3A_9, %get3A_10] : memref<5056x64xf32, #tpu.memory_space<vmem>>, vector<5056x64xf32>
    %get3A_12 = arith.constant 0 : index
    %get3A_13 = arith.constant 0 : index
    %get3A_14 = vector.load %arg7[%get3A_12, %get3A_13] : memref<1x64xf32, #tpu.memory_space<vmem>>, vector<1x64xf32>
    %slice3A = vector.extract_strided_slice %get3A_4 {offsets = [0, 0, 0], sizes = [1, 5056, 128], strides = [1, 1, 1]} : vector<2x5056x128xf32> to vector<1x5056x128xf32>
    %squeeze3A = vector.shape_cast %slice3A : vector<1x5056x128xf32> to vector<5056x128xf32>
    %slice3A_15 = vector.extract_strided_slice %get3A_4 {offsets = [1, 0, 0], sizes = [1, 5056, 128], strides = [1, 1, 1]} : vector<2x5056x128xf32> to vector<1x5056x128xf32>
    %squeeze3A_16 = vector.shape_cast %slice3A_15 : vector<1x5056x128xf32> to vector<5056x128xf32>
    %add3A = arith.addf %squeeze3A, %squeeze3A_16 : vector<5056x128xf32>
    %slice3A_17 = vector.extract_strided_slice %add3A {offsets = [0, 0], sizes = [5056, 64], strides = [1, 1]} : vector<5056x128xf32> to vector<5056x64xf32>
    %slice3A_18 = vector.extract_strided_slice %get3A_8 {offsets = [0, 0, 0], sizes = [1, 5056, 128], strides = [1, 1, 1]} : vector<2x5056x128xf32> to vector<1x5056x128xf32>
    %squeeze3A_19 = vector.shape_cast %slice3A_18 : vector<1x5056x128xf32> to vector<5056x128xf32>
    %slice3A_20 = vector.extract_strided_slice %get3A_8 {offsets = [1, 0, 0], sizes = [1, 5056, 128], strides = [1, 1, 1]} : vector<2x5056x128xf32> to vector<1x5056x128xf32>
    %squeeze3A_21 = vector.shape_cast %slice3A_20 : vector<1x5056x128xf32> to vector<5056x128xf32>
    %add3A_22 = arith.addf %squeeze3A_19, %squeeze3A_21 : vector<5056x128xf32>
    %slice3A_23 = vector.extract_strided_slice %add3A_22 {offsets = [0, 0], sizes = [5056, 1], strides = [1, 1]} : vector<5056x128xf32> to vector<5056x1xf32>
    %jit3A = arith.constant 1.000000e+00 : f32
    %max3A = vector.broadcast %jit3A : f32 to vector<5056x1xf32>
    %max3A_24 = arith.maximumf %max3A, %slice3A_23 : vector<5056x1xf32>
    %div3A = arith.constant 1.000000e+00 : f32
    %div3A_25 = vector.broadcast %div3A : f32 to vector<5056x1xf32>
    %div3A_26 = arith.divf %div3A_25, %max3A_24 : vector<5056x1xf32>
    %mul3A = vector.broadcast %div3A_26 : vector<5056x1xf32> to vector<5056x64xf32>
    %mul3A_27 = arith.mulf %slice3A_17, %mul3A : vector<5056x64xf32>
    %add3A_28 = vector.broadcast %get3A_14 : vector<1x64xf32> to vector<5056x64xf32>
    %add3A_29 = arith.addf %mul3A_27, %add3A_28 : vector<5056x64xf32>
    %add3A_30 = arith.addf %add3A_29, %get3A_11 : vector<5056x64xf32>
    %max3A_31 = arith.constant 0.000000e+00 : f32
    %max3A_32 = vector.broadcast %max3A_31 : f32 to vector<5056x64xf32>
    %max3A_33 = arith.maximumf %add3A_30, %max3A_32 : vector<5056x64xf32>
    %get3A_34 = arith.constant 0 : index
    %get3A_35 = arith.constant 0 : index
    %get3A_36 = arith.constant 0 : index
    %get3A_37 = vector.load %arg1[%get3A_34, %get3A_35, %get3A_36] : memref<1x1x5056xi32, #tpu.memory_space<vmem>>, vector<1x1x5056xi32>
    %get3A_38 = vector.shape_cast %get3A_37 : vector<1x1x5056xi32> to vector<5056xi32>
    %broadcast_in_dim3A = vector.shape_cast %get3A_38 : vector<5056xi32> to vector<5056x1xi32>
    %iota3A = tpu.iota {dimensions = array<i32: 1>} : vector<1x64xi32>
    %eq3A_39 = vector.broadcast %broadcast_in_dim3A : vector<5056x1xi32> to vector<5056x64xi32>
    %eq3A_40 = vector.broadcast %iota3A : vector<1x64xi32> to vector<5056x64xi32>
    %eq3A_41 = arith.cmpi eq, %eq3A_39, %eq3A_40 : vector<5056x64xi32>
    %convert_element_type3A_42 = arith.extui %eq3A_41 : vector<5056x64xi1> to vector<5056x64xi32>
    %convert_element_type3A_43 = arith.sitofp %convert_element_type3A_42 : vector<5056x64xi32> to vector<5056x64xf32>
    %get3A_44 = arith.constant 0 : index
    %get3A_45 = arith.constant 0 : index
    %get3A_46 = vector.load %arg2[%get3A_44, %get3A_45] : memref<5056x64xf32, #tpu.memory_space<vmem>>, vector<5056x64xf32>
    %get3A_47 = arith.constant 0 : index
    %get3A_48 = arith.constant 0 : index
    %get3A_49 = vector.load %arg3[%get3A_47, %get3A_48] : memref<5056x64xf32, #tpu.memory_space<vmem>>, vector<5056x64xf32>
    %get3A_50 = arith.constant 0 : index
    %get3A_51 = arith.constant 0 : index
    %get3A_52 = vector.load %arg13[%get3A_50, %get3A_51] : memref<64x320xf32, #tpu.memory_space<vmem>>, vector<64x64xf32>
    %dot_general3A = arith.constant dense<0.000000e+00> : vector<64x64xf32>
    %dot_general3A_53 = tpu.matmul %convert_element_type3A_43, %get3A_46, %dot_general3A {dimension_numbers = #tpu.dot_dimension_numbers<[0], [0], [1], [1], [0, 1, 1, 1], [], []>, transpose_lhs_hint = false} : vector<5056x64xf32>, vector<5056x64xf32>, vector<64x64xf32> -> vector<64x64xf32>
    %add3A_54 = arith.addf %get3A_52, %dot_general3A_53 : vector<64x64xf32>
    %swap3A = arith.constant 0 : index
    %swap3A_55 = arith.constant 0 : index
    %swap3A_56 = vector.load %arg13[%swap3A, %swap3A_55] : memref<64x320xf32, #tpu.memory_space<vmem>>, vector<64x64xf32>
    tpu.vector_store %arg13[%swap3A, %swap3A_55], %add3A_54 {strides = array<i32>} : memref<64x320xf32, #tpu.memory_space<vmem>>, vector<64x64xf32>,
    %get3A_57 = arith.constant 0 : index
    %get3A_58 = arith.constant 64 : index
    %get3A_59 = vector.load %arg13[%get3A_57, %get3A_58] : memref<64x320xf32, #tpu.memory_space<vmem>>, vector<64x64xf32>
    %dot_general3A_60 = arith.constant dense<0.000000e+00> : vector<64x64xf32>
    %dot_general3A_61 = tpu.matmul %convert_element_type3A_43, %get3A_49, %dot_general3A_60 {dimension_numbers = #tpu.dot_dimension_numbers<[0], [0], [1], [1], [0, 1, 1, 1], [], []>, transpose_lhs_hint = false} : vector<5056x64xf32>, vector<5056x64xf32>, vector<64x64xf32> -> vector<64x64xf32>
    %add3A_62 = arith.addf %get3A_59, %dot_general3A_61 : vector<64x64xf32>
    %swap3A_63 = arith.constant 0 : index
    %swap3A_64 = arith.constant 64 : index
    %swap3A_65 = vector.load %arg13[%swap3A_63, %swap3A_64] : memref<64x320xf32, #tpu.memory_space<vmem>>, vector<64x64xf32>
    tpu.vector_store %arg13[%swap3A_63, %swap3A_64], %add3A_62 {strides = array<i32>} : memref<64x320xf32, #tpu.memory_space<vmem>>, vector<64x64xf32>,
    %get3A_66 = arith.constant 0 : index
    %get3A_67 = arith.constant 128 : index
    %get3A_68 = vector.load %arg13[%get3A_66, %get3A_67] : memref<64x320xf32, #tpu.memory_space<vmem>>, vector<64x64xf32>
    %dot_general3A_69 = arith.constant dense<0.000000e+00> : vector<64x64xf32>
    %dot_general3A_70 = tpu.matmul %convert_element_type3A_43, %max3A_33, %dot_general3A_69 {dimension_numbers = #tpu.dot_dimension_numbers<[0], [0], [1], [1], [0, 1, 1, 1], [], []>, transpose_lhs_hint = false} : vector<5056x64xf32>, vector<5056x64xf32>, vector<64x64xf32> -> vector<64x64xf32>
    %add3A_71 = arith.addf %get3A_68, %dot_general3A_70 : vector<64x64xf32>
    %swap3A_72 = arith.constant 0 : index
    %swap3A_73 = arith.constant 128 : index
    %swap3A_74 = vector.load %arg13[%swap3A_72, %swap3A_73] : memref<64x320xf32, #tpu.memory_space<vmem>>, vector<64x64xf32>
    tpu.vector_store %arg13[%swap3A_72, %swap3A_73], %add3A_71 {strides = array<i32>} : memref<64x320xf32, #tpu.memory_space<vmem>>, vector<64x64xf32>,
    %get3A_75 = arith.constant 0 : index
    %get3A_76 = arith.constant 192 : index
    %get3A_77 = vector.load %arg13[%get3A_75, %get3A_76] : memref<64x320xf32, #tpu.memory_space<vmem>>, vector<64x1xf32>
    %reduce_sum3A = arith.constant dense<0.000000e+00> : vector<64xf32>
    %reduce_sum3A_78 = vector.multi_reduction <add>, %convert_element_type3A_43, %reduce_sum3A [0] : vector<5056x64xf32> to vector<64xf32>
    %broadcast_in_dim3A_79 = vector.shape_cast %reduce_sum3A_78 : vector<64xf32> to vector<64x1xf32>
    %add3A_80 = arith.addf %get3A_77, %broadcast_in_dim3A_79 : vector<64x1xf32>
    %swap3A_81 = arith.constant 0 : index
    %swap3A_82 = arith.constant 192 : index
    %swap3A_83 = vector.load %arg13[%swap3A_81, %swap3A_82] : memref<64x320xf32, #tpu.memory_space<vmem>>, vector<64x1xf32>
    tpu.vector_store %arg13[%swap3A_81, %swap3A_82], %add3A_80 {strides = array<i32>} : memref<64x320xf32, #tpu.memory_space<vmem>>, vector<64x1xf32>,
    %eq3A_84 = arith.constant 1 : i32
    %eq3A_85 = arith.cmpi eq, %arg0, %eq3A_84 : i32
    %convert_element_type3A_86 = arith.extui %eq3A_85 : i1 to i32
    %cond3A_87 = arith.constant 0 : i32
    %cond3A_88 = arith.cmpi ne, %convert_element_type3A_86, %cond3A_87 : i32
    scf.if %cond3A_88 {
      %get3A_89 = arith.constant 0 : index
      %get3A_90 = arith.constant 0 : index
      %get3A_91 = vector.load %arg13[%get3A_89, %get3A_90] : memref<64x320xf32, #tpu.memory_space<vmem>>, vector<64x320xf32>
      %slice3A_92 = vector.extract_strided_slice %get3A_91 {offsets = [0, 192], sizes = [64, 1], strides = [1, 1]} : vector<64x320xf32> to vector<64x1xf32>
      %jit3A_93 = arith.constant 1.000000e+00 : f32
      %max3A_94 = vector.broadcast %jit3A_93 : f32 to vector<64x1xf32>
      %max3A_95 = arith.maximumf %max3A_94, %slice3A_92 : vector<64x1xf32>
      %div3A_96 = arith.constant 1.000000e+00 : f32
      %div3A_97 = vector.broadcast %div3A_96 : f32 to vector<64x1xf32>
      %div3A_98 = arith.divf %div3A_97, %max3A_95 : vector<64x1xf32>
      %slice3A_99 = vector.extract_strided_slice %get3A_91 {offsets = [0, 0], sizes = [64, 192], strides = [1, 1]} : vector<64x320xf32> to vector<64x192xf32>
      %mul3A_100 = vector.broadcast %div3A_98 : vector<64x1xf32> to vector<64x192xf32>
      %mul3A_101 = arith.mulf %slice3A_99, %mul3A_100 : vector<64x192xf32>
      %get3A_102 = arith.constant 0 : index
      %get3A_103 = arith.constant 0 : index
      %get3A_104 = vector.load %arg8[%get3A_102, %get3A_103] : memref<192x64xf32, #tpu.memory_space<vmem>>, vector<192x64xf32>
      %dot_general3A_105 = arith.constant dense<0.000000e+00> : vector<64x64xf32>
      %dot_general3A_106 = tpu.matmul %mul3A_101, %get3A_104, %dot_general3A_105 {dimension_numbers = #tpu.dot_dimension_numbers<[1], [0], [0], [1], [0, 0, 1, 1], [], []>, transpose_lhs_hint = false} : vector<64x192xf32>, vector<192x64xf32>, vector<64x64xf32> -> vector<64x64xf32>
      %get3A_107 = arith.constant 0 : index
      %get3A_108 = arith.constant 0 : index
      %get3A_109 = vector.load %arg9[%get3A_107, %get3A_108] : memref<1x64xf32, #tpu.memory_space<vmem>>, vector<1x64xf32>
      %add3A_110 = vector.broadcast %get3A_109 : vector<1x64xf32> to vector<64x64xf32>
      %add3A_111 = arith.addf %dot_general3A_106, %add3A_110 : vector<64x64xf32>
      %max3A_112 = arith.constant 0.000000e+00 : f32
      %max3A_113 = vector.broadcast %max3A_112 : f32 to vector<64x64xf32>
      %max3A_114 = arith.maximumf %add3A_111, %max3A_113 : vector<64x64xf32>
      %get3A_115 = arith.constant 0 : index
      %get3A_116 = arith.constant 0 : index
      %get3A_117 = vector.load %arg10[%get3A_115, %get3A_116] : memref<64x10xf32, #tpu.memory_space<vmem>>, vector<64x10xf32>
      %dot_general3A_118 = arith.constant dense<0.000000e+00> : vector<64x10xf32>
      %dot_general3A_119 = tpu.matmul %max3A_114, %get3A_117, %dot_general3A_118 {dimension_numbers = #tpu.dot_dimension_numbers<[1], [0], [0], [1], [0, 0, 1, 1], [], []>, transpose_lhs_hint = false} : vector<64x64xf32>, vector<64x10xf32>, vector<64x10xf32> -> vector<64x10xf32>
      %get3A_120 = arith.constant 0 : index
      %get3A_121 = arith.constant 0 : index
      %get3A_122 = vector.load %arg11[%get3A_120, %get3A_121] : memref<1x10xf32, #tpu.memory_space<vmem>>, vector<1x10xf32>
      %add3A_123 = vector.broadcast %get3A_122 : vector<1x10xf32> to vector<64x10xf32>
      %add3A_124 = arith.addf %dot_general3A_119, %add3A_123 : vector<64x10xf32>
      %swap3A_125 = arith.constant 0 : index
      %swap3A_126 = arith.constant 0 : index
      %swap3A_127 = vector.load %arg12[%swap3A_125, %swap3A_126] : memref<64x10xf32, #tpu.memory_space<vmem>>, vector<64x10xf32>
      tpu.vector_store %arg12[%swap3A_125, %swap3A_126], %add3A_124 {strides = array<i32>} : memref<64x10xf32, #tpu.memory_space<vmem>>, vector<64x10xf32>,
    } else {
    }
    return
  }
  func.func @transform_0(%arg0: i32) -> (i32, i32, i32) {
    %c0_i32 = arith.constant 0 : i32
    %c0_i32_0 = arith.constant 0 : i32
    %c0_i32_1 = arith.constant 0 : i32
    return %arg0, %c0_i32, %c0_i32_0 : i32, i32, i32
  }
  func.func @transform_1(%arg0: i32) -> (i32, i32) {
    %c0_i32 = arith.constant 0 : i32
    %c0_i32_0 = arith.constant 0 : i32
    return %arg0, %c0_i32 : i32, i32
  }
  func.func @transform_2(%arg0: i32) -> (i32, i32) {
    %c0_i32 = arith.constant 0 : i32
    %c0_i32_0 = arith.constant 0 : i32
    return %arg0, %c0_i32 : i32, i32
  }
  func.func @transform_3(%arg0: i32) -> (i32, i32, i32) {
    %c0_i32 = arith.constant 0 : i32
    %c0_i32_0 = arith.constant 0 : i32
    %c0_i32_1 = arith.constant 0 : i32
    return %c0_i32, %arg0, %c0_i32_0 : i32, i32, i32
  }
  func.func @transform_4(%arg0: i32) -> (i32, i32, i32) {
    %c0_i32 = arith.constant 0 : i32
    %c0_i32_0 = arith.constant 0 : i32
    %c0_i32_1 = arith.constant 0 : i32
    return %c0_i32, %arg0, %c0_i32_0 : i32, i32, i32
  }
  func.func @transform_5(%arg0: i32) -> (i32, i32) {
    %c0_i32 = arith.constant 0 : i32
    %c0_i32_0 = arith.constant 0 : i32
    return %arg0, %c0_i32 : i32, i32
  }
  func.func @transform_6(%arg0: i32) -> (i32, i32) {
    %c0_i32 = arith.constant 0 : i32
    %c0_i32_0 = arith.constant 0 : i32
    %c0_i32_1 = arith.constant 0 : i32
    return %c0_i32, %c0_i32_0 : i32, i32
  }
  func.func @transform_7(%arg0: i32) -> (i32, i32) {
    %c0_i32 = arith.constant 0 : i32
    %c0_i32_0 = arith.constant 0 : i32
    %c0_i32_1 = arith.constant 0 : i32
    return %c0_i32, %c0_i32_0 : i32, i32
  }
  func.func @transform_8(%arg0: i32) -> (i32, i32) {
    %c0_i32 = arith.constant 0 : i32
    %c0_i32_0 = arith.constant 0 : i32
    %c0_i32_1 = arith.constant 0 : i32
    return %c0_i32, %c0_i32_0 : i32, i32
  }
  func.func @transform_9(%arg0: i32) -> (i32, i32) {
    %c0_i32 = arith.constant 0 : i32
    %c0_i32_0 = arith.constant 0 : i32
    %c0_i32_1 = arith.constant 0 : i32
    return %c0_i32, %c0_i32_0 : i32, i32
  }
  func.func @transform_10(%arg0: i32) -> (i32, i32) {
    %c0_i32 = arith.constant 0 : i32
    %c0_i32_0 = arith.constant 0 : i32
    %c0_i32_1 = arith.constant 0 : i32
    return %c0_i32, %c0_i32_0 : i32, i32
  }
  func.func @transform_11(%arg0: i32) -> (i32, i32) {
    %c0_i32 = arith.constant 0 : i32
    %c0_i32_0 = arith.constant 0 : i32
    %c0_i32_1 = arith.constant 0 : i32
    return %c0_i32, %c0_i32_0 : i32, i32
  }
}

</mosaic_0001>

<sc_bundles>
// kernel: kernel.11.cloned.1.call-start
scs
__scs_entry_jumppad:
0x0: {  	(pc) =	sbr.rel $0x88, $3  }
0x1: {  	(tag) =	ssettag $0x0;
	lr =	simm.s32 $0x1  }
0x2: {  	[smem:$0x3F8F] =	sst lr;
	_ =	strace $0xD0000000  }
0x3: {  	_ = 	snop  }
0x4: {  	_ = 	snop  }
0x5: {  	_ = 	snop  }
0x6: {  	_ = 	snop  }
0x7: {  	_ = 	snop  }
__scs_overlays_trampoline_lowered:
0x8: {  	[smem:$0x3F9E] =	sst s0  }
0x9: {  	[smem:$0x3F9F] =	sst s1  }
0xa: {  	[smem:$0x3FA0] =	sst s2  }
0xb: {  	[smem:$0x3FA1] =	sst s3  }
0xc: {  	[smem:$0x3FA2] =	sst s4  }
0xd: {  	[smem:$0x3FA3] =	sst s5  }
0xe: {  	[smem:$0x3FA4] =	sst s6  }
0xf: {  	[smem:$0x3FA5] =	sst s7  }
0x10: {  	[smem:$0x3FA6] =	sst s8  }
0x11: {  	[smem:$0x3FA7] =	sst s9;
	s0 =	simm.s32 @!p0 $0x0  }
0x12: {  	s1 =	sld [smem:$0x3F8D];
	s0 =	simm.s32 @p0 $0x1  }
0x13: {  	[smem:$0x3FA8] =	sst s0;
	s0 =	simm.s32 @!p1 $0x0  }
0x14: {  	s2 =	sld [smem:$0x3F8C];
	s0 =	simm.s32 @p1 $0x1  }
0x15: {  	[smem:$0x3FA9] =	sst s0;
	s0 =	simm.s32 @!p2 $0x0  }
0x16: {  	s3 =	sld [smem:$0x3FDB];
	s0 =	simm.s32 @p2 $0x1  }
0x17: {  	s4 =	simm.s32 $0x1BF5;
	[smem:$0x3FAB] =	sst s0  }
0x18: {  	s0 =	sld [smem:$0x3F8E];
	_ =	swait.ge [sflag:s4], $0x0  }
0x19: {  	s7 =	sld [smem:$0x3F8F]  }
0x1a: {  	s8 =	sadd.s32 $0xFFFFE003, lr  }
0x1b: {  	s9 =	sadd.s32 $0xFFFFFEF7, lr;
	s5 =	simm.s32 $0xFFFFFFFF;
	p2 =	slt.u32 s8, $0xFFFFF086  }
0x1c: {  	p1 =	slt.u32 s9, $0xF7A;
	s5 =	simm.s32 @!p2 $0x0  }
0x1d: {  	s5 =	simm.s32 @p1 $0x1;
	p0 =	seq.s32 s7, s2  }
0x1e: {  	s7 =	smul.u32 @!p0 $0xF7A, s2;
	p2 =	seq.s32 @!p0 s5, $0x0  }
0x1f: {  	s9 =	smul.u32 $0xF7A, s1;
	s8 =	simm.s32 @!p0 $0x1BF5;
	p2 =	por !p2, p0  }
0x20: {  	[sflag:s8] =	ssyncset.s32 @!p0 $0xFFFFF086;
	s6 =	sadd.s32 @!p0 s3, s7;
	s7 =	simm.s32 @!p0 $0x108  }
0x21: {  	s3 =	sadd.s32 s3, s9;
	s6 =	sadd.s32 @!p0 $0x88, s6;
	s7 =	simm.s32 @p2 $0x1082  }
0x22: {  	[simem:s7], [sflag:s8] =	dma.local @!p0 [hbm:s6], $0xF7A  }
0x23: {  	s9 =	sor.u32 $0xD0000000, s2;
	s6 =	simm.s32 $0x108;
	_ =	swait.ge @!p0 [sflag:s8], $0x0  }
0x24: {  	s3 =	sadd.s32 $0x88, s3;
	s6 =	simm.s32 @!p1 $0x1082;
	[sflag:s4] =	ssyncset.s32 $0xFFFFF086  }
0x25: {  	[simem:s6], [sflag:s4] =	dma.local [hbm:s3], $0xF7A  }
0x26: {  	[smem:$0x3F8F] =	sst s1;
	(tag) =	ssettag s2;
	_ =	strace s9  }
0x27: {  	s1 =	sld [smem:$0x3F9F]  }
0x28: {  	s2 =	sld [smem:$0x3FA0]  }
0x29: {  	s4 =	sld [smem:$0x3FA2]  }
0x2a: {  	p0 =	seq.s32 s5, $0x0;
	s5 =	sld [smem:$0x3FA3]  }
0x2b: {  	s6 =	sld [smem:$0x3FA4]  }
0x2c: {  	s7 =	sld [smem:$0x3FA5]  }
0x2d: {  	s3 =	simm.s32 $0x108;
	s8 =	sld [smem:$0x3FA6]  }
0x2e: {  	s3 =	simm.s32 @!p0 $0x1082;
	s9 =	sld [smem:$0x3FA7]  }
0x2f: {  	lr =	sadd.s32 s0, s3;
	s0 =	sld [smem:$0x3F9E]  }
0x30: {  	s3 =	sld [smem:$0x3FA1]  }
0x31: {  	[smem:$0x3FAA] =	sst s10  }
0x32: {  	s10 =	sld [smem:$0x3FA8];
	_ =	sdelay $0x3  }
0x33: {  	p0 =	seq.s32 s10, $0x1;
	s10 =	sld [smem:$0x3FAA];
	_ =	sdelay $0x3  }
0x34: {  	[smem:$0x3FAA] =	sst s10  }
0x35: {  	s10 =	sld [smem:$0x3FA9];
	_ =	sdelay $0x3  }
0x36: {  	p1 =	seq.s32 s10, $0x1;
	s10 =	sld [smem:$0x3FAA];
	_ =	sdelay $0x3  }
0x37: {  	[smem:$0x3FAA] =	sst s10  }
0x38: {  	s10 =	sld [smem:$0x3FAB]  }
0x39: {  	_ = 	snop;
	(pc) =	sbr.ind lr, $3  }
0x3a: {  	_ = 	snop  }
0x3b: {  	_ = 	snop  }
0x3c: {  	p2 =	seq.s32 s10, $0x1;
	s10 =	sld [smem:$0x3FAA]  }
0x3d: {  	_ =	shalt  }
0x3e: {  	_ =	shalt  }
0x3f: {  	_ =	shalt  }
0x40: {  	_ =	shalt  }
0x41: {  	_ =	shalt  }
0x42: {  	_ =	shalt  }
0x43: {  	_ =	shalt  }
0x44: {  	_ =	shalt  }
0x45: {  	_ =	shalt  }
0x46: {  	_ =	shalt  }
0x47: {  	_ =	shalt  }
0x48: {  	_ =	shalt  }
0x49: {  	_ =	shalt  }
0x4a: {  	_ =	shalt  }
0x4b: {  	_ =	shalt  }
0x4c: {  	_ =	shalt  }
0x4d: {  	_ =	shalt  }
0x4e: {  	_ =	shalt  }
0x4f: {  	_ =	shalt  }
0x50: {  	_ =	shalt  }
0x51: {  	_ =	shalt  }
0x52: {  	_ =	shalt  }
0x53: {  	_ =	shalt  }
0x54: {  	_ =	shalt  }
0x55: {  	_ =	shalt  }
0x56: {  	_ =	shalt  }
0x57: {  	_ =	shalt  }
0x58: {  	_ =	shalt  }
0x59: {  	_ =	shalt  }
0x5a: {  	_ =	shalt  }
0x5b: {  	_ =	shalt  }
0x5c: {  	_ =	shalt  }
0x5d: {  	_ =	shalt  }
0x5e: {  	_ =	shalt  }
0x5f: {  	_ =	shalt  }
0x60: {  	_ =	shalt  }
0x61: {  	_ =	shalt  }
0x62: {  	_ =	shalt  }
0x63: {  	_ =	shalt  }
0x64: {  	_ =	shalt  }
0x65: {  	_ =	shalt  }
0x66: {  	_ =	shalt  }
0x67: {  	_ =	shalt  }
0x68: {  	_ =	shalt  }
0x69: {  	_ =	shalt  }
0x6a: {  	_ =	shalt  }
0x6b: {  	_ =	shalt  }
0x6c: {  	_ =	shalt  }
0x6d: {  	_ =	shalt  }
0x6e: {  	_ =	shalt  }
0x6f: {  	_ =	shalt  }
0x70: {  	_ =	shalt  }
0x71: {  	_ =	shalt  }
0x72: {  	_ =	shalt  }
0x73: {  	_ =	shalt  }
0x74: {  	_ =	shalt  }
0x75: {  	_ =	shalt  }
0x76: {  	_ =	shalt  }
0x77: {  	_ =	shalt  }
0x78: {  	_ =	shalt  }
0x79: {  	_ =	shalt  }
0x7a: {  	_ =	shalt  }
0x7b: {  	_ =	shalt  }
0x7c: {  	_ =	shalt  }
0x7d: {  	_ =	shalt  }
0x7e: {  	_ =	shalt  }
0x7f: {  	_ =	shalt  }
0x80: {  	_ =	shalt  }
0x81: {  	_ =	shalt  }
0x82: {  	_ =	shalt  }
0x83: {  	_ =	shalt  }
0x84: {  	_ =	shalt  }
0x85: {  	_ =	shalt  }
0x86: {  	_ =	shalt  }
0x87: {  	_ =	shalt  }
.Lfunc_end0:
.L_simem_size_0:
called_computation_lowered:
.L_overlay_start_0:
0x88: {  	s2 =	sld [smem:$0x3FD9]  }
0x89: {  	s3 =	sld [smem:$0x3FFE];
	_ =	sdelay $0x1  }
0x8a: {  	s1 =	srdreg.scid  }
0x8b: {  	s0 =	sand.u32 $0x1, s1  }
0x8c: {  	s17 =	sshll.u32 s0, $0xA;
	s2 =	sadd.s32 s3, s2  }
0x8d: {  	s2 =	sadd.s32 s2, s17  }
0x8e: {  	[smem:$0x3FB6] =	sst s2  }
0x8f: {  	_ = 	snop  }
0x90: {  	(tm) =	ssettm $0x1  }
0x91: {  	s18 =	sld [smem:$0x3FFB];
	_ =	sdelay $0x3  }
0x92: {  	_ =	strace s18  }
0x93: {  	s2 =	sld [smem:$0x3FFC];
	_ =	sdelay $0x3  }
0x94: {  	_ =	strace s2  }
0x95: {  	s2 =	sld [smem:$0x3FFD];
	_ =	sdelay $0x3  }
0x96: {  	_ =	strace s2  }
0x97: {  	_ =	strace $0x8FFFFFFF  }
0x98: {  	s19 =	sld [smem:$0x3FDB];
	_ =	sdelay $0x1  }
0x99: {  	s20 =	simm.s32 $_scs_section_size  }
0x9a: {  	s4 =	simm.s32 $_size__tile_overlayer_lowered;
	s5 =	simm.s32 $_tile_overlayer_lowered  }
0x9b: {  	s6 =	simm.s32 $0x1BFF;
	s21 =	sshll.u32 s5, $0x1;
	s3 =	sadd.s32 s20, s19  }
0x9c: {  	s22 =	simm.s32 $0x0;
	s4 =	sshll.u32 s4, $0x1;
	s5 =	sadd.s32 s21, s3  }
0x9d: {  	[timem:s22], [sflag:s6] =	dma.local [hbm:s5], s4  }
0x9e: {  	_ =	swait.ge [sflag:s6], s4  }
0x9f: {  	s4 =	ssub.s32 $0x0, s4;
	[sflag:s6] =	ssyncset.done $0x0  }
0xa0: {  	[sflag:s6] =	ssyncadd.s32 s4;
	_ =	sdelay $0x1  }
0xa1: {  	s23 =	simm.s32 $0x1B8B  }
0xa2: {  	_ =	swait.ge [sflag:s23], $0x1  }
0xa3: {  	[sflag:s23] =	ssyncset.done $0x0  }
0xa4: {  	[sflag:s23] =	ssyncadd.s32 $0xFFFFFFFF  }
0xa5: {  	s4 =	sld [smem:$0x0]  }
0xa6: {  	s5 =	sand.u32 $0xFFFFFFFE, s1  }
0xa7: {  	p0 =	sne.s32 s1, s5  }
0xa8: {  	s5 =	sshll.u32 @p0 s5, $0xE  }
0xa9: {  	s5 =	sadd.s32 @p0 $0x11B8D, s5;
	s6 =	sshll.u32 @p0 s4, $0x11  }
0xaa: {  	s5 =	sor.u32 @p0 s6, s5  }
0xab: {  	[sflag:s5] =	ssyncadd.remote.s32 @p0 $0x1;
	_ =	sdelay $0x1  }
0xac: {  	s5 =	simm.s32 @p0 $0x1B8D  }
0xad: {  	_ =	swait.eq @p0 [sflag:s5], $0x1  }
0xae: {  	[sflag:s5] =	ssyncadd.s32 @p0 $0xFFFFFFFF  }
0xaf: {  	s6 =	sshll.u32 @!p0 s1, $0xE  }
0xb0: {  	s6 =	sor.u32 @!p0 $0x4000, s6;
	s5 =	simm.s32 @!p0 $0x1B8D  }
0xb1: {  	s4 =	sshll.u32 @!p0 s4, $0x11;
	s6 =	sadd.s32 @!p0 $0x11B8D, s6;
	_ =	swait.eq @!p0 [sflag:s5], $0x1  }
0xb2: {  	s4 =	sor.u32 @!p0 s4, s6;
	[sflag:s5] =	ssyncadd.s32 @!p0 $0xFFFFFFFF  }
0xb3: {  	s25 =	simm.s32 $0x1B8E;
	s24 =	sld [smem:$0x3FFE];
	[sflag:s4] =	ssyncadd.remote.s32 @!p0 $0x1  }
0xb4: {  	s26 =	simm.s32 $execute0_lowered;
	[smem:$0x3FD2] =	sst s25  }
0xb5: {  	s5 =	sshll.u32 s26, $0x1;
	_ =	strace $0x80000049;
	[dreg:$0x1] =	wrdreg $0xFFFFFFFF  }
0xb6: {  	s28 =	simm.s32 $_size_execute0_lowered;
	s3 =	sadd.s32 s3, s5;
	[dreg:$0x0] =	wrdreg $0x0  }
0xb7: {  	s5 =	sshll.u32 s28, $0x1;
	[dreg:$0x2] =	wrdreg s3  }
0xb8: {  	[dreg:$0x3] =	wrdreg s5  }
0xb9: {  	[dreg:$0x4] =	wrdreg $0xC0  }
0xba: {  	_ =	task [dreg:s22], $0x5FFFF  }
0xbb: {  	[dreg:$0x1] =	wrdreg $0xFFFFFFFF  }
0xbc: {  	[dreg:$0x0] =	wrdreg $0x60  }
0xbd: {  	[dreg:$0x2] =	wrdreg s24  }
0xbe: {  	[dreg:$0x3] =	wrdreg $0x0  }
0xbf: {  	[dreg:$0x4] =	wrdreg $0x9  }
0xc0: {  	_ =	task.clear_ibuf [dreg:s22], $0x5FFFF;
	_ =	strace $0x90000049  }
0xc1: {  	s29 =	simm.s32 $0x9;
	_ =	strace $0x8000004B  }
0xc2: {  	_ =	swait.ge [sflag:s29], $0x1  }
0xc3: {  	[sflag:s29] =	ssyncadd.s32 $0xFFFFFFFF  }
0xc4: {  	_ =	strace $0x9000004B  }
0xc5: {  	_ =	sfence  }
0xc6: {  	s30 =	sld [smem:$0x0];
	_ =	sdelay $0x2  }
0xc7: {  	s31 =	sshll.u32 s1, $0xD;
	s1 =	sshrl.u32 s1, $0x2  }
0xc8: {  	s4 =	sand.u32 $0x4000, s31;
	s1 =	sadd.s32 s1, s30  }
0xc9: {  	s0 =	sor.u32 s4, s0;
	s1 =	sshll.u32 s1, $0x11  }
0xca: {  	s0 =	sor.u32 s1, s0  }
0xcb: {  	s0 =	sadd.s32 $0x8F2B, s0  }
0xcc: {  	[sflag:s0] =	ssyncadd.remote.s32 $0x1  }
0xcd: {  	_ =	sfence.sel $0xFFFF  }
0xce: {  	[dreg:$0x0] =	wrdreg $0xFFFFFFFF;
	(pc) =	sbr.abs _section_cstart, $3  }
0xcf: {  	[dreg:$0x1] =	wrdreg $0xFFFFFFFF  }
0xd0: {  	_ =	task.clear_ibuf [dreg:s22], $0x2FFFF;
	_ =	strace $0x9FFFFFFF  }
0xd1: {  	(tm) =	ssettm $0x7FFFFFFF  }
tec
execute0_lowered:
.L_overlay_start_1:
0x0: {  	(tag) =	ssettag $0x1  }
0x1: {  	s3 =	rddreg [dreg:$0x0]  }
0x2: {  	s2 =	rddreg [dreg:$0x1];
	s30 =	simm.s32 $0x0  }
0x3: {  	[smem:$0x7FF] =	sst s30;
	s6 =	sadd.s32 $0x7B600, s3  }
0x4: {  	s24 =	sadd.s32 $0x7B000, s3;
	_ =	strace $0x8000004A;
	[dreg:$0x3] =	wrdreg s6  }
0x5: {  	s0 =	srdreg.scid;
	s26 =	simm.s32 $0x2880;
	[dreg:$0x4] =	wrdreg s24  }
0x6: {  	s9 =	stileid.u32;
	s7 =	simm.s32 $0x2D80;
	[dreg:$0x7] =	wrdreg s26  }
0x7: {  	s8 =	simm.s32 $0x2E80;
	s10 =	simm.s32 $0x2F80;
	[dreg:$0xc] =	wrdreg s7  }
0x8: {  	s12 =	simm.s32 $0x3080;
	s14 =	simm.s32 $0x3180;
	[dreg:$0xd] =	wrdreg s8  }
0x9: {  	s15 =	simm.s32 $0x3280;
	s17 =	simm.s32 $0x3380;
	[dreg:$0xe] =	wrdreg s10  }
0xa: {  	s18 =	simm.s32 $0x3480;
	s20 =	simm.s32 $0x3580;
	[dreg:$0xf] =	wrdreg s12  }
0xb: {  	s21 =	simm.s32 $0x3680;
	s22 =	simm.s32 $0x3780;
	[dreg:$0x10] =	wrdreg s14  }
0xc: {  	s23 =	simm.s32 $0x3880;
	s31 =	simm.s32 $0x2780;
	[dreg:$0x11] =	wrdreg s15  }
0xd: {  	s29 =	simm.s32 $0x3D80;
	s28 =	simm.s32 $0x3E80;
	[dreg:$0x12] =	wrdreg s17  }
0xe: {  	p0 =	por $0x0, $0x0;
	s0 =	sand.u32 $0x1, s0;
	[dreg:$0x13] =	wrdreg s18  }
0xf: {  	s1 =	sshll.u32 s9, $0x1;
	s5 =	smul.u32 $0x13C00, s9;
	[dreg:$0x14] =	wrdreg s20  }
0x10: {  	s13 =	smul.u32 $0x9E00, s9;
	s19 =	sshll.u32 s9, $0x6;
	[dreg:$0x15] =	wrdreg s21  }
0x11: {  	s1 =	sor.u32 s0, s1;
	s4 =	smul.u32 $0x13C000, s0;
	[dreg:$0x16] =	wrdreg s22  }
0x12: {  	s6 =	simm.s32 $0x2C80;
	s0 =	ssub.s32 $0x2, s0;
	[dreg:$0x17] =	wrdreg s23  }
0x13: {  	s24 =	simm.s32 $0x3980;
	s7 =	simm.s32 $0x4F80;
	s26 =	simm.s32 $0x3B80  }
0x14: {  	s8 =	simm.s32 $0x100;
	s15 =	simm.s32 $0x3C80;
	s23 =	simm.s32 $0x4280  }
0x15: {  	s22 =	simm.s32 $0x4380;
	s21 =	simm.s32 $0x4480;
	s20 =	simm.s32 $0x4580  }
0x16: {  	s18 =	simm.s32 $0x4780;
	s17 =	simm.s32 $0x4880;
	s14 =	simm.s32 $0x4B80  }
0x17: {  	s12 =	simm.s32 $0x4D80;
	s10 =	simm.s32 $0x10;
	[dreg:$0xb] =	wrdreg s6  }
0x18: {  	s1 =	smul.u32 $0x500, s1;
	s11 =	sshrl.u32 s0, $0x1;
	[dreg:$0x18] =	wrdreg s24  }
0x19: {  	s16 =	sshrl.u32 s13, $0x2;
	s6 =	simm.s32 $0x1;
	[dreg:$0x1a] =	wrdreg s26  }
0x1a: {  	s26 =	simm.s32 $0x3F80;
	s24 =	simm.s32 $0x4180;
	s13 =	simm.s32 $0x4C80  }
0x1b: {  	s4 =	sadd.s32 s5, s4;
	s5 =	simm.s32 $0x2B80;
	s0 =	ssub.s32 s0, s11  }
0x1c: {  	s11 =	simm.s32 $0x4E80;
	s1 =	sadd.s32 s1, s3;
	s4 =	sshrl.u32 s4, $0x3  }
0x1d: {  	[dreg:$0xa] =	wrdreg s5;
	s0 =	smax.u32 s0, $0x1;
	s1 =	sadd.s32 $0x20C00, s1  }
0x1e: {  	s3 =	sadd.s32 s4, s3;
	s4 =	simm.s32 $0x2A80;
	[dreg:$0x5] =	wrdreg s1  }
0x1f: {  	p1 =	sne.s32 s0, $0x1;
	s25 =	sadd.s32 $0x7B800, s3;
	[dreg:$0x9] =	wrdreg s4  }
.Ltmp0:
0x20: {  	s1 =	sadd.s32 $0xFFFFFFFF, s0;
	s0 =	rddreg [dreg:$0x4];
	(pc) =	sbr.rel @!p1 .LBB2_1-.Ltmp0, $4  }
0x21: {  	s5 =	simm.s32 $0x2;
	s3 =	simm.s32 $0x2980;
	[dreg:$0x6] =	wrdreg s25  }
0x22: {  	s4 =	sadd.s32 s16, s2;
	s16 =	simm.s32 $0x4A80;
	[dreg:$0x8] =	wrdreg s3  }
0x23: {  	s3 =	sor.u32 $0x1C02, s19;
	s4 =	sshrl.u32 s4, $0x3;
	s25 =	simm.s32 $0x3A80  }
0x24: {  	s19 =	simm.s32 $0x4680;
	[dreg:$0x19] =	wrdreg s25;
	s25 =	simm.s32 $0x4080  }
0x25: {  	[spmem:s4], [sflag:s3] =	dma.local [hbm:s0], $0x4F0  }
0x26: {  	_ =	swait.ge [sflag:s5], $0x4F0  }
0x27: {  	[sflag:s5] =	ssyncset.done $0x0  }
0x28: {  	s9 =	rddreg [dreg:$0x5];
	[sflag:s5] =	ssyncadd.s32 $0xFFFFFB10  }
0x29: {  	[tilespmem:s31], [sflag:$0x2] =	stream.linear.gather [hbm4b:s9+s30], $0x2800, $0x38;
	[tilespmem:$0x5F80] =	vst v63  }
0x2a: {  	_ =	swait.ge [sflag:s5], $0x2800  }
0x2b: {  	[sflag:s5] =	ssyncset.done $0x0  }
0x2c: {  	s9 =	rddreg [dreg:$0x3];
	[sflag:s5] =	ssyncadd.s32 $0xFFFFD800  }
0x2d: {  	[tilespmem:s7], [sflag:$0x2] =	stream.linear.gather [hbm4b:s9+s30], $0x1000, $0x38;
	[tilespmem:$0x5F80] =	vst v63  }
0x2e: {  	_ =	swait.ge [sflag:s5], $0x1000  }
0x2f: {  	[sflag:s5] =	ssyncset.done $0x0  }
0x30: {  	[sflag:s5] =	ssyncadd.s32 $0xFFFFF000  }
0x31: {  	[bflag:$0x0] =	sbarrier.arrive $0xFFFF  }
0x32: {  	[spmem:s2] =	stream.indirect.scatter.add.f32 [tilespmem:s7], [sflag:$0x1], $0x10, s31, s8, $0xb8;
	[tilespmem:$0x5F80] =	vst v63  }
0x33: {  	s0 =	rddreg [dreg:$0x7]  }
0x34: {  	[spmem:s2] =	stream.indirect.scatter.add.f32 [tilespmem:s7], [sflag:$0x1], $0x10, s0, s8, $0xb8;
	[tilespmem:$0x5F80] =	vst v63  }
0x35: {  	s9 =	smov.u32 s1;
	s1 =	rddreg [dreg:$0x8]  }
0x36: {  	[spmem:s2] =	stream.indirect.scatter.add.f32 [tilespmem:s7], [sflag:$0x1], $0x10, s1, s8, $0xb8;
	[tilespmem:$0x5F80] =	vst v63  }
0x37: {  	s0 =	rddreg [dreg:$0x9]  }
0x38: {  	[spmem:s2] =	stream.indirect.scatter.add.f32 [tilespmem:s7], [sflag:$0x1], $0x10, s0, s8, $0xb8;
	[tilespmem:$0x5F80] =	vst v63  }
0x39: {  	_ =	swait.ge [sflag:s6], $0x1000  }
0x3a: {  	[sflag:s6] =	ssyncset.done $0x0  }
0x3b: {  	s1 =	rddreg [dreg:$0xa];
	[sflag:s6] =	ssyncadd.s32 $0xFFFFF000  }
0x3c: {  	[spmem:s2] =	stream.indirect.scatter.add.f32 [tilespmem:s7], [sflag:$0x1], $0x10, s1, s8, $0xb8;
	[tilespmem:$0x5F80] =	vst v63  }
0x3d: {  	_ =	swait.ge [sflag:s6], $0x1000  }
0x3e: {  	[sflag:s6] =	ssyncset.done $0x0  }
0x3f: {  	s1 =	rddreg [dreg:$0xb];
	[sflag:s6] =	ssyncadd.s32 $0xFFFFF000  }
0x40: {  	[spmem:s2] =	stream.indirect.scatter.add.f32 [tilespmem:s7], [sflag:$0x1], $0x10, s1, s8, $0xb8;
	[tilespmem:$0x5F80] =	vst v63  }
0x41: {  	_ =	swait.ge [sflag:s6], $0x1000  }
0x42: {  	[sflag:s6] =	ssyncset.done $0x0  }
0x43: {  	s1 =	rddreg [dreg:$0xc];
	[sflag:s6] =	ssyncadd.s32 $0xFFFFF000  }
0x44: {  	[spmem:s2] =	stream.indirect.scatter.add.f32 [tilespmem:s7], [sflag:$0x1], $0x10, s1, s8, $0xb8;
	[tilespmem:$0x5F80] =	vst v63  }
0x45: {  	_ =	swait.ge [sflag:s6], $0x1000  }
0x46: {  	[sflag:s6] =	ssyncset.done $0x0  }
0x47: {  	s1 =	rddreg [dreg:$0xd];
	[sflag:s6] =	ssyncadd.s32 $0xFFFFF000  }
0x48: {  	[spmem:s2] =	stream.indirect.scatter.add.f32 [tilespmem:s7], [sflag:$0x1], $0x10, s1, s8, $0xb8;
	[tilespmem:$0x5F80] =	vst v63  }
0x49: {  	_ =	swait.ge [sflag:s6], $0x1000  }
0x4a: {  	[sflag:s6] =	ssyncset.done $0x0  }
0x4b: {  	s1 =	rddreg [dreg:$0xe];
	[sflag:s6] =	ssyncadd.s32 $0xFFFFF000  }
0x4c: {  	[spmem:s2] =	stream.indirect.scatter.add.f32 [tilespmem:s7], [sflag:$0x1], $0x10, s1, s8, $0xb8;
	[tilespmem:$0x5F80] =	vst v63  }
0x4d: {  	_ =	swait.ge [sflag:s6], $0x1000  }
0x4e: {  	[sflag:s6] =	ssyncset.done $0x0  }
0x4f: {  	s1 =	rddreg [dreg:$0xf];
	[sflag:s6] =	ssyncadd.s32 $0xFFFFF000  }
0x50: {  	[spmem:s2] =	stream.indirect.scatter.add.f32 [tilespmem:s7], [sflag:$0x1], $0x10, s1, s8, $0xb8;
	[tilespmem:$0x5F80] =	vst v63  }
0x51: {  	_ =	swait.ge [sflag:s6], $0x1000  }
0x52: {  	[sflag:s6] =	ssyncset.done $0x0  }
0x53: {  	s1 =	rddreg [dreg:$0x10];
	[sflag:s6] =	ssyncadd.s32 $0xFFFFF000  }
0x54: {  	[spmem:s2] =	stream.indirect.scatter.add.f32 [tilespmem:s7], [sflag:$0x1], $0x10, s1, s8, $0xb8;
	[tilespmem:$0x5F80] =	vst v63  }
0x55: {  	_ =	swait.ge [sflag:s6], $0x1000  }
0x56: {  	[sflag:s6] =	ssyncset.done $0x0  }
0x57: {  	s1 =	rddreg [dreg:$0x11];
	[sflag:s6] =	ssyncadd.s32 $0xFFFFF000  }
0x58: {  	[spmem:s2] =	stream.indirect.scatter.add.f32 [tilespmem:s7], [sflag:$0x1], $0x10, s1, s8, $0xb8;
	[tilespmem:$0x5F80] =	vst v63  }
0x59: {  	_ =	swait.ge [sflag:s6], $0x1000  }
0x5a: {  	[sflag:s6] =	ssyncset.done $0x0  }
0x5b: {  	s1 =	rddreg [dreg:$0x12];
	[sflag:s6] =	ssyncadd.s32 $0xFFFFF000  }
0x5c: {  	[spmem:s2] =	stream.indirect.scatter.add.f32 [tilespmem:s7], [sflag:$0x1], $0x10, s1, s8, $0xb8;
	[tilespmem:$0x5F80] =	vst v63  }
0x5d: {  	_ =	swait.ge [sflag:s6], $0x1000  }
0x5e: {  	[sflag:s6] =	ssyncset.done $0x0  }
0x5f: {  	s1 =	rddreg [dreg:$0x13];
	[sflag:s6] =	ssyncadd.s32 $0xFFFFF000  }
0x60: {  	[spmem:s2] =	stream.indirect.scatter.add.f32 [tilespmem:s7], [sflag:$0x1], $0x10, s1, s8, $0xb8;
	[tilespmem:$0x5F80] =	vst v63  }
0x61: {  	_ =	swait.ge [sflag:s6], $0x1000  }
0x62: {  	[sflag:s6] =	ssyncset.done $0x0  }
0x63: {  	s1 =	rddreg [dreg:$0x14];
	[sflag:s6] =	ssyncadd.s32 $0xFFFFF000  }
0x64: {  	[spmem:s2] =	stream.indirect.scatter.add.f32 [tilespmem:s7], [sflag:$0x1], $0x10, s1, s8, $0xb8;
	[tilespmem:$0x5F80] =	vst v63  }
0x65: {  	_ =	swait.ge [sflag:s6], $0x1000  }
0x66: {  	[sflag:s6] =	ssyncset.done $0x0  }
0x67: {  	s1 =	rddreg [dreg:$0x15];
	[sflag:s6] =	ssyncadd.s32 $0xFFFFF000  }
0x68: {  	[spmem:s2] =	stream.indirect.scatter.add.f32 [tilespmem:s7], [sflag:$0x1], $0x10, s1, s8, $0xb8;
	[tilespmem:$0x5F80] =	vst v63  }
0x69: {  	_ =	swait.ge [sflag:s6], $0x1000  }
0x6a: {  	[sflag:s6] =	ssyncset.done $0x0  }
0x6b: {  	s1 =	rddreg [dreg:$0x16];
	[sflag:s6] =	ssyncadd.s32 $0xFFFFF000  }
0x6c: {  	[spmem:s2] =	stream.indirect.scatter.add.f32 [tilespmem:s7], [sflag:$0x1], $0x10, s1, s8, $0xb8;
	[tilespmem:$0x5F80] =	vst v63  }
0x6d: {  	_ =	swait.ge [sflag:s6], $0x1000  }
0x6e: {  	[sflag:s6] =	ssyncset.done $0x0  }
0x6f: {  	s1 =	rddreg [dreg:$0x17];
	[sflag:s6] =	ssyncadd.s32 $0xFFFFF000  }
0x70: {  	[spmem:s2] =	stream.indirect.scatter.add.f32 [tilespmem:s7], [sflag:$0x1], $0x10, s1, s8, $0xb8;
	[tilespmem:$0x5F80] =	vst v63  }
0x71: {  	_ =	swait.ge [sflag:s6], $0x1000  }
0x72: {  	[sflag:s6] =	ssyncset.done $0x0  }
0x73: {  	s1 =	rddreg [dreg:$0x18];
	[sflag:s6] =	ssyncadd.s32 $0xFFFFF000  }
0x74: {  	[spmem:s2] =	stream.indirect.scatter.add.f32 [tilespmem:s7], [sflag:$0x1], $0x10, s1, s8, $0xb8;
	[tilespmem:$0x5F80] =	vst v63  }
0x75: {  	_ =	swait.ge [sflag:s6], $0x1000  }
0x76: {  	[sflag:s6] =	ssyncset.done $0x0  }
0x77: {  	s1 =	rddreg [dreg:$0x19];
	[sflag:s6] =	ssyncadd.s32 $0xFFFFF000  }
0x78: {  	[spmem:s2] =	stream.indirect.scatter.add.f32 [tilespmem:s7], [sflag:$0x1], $0x10, s1, s8, $0xb8;
	[tilespmem:$0x5F80] =	vst v63  }
0x79: {  	_ =	swait.ge [sflag:s6], $0x1000  }
0x7a: {  	[sflag:s6] =	ssyncset.done $0x0  }
0x7b: {  	s1 =	rddreg [dreg:$0x1a];
	[sflag:s6] =	ssyncadd.s32 $0xFFFFF000  }
0x7c: {  	[spmem:s2] =	stream.indirect.scatter.add.f32 [tilespmem:s7], [sflag:$0x1], $0x10, s1, s8, $0xb8;
	[tilespmem:$0x5F80] =	vst v63  }
0x7d: {  	_ =	swait.ge [sflag:s6], $0x1000  }
0x7e: {  	[sflag:s6] =	ssyncset.done $0x0  }
0x7f: {  	[sflag:s6] =	ssyncadd.s32 $0xFFFFF000  }
0x80: {  	[spmem:s2] =	stream.indirect.scatter.add.f32 [tilespmem:s7], [sflag:$0x1], $0x10, s15, s8, $0xb8;
	[tilespmem:$0x5F80] =	vst v63  }
0x81: {  	_ =	swait.ge [sflag:s6], $0x1000  }
0x82: {  	[sflag:s6] =	ssyncset.done $0x0  }
0x83: {  	[sflag:s6] =	ssyncadd.s32 $0xFFFFF000  }
0x84: {  	[spmem:s2] =	stream.indirect.scatter.add.f32 [tilespmem:s7], [sflag:$0x1], $0x10, s29, s8, $0xb8;
	[tilespmem:$0x5F80] =	vst v63  }
0x85: {  	_ =	swait.ge [sflag:s6], $0x1000  }
0x86: {  	[sflag:s6] =	ssyncset.done $0x0  }
0x87: {  	[sflag:s6] =	ssyncadd.s32 $0xFFFFF000  }
0x88: {  	[spmem:s2] =	stream.indirect.scatter.add.f32 [tilespmem:s7], [sflag:$0x1], $0x10, s28, s8, $0xb8;
	[tilespmem:$0x5F80] =	vst v63  }
0x89: {  	_ =	swait.ge [sflag:s6], $0x1000  }
0x8a: {  	[sflag:s6] =	ssyncset.done $0x0  }
0x8b: {  	[sflag:s6] =	ssyncadd.s32 $0xFFFFF000  }
0x8c: {  	[spmem:s2] =	stream.indirect.scatter.add.f32 [tilespmem:s7], [sflag:$0x1], $0x10, s26, s8, $0xb8;
	[tilespmem:$0x5F80] =	vst v63  }
0x8d: {  	_ =	swait.ge [sflag:s6], $0x1000  }
0x8e: {  	[sflag:s6] =	ssyncset.done $0x0  }
0x8f: {  	[sflag:s6] =	ssyncadd.s32 $0xFFFFF000  }
0x90: {  	[spmem:s2] =	stream.indirect.scatter.add.f32 [tilespmem:s7], [sflag:$0x1], $0x10, s25, s8, $0xb8;
	[tilespmem:$0x5F80] =	vst v63  }
0x91: {  	_ =	swait.ge [sflag:s6], $0x1000  }
0x92: {  	[sflag:s6] =	ssyncset.done $0x0  }
0x93: {  	[sflag:s6] =	ssyncadd.s32 $0xFFFFF000  }
0x94: {  	[spmem:s2] =	stream.indirect.scatter.add.f32 [tilespmem:s7], [sflag:$0x1], $0x10, s24, s8, $0xb8;
	[tilespmem:$0x5F80] =	vst v63  }
0x95: {  	_ =	swait.ge [sflag:s6], $0x1000  }
0x96: {  	[sflag:s6] =	ssyncset.done $0x0  }
0x97: {  	[sflag:s6] =	ssyncadd.s32 $0xFFFFF000  }
0x98: {  	[spmem:s2] =	stream.indirect.scatter.add.f32 [tilespmem:s7], [sflag:$0x1], $0x10, s23, s8, $0xb8;
	[tilespmem:$0x5F80] =	vst v63  }
0x99: {  	_ =	swait.ge [sflag:s6], $0x1000  }
0x9a: {  	[sflag:s6] =	ssyncset.done $0x0  }
0x9b: {  	[sflag:s6] =	ssyncadd.s32 $0xFFFFF000  }
0x9c: {  	[spmem:s2] =	stream.indirect.scatter.add.f32 [tilespmem:s7], [sflag:$0x1], $0x10, s22, s8, $0xb8;
	[tilespmem:$0x5F80] =	vst v63  }
0x9d: {  	_ =	swait.ge [sflag:s6], $0x1000  }
0x9e: {  	[sflag:s6] =	ssyncset.done $0x0  }
0x9f: {  	[sflag:s6] =	ssyncadd.s32 $0xFFFFF000  }
0xa0: {  	[spmem:s2] =	stream.indirect.scatter.add.f32 [tilespmem:s7], [sflag:$0x1], $0x10, s21, s8, $0xb8;
	[tilespmem:$0x5F80] =	vst v63  }
0xa1: {  	_ =	swait.ge [sflag:s6], $0x1000  }
0xa2: {  	[sflag:s6] =	ssyncset.done $0x0  }
0xa3: {  	[sflag:s6] =	ssyncadd.s32 $0xFFFFF000  }
0xa4: {  	[spmem:s2] =	stream.indirect.scatter.add.f32 [tilespmem:s7], [sflag:$0x1], $0x10, s20, s8, $0xb8;
	[tilespmem:$0x5F80] =	vst v63  }
0xa5: {  	_ =	swait.ge [sflag:s6], $0x1000  }
0xa6: {  	[sflag:s6] =	ssyncset.done $0x0  }
0xa7: {  	[sflag:s6] =	ssyncadd.s32 $0xFFFFF000  }
0xa8: {  	[spmem:s2] =	stream.indirect.scatter.add.f32 [tilespmem:s7], [sflag:$0x1], $0x10, s19, s8, $0xb8;
	[tilespmem:$0x5F80] =	vst v63  }
0xa9: {  	_ =	swait.ge [sflag:s6], $0x1000  }
0xaa: {  	[sflag:s6] =	ssyncset.done $0x0  }
0xab: {  	[sflag:s6] =	ssyncadd.s32 $0xFFFFF000  }
0xac: {  	[spmem:s2] =	stream.indirect.scatter.add.f32 [tilespmem:s7], [sflag:$0x1], $0x10, s18, s8, $0xb8;
	[tilespmem:$0x5F80] =	vst v63  }
0xad: {  	_ =	swait.ge [sflag:s6], $0x1000  }
0xae: {  	[sflag:s6] =	ssyncset.done $0x0  }
0xaf: {  	[sflag:s6] =	ssyncadd.s32 $0xFFFFF000  }
0xb0: {  	[spmem:s2] =	stream.indirect.scatter.add.f32 [tilespmem:s7], [sflag:$0x1], $0x10, s17, s8, $0xb8;
	[tilespmem:$0x5F80] =	vst v63  }
0xb1: {  	_ =	swait.ge [sflag:s6], $0x1000  }
0xb2: {  	[sflag:s6] =	ssyncset.done $0x0  }
0xb3: {  	s1 =	simm.s32 $0x4980;
	[sflag:s6] =	ssyncadd.s32 $0xFFFFF000  }
0xb4: {  	[spmem:s2] =	stream.indirect.scatter.add.f32 [tilespmem:s7], [sflag:$0x1], $0x10, s1, s8, $0xb8;
	[tilespmem:$0x5F80] =	vst v63  }
0xb5: {  	_ =	swait.ge [sflag:s6], $0x1000  }
0xb6: {  	[sflag:s6] =	ssyncset.done $0x0  }
0xb7: {  	[sflag:s6] =	ssyncadd.s32 $0xFFFFF000  }
0xb8: {  	[spmem:s2] =	stream.indirect.scatter.add.f32 [tilespmem:s7], [sflag:$0x1], $0x10, s16, s8, $0xb8;
	[tilespmem:$0x5F80] =	vst v63  }
0xb9: {  	_ =	swait.ge [sflag:s6], $0x1000  }
0xba: {  	[sflag:s6] =	ssyncset.done $0x0  }
0xbb: {  	[sflag:s6] =	ssyncadd.s32 $0xFFFFF000  }
0xbc: {  	[spmem:s2] =	stream.indirect.scatter.add.f32 [tilespmem:s7], [sflag:$0x1], $0x10, s14, s8, $0xb8;
	[tilespmem:$0x5F80] =	vst v63  }
0xbd: {  	_ =	swait.ge [sflag:s6], $0x1000  }
0xbe: {  	[sflag:s6] =	ssyncset.done $0x0  }
0xbf: {  	[sflag:s6] =	ssyncadd.s32 $0xFFFFF000  }
0xc0: {  	[spmem:s2] =	stream.indirect.scatter.add.f32 [tilespmem:s7], [sflag:$0x1], $0x10, s13, s8, $0xb8;
	[tilespmem:$0x5F80] =	vst v63  }
0xc1: {  	_ =	swait.ge [sflag:s6], $0x1000  }
0xc2: {  	[sflag:s6] =	ssyncset.done $0x0  }
0xc3: {  	[sflag:s6] =	ssyncadd.s32 $0xFFFFF000  }
0xc4: {  	[spmem:s2] =	stream.indirect.scatter.add.f32 [tilespmem:s7], [sflag:$0x1], $0x10, s12, s8, $0xb8;
	[tilespmem:$0x5F80] =	vst v63  }
0xc5: {  	_ =	swait.ge [sflag:s6], $0x1000  }
0xc6: {  	[sflag:s6] =	ssyncset.done $0x0  }
0xc7: {  	[sflag:s6] =	ssyncadd.s32 $0xFFFFF000  }
0xc8: {  	[spmem:s2] =	stream.indirect.scatter.add.f32 [tilespmem:s7], [sflag:$0x1], $0x10, s11, s8, $0xb8;
	[tilespmem:$0x5F80] =	vst v63  }
0xc9: {  	_ =	swait.ge [sflag:s6], $0x1000  }
0xca: {  	[sflag:s6] =	ssyncset.done $0x0  }
0xcb: {  	[sflag:s6] =	ssyncadd.s32 $0xFFFFF000  }
0xcc: {  	_ =	swait.ge [sflag:s6], $0x1000  }
0xcd: {  	[sflag:s6] =	ssyncset.done $0x0  }
0xce: {  	[sflag:s6] =	ssyncadd.s32 $0xFFFFF000  }
0xcf: {  	_ =	swait.ge [sflag:s6], $0x1000  }
0xd0: {  	[sflag:s6] =	ssyncset.done $0x0  }
0xd1: {  	[sflag:s6] =	ssyncadd.s32 $0xFFFFF000  }
0xd2: {  	_ =	swait.ge [sflag:s6], $0x1000  }
0xd3: {  	[sflag:s6] =	ssyncset.done $0x0  }
0xd4: {  	p1 =	sne.s32 s9, $0x1;
	[sflag:s6] =	ssyncadd.s32 $0xFFFFF000  }
.Ltmp1:
0xd5: {  	[bflag:$0x0] =	sbarrier.arrive $0xFFFF;
	(pc) =	sbr.rel @!p1 .LBB2_3-.Ltmp1, $4  }
0xd6: {  	s1 =	rddreg [dreg:$0x6]  }
0xd7: {  	[hbm:s1@s10], [sflag:s3] =	dma.strided [spmem:s4@s5], $0x4F0, s6, $0x2   }
0xd8: {  	p0 =	por $0x1, $0x1;
	_ =	swait.ge [sflag:s5], $0x4F0  }
0xd9: {  	s1 =	sadd.s32 $0xFFFFFFFF, s9;
	s0 =	rddreg [dreg:$0x4];
	[sflag:s5] =	ssyncset.done $0x0  }
.LBB2_4:
0xda: {  	[sflag:s5] =	ssyncadd.s32 $0xFFFFFB10  }
0xdb: {  	[spmem:s4], [sflag:s3] =	dma.local [hbm:s0], $0x4F0  }
0xdc: {  	_ =	swait.ge [sflag:s5], $0x4F0  }
0xdd: {  	[sflag:s5] =	ssyncset.done $0x0  }
0xde: {  	s9 =	rddreg [dreg:$0x5];
	[sflag:s5] =	ssyncadd.s32 $0xFFFFFB10  }
0xdf: {  	[tilespmem:s31], [sflag:$0x2] =	stream.linear.gather [hbm4b:s9+s30], $0x2800, $0x38;
	[tilespmem:$0x5F80] =	vst v63  }
0xe0: {  	_ =	swait.ge [sflag:s5], $0x2800  }
0xe1: {  	[sflag:s5] =	ssyncset.done $0x0  }
0xe2: {  	s9 =	rddreg [dreg:$0x3];
	[sflag:s5] =	ssyncadd.s32 $0xFFFFD800  }
0xe3: {  	[tilespmem:s7], [sflag:$0x2] =	stream.linear.gather [hbm4b:s9+s30], $0x1000, $0x38;
	[tilespmem:$0x5F80] =	vst v63  }
0xe4: {  	_ =	swait.ge [sflag:s5], $0x1000  }
0xe5: {  	[sflag:s5] =	ssyncset.done $0x0  }
0xe6: {  	[sflag:s5] =	ssyncadd.s32 $0xFFFFF000  }
0xe7: {  	[bflag:$0x0] =	sbarrier.arrive $0xFFFF  }
0xe8: {  	[spmem:s2] =	stream.indirect.scatter.add.f32 [tilespmem:s7], [sflag:$0x1], $0x10, s31, s8, $0xb8;
	[tilespmem:$0x5F80] =	vst v63  }
0xe9: {  	s0 =	rddreg [dreg:$0x7]  }
0xea: {  	[spmem:s2] =	stream.indirect.scatter.add.f32 [tilespmem:s7], [sflag:$0x1], $0x10, s0, s8, $0xb8;
	[tilespmem:$0x5F80] =	vst v63  }
0xeb: {  	s9 =	rddreg [dreg:$0x8]  }
0xec: {  	[spmem:s2] =	stream.indirect.scatter.add.f32 [tilespmem:s7], [sflag:$0x1], $0x10, s9, s8, $0xb8;
	[tilespmem:$0x5F80] =	vst v63  }
0xed: {  	s0 =	rddreg [dreg:$0x9]  }
0xee: {  	[spmem:s2] =	stream.indirect.scatter.add.f32 [tilespmem:s7], [sflag:$0x1], $0x10, s0, s8, $0xb8;
	[tilespmem:$0x5F80] =	vst v63  }
0xef: {  	_ =	swait.ge [sflag:s6], $0x1000  }
0xf0: {  	[sflag:s6] =	ssyncset.done $0x0  }
0xf1: {  	s9 =	rddreg [dreg:$0xa];
	[sflag:s6] =	ssyncadd.s32 $0xFFFFF000  }
0xf2: {  	[spmem:s2] =	stream.indirect.scatter.add.f32 [tilespmem:s7], [sflag:$0x1], $0x10, s9, s8, $0xb8;
	[tilespmem:$0x5F80] =	vst v63  }
0xf3: {  	_ =	swait.ge [sflag:s6], $0x1000  }
0xf4: {  	[sflag:s6] =	ssyncset.done $0x0  }
0xf5: {  	s9 =	rddreg [dreg:$0xb];
	[sflag:s6] =	ssyncadd.s32 $0xFFFFF000  }
0xf6: {  	[spmem:s2] =	stream.indirect.scatter.add.f32 [tilespmem:s7], [sflag:$0x1], $0x10, s9, s8, $0xb8;
	[tilespmem:$0x5F80] =	vst v63  }
0xf7: {  	_ =	swait.ge [sflag:s6], $0x1000  }
0xf8: {  	[sflag:s6] =	ssyncset.done $0x0  }
0xf9: {  	s9 =	rddreg [dreg:$0xc];
	[sflag:s6] =	ssyncadd.s32 $0xFFFFF000  }
0xfa: {  	[spmem:s2] =	stream.indirect.scatter.add.f32 [tilespmem:s7], [sflag:$0x1], $0x10, s9, s8, $0xb8;
	[tilespmem:$0x5F80] =	vst v63  }
0xfb: {  	_ =	swait.ge [sflag:s6], $0x1000  }
0xfc: {  	[sflag:s6] =	ssyncset.done $0x0  }
0xfd: {  	s9 =	rddreg [dreg:$0xd];
	[sflag:s6] =	ssyncadd.s32 $0xFFFFF000  }
0xfe: {  	[spmem:s2] =	stream.indirect.scatter.add.f32 [tilespmem:s7], [sflag:$0x1], $0x10, s9, s8, $0xb8;
	[tilespmem:$0x5F80] =	vst v63  }
0xff: {  	_ =	swait.ge [sflag:s6], $0x1000  }
0x100: {  	[sflag:s6] =	ssyncset.done $0x0  }
0x101: {  	s9 =	rddreg [dreg:$0xe];
	[sflag:s6] =	ssyncadd.s32 $0xFFFFF000  }
0x102: {  	[spmem:s2] =	stream.indirect.scatter.add.f32 [tilespmem:s7], [sflag:$0x1], $0x10, s9, s8, $0xb8;
	[tilespmem:$0x5F80] =	vst v63  }
0x103: {  	_ =	swait.ge [sflag:s6], $0x1000  }
0x104: {  	[sflag:s6] =	ssyncset.done $0x0  }
0x105: {  	s9 =	rddreg [dreg:$0xf];
	[sflag:s6] =	ssyncadd.s32 $0xFFFFF000  }
0x106: {  	[spmem:s2] =	stream.indirect.scatter.add.f32 [tilespmem:s7], [sflag:$0x1], $0x10, s9, s8, $0xb8;
	[tilespmem:$0x5F80] =	vst v63  }
0x107: {  	_ =	swait.ge [sflag:s6], $0x1000  }
0x108: {  	[sflag:s6] =	ssyncset.done $0x0  }
0x109: {  	s9 =	rddreg [dreg:$0x10];
	[sflag:s6] =	ssyncadd.s32 $0xFFFFF000  }
0x10a: {  	[spmem:s2] =	stream.indirect.scatter.add.f32 [tilespmem:s7], [sflag:$0x1], $0x10, s9, s8, $0xb8;
	[tilespmem:$0x5F80] =	vst v63  }
0x10b: {  	_ =	swait.ge [sflag:s6], $0x1000  }
0x10c: {  	[sflag:s6] =	ssyncset.done $0x0  }
0x10d: {  	s9 =	rddreg [dreg:$0x11];
	[sflag:s6] =	ssyncadd.s32 $0xFFFFF000  }
0x10e: {  	[spmem:s2] =	stream.indirect.scatter.add.f32 [tilespmem:s7], [sflag:$0x1], $0x10, s9, s8, $0xb8;
	[tilespmem:$0x5F80] =	vst v63  }
0x10f: {  	_ =	swait.ge [sflag:s6], $0x1000  }
0x110: {  	[sflag:s6] =	ssyncset.done $0x0  }
0x111: {  	s9 =	rddreg [dreg:$0x12];
	[sflag:s6] =	ssyncadd.s32 $0xFFFFF000  }
0x112: {  	[spmem:s2] =	stream.indirect.scatter.add.f32 [tilespmem:s7], [sflag:$0x1], $0x10, s9, s8, $0xb8;
	[tilespmem:$0x5F80] =	vst v63  }
0x113: {  	_ =	swait.ge [sflag:s6], $0x1000  }
0x114: {  	[sflag:s6] =	ssyncset.done $0x0  }
0x115: {  	s9 =	rddreg [dreg:$0x13];
	[sflag:s6] =	ssyncadd.s32 $0xFFFFF000  }
0x116: {  	[spmem:s2] =	stream.indirect.scatter.add.f32 [tilespmem:s7], [sflag:$0x1], $0x10, s9, s8, $0xb8;
	[tilespmem:$0x5F80] =	vst v63  }
0x117: {  	_ =	swait.ge [sflag:s6], $0x1000  }
0x118: {  	[sflag:s6] =	ssyncset.done $0x0  }
0x119: {  	s9 =	rddreg [dreg:$0x14];
	[sflag:s6] =	ssyncadd.s32 $0xFFFFF000  }
0x11a: {  	[spmem:s2] =	stream.indirect.scatter.add.f32 [tilespmem:s7], [sflag:$0x1], $0x10, s9, s8, $0xb8;
	[tilespmem:$0x5F80] =	vst v63  }
0x11b: {  	_ =	swait.ge [sflag:s6], $0x1000  }
0x11c: {  	[sflag:s6] =	ssyncset.done $0x0  }
0x11d: {  	s9 =	rddreg [dreg:$0x15];
	[sflag:s6] =	ssyncadd.s32 $0xFFFFF000  }
0x11e: {  	[spmem:s2] =	stream.indirect.scatter.add.f32 [tilespmem:s7], [sflag:$0x1], $0x10, s9, s8, $0xb8;
	[tilespmem:$0x5F80] =	vst v63  }
0x11f: {  	_ =	swait.ge [sflag:s6], $0x1000  }
0x120: {  	[sflag:s6] =	ssyncset.done $0x0  }
0x121: {  	s9 =	rddreg [dreg:$0x16];
	[sflag:s6] =	ssyncadd.s32 $0xFFFFF000  }
0x122: {  	[spmem:s2] =	stream.indirect.scatter.add.f32 [tilespmem:s7], [sflag:$0x1], $0x10, s9, s8, $0xb8;
	[tilespmem:$0x5F80] =	vst v63  }
0x123: {  	_ =	swait.ge [sflag:s6], $0x1000  }
0x124: {  	[sflag:s6] =	ssyncset.done $0x0  }
0x125: {  	s9 =	rddreg [dreg:$0x17];
	[sflag:s6] =	ssyncadd.s32 $0xFFFFF000  }
0x126: {  	[spmem:s2] =	stream.indirect.scatter.add.f32 [tilespmem:s7], [sflag:$0x1], $0x10, s9, s8, $0xb8;
	[tilespmem:$0x5F80] =	vst v63  }
0x127: {  	_ =	swait.ge [sflag:s6], $0x1000  }
0x128: {  	[sflag:s6] =	ssyncset.done $0x0  }
0x129: {  	s9 =	rddreg [dreg:$0x18];
	[sflag:s6] =	ssyncadd.s32 $0xFFFFF000  }
0x12a: {  	[spmem:s2] =	stream.indirect.scatter.add.f32 [tilespmem:s7], [sflag:$0x1], $0x10, s9, s8, $0xb8;
	[tilespmem:$0x5F80] =	vst v63  }
0x12b: {  	_ =	swait.ge [sflag:s6], $0x1000  }
0x12c: {  	[sflag:s6] =	ssyncset.done $0x0  }
0x12d: {  	s9 =	rddreg [dreg:$0x19];
	[sflag:s6] =	ssyncadd.s32 $0xFFFFF000  }
0x12e: {  	[spmem:s2] =	stream.indirect.scatter.add.f32 [tilespmem:s7], [sflag:$0x1], $0x10, s9, s8, $0xb8;
	[tilespmem:$0x5F80] =	vst v63  }
0x12f: {  	_ =	swait.ge [sflag:s6], $0x1000  }
0x130: {  	[sflag:s6] =	ssyncset.done $0x0  }
0x131: {  	s9 =	rddreg [dreg:$0x1a];
	[sflag:s6] =	ssyncadd.s32 $0xFFFFF000  }
0x132: {  	[spmem:s2] =	stream.indirect.scatter.add.f32 [tilespmem:s7], [sflag:$0x1], $0x10, s9, s8, $0xb8;
	[tilespmem:$0x5F80] =	vst v63  }
0x133: {  	_ =	swait.ge [sflag:s6], $0x1000  }
0x134: {  	[sflag:s6] =	ssyncset.done $0x0  }
0x135: {  	[sflag:s6] =	ssyncadd.s32 $0xFFFFF000  }
0x136: {  	[spmem:s2] =	stream.indirect.scatter.add.f32 [tilespmem:s7], [sflag:$0x1], $0x10, s15, s8, $0xb8;
	[tilespmem:$0x5F80] =	vst v63  }
0x137: {  	_ =	swait.ge [sflag:s6], $0x1000  }
0x138: {  	[sflag:s6] =	ssyncset.done $0x0  }
0x139: {  	[sflag:s6] =	ssyncadd.s32 $0xFFFFF000  }
0x13a: {  	[spmem:s2] =	stream.indirect.scatter.add.f32 [tilespmem:s7], [sflag:$0x1], $0x10, s29, s8, $0xb8;
	[tilespmem:$0x5F80] =	vst v63  }
0x13b: {  	_ =	swait.ge [sflag:s6], $0x1000  }
0x13c: {  	[sflag:s6] =	ssyncset.done $0x0  }
0x13d: {  	[sflag:s6] =	ssyncadd.s32 $0xFFFFF000  }
0x13e: {  	[spmem:s2] =	stream.indirect.scatter.add.f32 [tilespmem:s7], [sflag:$0x1], $0x10, s28, s8, $0xb8;
	[tilespmem:$0x5F80] =	vst v63  }
0x13f: {  	_ =	swait.ge [sflag:s6], $0x1000  }
0x140: {  	[sflag:s6] =	ssyncset.done $0x0  }
0x141: {  	[sflag:s6] =	ssyncadd.s32 $0xFFFFF000  }
0x142: {  	[spmem:s2] =	stream.indirect.scatter.add.f32 [tilespmem:s7], [sflag:$0x1], $0x10, s26, s8, $0xb8;
	[tilespmem:$0x5F80] =	vst v63  }
0x143: {  	_ =	swait.ge [sflag:s6], $0x1000  }
0x144: {  	[sflag:s6] =	ssyncset.done $0x0  }
0x145: {  	[sflag:s6] =	ssyncadd.s32 $0xFFFFF000  }
0x146: {  	[spmem:s2] =	stream.indirect.scatter.add.f32 [tilespmem:s7], [sflag:$0x1], $0x10, s25, s8, $0xb8;
	[tilespmem:$0x5F80] =	vst v63  }
0x147: {  	_ =	swait.ge [sflag:s6], $0x1000  }
0x148: {  	[sflag:s6] =	ssyncset.done $0x0  }
0x149: {  	[sflag:s6] =	ssyncadd.s32 $0xFFFFF000  }
0x14a: {  	[spmem:s2] =	stream.indirect.scatter.add.f32 [tilespmem:s7], [sflag:$0x1], $0x10, s24, s8, $0xb8;
	[tilespmem:$0x5F80] =	vst v63  }
0x14b: {  	_ =	swait.ge [sflag:s6], $0x1000  }
0x14c: {  	[sflag:s6] =	ssyncset.done $0x0  }
0x14d: {  	[sflag:s6] =	ssyncadd.s32 $0xFFFFF000  }
0x14e: {  	[spmem:s2] =	stream.indirect.scatter.add.f32 [tilespmem:s7], [sflag:$0x1], $0x10, s23, s8, $0xb8;
	[tilespmem:$0x5F80] =	vst v63  }
0x14f: {  	_ =	swait.ge [sflag:s6], $0x1000  }
0x150: {  	[sflag:s6] =	ssyncset.done $0x0  }
0x151: {  	[sflag:s6] =	ssyncadd.s32 $0xFFFFF000  }
0x152: {  	[spmem:s2] =	stream.indirect.scatter.add.f32 [tilespmem:s7], [sflag:$0x1], $0x10, s22, s8, $0xb8;
	[tilespmem:$0x5F80] =	vst v63  }
0x153: {  	_ =	swait.ge [sflag:s6], $0x1000  }
0x154: {  	[sflag:s6] =	ssyncset.done $0x0  }
0x155: {  	[sflag:s6] =	ssyncadd.s32 $0xFFFFF000  }
0x156: {  	[spmem:s2] =	stream.indirect.scatter.add.f32 [tilespmem:s7], [sflag:$0x1], $0x10, s21, s8, $0xb8;
	[tilespmem:$0x5F80] =	vst v63  }
0x157: {  	_ =	swait.ge [sflag:s6], $0x1000  }
0x158: {  	[sflag:s6] =	ssyncset.done $0x0  }
0x159: {  	[sflag:s6] =	ssyncadd.s32 $0xFFFFF000  }
0x15a: {  	[spmem:s2] =	stream.indirect.scatter.add.f32 [tilespmem:s7], [sflag:$0x1], $0x10, s20, s8, $0xb8;
	[tilespmem:$0x5F80] =	vst v63  }
0x15b: {  	_ =	swait.ge [sflag:s6], $0x1000  }
0x15c: {  	[sflag:s6] =	ssyncset.done $0x0  }
0x15d: {  	[sflag:s6] =	ssyncadd.s32 $0xFFFFF000  }
0x15e: {  	[spmem:s2] =	stream.indirect.scatter.add.f32 [tilespmem:s7], [sflag:$0x1], $0x10, s19, s8, $0xb8;
	[tilespmem:$0x5F80] =	vst v63  }
0x15f: {  	_ =	swait.ge [sflag:s6], $0x1000  }
0x160: {  	[sflag:s6] =	ssyncset.done $0x0  }
0x161: {  	[sflag:s6] =	ssyncadd.s32 $0xFFFFF000  }
0x162: {  	[spmem:s2] =	stream.indirect.scatter.add.f32 [tilespmem:s7], [sflag:$0x1], $0x10, s18, s8, $0xb8;
	[tilespmem:$0x5F80] =	vst v63  }
0x163: {  	_ =	swait.ge [sflag:s6], $0x1000  }
0x164: {  	[sflag:s6] =	ssyncset.done $0x0  }
0x165: {  	[sflag:s6] =	ssyncadd.s32 $0xFFFFF000  }
0x166: {  	[spmem:s2] =	stream.indirect.scatter.add.f32 [tilespmem:s7], [sflag:$0x1], $0x10, s17, s8, $0xb8;
	[tilespmem:$0x5F80] =	vst v63  }
0x167: {  	_ =	swait.ge [sflag:s6], $0x1000  }
0x168: {  	[sflag:s6] =	ssyncset.done $0x0  }
0x169: {  	s9 =	simm.s32 $0x4980;
	[sflag:s6] =	ssyncadd.s32 $0xFFFFF000  }
0x16a: {  	[spmem:s2] =	stream.indirect.scatter.add.f32 [tilespmem:s7], [sflag:$0x1], $0x10, s9, s8, $0xb8;
	[tilespmem:$0x5F80] =	vst v63  }
0x16b: {  	_ =	swait.ge [sflag:s6], $0x1000  }
0x16c: {  	[sflag:s6] =	ssyncset.done $0x0  }
0x16d: {  	[sflag:s6] =	ssyncadd.s32 $0xFFFFF000  }
0x16e: {  	[spmem:s2] =	stream.indirect.scatter.add.f32 [tilespmem:s7], [sflag:$0x1], $0x10, s16, s8, $0xb8;
	[tilespmem:$0x5F80] =	vst v63  }
0x16f: {  	_ =	swait.ge [sflag:s6], $0x1000  }
0x170: {  	[sflag:s6] =	ssyncset.done $0x0  }
0x171: {  	[sflag:s6] =	ssyncadd.s32 $0xFFFFF000  }
0x172: {  	[spmem:s2] =	stream.indirect.scatter.add.f32 [tilespmem:s7], [sflag:$0x1], $0x10, s14, s8, $0xb8;
	[tilespmem:$0x5F80] =	vst v63  }
0x173: {  	_ =	swait.ge [sflag:s6], $0x1000  }
0x174: {  	[sflag:s6] =	ssyncset.done $0x0  }
0x175: {  	[sflag:s6] =	ssyncadd.s32 $0xFFFFF000  }
0x176: {  	[spmem:s2] =	stream.indirect.scatter.add.f32 [tilespmem:s7], [sflag:$0x1], $0x10, s13, s8, $0xb8;
	[tilespmem:$0x5F80] =	vst v63  }
0x177: {  	_ =	swait.ge [sflag:s6], $0x1000  }
0x178: {  	[sflag:s6] =	ssyncset.done $0x0  }
0x179: {  	[sflag:s6] =	ssyncadd.s32 $0xFFFFF000  }
0x17a: {  	[spmem:s2] =	stream.indirect.scatter.add.f32 [tilespmem:s7], [sflag:$0x1], $0x10, s12, s8, $0xb8;
	[tilespmem:$0x5F80] =	vst v63  }
0x17b: {  	_ =	swait.ge [sflag:s6], $0x1000  }
0x17c: {  	[sflag:s6] =	ssyncset.done $0x0  }
0x17d: {  	[sflag:s6] =	ssyncadd.s32 $0xFFFFF000  }
0x17e: {  	[spmem:s2] =	stream.indirect.scatter.add.f32 [tilespmem:s7], [sflag:$0x1], $0x10, s11, s8, $0xb8;
	[tilespmem:$0x5F80] =	vst v63  }
0x17f: {  	_ =	swait.ge [sflag:s6], $0x1000  }
0x180: {  	[sflag:s6] =	ssyncset.done $0x0  }
0x181: {  	[sflag:s6] =	ssyncadd.s32 $0xFFFFF000  }
0x182: {  	_ =	swait.ge [sflag:s6], $0x1000  }
0x183: {  	[sflag:s6] =	ssyncset.done $0x0  }
0x184: {  	[sflag:s6] =	ssyncadd.s32 $0xFFFFF000  }
0x185: {  	_ =	swait.ge [sflag:s6], $0x1000  }
0x186: {  	[sflag:s6] =	ssyncset.done $0x0  }
0x187: {  	[sflag:s6] =	ssyncadd.s32 $0xFFFFF000  }
0x188: {  	_ =	swait.ge [sflag:s6], $0x1000  }
0x189: {  	[sflag:s6] =	ssyncset.done $0x0  }
0x18a: {  	p1 =	sne.s32 s1, $0x1;
	[sflag:s6] =	ssyncadd.s32 $0xFFFFF000  }
.Ltmp2:
0x18b: {  	[bflag:$0x0] =	sbarrier.arrive $0xFFFF;
	(pc) =	sbr.rel @p1 .LBB2_4-.Ltmp2, $4  }
0x18c: {  	s9 =	rddreg [dreg:$0x6]  }
0x18d: {  	[hbm:s9@s10], [sflag:s3] =	dma.strided [spmem:s4@s5], $0x4F0, s6, $0x2   }
0x18e: {  	_ =	swait.ge [sflag:s5], $0x4F0  }
0x18f: {  	s1 =	sadd.s32 $0xFFFFFFFF, s1;
	s0 =	rddreg [dreg:$0x4];
	[sflag:s5] =	ssyncset.done $0x0  }
0x190: {  	s10 =	simm.s32 $0x3C80;
	s29 =	simm.s32 $0x3D80  }
0x191: {  	s28 =	simm.s32 $0x3E80;
	s26 =	simm.s32 $0x3F80;
	s25 =	simm.s32 $0x4080  }
0x192: {  	s24 =	simm.s32 $0x4180;
	s23 =	simm.s32 $0x4280;
	s22 =	simm.s32 $0x4380  }
0x193: {  	s21 =	simm.s32 $0x4480;
	s20 =	simm.s32 $0x4580;
	s19 =	simm.s32 $0x4680  }
0x194: {  	s18 =	simm.s32 $0x4780;
	s17 =	simm.s32 $0x4880;
	s16 =	simm.s32 $0x4A80  }
0x195: {  	s15 =	simm.s32 $0x4980;
	s14 =	simm.s32 $0x4B80;
	s13 =	simm.s32 $0x4C80  }
0x196: {  	s12 =	simm.s32 $0x4D80;
	s11 =	simm.s32 $0x4E80;
	s9 =	stileid.u32  }
.LBB2_6:
0x197: {  	[sflag:s5] =	ssyncadd.s32 @p0 $0xFFFFFB10  }
0x198: {  	[spmem:s4], [sflag:s3] =	dma.local [hbm:s0], $0x4F0  }
0x199: {  	_ =	swait.ge [sflag:s5], $0x4F0  }
0x19a: {  	[sflag:s5] =	ssyncset.done $0x0  }
0x19b: {  	s1 =	rddreg [dreg:$0x5];
	[sflag:s5] =	ssyncadd.s32 $0xFFFFFB10  }
0x19c: {  	[tilespmem:s31], [sflag:$0x2] =	stream.linear.gather [hbm4b:s1+s30], $0x2800, $0x38;
	[tilespmem:$0x5F80] =	vst v63  }
0x19d: {  	_ =	swait.ge [sflag:s5], $0x2800  }
0x19e: {  	[sflag:s5] =	ssyncset.done $0x0  }
0x19f: {  	s1 =	rddreg [dreg:$0x3];
	[sflag:s5] =	ssyncadd.s32 $0xFFFFD800  }
0x1a0: {  	[tilespmem:s7], [sflag:$0x2] =	stream.linear.gather [hbm4b:s1+s30], $0x1000, $0x38;
	[tilespmem:$0x5F80] =	vst v63  }
0x1a1: {  	_ =	swait.ge [sflag:s5], $0x1000  }
0x1a2: {  	[sflag:s5] =	ssyncset.done $0x0  }
0x1a3: {  	[sflag:s5] =	ssyncadd.s32 $0xFFFFF000  }
0x1a4: {  	[bflag:$0x0] =	sbarrier.arrive $0xFFFF  }
0x1a5: {  	[spmem:s2] =	stream.indirect.scatter.add.f32 [tilespmem:s7], [sflag:$0x1], $0x10, s31, s8, $0xb8;
	[tilespmem:$0x5F80] =	vst v63  }
0x1a6: {  	s30 =	rddreg [dreg:$0x7]  }
0x1a7: {  	[spmem:s2] =	stream.indirect.scatter.add.f32 [tilespmem:s7], [sflag:$0x1], $0x10, s30, s8, $0xb8;
	[tilespmem:$0x5F80] =	vst v63  }
0x1a8: {  	s1 =	rddreg [dreg:$0x8]  }
0x1a9: {  	[spmem:s2] =	stream.indirect.scatter.add.f32 [tilespmem:s7], [sflag:$0x1], $0x10, s1, s8, $0xb8;
	[tilespmem:$0x5F80] =	vst v63  }
0x1aa: {  	s30 =	rddreg [dreg:$0x9]  }
0x1ab: {  	[spmem:s2] =	stream.indirect.scatter.add.f32 [tilespmem:s7], [sflag:$0x1], $0x10, s30, s8, $0xb8;
	[tilespmem:$0x5F80] =	vst v63  }
0x1ac: {  	_ =	swait.ge [sflag:s6], $0x1000  }
0x1ad: {  	[sflag:s6] =	ssyncset.done $0x0  }
0x1ae: {  	s31 =	rddreg [dreg:$0xa];
	[sflag:s6] =	ssyncadd.s32 $0xFFFFF000  }
0x1af: {  	[spmem:s2] =	stream.indirect.scatter.add.f32 [tilespmem:s7], [sflag:$0x1], $0x10, s31, s8, $0xb8;
	[tilespmem:$0x5F80] =	vst v63  }
0x1b0: {  	_ =	swait.ge [sflag:s6], $0x1000  }
0x1b1: {  	[sflag:s6] =	ssyncset.done $0x0  }
0x1b2: {  	s1 =	rddreg [dreg:$0xb];
	[sflag:s6] =	ssyncadd.s32 $0xFFFFF000  }
0x1b3: {  	[spmem:s2] =	stream.indirect.scatter.add.f32 [tilespmem:s7], [sflag:$0x1], $0x10, s1, s8, $0xb8;
	[tilespmem:$0x5F80] =	vst v63  }
0x1b4: {  	_ =	swait.ge [sflag:s6], $0x1000  }
0x1b5: {  	[sflag:s6] =	ssyncset.done $0x0  }
0x1b6: {  	s30 =	rddreg [dreg:$0xc];
	[sflag:s6] =	ssyncadd.s32 $0xFFFFF000  }
0x1b7: {  	[spmem:s2] =	stream.indirect.scatter.add.f32 [tilespmem:s7], [sflag:$0x1], $0x10, s30, s8, $0xb8;
	[tilespmem:$0x5F80] =	vst v63  }
0x1b8: {  	_ =	swait.ge [sflag:s6], $0x1000  }
0x1b9: {  	[sflag:s6] =	ssyncset.done $0x0  }
0x1ba: {  	s31 =	rddreg [dreg:$0xd];
	[sflag:s6] =	ssyncadd.s32 $0xFFFFF000  }
0x1bb: {  	[spmem:s2] =	stream.indirect.scatter.add.f32 [tilespmem:s7], [sflag:$0x1], $0x10, s31, s8, $0xb8;
	[tilespmem:$0x5F80] =	vst v63  }
0x1bc: {  	_ =	swait.ge [sflag:s6], $0x1000  }
0x1bd: {  	[sflag:s6] =	ssyncset.done $0x0  }
0x1be: {  	s1 =	rddreg [dreg:$0xe];
	[sflag:s6] =	ssyncadd.s32 $0xFFFFF000  }
0x1bf: {  	[spmem:s2] =	stream.indirect.scatter.add.f32 [tilespmem:s7], [sflag:$0x1], $0x10, s1, s8, $0xb8;
	[tilespmem:$0x5F80] =	vst v63  }
0x1c0: {  	_ =	swait.ge [sflag:s6], $0x1000  }
0x1c1: {  	[sflag:s6] =	ssyncset.done $0x0  }
0x1c2: {  	s30 =	rddreg [dreg:$0xf];
	[sflag:s6] =	ssyncadd.s32 $0xFFFFF000  }
0x1c3: {  	[spmem:s2] =	stream.indirect.scatter.add.f32 [tilespmem:s7], [sflag:$0x1], $0x10, s30, s8, $0xb8;
	[tilespmem:$0x5F80] =	vst v63  }
0x1c4: {  	_ =	swait.ge [sflag:s6], $0x1000  }
0x1c5: {  	[sflag:s6] =	ssyncset.done $0x0  }
0x1c6: {  	s31 =	rddreg [dreg:$0x10];
	[sflag:s6] =	ssyncadd.s32 $0xFFFFF000  }
0x1c7: {  	[spmem:s2] =	stream.indirect.scatter.add.f32 [tilespmem:s7], [sflag:$0x1], $0x10, s31, s8, $0xb8;
	[tilespmem:$0x5F80] =	vst v63  }
0x1c8: {  	_ =	swait.ge [sflag:s6], $0x1000  }
0x1c9: {  	[sflag:s6] =	ssyncset.done $0x0  }
0x1ca: {  	s1 =	rddreg [dreg:$0x11];
	[sflag:s6] =	ssyncadd.s32 $0xFFFFF000  }
0x1cb: {  	[spmem:s2] =	stream.indirect.scatter.add.f32 [tilespmem:s7], [sflag:$0x1], $0x10, s1, s8, $0xb8;
	[tilespmem:$0x5F80] =	vst v63  }
0x1cc: {  	_ =	swait.ge [sflag:s6], $0x1000  }
0x1cd: {  	[sflag:s6] =	ssyncset.done $0x0  }
0x1ce: {  	s30 =	rddreg [dreg:$0x12];
	[sflag:s6] =	ssyncadd.s32 $0xFFFFF000  }
0x1cf: {  	[spmem:s2] =	stream.indirect.scatter.add.f32 [tilespmem:s7], [sflag:$0x1], $0x10, s30, s8, $0xb8;
	[tilespmem:$0x5F80] =	vst v63  }
0x1d0: {  	_ =	swait.ge [sflag:s6], $0x1000  }
0x1d1: {  	[sflag:s6] =	ssyncset.done $0x0  }
0x1d2: {  	s31 =	rddreg [dreg:$0x13];
	[sflag:s6] =	ssyncadd.s32 $0xFFFFF000  }
0x1d3: {  	[spmem:s2] =	stream.indirect.scatter.add.f32 [tilespmem:s7], [sflag:$0x1], $0x10, s31, s8, $0xb8;
	[tilespmem:$0x5F80] =	vst v63  }
0x1d4: {  	_ =	swait.ge [sflag:s6], $0x1000  }
0x1d5: {  	[sflag:s6] =	ssyncset.done $0x0  }
0x1d6: {  	s1 =	rddreg [dreg:$0x14];
	[sflag:s6] =	ssyncadd.s32 $0xFFFFF000  }
0x1d7: {  	[spmem:s2] =	stream.indirect.scatter.add.f32 [tilespmem:s7], [sflag:$0x1], $0x10, s1, s8, $0xb8;
	[tilespmem:$0x5F80] =	vst v63  }
0x1d8: {  	_ =	swait.ge [sflag:s6], $0x1000  }
0x1d9: {  	[sflag:s6] =	ssyncset.done $0x0  }
0x1da: {  	s30 =	rddreg [dreg:$0x15];
	[sflag:s6] =	ssyncadd.s32 $0xFFFFF000  }
0x1db: {  	[spmem:s2] =	stream.indirect.scatter.add.f32 [tilespmem:s7], [sflag:$0x1], $0x10, s30, s8, $0xb8;
	[tilespmem:$0x5F80] =	vst v63  }
0x1dc: {  	_ =	swait.ge [sflag:s6], $0x1000  }
0x1dd: {  	[sflag:s6] =	ssyncset.done $0x0  }
0x1de: {  	s31 =	rddreg [dreg:$0x16];
	[sflag:s6] =	ssyncadd.s32 $0xFFFFF000  }
0x1df: {  	[spmem:s2] =	stream.indirect.scatter.add.f32 [tilespmem:s7], [sflag:$0x1], $0x10, s31, s8, $0xb8;
	[tilespmem:$0x5F80] =	vst v63  }
0x1e0: {  	_ =	swait.ge [sflag:s6], $0x1000  }
0x1e1: {  	[sflag:s6] =	ssyncset.done $0x0  }
0x1e2: {  	s1 =	rddreg [dreg:$0x17];
	[sflag:s6] =	ssyncadd.s32 $0xFFFFF000  }
0x1e3: {  	[spmem:s2] =	stream.indirect.scatter.add.f32 [tilespmem:s7], [sflag:$0x1], $0x10, s1, s8, $0xb8;
	[tilespmem:$0x5F80] =	vst v63  }
0x1e4: {  	_ =	swait.ge [sflag:s6], $0x1000  }
0x1e5: {  	[sflag:s6] =	ssyncset.done $0x0  }
0x1e6: {  	s30 =	rddreg [dreg:$0x18];
	[sflag:s6] =	ssyncadd.s32 $0xFFFFF000  }
0x1e7: {  	[spmem:s2] =	stream.indirect.scatter.add.f32 [tilespmem:s7], [sflag:$0x1], $0x10, s30, s8, $0xb8;
	[tilespmem:$0x5F80] =	vst v63  }
0x1e8: {  	_ =	swait.ge [sflag:s6], $0x1000  }
0x1e9: {  	[sflag:s6] =	ssyncset.done $0x0  }
0x1ea: {  	s31 =	rddreg [dreg:$0x19];
	[sflag:s6] =	ssyncadd.s32 $0xFFFFF000  }
0x1eb: {  	[spmem:s2] =	stream.indirect.scatter.add.f32 [tilespmem:s7], [sflag:$0x1], $0x10, s31, s8, $0xb8;
	[tilespmem:$0x5F80] =	vst v63  }
0x1ec: {  	_ =	swait.ge [sflag:s6], $0x1000  }
0x1ed: {  	[sflag:s6] =	ssyncset.done $0x0  }
0x1ee: {  	s1 =	rddreg [dreg:$0x1a];
	[sflag:s6] =	ssyncadd.s32 $0xFFFFF000  }
0x1ef: {  	[spmem:s2] =	stream.indirect.scatter.add.f32 [tilespmem:s7], [sflag:$0x1], $0x10, s1, s8, $0xb8;
	[tilespmem:$0x5F80] =	vst v63  }
0x1f0: {  	_ =	swait.ge [sflag:s6], $0x1000  }
0x1f1: {  	[sflag:s6] =	ssyncset.done $0x0  }
0x1f2: {  	[sflag:s6] =	ssyncadd.s32 $0xFFFFF000  }
0x1f3: {  	[spmem:s2] =	stream.indirect.scatter.add.f32 [tilespmem:s7], [sflag:$0x1], $0x10, s10, s8, $0xb8;
	[tilespmem:$0x5F80] =	vst v63  }
0x1f4: {  	_ =	swait.ge [sflag:s6], $0x1000  }
0x1f5: {  	[sflag:s6] =	ssyncset.done $0x0  }
0x1f6: {  	[sflag:s6] =	ssyncadd.s32 $0xFFFFF000  }
0x1f7: {  	[spmem:s2] =	stream.indirect.scatter.add.f32 [tilespmem:s7], [sflag:$0x1], $0x10, s29, s8, $0xb8;
	[tilespmem:$0x5F80] =	vst v63  }
0x1f8: {  	_ =	swait.ge [sflag:s6], $0x1000  }
0x1f9: {  	[sflag:s6] =	ssyncset.done $0x0  }
0x1fa: {  	[sflag:s6] =	ssyncadd.s32 $0xFFFFF000  }
0x1fb: {  	[spmem:s2] =	stream.indirect.scatter.add.f32 [tilespmem:s7], [sflag:$0x1], $0x10, s28, s8, $0xb8;
	[tilespmem:$0x5F80] =	vst v63  }
0x1fc: {  	_ =	swait.ge [sflag:s6], $0x1000  }
0x1fd: {  	[sflag:s6] =	ssyncset.done $0x0  }
0x1fe: {  	[sflag:s6] =	ssyncadd.s32 $0xFFFFF000  }
0x1ff: {  	[spmem:s2] =	stream.indirect.scatter.add.f32 [tilespmem:s7], [sflag:$0x1], $0x10, s26, s8, $0xb8;
	[tilespmem:$0x5F80] =	vst v63  }
0x200: {  	_ =	swait.ge [sflag:s6], $0x1000  }
0x201: {  	[sflag:s6] =	ssyncset.done $0x0  }
0x202: {  	[sflag:s6] =	ssyncadd.s32 $0xFFFFF000  }
0x203: {  	[spmem:s2] =	stream.indirect.scatter.add.f32 [tilespmem:s7], [sflag:$0x1], $0x10, s25, s8, $0xb8;
	[tilespmem:$0x5F80] =	vst v63  }
0x204: {  	_ =	swait.ge [sflag:s6], $0x1000  }
0x205: {  	[sflag:s6] =	ssyncset.done $0x0  }
0x206: {  	[sflag:s6] =	ssyncadd.s32 $0xFFFFF000  }
0x207: {  	[spmem:s2] =	stream.indirect.scatter.add.f32 [tilespmem:s7], [sflag:$0x1], $0x10, s24, s8, $0xb8;
	[tilespmem:$0x5F80] =	vst v63  }
0x208: {  	_ =	swait.ge [sflag:s6], $0x1000  }
0x209: {  	[sflag:s6] =	ssyncset.done $0x0  }
0x20a: {  	[sflag:s6] =	ssyncadd.s32 $0xFFFFF000  }
0x20b: {  	[spmem:s2] =	stream.indirect.scatter.add.f32 [tilespmem:s7], [sflag:$0x1], $0x10, s23, s8, $0xb8;
	[tilespmem:$0x5F80] =	vst v63  }
0x20c: {  	_ =	swait.ge [sflag:s6], $0x1000  }
0x20d: {  	[sflag:s6] =	ssyncset.done $0x0  }
0x20e: {  	[sflag:s6] =	ssyncadd.s32 $0xFFFFF000  }
0x20f: {  	[spmem:s2] =	stream.indirect.scatter.add.f32 [tilespmem:s7], [sflag:$0x1], $0x10, s22, s8, $0xb8;
	[tilespmem:$0x5F80] =	vst v63  }
0x210: {  	_ =	swait.ge [sflag:s6], $0x1000  }
0x211: {  	[sflag:s6] =	ssyncset.done $0x0  }
0x212: {  	[sflag:s6] =	ssyncadd.s32 $0xFFFFF000  }
0x213: {  	[spmem:s2] =	stream.indirect.scatter.add.f32 [tilespmem:s7], [sflag:$0x1], $0x10, s21, s8, $0xb8;
	[tilespmem:$0x5F80] =	vst v63  }
0x214: {  	_ =	swait.ge [sflag:s6], $0x1000  }
0x215: {  	[sflag:s6] =	ssyncset.done $0x0  }
0x216: {  	[sflag:s6] =	ssyncadd.s32 $0xFFFFF000  }
0x217: {  	[spmem:s2] =	stream.indirect.scatter.add.f32 [tilespmem:s7], [sflag:$0x1], $0x10, s20, s8, $0xb8;
	[tilespmem:$0x5F80] =	vst v63  }
0x218: {  	_ =	swait.ge [sflag:s6], $0x1000  }
0x219: {  	[sflag:s6] =	ssyncset.done $0x0  }
0x21a: {  	[sflag:s6] =	ssyncadd.s32 $0xFFFFF000  }
0x21b: {  	[spmem:s2] =	stream.indirect.scatter.add.f32 [tilespmem:s7], [sflag:$0x1], $0x10, s19, s8, $0xb8;
	[tilespmem:$0x5F80] =	vst v63  }
0x21c: {  	_ =	swait.ge [sflag:s6], $0x1000  }
0x21d: {  	[sflag:s6] =	ssyncset.done $0x0  }
0x21e: {  	[sflag:s6] =	ssyncadd.s32 $0xFFFFF000  }
0x21f: {  	[spmem:s2] =	stream.indirect.scatter.add.f32 [tilespmem:s7], [sflag:$0x1], $0x10, s18, s8, $0xb8;
	[tilespmem:$0x5F80] =	vst v63  }
0x220: {  	_ =	swait.ge [sflag:s6], $0x1000  }
0x221: {  	[sflag:s6] =	ssyncset.done $0x0  }
0x222: {  	[sflag:s6] =	ssyncadd.s32 $0xFFFFF000  }
0x223: {  	[spmem:s2] =	stream.indirect.scatter.add.f32 [tilespmem:s7], [sflag:$0x1], $0x10, s17, s8, $0xb8;
	[tilespmem:$0x5F80] =	vst v63  }
0x224: {  	_ =	swait.ge [sflag:s6], $0x1000  }
0x225: {  	[sflag:s6] =	ssyncset.done $0x0  }
0x226: {  	[sflag:s6] =	ssyncadd.s32 $0xFFFFF000  }
0x227: {  	[spmem:s2] =	stream.indirect.scatter.add.f32 [tilespmem:s7], [sflag:$0x1], $0x10, s15, s8, $0xb8;
	[tilespmem:$0x5F80] =	vst v63  }
0x228: {  	_ =	swait.ge [sflag:s6], $0x1000  }
0x229: {  	[sflag:s6] =	ssyncset.done $0x0  }
0x22a: {  	[sflag:s6] =	ssyncadd.s32 $0xFFFFF000  }
0x22b: {  	[spmem:s2] =	stream.indirect.scatter.add.f32 [tilespmem:s7], [sflag:$0x1], $0x10, s16, s8, $0xb8;
	[tilespmem:$0x5F80] =	vst v63  }
0x22c: {  	_ =	swait.ge [sflag:s6], $0x1000  }
0x22d: {  	[sflag:s6] =	ssyncset.done $0x0  }
0x22e: {  	[sflag:s6] =	ssyncadd.s32 $0xFFFFF000  }
0x22f: {  	[spmem:s2] =	stream.indirect.scatter.add.f32 [tilespmem:s7], [sflag:$0x1], $0x10, s14, s8, $0xb8;
	[tilespmem:$0x5F80] =	vst v63  }
0x230: {  	_ =	swait.ge [sflag:s6], $0x1000  }
0x231: {  	[sflag:s6] =	ssyncset.done $0x0  }
0x232: {  	[sflag:s6] =	ssyncadd.s32 $0xFFFFF000  }
0x233: {  	[spmem:s2] =	stream.indirect.scatter.add.f32 [tilespmem:s7], [sflag:$0x1], $0x10, s13, s8, $0xb8;
	[tilespmem:$0x5F80] =	vst v63  }
0x234: {  	_ =	swait.ge [sflag:s6], $0x1000  }
0x235: {  	[sflag:s6] =	ssyncset.done $0x0  }
0x236: {  	[sflag:s6] =	ssyncadd.s32 $0xFFFFF000  }
0x237: {  	[spmem:s2] =	stream.indirect.scatter.add.f32 [tilespmem:s7], [sflag:$0x1], $0x10, s12, s8, $0xb8;
	[tilespmem:$0x5F80] =	vst v63  }
0x238: {  	_ =	swait.ge [sflag:s6], $0x1000  }
0x239: {  	[sflag:s6] =	ssyncset.done $0x0  }
0x23a: {  	[sflag:s6] =	ssyncadd.s32 $0xFFFFF000  }
0x23b: {  	[spmem:s2] =	stream.indirect.scatter.add.f32 [tilespmem:s7], [sflag:$0x1], $0x10, s11, s8, $0xb8;
	[tilespmem:$0x5F80] =	vst v63  }
0x23c: {  	_ =	swait.ge [sflag:s6], $0x1000  }
0x23d: {  	[sflag:s6] =	ssyncset.done $0x0  }
0x23e: {  	[sflag:s6] =	ssyncadd.s32 $0xFFFFF000  }
0x23f: {  	_ =	swait.ge [sflag:s6], $0x1000  }
0x240: {  	[sflag:s6] =	ssyncset.done $0x0  }
0x241: {  	[sflag:s6] =	ssyncadd.s32 $0xFFFFF000  }
0x242: {  	_ =	swait.ge [sflag:s6], $0x1000  }
0x243: {  	[sflag:s6] =	ssyncset.done $0x0  }
0x244: {  	[sflag:s6] =	ssyncadd.s32 $0xFFFFF000  }
0x245: {  	_ =	swait.ge [sflag:s6], $0x1000  }
0x246: {  	[sflag:s6] =	ssyncset.done $0x0  }
0x247: {  	[sflag:s6] =	ssyncadd.s32 $0xFFFFF000  }
0x248: {  	[bflag:$0x0] =	sbarrier.arrive $0xFFFF  }
0x249: {  	s31 =	simm.s32 $0x10;
	s30 =	rddreg [dreg:$0x6]  }
0x24a: {  	[hbm:s30@s31], [sflag:s3] =	dma.strided [spmem:s4@s5], $0x4F0, s6, $0x2   }
0x24b: {  	_ =	swait.ge [sflag:s5], $0x4F0  }
0x24c: {  	[sflag:s5] =	ssyncset.done $0x0  }
0x24d: {  	[sflag:s5] =	ssyncadd.s32 $0xFFFFFB10  }
0x24e: {  	_ =	sfence.sel $0x180000  }
0x24f: {  	[bflag:$0x0] =	sbarrier.arrive $0xFFFF  }
0x250: {  	_ =	strace $0x9000004A  }
0x251: {  	[bflag:$0x2] =	sbarrier.arrive $0xFFFF  }
0x252: {  	p0 =	sne.s32 s9, $0x0;
	s0 =	rddreg [dreg:$0x2]  }
0x253: {  	s0 =	sadd.s32 @!p0 $0x100000, s0  }
0x254: {  	[sflag:s0] =	ssyncadd.tile.s32 @!p0 $0x1;
	_ =	shalt  }
.LBB2_1:
0x255: {  	s10 =	simm.s32 $0x3C80;
	s29 =	simm.s32 $0x3D80  }
0x256: {  	s28 =	simm.s32 $0x3E80;
	s26 =	simm.s32 $0x3F80;
	s25 =	simm.s32 $0x4080  }
.Ltmp3:
0x257: {  	s24 =	simm.s32 $0x4180;
	s23 =	simm.s32 $0x4280;
	(pc) =	sbr.rel .LBB2_6-.Ltmp3, $4  }
0x258: {  	s22 =	simm.s32 $0x4380;
	s21 =	simm.s32 $0x4480;
	s20 =	simm.s32 $0x4580  }
0x259: {  	s19 =	simm.s32 $0x4680;
	s18 =	simm.s32 $0x4780;
	s17 =	simm.s32 $0x4880  }
0x25a: {  	s16 =	simm.s32 $0x4A80;
	s15 =	simm.s32 $0x4980;
	s14 =	simm.s32 $0x4B80  }
0x25b: {  	s13 =	simm.s32 $0x4C80;
	s12 =	simm.s32 $0x4D80;
	s11 =	simm.s32 $0x4E80  }
.LBB2_3:
0x25c: {  	s10 =	simm.s32 $0x3C80;
	s29 =	simm.s32 $0x3D80;
	s28 =	simm.s32 $0x3E80  }
0x25d: {  	s26 =	simm.s32 $0x3F80;
	s25 =	simm.s32 $0x4080;
	s24 =	simm.s32 $0x4180  }
.Ltmp4:
0x25e: {  	s23 =	simm.s32 $0x4280;
	s22 =	simm.s32 $0x4380;
	(pc) =	sbr.rel .LBB2_6-.Ltmp4, $4  }
0x25f: {  	s21 =	simm.s32 $0x4480;
	s20 =	simm.s32 $0x4580;
	s19 =	simm.s32 $0x4680  }
0x260: {  	s18 =	simm.s32 $0x4780;
	s17 =	simm.s32 $0x4880;
	s16 =	simm.s32 $0x4A80  }
0x261: {  	s15 =	simm.s32 $0x4980;
	s14 =	simm.s32 $0x4B80;
	s13 =	simm.s32 $0x4C80  }
0x262: {  	s12 =	simm.s32 $0x4D80;
	s11 =	simm.s32 $0x4E80;
	s9 =	stileid.u32  }
.Lfunc_end2:
_tile_overlayer_lowered:
.L_overlay_start_2:
0x263: {  	(tag) =	ssettag $0x2  }
0x264: {  	s0 =	rddreg [dreg:$0x0];
	s2 =	stileid.u32  }
0x265: {  	s1 =	rddreg [dreg:$0x1];
	p0 =	sne.s32 s2, $0x0  }
0x266: {  	s3 =	rddreg [dreg:$0x2];
	[bflag:$0x3] =	sbarrier.arrive $0xFFFF;
	s2 =	simm.s32 @!p0 $0x1C02  }
0x267: {  	[timem:s3], [sflag:s2] =	dma.local @!p0 [hbm:s0], s1  }
0x268: {  	s0 =	simm.s32 @!p0 $0x2  }
0x269: {  	_ =	swait.ge @!p0 [sflag:s0], s1  }
0x26a: {  	s1 =	ssub.s32 @!p0 $0x0, s1;
	[sflag:s0] =	ssyncset.done @!p0 $0x0  }
0x26b: {  	[sflag:s0] =	ssyncadd.s32 @!p0 s1  }
0x26c: {  	[bflag:$0x3] =	sbarrier.arrive $0xFFFF  }
0x26d: {  	_ =	shalt  }

// kernel: kernel.14.cloned.1.call-start
scs
__scs_entry_jumppad:
0x0: {  	(pc) =	sbr.rel $0x88, $3  }
0x1: {  	(tag) =	ssettag $0x0;
	lr =	simm.s32 $0x1  }
0x2: {  	[smem:$0x3F8F] =	sst lr;
	_ =	strace $0xD0000000  }
0x3: {  	_ = 	snop  }
0x4: {  	_ = 	snop  }
0x5: {  	_ = 	snop  }
0x6: {  	_ = 	snop  }
0x7: {  	_ = 	snop  }
__scs_overlays_trampoline_lowered:
0x8: {  	[smem:$0x3F9E] =	sst s0  }
0x9: {  	[smem:$0x3F9F] =	sst s1  }
0xa: {  	[smem:$0x3FA0] =	sst s2  }
0xb: {  	[smem:$0x3FA1] =	sst s3  }
0xc: {  	[smem:$0x3FA2] =	sst s4  }
0xd: {  	[smem:$0x3FA3] =	sst s5  }
0xe: {  	[smem:$0x3FA4] =	sst s6  }
0xf: {  	[smem:$0x3FA5] =	sst s7  }
0x10: {  	[smem:$0x3FA6] =	sst s8  }
0x11: {  	[smem:$0x3FA7] =	sst s9;
	s0 =	simm.s32 @!p0 $0x0  }
0x12: {  	s1 =	sld [smem:$0x3F8D];
	s0 =	simm.s32 @p0 $0x1  }
0x13: {  	[smem:$0x3FA8] =	sst s0;
	s0 =	simm.s32 @!p1 $0x0  }
0x14: {  	s2 =	sld [smem:$0x3F8C];
	s0 =	simm.s32 @p1 $0x1  }
0x15: {  	[smem:$0x3FA9] =	sst s0;
	s0 =	simm.s32 @!p2 $0x0  }
0x16: {  	s3 =	sld [smem:$0x3FDB];
	s0 =	simm.s32 @p2 $0x1  }
0x17: {  	s4 =	simm.s32 $0x1BF5;
	[smem:$0x3FAB] =	sst s0  }
0x18: {  	s0 =	sld [smem:$0x3F8E];
	_ =	swait.ge [sflag:s4], $0x0  }
0x19: {  	s7 =	sld [smem:$0x3F8F]  }
0x1a: {  	s8 =	sadd.s32 $0xFFFFE003, lr  }
0x1b: {  	s9 =	sadd.s32 $0xFFFFFEF7, lr;
	s5 =	simm.s32 $0xFFFFFFFF;
	p2 =	slt.u32 s8, $0xFFFFF086  }
0x1c: {  	p1 =	slt.u32 s9, $0xF7A;
	s5 =	simm.s32 @!p2 $0x0  }
0x1d: {  	s5 =	simm.s32 @p1 $0x1;
	p0 =	seq.s32 s7, s2  }
0x1e: {  	s7 =	smul.u32 @!p0 $0xF7A, s2;
	p2 =	seq.s32 @!p0 s5, $0x0  }
0x1f: {  	s9 =	smul.u32 $0xF7A, s1;
	s8 =	simm.s32 @!p0 $0x1BF5;
	p2 =	por !p2, p0  }
0x20: {  	[sflag:s8] =	ssyncset.s32 @!p0 $0xFFFFF086;
	s6 =	sadd.s32 @!p0 s3, s7;
	s7 =	simm.s32 @!p0 $0x108  }
0x21: {  	s3 =	sadd.s32 s3, s9;
	s6 =	sadd.s32 @!p0 $0x88, s6;
	s7 =	simm.s32 @p2 $0x1082  }
0x22: {  	[simem:s7], [sflag:s8] =	dma.local @!p0 [hbm:s6], $0xF7A  }
0x23: {  	s9 =	sor.u32 $0xD0000000, s2;
	s6 =	simm.s32 $0x108;
	_ =	swait.ge @!p0 [sflag:s8], $0x0  }
0x24: {  	s3 =	sadd.s32 $0x88, s3;
	s6 =	simm.s32 @!p1 $0x1082;
	[sflag:s4] =	ssyncset.s32 $0xFFFFF086  }
0x25: {  	[simem:s6], [sflag:s4] =	dma.local [hbm:s3], $0xF7A  }
0x26: {  	[smem:$0x3F8F] =	sst s1;
	(tag) =	ssettag s2;
	_ =	strace s9  }
0x27: {  	s1 =	sld [smem:$0x3F9F]  }
0x28: {  	s2 =	sld [smem:$0x3FA0]  }
0x29: {  	s4 =	sld [smem:$0x3FA2]  }
0x2a: {  	p0 =	seq.s32 s5, $0x0;
	s5 =	sld [smem:$0x3FA3]  }
0x2b: {  	s6 =	sld [smem:$0x3FA4]  }
0x2c: {  	s7 =	sld [smem:$0x3FA5]  }
0x2d: {  	s3 =	simm.s32 $0x108;
	s8 =	sld [smem:$0x3FA6]  }
0x2e: {  	s3 =	simm.s32 @!p0 $0x1082;
	s9 =	sld [smem:$0x3FA7]  }
0x2f: {  	lr =	sadd.s32 s0, s3;
	s0 =	sld [smem:$0x3F9E]  }
0x30: {  	s3 =	sld [smem:$0x3FA1]  }
0x31: {  	[smem:$0x3FAA] =	sst s10  }
0x32: {  	s10 =	sld [smem:$0x3FA8];
	_ =	sdelay $0x3  }
0x33: {  	p0 =	seq.s32 s10, $0x1;
	s10 =	sld [smem:$0x3FAA];
	_ =	sdelay $0x3  }
0x34: {  	[smem:$0x3FAA] =	sst s10  }
0x35: {  	s10 =	sld [smem:$0x3FA9];
	_ =	sdelay $0x3  }
0x36: {  	p1 =	seq.s32 s10, $0x1;
	s10 =	sld [smem:$0x3FAA];
	_ =	sdelay $0x3  }
0x37: {  	[smem:$0x3FAA] =	sst s10  }
0x38: {  	s10 =	sld [smem:$0x3FAB]  }
0x39: {  	_ = 	snop;
	(pc) =	sbr.ind lr, $3  }
0x3a: {  	_ = 	snop  }
0x3b: {  	_ = 	snop  }
0x3c: {  	p2 =	seq.s32 s10, $0x1;
	s10 =	sld [smem:$0x3FAA]  }
0x3d: {  	_ =	shalt  }
0x3e: {  	_ =	shalt  }
0x3f: {  	_ =	shalt  }
0x40: {  	_ =	shalt  }
0x41: {  	_ =	shalt  }
0x42: {  	_ =	shalt  }
0x43: {  	_ =	shalt  }
0x44: {  	_ =	shalt  }
0x45: {  	_ =	shalt  }
0x46: {  	_ =	shalt  }
0x47: {  	_ =	shalt  }
0x48: {  	_ =	shalt  }
0x49: {  	_ =	shalt  }
0x4a: {  	_ =	shalt  }
0x4b: {  	_ =	shalt  }
0x4c: {  	_ =	shalt  }
0x4d: {  	_ =	shalt  }
0x4e: {  	_ =	shalt  }
0x4f: {  	_ =	shalt  }
0x50: {  	_ =	shalt  }
0x51: {  	_ =	shalt  }
0x52: {  	_ =	shalt  }
0x53: {  	_ =	shalt  }
0x54: {  	_ =	shalt  }
0x55: {  	_ =	shalt  }
0x56: {  	_ =	shalt  }
0x57: {  	_ =	shalt  }
0x58: {  	_ =	shalt  }
0x59: {  	_ =	shalt  }
0x5a: {  	_ =	shalt  }
0x5b: {  	_ =	shalt  }
0x5c: {  	_ =	shalt  }
0x5d: {  	_ =	shalt  }
0x5e: {  	_ =	shalt  }
0x5f: {  	_ =	shalt  }
0x60: {  	_ =	shalt  }
0x61: {  	_ =	shalt  }
0x62: {  	_ =	shalt  }
0x63: {  	_ =	shalt  }
0x64: {  	_ =	shalt  }
0x65: {  	_ =	shalt  }
0x66: {  	_ =	shalt  }
0x67: {  	_ =	shalt  }
0x68: {  	_ =	shalt  }
0x69: {  	_ =	shalt  }
0x6a: {  	_ =	shalt  }
0x6b: {  	_ =	shalt  }
0x6c: {  	_ =	shalt  }
0x6d: {  	_ =	shalt  }
0x6e: {  	_ =	shalt  }
0x6f: {  	_ =	shalt  }
0x70: {  	_ =	shalt  }
0x71: {  	_ =	shalt  }
0x72: {  	_ =	shalt  }
0x73: {  	_ =	shalt  }
0x74: {  	_ =	shalt  }
0x75: {  	_ =	shalt  }
0x76: {  	_ =	shalt  }
0x77: {  	_ =	shalt  }
0x78: {  	_ =	shalt  }
0x79: {  	_ =	shalt  }
0x7a: {  	_ =	shalt  }
0x7b: {  	_ =	shalt  }
0x7c: {  	_ =	shalt  }
0x7d: {  	_ =	shalt  }
0x7e: {  	_ =	shalt  }
0x7f: {  	_ =	shalt  }
0x80: {  	_ =	shalt  }
0x81: {  	_ =	shalt  }
0x82: {  	_ =	shalt  }
0x83: {  	_ =	shalt  }
0x84: {  	_ =	shalt  }
0x85: {  	_ =	shalt  }
0x86: {  	_ =	shalt  }
0x87: {  	_ =	shalt  }
.Lfunc_end0:
.L_simem_size_0:
called_computation.1_lowered:
.L_overlay_start_0:
0x88: {  	s2 =	sld [smem:$0x3FD9]  }
0x89: {  	s3 =	sld [smem:$0x3FFE];
	_ =	sdelay $0x1  }
0x8a: {  	s1 =	srdreg.scid  }
0x8b: {  	s0 =	sand.u32 $0x1, s1  }
0x8c: {  	s16 =	sshll.u32 s0, $0xA;
	s2 =	sadd.s32 s3, s2  }
0x8d: {  	s2 =	sadd.s32 s2, s16  }
0x8e: {  	[smem:$0x3FB6] =	sst s2  }
0x8f: {  	_ = 	snop  }
0x90: {  	(tm) =	ssettm $0x1  }
0x91: {  	s17 =	sld [smem:$0x3FFB];
	_ =	sdelay $0x3  }
0x92: {  	_ =	strace s17  }
0x93: {  	s2 =	sld [smem:$0x3FFC];
	_ =	sdelay $0x3  }
0x94: {  	_ =	strace s2  }
0x95: {  	s2 =	sld [smem:$0x3FFD];
	_ =	sdelay $0x3  }
0x96: {  	_ =	strace s2  }
0x97: {  	_ =	strace $0x8FFFFFFF  }
0x98: {  	s18 =	sld [smem:$0x3FDB];
	_ =	sdelay $0x1  }
0x99: {  	s19 =	simm.s32 $_scs_section_size  }
0x9a: {  	s4 =	simm.s32 $_size__tile_overlayer_lowered;
	s5 =	simm.s32 $_tile_overlayer_lowered  }
0x9b: {  	s22 =	simm.s32 $0x1BFF;
	s21 =	sshll.u32 s5, $0x1;
	s2 =	sadd.s32 s19, s18  }
0x9c: {  	s6 =	simm.s32 $0x0;
	s20 =	sshll.u32 s4, $0x1;
	s4 =	sadd.s32 s21, s2  }
0x9d: {  	[timem:s6], [sflag:s22] =	dma.local [hbm:s4], s20  }
0x9e: {  	_ =	swait.ge [sflag:s22], s20  }
0x9f: {  	s3 =	ssub.s32 $0x0, s20;
	[sflag:s22] =	ssyncset.done $0x0  }
0xa0: {  	[sflag:s22] =	ssyncadd.s32 s3;
	_ =	sdelay $0x1  }
0xa1: {  	s23 =	simm.s32 $0x1B8B  }
0xa2: {  	_ =	swait.ge [sflag:s23], $0x1  }
0xa3: {  	[sflag:s23] =	ssyncset.done $0x0  }
0xa4: {  	s25 =	simm.s32 $0x1B8E;
	s24 =	sld [smem:$0x3FFE];
	[sflag:s23] =	ssyncadd.s32 $0xFFFFFFFF  }
0xa5: {  	s26 =	simm.s32 $execute0_lowered;
	[smem:$0x3FD2] =	sst s25  }
0xa6: {  	s4 =	sshll.u32 s26, $0x1;
	_ =	strace $0x80000046;
	[dreg:$0x1] =	wrdreg $0xFFFFFFFF  }
0xa7: {  	s28 =	simm.s32 $_size_execute0_lowered;
	s2 =	sadd.s32 s2, s4;
	[dreg:$0x0] =	wrdreg $0x0  }
0xa8: {  	s4 =	sshll.u32 s28, $0x1;
	[dreg:$0x2] =	wrdreg s2  }
0xa9: {  	[dreg:$0x3] =	wrdreg s4  }
0xaa: {  	[dreg:$0x4] =	wrdreg $0xC0  }
0xab: {  	_ =	task [dreg:s6], $0x5FFFF  }
0xac: {  	[dreg:$0x1] =	wrdreg $0xFFFFFFFF  }
0xad: {  	[dreg:$0x0] =	wrdreg $0x60  }
0xae: {  	[dreg:$0x2] =	wrdreg s24  }
0xaf: {  	[dreg:$0x3] =	wrdreg $0x0  }
0xb0: {  	[dreg:$0x4] =	wrdreg $0xA  }
0xb1: {  	_ =	task.clear_ibuf [dreg:s6], $0x5FFFF;
	_ =	strace $0x90000046  }
0xb2: {  	s29 =	simm.s32 $0xA;
	_ =	strace $0x80000048  }
0xb3: {  	_ =	swait.ge [sflag:s29], $0x1  }
0xb4: {  	[sflag:s29] =	ssyncadd.s32 $0xFFFFFFFF  }
0xb5: {  	_ =	strace $0x90000048  }
0xb6: {  	_ =	sfence  }
0xb7: {  	s30 =	sld [smem:$0x0];
	_ =	sdelay $0x2  }
0xb8: {  	s31 =	sshll.u32 s1, $0xD;
	s1 =	sshrl.u32 s1, $0x2  }
0xb9: {  	s3 =	sand.u32 $0x4000, s31;
	s1 =	sadd.s32 s1, s30  }
0xba: {  	s0 =	sor.u32 s3, s0;
	s1 =	sshll.u32 s1, $0x11  }
0xbb: {  	s0 =	sor.u32 s1, s0  }
0xbc: {  	s0 =	sadd.s32 $0x8F2B, s0  }
0xbd: {  	[sflag:s0] =	ssyncadd.remote.s32 $0x1  }
0xbe: {  	_ =	sfence.sel $0xFFFF  }
0xbf: {  	[dreg:$0x0] =	wrdreg $0xFFFFFFFF;
	(pc) =	sbr.abs _section_cstart, $3  }
0xc0: {  	[dreg:$0x1] =	wrdreg $0xFFFFFFFF  }
0xc1: {  	_ =	task.clear_ibuf [dreg:s6], $0x2FFFF;
	_ =	strace $0x9FFFFFFF  }
0xc2: {  	(tm) =	ssettm $0x7FFFFFFF  }
0xc3: {  	_ =	shalt  }
tec
execute0_lowered:
.L_overlay_start_1:
0x0: {  	(tag) =	ssettag $0x1  }
0x1: {  	s0 =	srdreg.scid;
	s6 =	rddreg [dreg:$0x0]  }
0x2: {  	s10 =	stileid.u32;
	s2 =	rddreg [dreg:$0x1];
	s3 =	simm.s32 $0x0  }
0x3: {  	s12 =	simm.s32 $0x9;
	s13 =	simm.s32 $0x9E00;
	s14 =	simm.s32 $0xC600  }
0x4: {  	s15 =	simm.s32 $0x100;
	s16 =	simm.s32 $0xEE00;
	s18 =	simm.s32 $0x12E00  }
0x5: {  	s20 =	simm.s32 $0x16E00;
	s22 =	simm.s32 $0x1AE00;
	s23 =	simm.s32 $0x1  }
0x6: {  	s29 =	simm.s32 $0x6;
	s31 =	simm.s32 $0x3;
	s19 =	simm.s32 $0x4  }
0x7: {  	s28 =	simm.s32 $0x10;
	s30 =	simm.s32 $0x0;
	s0 =	sand.u32 $0x1, s0  }
0x8: {  	s1 =	sshll.u32 s10, $0x1;
	[smem:$0x7FF] =	sst s3;
	s7 =	smul.u32 $0x13C00, s10  }
0x9: {  	s4 =	sadd.s32 $0x3000, s6;
	s8 =	smul.u32 $0x27800, s10;
	s26 =	sshll.u32 s10, $0x6  }
0xa: {  	s1 =	sor.u32 s0, s1;
	s5 =	smul.u32 $0x13C000, s0;
	s0 =	ssub.s32 $0x2, s0  }
0xb: {  	_ =	strace $0x80000047;
	s1 =	smul.u32 $0x500, s1;
	s24 =	sshrl.u32 s0, $0x1  }
0xc: {  	s25 =	sshrl.u32 s8, $0x2;
	s5 =	sadd.s32 s7, s5;
	s0 =	ssub.s32 s0, s24  }
0xd: {  	s11 =	sadd.s32 s25, s2;
	s24 =	simm.s32 $0x5;
	s25 =	simm.s32 $0x8  }
0xe: {  	s1 =	sadd.s32 s1, s6;
	s7 =	sshrl.u32 s5, $0x3;
	s5 =	sadd.s32 $0x2AC00, s6  }
0xf: {  	s10 =	smax.u32 s0, $0x1;
	s11 =	sshrl.u32 s11, $0x3;
	s0 =	simm.s32 $0x7  }
0x10: {  	s9 =	sadd.s32 s7, s6;
	s6 =	sor.u32 $0x1C09, s26;
	s7 =	sadd.s32 $0x16C00, s1  }
0x11: {  	s8 =	sadd.s32 $0x20C00, s1;
	s26 =	simm.s32 $0x2;
	s9 =	sadd.s32 $0x2C000, s9  }
.LBB2_1:
0x12: {  	[spmem:s11], [sflag:s6] =	dma.local [hbm:s5], $0x13C0  }
0x13: {  	_ =	swait.ge [sflag:s12], $0x13C0  }
0x14: {  	[sflag:s12] =	ssyncset.done $0x0  }
0x15: {  	[sflag:s12] =	ssyncadd.s32 $0xFFFFEC40  }
0x16: {  	[tilespmem:s13], [sflag:$0x9] =	stream.linear.gather [hbm4b:s7+s3], $0x2800, $0x38;
	[tilespmem:$0x1EE00] =	vst v63  }
0x17: {  	_ =	swait.ge [sflag:s12], $0x2800  }
0x18: {  	[sflag:s12] =	ssyncset.done $0x0  }
0x19: {  	[sflag:s12] =	ssyncadd.s32 $0xFFFFD800  }
0x1a: {  	[tilespmem:s14], [sflag:$0x9] =	stream.linear.gather [hbm4b:s8+s3], $0x2800, $0x38;
	[tilespmem:$0x1EE00] =	vst v63  }
0x1b: {  	_ =	swait.ge [sflag:s12], $0x2800  }
0x1c: {  	[sflag:s12] =	ssyncset.done $0x0  }
0x1d: {  	[sflag:s12] =	ssyncadd.s32 $0xFFFFD800  }
0x1e: {  	[bflag:$0x0] =	sbarrier.arrive $0xFFFF  }
0x1f: {  	[tilespmem:s16], [sflag:$0x1] =	stream.indirect.gather [hbm4b:s4+s15], $0x40, s13, s15, $0xb8;
	[tilespmem:$0x1EE00] =	vst v63  }
0x20: {  	s1 =	simm.s32 $0x9F00  }
0x21: {  	[tilespmem:s18], [sflag:$0x2] =	stream.indirect.gather [hbm4b:s4+s15], $0x40, s1, s15, $0xb8;
	[tilespmem:$0x1EE00] =	vst v63  }
0x22: {  	s21 =	simm.s32 $0xA000  }
0x23: {  	[tilespmem:s20], [sflag:$0x3] =	stream.indirect.gather [hbm4b:s4+s15], $0x40, s21, s15, $0xb8;
	[tilespmem:$0x1EE00] =	vst v63  }
0x24: {  	s17 =	simm.s32 $0xA100  }
0x25: {  	[tilespmem:s22], [sflag:$0x4] =	stream.indirect.gather [hbm4b:s4+s15], $0x40, s17, s15, $0xb8;
	[tilespmem:$0x1EE00] =	vst v63  }
0x26: {  	_ =	swait.ge [sflag:s23], $0x4000  }
0x27: {  	[sflag:s23] =	ssyncset.done $0x0  }
0x28: {  	[sflag:s23] =	ssyncadd.s32 $0xFFFFC000  }
0x29: {  	[spmem:s2] =	stream.indirect.scatter.add.f32 [tilespmem:s16], [sflag:$0x5], $0x40, s14, s15, $0xb8;
	[tilespmem:$0x1EE00] =	vst v63  }
0x2a: {  	_ =	swait.ge [sflag:s24], $0x4000  }
0x2b: {  	[sflag:s24] =	ssyncset.done $0x0  }
0x2c: {  	s21 =	simm.s32 $0xA200;
	[sflag:s24] =	ssyncadd.s32 $0xFFFFC000  }
0x2d: {  	[tilespmem:s16], [sflag:$0x1] =	stream.indirect.gather [hbm4b:s4+s15], $0x40, s21, s15, $0xb8;
	[tilespmem:$0x1EE00] =	vst v63  }
0x2e: {  	_ =	swait.ge [sflag:s26], $0x4000  }
0x2f: {  	[sflag:s26] =	ssyncset.done $0x0  }
0x30: {  	s17 =	simm.s32 $0xC700;
	[sflag:s26] =	ssyncadd.s32 $0xFFFFC000  }
0x31: {  	[spmem:s2] =	stream.indirect.scatter.add.f32 [tilespmem:s18], [sflag:$0x6], $0x40, s17, s15, $0xb8;
	[tilespmem:$0x1EE00] =	vst v63  }
0x32: {  	_ =	swait.ge [sflag:s29], $0x4000  }
0x33: {  	[sflag:s29] =	ssyncset.done $0x0  }
0x34: {  	s21 =	simm.s32 $0xA300;
	[sflag:s29] =	ssyncadd.s32 $0xFFFFC000  }
0x35: {  	[tilespmem:s18], [sflag:$0x2] =	stream.indirect.gather [hbm4b:s4+s15], $0x40, s21, s15, $0xb8;
	[tilespmem:$0x1EE00] =	vst v63  }
0x36: {  	_ =	swait.ge [sflag:s31], $0x4000  }
0x37: {  	[sflag:s31] =	ssyncset.done $0x0  }
0x38: {  	s17 =	simm.s32 $0xC800;
	[sflag:s31] =	ssyncadd.s32 $0xFFFFC000  }
0x39: {  	[spmem:s2] =	stream.indirect.scatter.add.f32 [tilespmem:s20], [sflag:$0x7], $0x40, s17, s15, $0xb8;
	[tilespmem:$0x1EE00] =	vst v63  }
0x3a: {  	_ =	swait.ge [sflag:s0], $0x4000  }
0x3b: {  	[sflag:s0] =	ssyncset.done $0x0  }
0x3c: {  	s21 =	simm.s32 $0xA400;
	[sflag:s0] =	ssyncadd.s32 $0xFFFFC000  }
0x3d: {  	[tilespmem:s20], [sflag:$0x3] =	stream.indirect.gather [hbm4b:s4+s15], $0x40, s21, s15, $0xb8;
	[tilespmem:$0x1EE00] =	vst v63  }
0x3e: {  	_ =	swait.ge [sflag:s19], $0x4000  }
0x3f: {  	[sflag:s19] =	ssyncset.done $0x0  }
0x40: {  	s17 =	simm.s32 $0xC900;
	[sflag:s19] =	ssyncadd.s32 $0xFFFFC000  }
0x41: {  	[spmem:s2] =	stream.indirect.scatter.add.f32 [tilespmem:s22], [sflag:$0x8], $0x40, s17, s15, $0xb8;
	[tilespmem:$0x1EE00] =	vst v63  }
0x42: {  	_ =	swait.ge [sflag:s25], $0x4000  }
0x43: {  	[sflag:s25] =	ssyncset.done $0x0  }
0x44: {  	s21 =	simm.s32 $0xA500;
	[sflag:s25] =	ssyncadd.s32 $0xFFFFC000  }
0x45: {  	[tilespmem:s22], [sflag:$0x4] =	stream.indirect.gather [hbm4b:s4+s15], $0x40, s21, s15, $0xb8;
	[tilespmem:$0x1EE00] =	vst v63  }
0x46: {  	_ =	swait.ge [sflag:s23], $0x4000  }
0x47: {  	[sflag:s23] =	ssyncset.done $0x0  }
0x48: {  	s17 =	simm.s32 $0xCA00;
	[sflag:s23] =	ssyncadd.s32 $0xFFFFC000  }
0x49: {  	[spmem:s2] =	stream.indirect.scatter.add.f32 [tilespmem:s16], [sflag:$0x5], $0x40, s17, s15, $0xb8;
	[tilespmem:$0x1EE00] =	vst v63  }
0x4a: {  	_ =	swait.ge [sflag:s24], $0x4000  }
0x4b: {  	[sflag:s24] =	ssyncset.done $0x0  }
0x4c: {  	s21 =	simm.s32 $0xA600;
	[sflag:s24] =	ssyncadd.s32 $0xFFFFC000  }
0x4d: {  	[tilespmem:s16], [sflag:$0x1] =	stream.indirect.gather [hbm4b:s4+s15], $0x40, s21, s15, $0xb8;
	[tilespmem:$0x1EE00] =	vst v63  }
0x4e: {  	_ =	swait.ge [sflag:s26], $0x4000  }
0x4f: {  	[sflag:s26] =	ssyncset.done $0x0  }
0x50: {  	s17 =	simm.s32 $0xCB00;
	[sflag:s26] =	ssyncadd.s32 $0xFFFFC000  }
0x51: {  	[spmem:s2] =	stream.indirect.scatter.add.f32 [tilespmem:s18], [sflag:$0x6], $0x40, s17, s15, $0xb8;
	[tilespmem:$0x1EE00] =	vst v63  }
0x52: {  	_ =	swait.ge [sflag:s29], $0x4000  }
0x53: {  	[sflag:s29] =	ssyncset.done $0x0  }
0x54: {  	s21 =	simm.s32 $0xA700;
	[sflag:s29] =	ssyncadd.s32 $0xFFFFC000  }
0x55: {  	[tilespmem:s18], [sflag:$0x2] =	stream.indirect.gather [hbm4b:s4+s15], $0x40, s21, s15, $0xb8;
	[tilespmem:$0x1EE00] =	vst v63  }
0x56: {  	_ =	swait.ge [sflag:s31], $0x4000  }
0x57: {  	[sflag:s31] =	ssyncset.done $0x0  }
0x58: {  	s17 =	simm.s32 $0xCC00;
	[sflag:s31] =	ssyncadd.s32 $0xFFFFC000  }
0x59: {  	[spmem:s2] =	stream.indirect.scatter.add.f32 [tilespmem:s20], [sflag:$0x7], $0x40, s17, s15, $0xb8;
	[tilespmem:$0x1EE00] =	vst v63  }
0x5a: {  	_ =	swait.ge [sflag:s0], $0x4000  }
0x5b: {  	[sflag:s0] =	ssyncset.done $0x0  }
0x5c: {  	s21 =	simm.s32 $0xA800;
	[sflag:s0] =	ssyncadd.s32 $0xFFFFC000  }
0x5d: {  	[tilespmem:s20], [sflag:$0x3] =	stream.indirect.gather [hbm4b:s4+s15], $0x40, s21, s15, $0xb8;
	[tilespmem:$0x1EE00] =	vst v63  }
0x5e: {  	_ =	swait.ge [sflag:s19], $0x4000  }
0x5f: {  	[sflag:s19] =	ssyncset.done $0x0  }
0x60: {  	s1 =	simm.s32 $0x1000;
	s17 =	simm.s32 $0xCD00;
	[sflag:s19] =	ssyncadd.s32 $0xFFFFC000  }
.LBB2_2:
0x61: {  	[spmem:s2] =	stream.indirect.scatter.add.f32 [tilespmem:s22], [sflag:$0x8], $0x40, s17, s15, $0xb8;
	[tilespmem:$0x1EE00] =	vst v63  }
0x62: {  	s17 =	smov.u32 s1  }
0x63: {  	p0 =	sne.s32 s1, $0x7000;
	s1 =	sadd.s32 $0x1000, s1;
	_ =	swait.ge [sflag:s25], $0x4000  }
0x64: {  	s17 =	sshra.s32 s17, $0x2;
	[sflag:s25] =	ssyncset.done $0x0  }
0x65: {  	s21 =	sadd.s32 $0xA500, s17;
	[sflag:s25] =	ssyncadd.s32 $0xFFFFC000  }
0x66: {  	[tilespmem:s22], [sflag:$0x4] =	stream.indirect.gather [hbm4b:s4+s15], $0x40, s21, s15, $0xb8;
	[tilespmem:$0x1EE00] =	vst v63  }
0x67: {  	_ =	swait.ge [sflag:s23], $0x4000  }
0x68: {  	[sflag:s23] =	ssyncset.done $0x0  }
0x69: {  	s21 =	sadd.s32 $0xCA00, s17;
	[sflag:s23] =	ssyncadd.s32 $0xFFFFC000  }
0x6a: {  	[spmem:s2] =	stream.indirect.scatter.add.f32 [tilespmem:s16], [sflag:$0x5], $0x40, s21, s15, $0xb8;
	[tilespmem:$0x1EE00] =	vst v63  }
0x6b: {  	_ =	swait.ge [sflag:s24], $0x4000  }
0x6c: {  	[sflag:s24] =	ssyncset.done $0x0  }
0x6d: {  	s21 =	sadd.s32 $0xA600, s17;
	[sflag:s24] =	ssyncadd.s32 $0xFFFFC000  }
0x6e: {  	[tilespmem:s16], [sflag:$0x1] =	stream.indirect.gather [hbm4b:s4+s15], $0x40, s21, s15, $0xb8;
	[tilespmem:$0x1EE00] =	vst v63  }
0x6f: {  	_ =	swait.ge [sflag:s26], $0x4000  }
0x70: {  	[sflag:s26] =	ssyncset.done $0x0  }
0x71: {  	s21 =	sadd.s32 $0xCB00, s17;
	[sflag:s26] =	ssyncadd.s32 $0xFFFFC000  }
0x72: {  	[spmem:s2] =	stream.indirect.scatter.add.f32 [tilespmem:s18], [sflag:$0x6], $0x40, s21, s15, $0xb8;
	[tilespmem:$0x1EE00] =	vst v63  }
0x73: {  	_ =	swait.ge [sflag:s29], $0x4000  }
0x74: {  	[sflag:s29] =	ssyncset.done $0x0  }
0x75: {  	s21 =	sadd.s32 $0xA700, s17;
	[sflag:s29] =	ssyncadd.s32 $0xFFFFC000  }
0x76: {  	[tilespmem:s18], [sflag:$0x2] =	stream.indirect.gather [hbm4b:s4+s15], $0x40, s21, s15, $0xb8;
	[tilespmem:$0x1EE00] =	vst v63  }
0x77: {  	_ =	swait.ge [sflag:s31], $0x4000  }
0x78: {  	[sflag:s31] =	ssyncset.done $0x0  }
0x79: {  	s21 =	sadd.s32 $0xCC00, s17;
	[sflag:s31] =	ssyncadd.s32 $0xFFFFC000  }
0x7a: {  	[spmem:s2] =	stream.indirect.scatter.add.f32 [tilespmem:s20], [sflag:$0x7], $0x40, s21, s15, $0xb8;
	[tilespmem:$0x1EE00] =	vst v63  }
0x7b: {  	_ =	swait.ge [sflag:s0], $0x4000  }
0x7c: {  	[sflag:s0] =	ssyncset.done $0x0  }
.Ltmp0:
0x7d: {  	s21 =	sadd.s32 $0xA800, s17;
	[sflag:s0] =	ssyncadd.s32 $0xFFFFC000;
	(pc) =	sbr.rel @p0 .LBB2_2-.Ltmp0, $4  }
0x7e: {  	[tilespmem:s20], [sflag:$0x3] =	stream.indirect.gather [hbm4b:s4+s15], $0x40, s21, s15, $0xb8;
	[tilespmem:$0x1EE00] =	vst v63  }
0x7f: {  	_ =	swait.ge [sflag:s19], $0x4000  }
0x80: {  	[sflag:s19] =	ssyncset.done $0x0  }
0x81: {  	s17 =	sadd.s32 $0xCD00, s17;
	[sflag:s19] =	ssyncadd.s32 $0xFFFFC000  }
0x82: {  	[spmem:s2] =	stream.indirect.scatter.add.f32 [tilespmem:s22], [sflag:$0x8], $0x40, s17, s15, $0xb8;
	[tilespmem:$0x1EE00] =	vst v63  }
0x83: {  	_ =	swait.ge [sflag:s25], $0x4000  }
0x84: {  	[sflag:s25] =	ssyncset.done $0x0  }
0x85: {  	s1 =	simm.s32 $0xC500;
	[sflag:s25] =	ssyncadd.s32 $0xFFFFC000  }
0x86: {  	[tilespmem:s22], [sflag:$0x4] =	stream.indirect.gather [hbm4b:s4+s15], $0x40, s1, s15, $0xb8;
	[tilespmem:$0x1EE00] =	vst v63  }
0x87: {  	_ =	swait.ge [sflag:s23], $0x4000  }
0x88: {  	[sflag:s23] =	ssyncset.done $0x0  }
0x89: {  	s17 =	simm.s32 $0xEA00;
	[sflag:s23] =	ssyncadd.s32 $0xFFFFC000  }
0x8a: {  	[spmem:s2] =	stream.indirect.scatter.add.f32 [tilespmem:s16], [sflag:$0x5], $0x40, s17, s15, $0xb8;
	[tilespmem:$0x1EE00] =	vst v63  }
0x8b: {  	_ =	swait.ge [sflag:s26], $0x4000  }
0x8c: {  	[sflag:s26] =	ssyncset.done $0x0  }
0x8d: {  	s21 =	simm.s32 $0xEB00;
	[sflag:s26] =	ssyncadd.s32 $0xFFFFC000  }
0x8e: {  	[spmem:s2] =	stream.indirect.scatter.add.f32 [tilespmem:s18], [sflag:$0x6], $0x40, s21, s15, $0xb8;
	[tilespmem:$0x1EE00] =	vst v63  }
0x8f: {  	_ =	swait.ge [sflag:s31], $0x4000  }
0x90: {  	[sflag:s31] =	ssyncset.done $0x0  }
0x91: {  	s17 =	simm.s32 $0xEC00;
	[sflag:s31] =	ssyncadd.s32 $0xFFFFC000  }
0x92: {  	[spmem:s2] =	stream.indirect.scatter.add.f32 [tilespmem:s20], [sflag:$0x7], $0x40, s17, s15, $0xb8;
	[tilespmem:$0x1EE00] =	vst v63  }
0x93: {  	_ =	swait.ge [sflag:s19], $0x4000  }
0x94: {  	[sflag:s19] =	ssyncset.done $0x0  }
0x95: {  	s21 =	simm.s32 $0xED00;
	[sflag:s19] =	ssyncadd.s32 $0xFFFFC000  }
0x96: {  	[spmem:s2] =	stream.indirect.scatter.add.f32 [tilespmem:s22], [sflag:$0x8], $0x40, s21, s15, $0xb8;
	[tilespmem:$0x1EE00] =	vst v63  }
0x97: {  	_ =	swait.ge [sflag:s24], $0x4000  }
0x98: {  	[sflag:s24] =	ssyncset.done $0x0  }
0x99: {  	[sflag:s24] =	ssyncadd.s32 $0xFFFFC000  }
0x9a: {  	_ =	swait.ge [sflag:s29], $0x4000  }
0x9b: {  	[sflag:s29] =	ssyncset.done $0x0  }
0x9c: {  	[sflag:s29] =	ssyncadd.s32 $0xFFFFC000  }
0x9d: {  	_ =	swait.ge [sflag:s0], $0x4000  }
0x9e: {  	[sflag:s0] =	ssyncset.done $0x0  }
0x9f: {  	[sflag:s0] =	ssyncadd.s32 $0xFFFFC000  }
0xa0: {  	_ =	swait.ge [sflag:s25], $0x4000  }
0xa1: {  	s30 =	sadd.s32 $0x1, s30;
	[sflag:s25] =	ssyncset.done $0x0  }
0xa2: {  	p0 =	sne.s32 s30, s10;
	[sflag:s25] =	ssyncadd.s32 $0xFFFFC000  }
.Ltmp1:
0xa3: {  	[bflag:$0x0] =	sbarrier.arrive $0xFFFF;
	(pc) =	sbr.rel @p0 .LBB2_1-.Ltmp1, $4  }
0xa4: {  	[hbm:s9@s28], [sflag:s6] =	dma.strided [spmem:s11@s25], $0x13C0, s23, $0x8   }
0xa5: {  	_ =	swait.ge [sflag:s12], $0x13C0  }
0xa6: {  	[sflag:s12] =	ssyncset.done $0x0  }
0xa7: {  	[sflag:s12] =	ssyncadd.s32 $0xFFFFEC40  }
0xa8: {  	_ =	sfence.sel $0x180000  }
0xa9: {  	[bflag:$0x0] =	sbarrier.arrive $0xFFFF  }
0xaa: {  	_ =	strace $0x90000047  }
0xab: {  	s0 =	stileid.u32;
	[bflag:$0x2] =	sbarrier.arrive $0xFFFF  }
0xac: {  	p0 =	sne.s32 s0, $0x0;
	s0 =	rddreg [dreg:$0x2]  }
0xad: {  	s0 =	sadd.s32 @!p0 $0x100000, s0  }
0xae: {  	[sflag:s0] =	ssyncadd.tile.s32 @!p0 $0x1;
	_ =	shalt  }
.Lfunc_end2:
_tile_overlayer_lowered:
.L_overlay_start_2:
0xaf: {  	(tag) =	ssettag $0x2  }
0xb0: {  	s0 =	rddreg [dreg:$0x0];
	s2 =	stileid.u32  }
0xb1: {  	s1 =	rddreg [dreg:$0x1];
	p0 =	sne.s32 s2, $0x0  }
0xb2: {  	s3 =	rddreg [dreg:$0x2];
	[bflag:$0x3] =	sbarrier.arrive $0xFFFF;
	s2 =	simm.s32 @!p0 $0x1C09  }
0xb3: {  	[timem:s3], [sflag:s2] =	dma.local @!p0 [hbm:s0], s1  }
0xb4: {  	s0 =	simm.s32 @!p0 $0x9  }
0xb5: {  	_ =	swait.ge @!p0 [sflag:s0], s1  }
0xb6: {  	s1 =	ssub.s32 @!p0 $0x0, s1;
	[sflag:s0] =	ssyncset.done @!p0 $0x0  }
0xb7: {  	[sflag:s0] =	ssyncadd.s32 @!p0 s1  }
0xb8: {  	[bflag:$0x3] =	sbarrier.arrive $0xFFFF  }
0xb9: {  	_ =	shalt  }

// kernel: kernel.17.cloned.1.call-start
scs
__scs_entry_jumppad:
0x0: {  	(pc) =	sbr.rel $0x88, $3  }
0x1: {  	(tag) =	ssettag $0x0;
	lr =	simm.s32 $0x1  }
0x2: {  	[smem:$0x3F8F] =	sst lr;
	_ =	strace $0xD0000000  }
0x3: {  	_ = 	snop  }
0x4: {  	_ = 	snop  }
0x5: {  	_ = 	snop  }
0x6: {  	_ = 	snop  }
0x7: {  	_ = 	snop  }
__scs_overlays_trampoline_lowered:
0x8: {  	[smem:$0x3F9E] =	sst s0  }
0x9: {  	[smem:$0x3F9F] =	sst s1  }
0xa: {  	[smem:$0x3FA0] =	sst s2  }
0xb: {  	[smem:$0x3FA1] =	sst s3  }
0xc: {  	[smem:$0x3FA2] =	sst s4  }
0xd: {  	[smem:$0x3FA3] =	sst s5  }
0xe: {  	[smem:$0x3FA4] =	sst s6  }
0xf: {  	[smem:$0x3FA5] =	sst s7  }
0x10: {  	[smem:$0x3FA6] =	sst s8  }
0x11: {  	[smem:$0x3FA7] =	sst s9;
	s0 =	simm.s32 @!p0 $0x0  }
0x12: {  	s1 =	sld [smem:$0x3F8D];
	s0 =	simm.s32 @p0 $0x1  }
0x13: {  	[smem:$0x3FA8] =	sst s0;
	s0 =	simm.s32 @!p1 $0x0  }
0x14: {  	s2 =	sld [smem:$0x3F8C];
	s0 =	simm.s32 @p1 $0x1  }
0x15: {  	[smem:$0x3FA9] =	sst s0;
	s0 =	simm.s32 @!p2 $0x0  }
0x16: {  	s3 =	sld [smem:$0x3FDB];
	s0 =	simm.s32 @p2 $0x1  }
0x17: {  	s4 =	simm.s32 $0x1BF5;
	[smem:$0x3FAB] =	sst s0  }
0x18: {  	s0 =	sld [smem:$0x3F8E];
	_ =	swait.ge [sflag:s4], $0x0  }
0x19: {  	s7 =	sld [smem:$0x3F8F]  }
0x1a: {  	s8 =	sadd.s32 $0xFFFFE003, lr  }
0x1b: {  	s9 =	sadd.s32 $0xFFFFFEF7, lr;
	s5 =	simm.s32 $0xFFFFFFFF;
	p2 =	slt.u32 s8, $0xFFFFF086  }
0x1c: {  	p1 =	slt.u32 s9, $0xF7A;
	s5 =	simm.s32 @!p2 $0x0  }
0x1d: {  	s5 =	simm.s32 @p1 $0x1;
	p0 =	seq.s32 s7, s2  }
0x1e: {  	s7 =	smul.u32 @!p0 $0xF7A, s2;
	p2 =	seq.s32 @!p0 s5, $0x0  }
0x1f: {  	s9 =	smul.u32 $0xF7A, s1;
	s8 =	simm.s32 @!p0 $0x1BF5;
	p2 =	por !p2, p0  }
0x20: {  	[sflag:s8] =	ssyncset.s32 @!p0 $0xFFFFF086;
	s6 =	sadd.s32 @!p0 s3, s7;
	s7 =	simm.s32 @!p0 $0x108  }
0x21: {  	s3 =	sadd.s32 s3, s9;
	s6 =	sadd.s32 @!p0 $0x88, s6;
	s7 =	simm.s32 @p2 $0x1082  }
0x22: {  	[simem:s7], [sflag:s8] =	dma.local @!p0 [hbm:s6], $0xF7A  }
0x23: {  	s9 =	sor.u32 $0xD0000000, s2;
	s6 =	simm.s32 $0x108;
	_ =	swait.ge @!p0 [sflag:s8], $0x0  }
0x24: {  	s3 =	sadd.s32 $0x88, s3;
	s6 =	simm.s32 @!p1 $0x1082;
	[sflag:s4] =	ssyncset.s32 $0xFFFFF086  }
0x25: {  	[simem:s6], [sflag:s4] =	dma.local [hbm:s3], $0xF7A  }
0x26: {  	[smem:$0x3F8F] =	sst s1;
	(tag) =	ssettag s2;
	_ =	strace s9  }
0x27: {  	s1 =	sld [smem:$0x3F9F]  }
0x28: {  	s2 =	sld [smem:$0x3FA0]  }
0x29: {  	s4 =	sld [smem:$0x3FA2]  }
0x2a: {  	p0 =	seq.s32 s5, $0x0;
	s5 =	sld [smem:$0x3FA3]  }
0x2b: {  	s6 =	sld [smem:$0x3FA4]  }
0x2c: {  	s7 =	sld [smem:$0x3FA5]  }
0x2d: {  	s3 =	simm.s32 $0x108;
	s8 =	sld [smem:$0x3FA6]  }
0x2e: {  	s3 =	simm.s32 @!p0 $0x1082;
	s9 =	sld [smem:$0x3FA7]  }
0x2f: {  	lr =	sadd.s32 s0, s3;
	s0 =	sld [smem:$0x3F9E]  }
0x30: {  	s3 =	sld [smem:$0x3FA1]  }
0x31: {  	[smem:$0x3FAA] =	sst s10  }
0x32: {  	s10 =	sld [smem:$0x3FA8];
	_ =	sdelay $0x3  }
0x33: {  	p0 =	seq.s32 s10, $0x1;
	s10 =	sld [smem:$0x3FAA];
	_ =	sdelay $0x3  }
0x34: {  	[smem:$0x3FAA] =	sst s10  }
0x35: {  	s10 =	sld [smem:$0x3FA9];
	_ =	sdelay $0x3  }
0x36: {  	p1 =	seq.s32 s10, $0x1;
	s10 =	sld [smem:$0x3FAA];
	_ =	sdelay $0x3  }
0x37: {  	[smem:$0x3FAA] =	sst s10  }
0x38: {  	s10 =	sld [smem:$0x3FAB]  }
0x39: {  	_ = 	snop;
	(pc) =	sbr.ind lr, $3  }
0x3a: {  	_ = 	snop  }
0x3b: {  	_ = 	snop  }
0x3c: {  	p2 =	seq.s32 s10, $0x1;
	s10 =	sld [smem:$0x3FAA]  }
0x3d: {  	_ =	shalt  }
0x3e: {  	_ =	shalt  }
0x3f: {  	_ =	shalt  }
0x40: {  	_ =	shalt  }
0x41: {  	_ =	shalt  }
0x42: {  	_ =	shalt  }
0x43: {  	_ =	shalt  }
0x44: {  	_ =	shalt  }
0x45: {  	_ =	shalt  }
0x46: {  	_ =	shalt  }
0x47: {  	_ =	shalt  }
0x48: {  	_ =	shalt  }
0x49: {  	_ =	shalt  }
0x4a: {  	_ =	shalt  }
0x4b: {  	_ =	shalt  }
0x4c: {  	_ =	shalt  }
0x4d: {  	_ =	shalt  }
0x4e: {  	_ =	shalt  }
0x4f: {  	_ =	shalt  }
0x50: {  	_ =	shalt  }
0x51: {  	_ =	shalt  }
0x52: {  	_ =	shalt  }
0x53: {  	_ =	shalt  }
0x54: {  	_ =	shalt  }
0x55: {  	_ =	shalt  }
0x56: {  	_ =	shalt  }
0x57: {  	_ =	shalt  }
0x58: {  	_ =	shalt  }
0x59: {  	_ =	shalt  }
0x5a: {  	_ =	shalt  }
0x5b: {  	_ =	shalt  }
0x5c: {  	_ =	shalt  }
0x5d: {  	_ =	shalt  }
0x5e: {  	_ =	shalt  }
0x5f: {  	_ =	shalt  }
0x60: {  	_ =	shalt  }
0x61: {  	_ =	shalt  }
0x62: {  	_ =	shalt  }
0x63: {  	_ =	shalt  }
0x64: {  	_ =	shalt  }
0x65: {  	_ =	shalt  }
0x66: {  	_ =	shalt  }
0x67: {  	_ =	shalt  }
0x68: {  	_ =	shalt  }
0x69: {  	_ =	shalt  }
0x6a: {  	_ =	shalt  }
0x6b: {  	_ =	shalt  }
0x6c: {  	_ =	shalt  }
0x6d: {  	_ =	shalt  }
0x6e: {  	_ =	shalt  }
0x6f: {  	_ =	shalt  }
0x70: {  	_ =	shalt  }
0x71: {  	_ =	shalt  }
0x72: {  	_ =	shalt  }
0x73: {  	_ =	shalt  }
0x74: {  	_ =	shalt  }
0x75: {  	_ =	shalt  }
0x76: {  	_ =	shalt  }
0x77: {  	_ =	shalt  }
0x78: {  	_ =	shalt  }
0x79: {  	_ =	shalt  }
0x7a: {  	_ =	shalt  }
0x7b: {  	_ =	shalt  }
0x7c: {  	_ =	shalt  }
0x7d: {  	_ =	shalt  }
0x7e: {  	_ =	shalt  }
0x7f: {  	_ =	shalt  }
0x80: {  	_ =	shalt  }
0x81: {  	_ =	shalt  }
0x82: {  	_ =	shalt  }
0x83: {  	_ =	shalt  }
0x84: {  	_ =	shalt  }
0x85: {  	_ =	shalt  }
0x86: {  	_ =	shalt  }
0x87: {  	_ =	shalt  }
.Lfunc_end0:
.L_simem_size_0:
called_computation.2_lowered:
.L_overlay_start_0:
0x88: {  	s2 =	sld [smem:$0x3FD9]  }
0x89: {  	s3 =	sld [smem:$0x3FFE];
	_ =	sdelay $0x1  }
0x8a: {  	s1 =	srdreg.scid  }
0x8b: {  	s0 =	sand.u32 $0x1, s1  }
0x8c: {  	s16 =	sshll.u32 s0, $0xA;
	s2 =	sadd.s32 s3, s2  }
0x8d: {  	s2 =	sadd.s32 s2, s16  }
0x8e: {  	[smem:$0x3FB6] =	sst s2  }
0x8f: {  	_ = 	snop  }
0x90: {  	(tm) =	ssettm $0x1  }
0x91: {  	s17 =	sld [smem:$0x3FFB];
	_ =	sdelay $0x3  }
0x92: {  	_ =	strace s17  }
0x93: {  	s2 =	sld [smem:$0x3FFC];
	_ =	sdelay $0x3  }
0x94: {  	_ =	strace s2  }
0x95: {  	s2 =	sld [smem:$0x3FFD];
	_ =	sdelay $0x3  }
0x96: {  	_ =	strace s2  }
0x97: {  	_ =	strace $0x8FFFFFFF  }
0x98: {  	s18 =	sld [smem:$0x3FDB];
	_ =	sdelay $0x1  }
0x99: {  	s19 =	simm.s32 $_scs_section_size  }
0x9a: {  	s4 =	simm.s32 $_size__tile_overlayer_lowered;
	s5 =	simm.s32 $_tile_overlayer_lowered  }
0x9b: {  	s22 =	simm.s32 $0x1BFF;
	s21 =	sshll.u32 s5, $0x1;
	s2 =	sadd.s32 s19, s18  }
0x9c: {  	s6 =	simm.s32 $0x0;
	s20 =	sshll.u32 s4, $0x1;
	s4 =	sadd.s32 s21, s2  }
0x9d: {  	[timem:s6], [sflag:s22] =	dma.local [hbm:s4], s20  }
0x9e: {  	_ =	swait.ge [sflag:s22], s20  }
0x9f: {  	s3 =	ssub.s32 $0x0, s20;
	[sflag:s22] =	ssyncset.done $0x0  }
0xa0: {  	[sflag:s22] =	ssyncadd.s32 s3;
	_ =	sdelay $0x1  }
0xa1: {  	s23 =	simm.s32 $0x1B8B  }
0xa2: {  	_ =	swait.ge [sflag:s23], $0x1  }
0xa3: {  	[sflag:s23] =	ssyncset.done $0x0  }
0xa4: {  	s25 =	simm.s32 $0x1B8E;
	s24 =	sld [smem:$0x3FFE];
	[sflag:s23] =	ssyncadd.s32 $0xFFFFFFFF  }
0xa5: {  	s26 =	simm.s32 $execute0_lowered;
	[smem:$0x3FD2] =	sst s25  }
0xa6: {  	s4 =	sshll.u32 s26, $0x1;
	_ =	strace $0x8000004C;
	[dreg:$0x1] =	wrdreg $0xFFFFFFFF  }
0xa7: {  	s28 =	simm.s32 $_size_execute0_lowered;
	s2 =	sadd.s32 s2, s4;
	[dreg:$0x0] =	wrdreg $0x0  }
0xa8: {  	s4 =	sshll.u32 s28, $0x1;
	[dreg:$0x2] =	wrdreg s2  }
0xa9: {  	[dreg:$0x3] =	wrdreg s4  }
0xaa: {  	[dreg:$0x4] =	wrdreg $0xC0  }
0xab: {  	_ =	task [dreg:s6], $0x5FFFF  }
0xac: {  	[dreg:$0x1] =	wrdreg $0xFFFFFFFF  }
0xad: {  	[dreg:$0x0] =	wrdreg $0x60  }
0xae: {  	[dreg:$0x2] =	wrdreg s24  }
0xaf: {  	[dreg:$0x3] =	wrdreg $0x0  }
0xb0: {  	[dreg:$0x4] =	wrdreg $0x9  }
0xb1: {  	_ =	task.clear_ibuf [dreg:s6], $0x5FFFF;
	_ =	strace $0x9000004C  }
0xb2: {  	s29 =	simm.s32 $0x9;
	_ =	strace $0x8000004E  }
0xb3: {  	_ =	swait.ge [sflag:s29], $0x1  }
0xb4: {  	[sflag:s29] =	ssyncadd.s32 $0xFFFFFFFF  }
0xb5: {  	_ =	strace $0x9000004E  }
0xb6: {  	_ =	sfence  }
0xb7: {  	s30 =	sld [smem:$0x0];
	_ =	sdelay $0x2  }
0xb8: {  	s31 =	sshll.u32 s1, $0xD;
	s1 =	sshrl.u32 s1, $0x2  }
0xb9: {  	s3 =	sand.u32 $0x4000, s31;
	s1 =	sadd.s32 s1, s30  }
0xba: {  	s0 =	sor.u32 s3, s0;
	s1 =	sshll.u32 s1, $0x11  }
0xbb: {  	s0 =	sor.u32 s1, s0  }
0xbc: {  	s0 =	sadd.s32 $0x8F2B, s0  }
0xbd: {  	[sflag:s0] =	ssyncadd.remote.s32 $0x1  }
0xbe: {  	_ =	sfence.sel $0xFFFF  }
0xbf: {  	[dreg:$0x0] =	wrdreg $0xFFFFFFFF;
	(pc) =	sbr.abs _section_cstart, $3  }
0xc0: {  	[dreg:$0x1] =	wrdreg $0xFFFFFFFF  }
0xc1: {  	_ =	task.clear_ibuf [dreg:s6], $0x2FFFF;
	_ =	strace $0x9FFFFFFF  }
0xc2: {  	(tm) =	ssettm $0x7FFFFFFF  }
0xc3: {  	_ =	shalt  }
tec
execute0_lowered:
.L_overlay_start_1:
0x0: {  	(tag) =	ssettag $0x1  }
0x1: {  	s0 =	srdreg.scid;
	s6 =	rddreg [dreg:$0x0]  }
0x2: {  	s10 =	stileid.u32;
	s2 =	rddreg [dreg:$0x1];
	s3 =	simm.s32 $0x0  }
0x3: {  	s12 =	simm.s32 $0x9;
	s13 =	simm.s32 $0x9E00;
	s14 =	simm.s32 $0xC600  }
0x4: {  	s15 =	simm.s32 $0x100;
	s16 =	simm.s32 $0xEE00;
	s18 =	simm.s32 $0x12E00  }
0x5: {  	s20 =	simm.s32 $0x16E00;
	s22 =	simm.s32 $0x1AE00;
	s23 =	simm.s32 $0x1  }
0x6: {  	s29 =	simm.s32 $0x6;
	s31 =	simm.s32 $0x3;
	s19 =	simm.s32 $0x4  }
0x7: {  	s28 =	simm.s32 $0x10;
	s30 =	simm.s32 $0x0;
	s0 =	sand.u32 $0x1, s0  }
0x8: {  	s1 =	sshll.u32 s10, $0x1;
	[smem:$0x7FF] =	sst s3;
	s7 =	smul.u32 $0x13C00, s10  }
0x9: {  	s4 =	sadd.s32 $0x3000, s6;
	s8 =	smul.u32 $0x27800, s10;
	s26 =	sshll.u32 s10, $0x6  }
0xa: {  	s1 =	sor.u32 s0, s1;
	s5 =	smul.u32 $0x13C000, s0;
	s0 =	ssub.s32 $0x2, s0  }
0xb: {  	_ =	strace $0x8000004D;
	s1 =	smul.u32 $0x500, s1;
	s24 =	sshrl.u32 s0, $0x1  }
0xc: {  	s25 =	sshrl.u32 s8, $0x2;
	s5 =	sadd.s32 s7, s5;
	s0 =	ssub.s32 s0, s24  }
0xd: {  	s11 =	sadd.s32 s25, s2;
	s24 =	simm.s32 $0x5;
	s25 =	simm.s32 $0x8  }
0xe: {  	s1 =	sadd.s32 s1, s6;
	s7 =	sshrl.u32 s5, $0x3;
	s5 =	sadd.s32 $0x2AC00, s6  }
0xf: {  	s10 =	smax.u32 s0, $0x1;
	s11 =	sshrl.u32 s11, $0x3;
	s0 =	simm.s32 $0x7  }
0x10: {  	s9 =	sadd.s32 s7, s6;
	s6 =	sor.u32 $0x1C09, s26;
	s7 =	sadd.s32 $0x16C00, s1  }
0x11: {  	s8 =	sadd.s32 $0x20C00, s1;
	s26 =	simm.s32 $0x2;
	s9 =	sadd.s32 $0x2C000, s9  }
.LBB2_1:
0x12: {  	[spmem:s11], [sflag:s6] =	dma.local [hbm:s5], $0x13C0  }
0x13: {  	_ =	swait.ge [sflag:s12], $0x13C0  }
0x14: {  	[sflag:s12] =	ssyncset.done $0x0  }
0x15: {  	[sflag:s12] =	ssyncadd.s32 $0xFFFFEC40  }
0x16: {  	[tilespmem:s13], [sflag:$0x9] =	stream.linear.gather [hbm4b:s7+s3], $0x2800, $0x38;
	[tilespmem:$0x1EE00] =	vst v63  }
0x17: {  	_ =	swait.ge [sflag:s12], $0x2800  }
0x18: {  	[sflag:s12] =	ssyncset.done $0x0  }
0x19: {  	[sflag:s12] =	ssyncadd.s32 $0xFFFFD800  }
0x1a: {  	[tilespmem:s14], [sflag:$0x9] =	stream.linear.gather [hbm4b:s8+s3], $0x2800, $0x38;
	[tilespmem:$0x1EE00] =	vst v63  }
0x1b: {  	_ =	swait.ge [sflag:s12], $0x2800  }
0x1c: {  	[sflag:s12] =	ssyncset.done $0x0  }
0x1d: {  	[sflag:s12] =	ssyncadd.s32 $0xFFFFD800  }
0x1e: {  	[bflag:$0x0] =	sbarrier.arrive $0xFFFF  }
0x1f: {  	[tilespmem:s16], [sflag:$0x1] =	stream.indirect.gather [hbm4b:s4+s15], $0x40, s13, s15, $0xb8;
	[tilespmem:$0x1EE00] =	vst v63  }
0x20: {  	s1 =	simm.s32 $0x9F00  }
0x21: {  	[tilespmem:s18], [sflag:$0x2] =	stream.indirect.gather [hbm4b:s4+s15], $0x40, s1, s15, $0xb8;
	[tilespmem:$0x1EE00] =	vst v63  }
0x22: {  	s21 =	simm.s32 $0xA000  }
0x23: {  	[tilespmem:s20], [sflag:$0x3] =	stream.indirect.gather [hbm4b:s4+s15], $0x40, s21, s15, $0xb8;
	[tilespmem:$0x1EE00] =	vst v63  }
0x24: {  	s17 =	simm.s32 $0xA100  }
0x25: {  	[tilespmem:s22], [sflag:$0x4] =	stream.indirect.gather [hbm4b:s4+s15], $0x40, s17, s15, $0xb8;
	[tilespmem:$0x1EE00] =	vst v63  }
0x26: {  	_ =	swait.ge [sflag:s23], $0x4000  }
0x27: {  	[sflag:s23] =	ssyncset.done $0x0  }
0x28: {  	[sflag:s23] =	ssyncadd.s32 $0xFFFFC000  }
0x29: {  	[spmem:s2] =	stream.indirect.scatter.add.f32 [tilespmem:s16], [sflag:$0x5], $0x40, s14, s15, $0xb8;
	[tilespmem:$0x1EE00] =	vst v63  }
0x2a: {  	_ =	swait.ge [sflag:s24], $0x4000  }
0x2b: {  	[sflag:s24] =	ssyncset.done $0x0  }
0x2c: {  	s21 =	simm.s32 $0xA200;
	[sflag:s24] =	ssyncadd.s32 $0xFFFFC000  }
0x2d: {  	[tilespmem:s16], [sflag:$0x1] =	stream.indirect.gather [hbm4b:s4+s15], $0x40, s21, s15, $0xb8;
	[tilespmem:$0x1EE00] =	vst v63  }
0x2e: {  	_ =	swait.ge [sflag:s26], $0x4000  }
0x2f: {  	[sflag:s26] =	ssyncset.done $0x0  }
0x30: {  	s17 =	simm.s32 $0xC700;
	[sflag:s26] =	ssyncadd.s32 $0xFFFFC000  }
0x31: {  	[spmem:s2] =	stream.indirect.scatter.add.f32 [tilespmem:s18], [sflag:$0x6], $0x40, s17, s15, $0xb8;
	[tilespmem:$0x1EE00] =	vst v63  }
0x32: {  	_ =	swait.ge [sflag:s29], $0x4000  }
0x33: {  	[sflag:s29] =	ssyncset.done $0x0  }
0x34: {  	s21 =	simm.s32 $0xA300;
	[sflag:s29] =	ssyncadd.s32 $0xFFFFC000  }
0x35: {  	[tilespmem:s18], [sflag:$0x2] =	stream.indirect.gather [hbm4b:s4+s15], $0x40, s21, s15, $0xb8;
	[tilespmem:$0x1EE00] =	vst v63  }
0x36: {  	_ =	swait.ge [sflag:s31], $0x4000  }
0x37: {  	[sflag:s31] =	ssyncset.done $0x0  }
0x38: {  	s17 =	simm.s32 $0xC800;
	[sflag:s31] =	ssyncadd.s32 $0xFFFFC000  }
0x39: {  	[spmem:s2] =	stream.indirect.scatter.add.f32 [tilespmem:s20], [sflag:$0x7], $0x40, s17, s15, $0xb8;
	[tilespmem:$0x1EE00] =	vst v63  }
0x3a: {  	_ =	swait.ge [sflag:s0], $0x4000  }
0x3b: {  	[sflag:s0] =	ssyncset.done $0x0  }
0x3c: {  	s21 =	simm.s32 $0xA400;
	[sflag:s0] =	ssyncadd.s32 $0xFFFFC000  }
0x3d: {  	[tilespmem:s20], [sflag:$0x3] =	stream.indirect.gather [hbm4b:s4+s15], $0x40, s21, s15, $0xb8;
	[tilespmem:$0x1EE00] =	vst v63  }
0x3e: {  	_ =	swait.ge [sflag:s19], $0x4000  }
0x3f: {  	[sflag:s19] =	ssyncset.done $0x0  }
0x40: {  	s17 =	simm.s32 $0xC900;
	[sflag:s19] =	ssyncadd.s32 $0xFFFFC000  }
0x41: {  	[spmem:s2] =	stream.indirect.scatter.add.f32 [tilespmem:s22], [sflag:$0x8], $0x40, s17, s15, $0xb8;
	[tilespmem:$0x1EE00] =	vst v63  }
0x42: {  	_ =	swait.ge [sflag:s25], $0x4000  }
0x43: {  	[sflag:s25] =	ssyncset.done $0x0  }
0x44: {  	s21 =	simm.s32 $0xA500;
	[sflag:s25] =	ssyncadd.s32 $0xFFFFC000  }
0x45: {  	[tilespmem:s22], [sflag:$0x4] =	stream.indirect.gather [hbm4b:s4+s15], $0x40, s21, s15, $0xb8;
	[tilespmem:$0x1EE00] =	vst v63  }
0x46: {  	_ =	swait.ge [sflag:s23], $0x4000  }
0x47: {  	[sflag:s23] =	ssyncset.done $0x0  }
0x48: {  	s17 =	simm.s32 $0xCA00;
	[sflag:s23] =	ssyncadd.s32 $0xFFFFC000  }
0x49: {  	[spmem:s2] =	stream.indirect.scatter.add.f32 [tilespmem:s16], [sflag:$0x5], $0x40, s17, s15, $0xb8;
	[tilespmem:$0x1EE00] =	vst v63  }
0x4a: {  	_ =	swait.ge [sflag:s24], $0x4000  }
0x4b: {  	[sflag:s24] =	ssyncset.done $0x0  }
0x4c: {  	s21 =	simm.s32 $0xA600;
	[sflag:s24] =	ssyncadd.s32 $0xFFFFC000  }
0x4d: {  	[tilespmem:s16], [sflag:$0x1] =	stream.indirect.gather [hbm4b:s4+s15], $0x40, s21, s15, $0xb8;
	[tilespmem:$0x1EE00] =	vst v63  }
0x4e: {  	_ =	swait.ge [sflag:s26], $0x4000  }
0x4f: {  	[sflag:s26] =	ssyncset.done $0x0  }
0x50: {  	s17 =	simm.s32 $0xCB00;
	[sflag:s26] =	ssyncadd.s32 $0xFFFFC000  }
0x51: {  	[spmem:s2] =	stream.indirect.scatter.add.f32 [tilespmem:s18], [sflag:$0x6], $0x40, s17, s15, $0xb8;
	[tilespmem:$0x1EE00] =	vst v63  }
0x52: {  	_ =	swait.ge [sflag:s29], $0x4000  }
0x53: {  	[sflag:s29] =	ssyncset.done $0x0  }
0x54: {  	s21 =	simm.s32 $0xA700;
	[sflag:s29] =	ssyncadd.s32 $0xFFFFC000  }
0x55: {  	[tilespmem:s18], [sflag:$0x2] =	stream.indirect.gather [hbm4b:s4+s15], $0x40, s21, s15, $0xb8;
	[tilespmem:$0x1EE00] =	vst v63  }
0x56: {  	_ =	swait.ge [sflag:s31], $0x4000  }
0x57: {  	[sflag:s31] =	ssyncset.done $0x0  }
0x58: {  	s17 =	simm.s32 $0xCC00;
	[sflag:s31] =	ssyncadd.s32 $0xFFFFC000  }
0x59: {  	[spmem:s2] =	stream.indirect.scatter.add.f32 [tilespmem:s20], [sflag:$0x7], $0x40, s17, s15, $0xb8;
	[tilespmem:$0x1EE00] =	vst v63  }
0x5a: {  	_ =	swait.ge [sflag:s0], $0x4000  }
0x5b: {  	[sflag:s0] =	ssyncset.done $0x0  }
0x5c: {  	s21 =	simm.s32 $0xA800;
	[sflag:s0] =	ssyncadd.s32 $0xFFFFC000  }
0x5d: {  	[tilespmem:s20], [sflag:$0x3] =	stream.indirect.gather [hbm4b:s4+s15], $0x40, s21, s15, $0xb8;
	[tilespmem:$0x1EE00] =	vst v63  }
0x5e: {  	_ =	swait.ge [sflag:s19], $0x4000  }
0x5f: {  	[sflag:s19] =	ssyncset.done $0x0  }
0x60: {  	s1 =	simm.s32 $0x1000;
	s17 =	simm.s32 $0xCD00;
	[sflag:s19] =	ssyncadd.s32 $0xFFFFC000  }
.LBB2_2:
0x61: {  	[spmem:s2] =	stream.indirect.scatter.add.f32 [tilespmem:s22], [sflag:$0x8], $0x40, s17, s15, $0xb8;
	[tilespmem:$0x1EE00] =	vst v63  }
0x62: {  	s17 =	smov.u32 s1  }
0x63: {  	p0 =	sne.s32 s1, $0x7000;
	s1 =	sadd.s32 $0x1000, s1;
	_ =	swait.ge [sflag:s25], $0x4000  }
0x64: {  	s17 =	sshra.s32 s17, $0x2;
	[sflag:s25] =	ssyncset.done $0x0  }
0x65: {  	s21 =	sadd.s32 $0xA500, s17;
	[sflag:s25] =	ssyncadd.s32 $0xFFFFC000  }
0x66: {  	[tilespmem:s22], [sflag:$0x4] =	stream.indirect.gather [hbm4b:s4+s15], $0x40, s21, s15, $0xb8;
	[tilespmem:$0x1EE00] =	vst v63  }
0x67: {  	_ =	swait.ge [sflag:s23], $0x4000  }
0x68: {  	[sflag:s23] =	ssyncset.done $0x0  }
0x69: {  	s21 =	sadd.s32 $0xCA00, s17;
	[sflag:s23] =	ssyncadd.s32 $0xFFFFC000  }
0x6a: {  	[spmem:s2] =	stream.indirect.scatter.add.f32 [tilespmem:s16], [sflag:$0x5], $0x40, s21, s15, $0xb8;
	[tilespmem:$0x1EE00] =	vst v63  }
0x6b: {  	_ =	swait.ge [sflag:s24], $0x4000  }
0x6c: {  	[sflag:s24] =	ssyncset.done $0x0  }
0x6d: {  	s21 =	sadd.s32 $0xA600, s17;
	[sflag:s24] =	ssyncadd.s32 $0xFFFFC000  }
0x6e: {  	[tilespmem:s16], [sflag:$0x1] =	stream.indirect.gather [hbm4b:s4+s15], $0x40, s21, s15, $0xb8;
	[tilespmem:$0x1EE00] =	vst v63  }
0x6f: {  	_ =	swait.ge [sflag:s26], $0x4000  }
0x70: {  	[sflag:s26] =	ssyncset.done $0x0  }
0x71: {  	s21 =	sadd.s32 $0xCB00, s17;
	[sflag:s26] =	ssyncadd.s32 $0xFFFFC000  }
0x72: {  	[spmem:s2] =	stream.indirect.scatter.add.f32 [tilespmem:s18], [sflag:$0x6], $0x40, s21, s15, $0xb8;
	[tilespmem:$0x1EE00] =	vst v63  }
0x73: {  	_ =	swait.ge [sflag:s29], $0x4000  }
0x74: {  	[sflag:s29] =	ssyncset.done $0x0  }
0x75: {  	s21 =	sadd.s32 $0xA700, s17;
	[sflag:s29] =	ssyncadd.s32 $0xFFFFC000  }
0x76: {  	[tilespmem:s18], [sflag:$0x2] =	stream.indirect.gather [hbm4b:s4+s15], $0x40, s21, s15, $0xb8;
	[tilespmem:$0x1EE00] =	vst v63  }
0x77: {  	_ =	swait.ge [sflag:s31], $0x4000  }
0x78: {  	[sflag:s31] =	ssyncset.done $0x0  }
0x79: {  	s21 =	sadd.s32 $0xCC00, s17;
	[sflag:s31] =	ssyncadd.s32 $0xFFFFC000  }
0x7a: {  	[spmem:s2] =	stream.indirect.scatter.add.f32 [tilespmem:s20], [sflag:$0x7], $0x40, s21, s15, $0xb8;
	[tilespmem:$0x1EE00] =	vst v63  }
0x7b: {  	_ =	swait.ge [sflag:s0], $0x4000  }
0x7c: {  	[sflag:s0] =	ssyncset.done $0x0  }
.Ltmp0:
0x7d: {  	s21 =	sadd.s32 $0xA800, s17;
	[sflag:s0] =	ssyncadd.s32 $0xFFFFC000;
	(pc) =	sbr.rel @p0 .LBB2_2-.Ltmp0, $4  }
0x7e: {  	[tilespmem:s20], [sflag:$0x3] =	stream.indirect.gather [hbm4b:s4+s15], $0x40, s21, s15, $0xb8;
	[tilespmem:$0x1EE00] =	vst v63  }
0x7f: {  	_ =	swait.ge [sflag:s19], $0x4000  }
0x80: {  	[sflag:s19] =	ssyncset.done $0x0  }
0x81: {  	s17 =	sadd.s32 $0xCD00, s17;
	[sflag:s19] =	ssyncadd.s32 $0xFFFFC000  }
0x82: {  	[spmem:s2] =	stream.indirect.scatter.add.f32 [tilespmem:s22], [sflag:$0x8], $0x40, s17, s15, $0xb8;
	[tilespmem:$0x1EE00] =	vst v63  }
0x83: {  	_ =	swait.ge [sflag:s25], $0x4000  }
0x84: {  	[sflag:s25] =	ssyncset.done $0x0  }
0x85: {  	s1 =	simm.s32 $0xC500;
	[sflag:s25] =	ssyncadd.s32 $0xFFFFC000  }
0x86: {  	[tilespmem:s22], [sflag:$0x4] =	stream.indirect.gather [hbm4b:s4+s15], $0x40, s1, s15, $0xb8;
	[tilespmem:$0x1EE00] =	vst v63  }
0x87: {  	_ =	swait.ge [sflag:s23], $0x4000  }
0x88: {  	[sflag:s23] =	ssyncset.done $0x0  }
0x89: {  	s17 =	simm.s32 $0xEA00;
	[sflag:s23] =	ssyncadd.s32 $0xFFFFC000  }
0x8a: {  	[spmem:s2] =	stream.indirect.scatter.add.f32 [tilespmem:s16], [sflag:$0x5], $0x40, s17, s15, $0xb8;
	[tilespmem:$0x1EE00] =	vst v63  }
0x8b: {  	_ =	swait.ge [sflag:s26], $0x4000  }
0x8c: {  	[sflag:s26] =	ssyncset.done $0x0  }
0x8d: {  	s21 =	simm.s32 $0xEB00;
	[sflag:s26] =	ssyncadd.s32 $0xFFFFC000  }
0x8e: {  	[spmem:s2] =	stream.indirect.scatter.add.f32 [tilespmem:s18], [sflag:$0x6], $0x40, s21, s15, $0xb8;
	[tilespmem:$0x1EE00] =	vst v63  }
0x8f: {  	_ =	swait.ge [sflag:s31], $0x4000  }
0x90: {  	[sflag:s31] =	ssyncset.done $0x0  }
0x91: {  	s17 =	simm.s32 $0xEC00;
	[sflag:s31] =	ssyncadd.s32 $0xFFFFC000  }
0x92: {  	[spmem:s2] =	stream.indirect.scatter.add.f32 [tilespmem:s20], [sflag:$0x7], $0x40, s17, s15, $0xb8;
	[tilespmem:$0x1EE00] =	vst v63  }
0x93: {  	_ =	swait.ge [sflag:s19], $0x4000  }
0x94: {  	[sflag:s19] =	ssyncset.done $0x0  }
0x95: {  	s21 =	simm.s32 $0xED00;
	[sflag:s19] =	ssyncadd.s32 $0xFFFFC000  }
0x96: {  	[spmem:s2] =	stream.indirect.scatter.add.f32 [tilespmem:s22], [sflag:$0x8], $0x40, s21, s15, $0xb8;
	[tilespmem:$0x1EE00] =	vst v63  }
0x97: {  	_ =	swait.ge [sflag:s24], $0x4000  }
0x98: {  	[sflag:s24] =	ssyncset.done $0x0  }
0x99: {  	[sflag:s24] =	ssyncadd.s32 $0xFFFFC000  }
0x9a: {  	_ =	swait.ge [sflag:s29], $0x4000  }
0x9b: {  	[sflag:s29] =	ssyncset.done $0x0  }
0x9c: {  	[sflag:s29] =	ssyncadd.s32 $0xFFFFC000  }
0x9d: {  	_ =	swait.ge [sflag:s0], $0x4000  }
0x9e: {  	[sflag:s0] =	ssyncset.done $0x0  }
0x9f: {  	[sflag:s0] =	ssyncadd.s32 $0xFFFFC000  }
0xa0: {  	_ =	swait.ge [sflag:s25], $0x4000  }
0xa1: {  	s30 =	sadd.s32 $0x1, s30;
	[sflag:s25] =	ssyncset.done $0x0  }
0xa2: {  	p0 =	sne.s32 s30, s10;
	[sflag:s25] =	ssyncadd.s32 $0xFFFFC000  }
.Ltmp1:
0xa3: {  	[bflag:$0x0] =	sbarrier.arrive $0xFFFF;
	(pc) =	sbr.rel @p0 .LBB2_1-.Ltmp1, $4  }
0xa4: {  	[hbm:s9@s28], [sflag:s6] =	dma.strided [spmem:s11@s25], $0x13C0, s23, $0x8   }
0xa5: {  	_ =	swait.ge [sflag:s12], $0x13C0  }
0xa6: {  	[sflag:s12] =	ssyncset.done $0x0  }
0xa7: {  	[sflag:s12] =	ssyncadd.s32 $0xFFFFEC40  }
0xa8: {  	_ =	sfence.sel $0x180000  }
0xa9: {  	[bflag:$0x0] =	sbarrier.arrive $0xFFFF  }
0xaa: {  	_ =	strace $0x9000004D  }
0xab: {  	s0 =	stileid.u32;
	[bflag:$0x2] =	sbarrier.arrive $0xFFFF  }
0xac: {  	p0 =	sne.s32 s0, $0x0;
	s0 =	rddreg [dreg:$0x2]  }
0xad: {  	s0 =	sadd.s32 @!p0 $0x100000, s0  }
0xae: {  	[sflag:s0] =	ssyncadd.tile.s32 @!p0 $0x1;
	_ =	shalt  }
.Lfunc_end2:
_tile_overlayer_lowered:
.L_overlay_start_2:
0xaf: {  	(tag) =	ssettag $0x2  }
0xb0: {  	s0 =	rddreg [dreg:$0x0];
	s2 =	stileid.u32  }
0xb1: {  	s1 =	rddreg [dreg:$0x1];
	p0 =	sne.s32 s2, $0x0  }
0xb2: {  	s3 =	rddreg [dreg:$0x2];
	[bflag:$0x3] =	sbarrier.arrive $0xFFFF;
	s2 =	simm.s32 @!p0 $0x1C09  }
0xb3: {  	[timem:s3], [sflag:s2] =	dma.local @!p0 [hbm:s0], s1  }
0xb4: {  	s0 =	simm.s32 @!p0 $0x9  }
0xb5: {  	_ =	swait.ge @!p0 [sflag:s0], s1  }
0xb6: {  	s1 =	ssub.s32 @!p0 $0x0, s1;
	[sflag:s0] =	ssyncset.done @!p0 $0x0  }
0xb7: {  	[sflag:s0] =	ssyncadd.s32 @!p0 s1  }
0xb8: {  	[bflag:$0x3] =	sbarrier.arrive $0xFFFF  }
0xb9: {  	_ =	shalt  }

// kernel: kernel.20.cloned.1.call-start
scs
__scs_entry_jumppad:
0x0: {  	(pc) =	sbr.rel $0x88, $3  }
0x1: {  	(tag) =	ssettag $0x0;
	lr =	simm.s32 $0x1  }
0x2: {  	[smem:$0x3F8F] =	sst lr;
	_ =	strace $0xD0000000  }
0x3: {  	_ = 	snop  }
0x4: {  	_ = 	snop  }
0x5: {  	_ = 	snop  }
0x6: {  	_ = 	snop  }
0x7: {  	_ = 	snop  }
__scs_overlays_trampoline_lowered:
0x8: {  	[smem:$0x3F9E] =	sst s0  }
0x9: {  	[smem:$0x3F9F] =	sst s1  }
0xa: {  	[smem:$0x3FA0] =	sst s2  }
0xb: {  	[smem:$0x3FA1] =	sst s3  }
0xc: {  	[smem:$0x3FA2] =	sst s4  }
0xd: {  	[smem:$0x3FA3] =	sst s5  }
0xe: {  	[smem:$0x3FA4] =	sst s6  }
0xf: {  	[smem:$0x3FA5] =	sst s7  }
0x10: {  	[smem:$0x3FA6] =	sst s8  }
0x11: {  	[smem:$0x3FA7] =	sst s9;
	s0 =	simm.s32 @!p0 $0x0  }
0x12: {  	s1 =	sld [smem:$0x3F8D];
	s0 =	simm.s32 @p0 $0x1  }
0x13: {  	[smem:$0x3FA8] =	sst s0;
	s0 =	simm.s32 @!p1 $0x0  }
0x14: {  	s2 =	sld [smem:$0x3F8C];
	s0 =	simm.s32 @p1 $0x1  }
0x15: {  	[smem:$0x3FA9] =	sst s0;
	s0 =	simm.s32 @!p2 $0x0  }
0x16: {  	s3 =	sld [smem:$0x3FDB];
	s0 =	simm.s32 @p2 $0x1  }
0x17: {  	s4 =	simm.s32 $0x1BF5;
	[smem:$0x3FAB] =	sst s0  }
0x18: {  	s0 =	sld [smem:$0x3F8E];
	_ =	swait.ge [sflag:s4], $0x0  }
0x19: {  	s7 =	sld [smem:$0x3F8F]  }
0x1a: {  	s8 =	sadd.s32 $0xFFFFE003, lr  }
0x1b: {  	s9 =	sadd.s32 $0xFFFFFEF7, lr;
	s5 =	simm.s32 $0xFFFFFFFF;
	p2 =	slt.u32 s8, $0xFFFFF086  }
0x1c: {  	p1 =	slt.u32 s9, $0xF7A;
	s5 =	simm.s32 @!p2 $0x0  }
0x1d: {  	s5 =	simm.s32 @p1 $0x1;
	p0 =	seq.s32 s7, s2  }
0x1e: {  	s7 =	smul.u32 @!p0 $0xF7A, s2;
	p2 =	seq.s32 @!p0 s5, $0x0  }
0x1f: {  	s9 =	smul.u32 $0xF7A, s1;
	s8 =	simm.s32 @!p0 $0x1BF5;
	p2 =	por !p2, p0  }
0x20: {  	[sflag:s8] =	ssyncset.s32 @!p0 $0xFFFFF086;
	s6 =	sadd.s32 @!p0 s3, s7;
	s7 =	simm.s32 @!p0 $0x108  }
0x21: {  	s3 =	sadd.s32 s3, s9;
	s6 =	sadd.s32 @!p0 $0x88, s6;
	s7 =	simm.s32 @p2 $0x1082  }
0x22: {  	[simem:s7], [sflag:s8] =	dma.local @!p0 [hbm:s6], $0xF7A  }
0x23: {  	s9 =	sor.u32 $0xD0000000, s2;
	s6 =	simm.s32 $0x108;
	_ =	swait.ge @!p0 [sflag:s8], $0x0  }
0x24: {  	s3 =	sadd.s32 $0x88, s3;
	s6 =	simm.s32 @!p1 $0x1082;
	[sflag:s4] =	ssyncset.s32 $0xFFFFF086  }
0x25: {  	[simem:s6], [sflag:s4] =	dma.local [hbm:s3], $0xF7A  }
0x26: {  	[smem:$0x3F8F] =	sst s1;
	(tag) =	ssettag s2;
	_ =	strace s9  }
0x27: {  	s1 =	sld [smem:$0x3F9F]  }
0x28: {  	s2 =	sld [smem:$0x3FA0]  }
0x29: {  	s4 =	sld [smem:$0x3FA2]  }
0x2a: {  	p0 =	seq.s32 s5, $0x0;
	s5 =	sld [smem:$0x3FA3]  }
0x2b: {  	s6 =	sld [smem:$0x3FA4]  }
0x2c: {  	s7 =	sld [smem:$0x3FA5]  }
0x2d: {  	s3 =	simm.s32 $0x108;
	s8 =	sld [smem:$0x3FA6]  }
0x2e: {  	s3 =	simm.s32 @!p0 $0x1082;
	s9 =	sld [smem:$0x3FA7]  }
0x2f: {  	lr =	sadd.s32 s0, s3;
	s0 =	sld [smem:$0x3F9E]  }
0x30: {  	s3 =	sld [smem:$0x3FA1]  }
0x31: {  	[smem:$0x3FAA] =	sst s10  }
0x32: {  	s10 =	sld [smem:$0x3FA8];
	_ =	sdelay $0x3  }
0x33: {  	p0 =	seq.s32 s10, $0x1;
	s10 =	sld [smem:$0x3FAA];
	_ =	sdelay $0x3  }
0x34: {  	[smem:$0x3FAA] =	sst s10  }
0x35: {  	s10 =	sld [smem:$0x3FA9];
	_ =	sdelay $0x3  }
0x36: {  	p1 =	seq.s32 s10, $0x1;
	s10 =	sld [smem:$0x3FAA];
	_ =	sdelay $0x3  }
0x37: {  	[smem:$0x3FAA] =	sst s10  }
0x38: {  	s10 =	sld [smem:$0x3FAB]  }
0x39: {  	_ = 	snop;
	(pc) =	sbr.ind lr, $3  }
0x3a: {  	_ = 	snop  }
0x3b: {  	_ = 	snop  }
0x3c: {  	p2 =	seq.s32 s10, $0x1;
	s10 =	sld [smem:$0x3FAA]  }
0x3d: {  	_ =	shalt  }
0x3e: {  	_ =	shalt  }
0x3f: {  	_ =	shalt  }
0x40: {  	_ =	shalt  }
0x41: {  	_ =	shalt  }
0x42: {  	_ =	shalt  }
0x43: {  	_ =	shalt  }
0x44: {  	_ =	shalt  }
0x45: {  	_ =	shalt  }
0x46: {  	_ =	shalt  }
0x47: {  	_ =	shalt  }
0x48: {  	_ =	shalt  }
0x49: {  	_ =	shalt  }
0x4a: {  	_ =	shalt  }
0x4b: {  	_ =	shalt  }
0x4c: {  	_ =	shalt  }
0x4d: {  	_ =	shalt  }
0x4e: {  	_ =	shalt  }
0x4f: {  	_ =	shalt  }
0x50: {  	_ =	shalt  }
0x51: {  	_ =	shalt  }
0x52: {  	_ =	shalt  }
0x53: {  	_ =	shalt  }
0x54: {  	_ =	shalt  }
0x55: {  	_ =	shalt  }
0x56: {  	_ =	shalt  }
0x57: {  	_ =	shalt  }
0x58: {  	_ =	shalt  }
0x59: {  	_ =	shalt  }
0x5a: {  	_ =	shalt  }
0x5b: {  	_ =	shalt  }
0x5c: {  	_ =	shalt  }
0x5d: {  	_ =	shalt  }
0x5e: {  	_ =	shalt  }
0x5f: {  	_ =	shalt  }
0x60: {  	_ =	shalt  }
0x61: {  	_ =	shalt  }
0x62: {  	_ =	shalt  }
0x63: {  	_ =	shalt  }
0x64: {  	_ =	shalt  }
0x65: {  	_ =	shalt  }
0x66: {  	_ =	shalt  }
0x67: {  	_ =	shalt  }
0x68: {  	_ =	shalt  }
0x69: {  	_ =	shalt  }
0x6a: {  	_ =	shalt  }
0x6b: {  	_ =	shalt  }
0x6c: {  	_ =	shalt  }
0x6d: {  	_ =	shalt  }
0x6e: {  	_ =	shalt  }
0x6f: {  	_ =	shalt  }
0x70: {  	_ =	shalt  }
0x71: {  	_ =	shalt  }
0x72: {  	_ =	shalt  }
0x73: {  	_ =	shalt  }
0x74: {  	_ =	shalt  }
0x75: {  	_ =	shalt  }
0x76: {  	_ =	shalt  }
0x77: {  	_ =	shalt  }
0x78: {  	_ =	shalt  }
0x79: {  	_ =	shalt  }
0x7a: {  	_ =	shalt  }
0x7b: {  	_ =	shalt  }
0x7c: {  	_ =	shalt  }
0x7d: {  	_ =	shalt  }
0x7e: {  	_ =	shalt  }
0x7f: {  	_ =	shalt  }
0x80: {  	_ =	shalt  }
0x81: {  	_ =	shalt  }
0x82: {  	_ =	shalt  }
0x83: {  	_ =	shalt  }
0x84: {  	_ =	shalt  }
0x85: {  	_ =	shalt  }
0x86: {  	_ =	shalt  }
0x87: {  	_ =	shalt  }
.Lfunc_end0:
.L_simem_size_0:
called_computation.3_lowered:
.L_overlay_start_0:
0x88: {  	s2 =	sld [smem:$0x3FD9]  }
0x89: {  	s3 =	sld [smem:$0x3FFE];
	_ =	sdelay $0x1  }
0x8a: {  	s1 =	srdreg.scid  }
0x8b: {  	s0 =	sand.u32 $0x1, s1  }
0x8c: {  	s16 =	sshll.u32 s0, $0xA;
	s2 =	sadd.s32 s3, s2  }
0x8d: {  	s2 =	sadd.s32 s2, s16  }
0x8e: {  	[smem:$0x3FB6] =	sst s2  }
0x8f: {  	_ = 	snop  }
0x90: {  	(tm) =	ssettm $0x1  }
0x91: {  	s17 =	sld [smem:$0x3FFB];
	_ =	sdelay $0x3  }
0x92: {  	_ =	strace s17  }
0x93: {  	s2 =	sld [smem:$0x3FFC];
	_ =	sdelay $0x3  }
0x94: {  	_ =	strace s2  }
0x95: {  	s2 =	sld [smem:$0x3FFD];
	_ =	sdelay $0x3  }
0x96: {  	_ =	strace s2  }
0x97: {  	_ =	strace $0x8FFFFFFF  }
0x98: {  	s18 =	sld [smem:$0x3FDB];
	_ =	sdelay $0x1  }
0x99: {  	s19 =	simm.s32 $_scs_section_size  }
0x9a: {  	s4 =	simm.s32 $_size__tile_overlayer_lowered;
	s5 =	simm.s32 $_tile_overlayer_lowered  }
0x9b: {  	s22 =	simm.s32 $0x1BFF;
	s21 =	sshll.u32 s5, $0x1;
	s2 =	sadd.s32 s19, s18  }
0x9c: {  	s6 =	simm.s32 $0x0;
	s20 =	sshll.u32 s4, $0x1;
	s4 =	sadd.s32 s21, s2  }
0x9d: {  	[timem:s6], [sflag:s22] =	dma.local [hbm:s4], s20  }
0x9e: {  	_ =	swait.ge [sflag:s22], s20  }
0x9f: {  	s3 =	ssub.s32 $0x0, s20;
	[sflag:s22] =	ssyncset.done $0x0  }
0xa0: {  	[sflag:s22] =	ssyncadd.s32 s3;
	_ =	sdelay $0x1  }
0xa1: {  	s23 =	simm.s32 $0x1B8B  }
0xa2: {  	_ =	swait.ge [sflag:s23], $0x1  }
0xa3: {  	[sflag:s23] =	ssyncset.done $0x0  }
0xa4: {  	s25 =	simm.s32 $0x1B8E;
	s24 =	sld [smem:$0x3FFE];
	[sflag:s23] =	ssyncadd.s32 $0xFFFFFFFF  }
0xa5: {  	s26 =	simm.s32 $execute0_lowered;
	[smem:$0x3FD2] =	sst s25  }
0xa6: {  	s4 =	sshll.u32 s26, $0x1;
	_ =	strace $0x8000004F;
	[dreg:$0x1] =	wrdreg $0xFFFFFFFF  }
0xa7: {  	s28 =	simm.s32 $_size_execute0_lowered;
	s2 =	sadd.s32 s2, s4;
	[dreg:$0x0] =	wrdreg $0x0  }
0xa8: {  	s4 =	sshll.u32 s28, $0x1;
	[dreg:$0x2] =	wrdreg s2  }
0xa9: {  	[dreg:$0x3] =	wrdreg s4  }
0xaa: {  	[dreg:$0x4] =	wrdreg $0xC0  }
0xab: {  	_ =	task [dreg:s6], $0x5FFFF  }
0xac: {  	[dreg:$0x1] =	wrdreg $0xFFFFFFFF  }
0xad: {  	[dreg:$0x0] =	wrdreg $0x60  }
0xae: {  	[dreg:$0x2] =	wrdreg s24  }
0xaf: {  	[dreg:$0x3] =	wrdreg $0x0  }
0xb0: {  	[dreg:$0x4] =	wrdreg $0x9  }
0xb1: {  	_ =	task.clear_ibuf [dreg:s6], $0x5FFFF;
	_ =	strace $0x9000004F  }
0xb2: {  	s29 =	simm.s32 $0x9;
	_ =	strace $0x80000051  }
0xb3: {  	_ =	swait.ge [sflag:s29], $0x1  }
0xb4: {  	[sflag:s29] =	ssyncadd.s32 $0xFFFFFFFF  }
0xb5: {  	_ =	strace $0x90000051  }
0xb6: {  	_ =	sfence  }
0xb7: {  	s30 =	sld [smem:$0x0];
	_ =	sdelay $0x2  }
0xb8: {  	s31 =	sshll.u32 s1, $0xD;
	s1 =	sshrl.u32 s1, $0x2  }
0xb9: {  	s3 =	sand.u32 $0x4000, s31;
	s1 =	sadd.s32 s1, s30  }
0xba: {  	s0 =	sor.u32 s3, s0;
	s1 =	sshll.u32 s1, $0x11  }
0xbb: {  	s0 =	sor.u32 s1, s0  }
0xbc: {  	s0 =	sadd.s32 $0x8F2B, s0  }
0xbd: {  	[sflag:s0] =	ssyncadd.remote.s32 $0x1  }
0xbe: {  	_ =	sfence.sel $0xFFFF  }
0xbf: {  	[dreg:$0x0] =	wrdreg $0xFFFFFFFF;
	(pc) =	sbr.abs _section_cstart, $3  }
0xc0: {  	[dreg:$0x1] =	wrdreg $0xFFFFFFFF  }
0xc1: {  	_ =	task.clear_ibuf [dreg:s6], $0x2FFFF;
	_ =	strace $0x9FFFFFFF  }
0xc2: {  	(tm) =	ssettm $0x7FFFFFFF  }
0xc3: {  	_ =	shalt  }
tec
execute0_lowered:
.L_overlay_start_1:
0x0: {  	(tag) =	ssettag $0x1  }
0x1: {  	s0 =	srdreg.scid;
	s6 =	rddreg [dreg:$0x0]  }
0x2: {  	s10 =	stileid.u32;
	s2 =	rddreg [dreg:$0x1];
	s3 =	simm.s32 $0x0  }
0x3: {  	s12 =	simm.s32 $0x9;
	s13 =	simm.s32 $0x9E00;
	s14 =	simm.s32 $0xC600  }
0x4: {  	s15 =	simm.s32 $0x100;
	s16 =	simm.s32 $0xEE00;
	s18 =	simm.s32 $0x12E00  }
0x5: {  	s20 =	simm.s32 $0x16E00;
	s22 =	simm.s32 $0x1AE00;
	s23 =	simm.s32 $0x1  }
0x6: {  	s29 =	simm.s32 $0x6;
	s31 =	simm.s32 $0x3;
	s19 =	simm.s32 $0x4  }
0x7: {  	s28 =	simm.s32 $0x10;
	s30 =	simm.s32 $0x0;
	s0 =	sand.u32 $0x1, s0  }
0x8: {  	s1 =	sshll.u32 s10, $0x1;
	[smem:$0x7FF] =	sst s3;
	s7 =	smul.u32 $0x13C00, s10  }
0x9: {  	s4 =	sadd.s32 $0x3000, s6;
	s8 =	smul.u32 $0x27800, s10;
	s26 =	sshll.u32 s10, $0x6  }
0xa: {  	s1 =	sor.u32 s0, s1;
	s5 =	smul.u32 $0x13C000, s0;
	s0 =	ssub.s32 $0x2, s0  }
0xb: {  	_ =	strace $0x80000050;
	s1 =	smul.u32 $0x500, s1;
	s24 =	sshrl.u32 s0, $0x1  }
0xc: {  	s25 =	sshrl.u32 s8, $0x2;
	s5 =	sadd.s32 s7, s5;
	s0 =	ssub.s32 s0, s24  }
0xd: {  	s11 =	sadd.s32 s25, s2;
	s24 =	simm.s32 $0x5;
	s25 =	simm.s32 $0x8  }
0xe: {  	s1 =	sadd.s32 s1, s6;
	s7 =	sshrl.u32 s5, $0x3;
	s5 =	sadd.s32 $0x2AC00, s6  }
0xf: {  	s10 =	smax.u32 s0, $0x1;
	s11 =	sshrl.u32 s11, $0x3;
	s0 =	simm.s32 $0x7  }
0x10: {  	s9 =	sadd.s32 s7, s6;
	s6 =	sor.u32 $0x1C09, s26;
	s7 =	sadd.s32 $0x16C00, s1  }
0x11: {  	s8 =	sadd.s32 $0x20C00, s1;
	s26 =	simm.s32 $0x2;
	s9 =	sadd.s32 $0x2C000, s9  }
.LBB2_1:
0x12: {  	[spmem:s11], [sflag:s6] =	dma.local [hbm:s5], $0x13C0  }
0x13: {  	_ =	swait.ge [sflag:s12], $0x13C0  }
0x14: {  	[sflag:s12] =	ssyncset.done $0x0  }
0x15: {  	[sflag:s12] =	ssyncadd.s32 $0xFFFFEC40  }
0x16: {  	[tilespmem:s13], [sflag:$0x9] =	stream.linear.gather [hbm4b:s7+s3], $0x2800, $0x38;
	[tilespmem:$0x1EE00] =	vst v63  }
0x17: {  	_ =	swait.ge [sflag:s12], $0x2800  }
0x18: {  	[sflag:s12] =	ssyncset.done $0x0  }
0x19: {  	[sflag:s12] =	ssyncadd.s32 $0xFFFFD800  }
0x1a: {  	[tilespmem:s14], [sflag:$0x9] =	stream.linear.gather [hbm4b:s8+s3], $0x2800, $0x38;
	[tilespmem:$0x1EE00] =	vst v63  }
0x1b: {  	_ =	swait.ge [sflag:s12], $0x2800  }
0x1c: {  	[sflag:s12] =	ssyncset.done $0x0  }
0x1d: {  	[sflag:s12] =	ssyncadd.s32 $0xFFFFD800  }
0x1e: {  	[bflag:$0x0] =	sbarrier.arrive $0xFFFF  }
0x1f: {  	[tilespmem:s16], [sflag:$0x1] =	stream.indirect.gather [hbm4b:s4+s15], $0x40, s13, s15, $0xb8;
	[tilespmem:$0x1EE00] =	vst v63  }
0x20: {  	s1 =	simm.s32 $0x9F00  }
0x21: {  	[tilespmem:s18], [sflag:$0x2] =	stream.indirect.gather [hbm4b:s4+s15], $0x40, s1, s15, $0xb8;
	[tilespmem:$0x1EE00] =	vst v63  }
0x22: {  	s21 =	simm.s32 $0xA000  }
0x23: {  	[tilespmem:s20], [sflag:$0x3] =	stream.indirect.gather [hbm4b:s4+s15], $0x40, s21, s15, $0xb8;
	[tilespmem:$0x1EE00] =	vst v63  }
0x24: {  	s17 =	simm.s32 $0xA100  }
0x25: {  	[tilespmem:s22], [sflag:$0x4] =	stream.indirect.gather [hbm4b:s4+s15], $0x40, s17, s15, $0xb8;
	[tilespmem:$0x1EE00] =	vst v63  }
0x26: {  	_ =	swait.ge [sflag:s23], $0x4000  }
0x27: {  	[sflag:s23] =	ssyncset.done $0x0  }
0x28: {  	[sflag:s23] =	ssyncadd.s32 $0xFFFFC000  }
0x29: {  	[spmem:s2] =	stream.indirect.scatter.add.f32 [tilespmem:s16], [sflag:$0x5], $0x40, s14, s15, $0xb8;
	[tilespmem:$0x1EE00] =	vst v63  }
0x2a: {  	_ =	swait.ge [sflag:s24], $0x4000  }
0x2b: {  	[sflag:s24] =	ssyncset.done $0x0  }
0x2c: {  	s21 =	simm.s32 $0xA200;
	[sflag:s24] =	ssyncadd.s32 $0xFFFFC000  }
0x2d: {  	[tilespmem:s16], [sflag:$0x1] =	stream.indirect.gather [hbm4b:s4+s15], $0x40, s21, s15, $0xb8;
	[tilespmem:$0x1EE00] =	vst v63  }
0x2e: {  	_ =	swait.ge [sflag:s26], $0x4000  }
0x2f: {  	[sflag:s26] =	ssyncset.done $0x0  }
0x30: {  	s17 =	simm.s32 $0xC700;
	[sflag:s26] =	ssyncadd.s32 $0xFFFFC000  }
0x31: {  	[spmem:s2] =	stream.indirect.scatter.add.f32 [tilespmem:s18], [sflag:$0x6], $0x40, s17, s15, $0xb8;
	[tilespmem:$0x1EE00] =	vst v63  }
0x32: {  	_ =	swait.ge [sflag:s29], $0x4000  }
0x33: {  	[sflag:s29] =	ssyncset.done $0x0  }
0x34: {  	s21 =	simm.s32 $0xA300;
	[sflag:s29] =	ssyncadd.s32 $0xFFFFC000  }
0x35: {  	[tilespmem:s18], [sflag:$0x2] =	stream.indirect.gather [hbm4b:s4+s15], $0x40, s21, s15, $0xb8;
	[tilespmem:$0x1EE00] =	vst v63  }
0x36: {  	_ =	swait.ge [sflag:s31], $0x4000  }
0x37: {  	[sflag:s31] =	ssyncset.done $0x0  }
0x38: {  	s17 =	simm.s32 $0xC800;
	[sflag:s31] =	ssyncadd.s32 $0xFFFFC000  }
0x39: {  	[spmem:s2] =	stream.indirect.scatter.add.f32 [tilespmem:s20], [sflag:$0x7], $0x40, s17, s15, $0xb8;
	[tilespmem:$0x1EE00] =	vst v63  }
0x3a: {  	_ =	swait.ge [sflag:s0], $0x4000  }
0x3b: {  	[sflag:s0] =	ssyncset.done $0x0  }
0x3c: {  	s21 =	simm.s32 $0xA400;
	[sflag:s0] =	ssyncadd.s32 $0xFFFFC000  }
0x3d: {  	[tilespmem:s20], [sflag:$0x3] =	stream.indirect.gather [hbm4b:s4+s15], $0x40, s21, s15, $0xb8;
	[tilespmem:$0x1EE00] =	vst v63  }
0x3e: {  	_ =	swait.ge [sflag:s19], $0x4000  }
0x3f: {  	[sflag:s19] =	ssyncset.done $0x0  }
0x40: {  	s17 =	simm.s32 $0xC900;
	[sflag:s19] =	ssyncadd.s32 $0xFFFFC000  }
0x41: {  	[spmem:s2] =	stream.indirect.scatter.add.f32 [tilespmem:s22], [sflag:$0x8], $0x40, s17, s15, $0xb8;
	[tilespmem:$0x1EE00] =	vst v63  }
0x42: {  	_ =	swait.ge [sflag:s25], $0x4000  }
0x43: {  	[sflag:s25] =	ssyncset.done $0x0  }
0x44: {  	s21 =	simm.s32 $0xA500;
	[sflag:s25] =	ssyncadd.s32 $0xFFFFC000  }
0x45: {  	[tilespmem:s22], [sflag:$0x4] =	stream.indirect.gather [hbm4b:s4+s15], $0x40, s21, s15, $0xb8;
	[tilespmem:$0x1EE00] =	vst v63  }
0x46: {  	_ =	swait.ge [sflag:s23], $0x4000  }
0x47: {  	[sflag:s23] =	ssyncset.done $0x0  }
0x48: {  	s17 =	simm.s32 $0xCA00;
	[sflag:s23] =	ssyncadd.s32 $0xFFFFC000  }
0x49: {  	[spmem:s2] =	stream.indirect.scatter.add.f32 [tilespmem:s16], [sflag:$0x5], $0x40, s17, s15, $0xb8;
	[tilespmem:$0x1EE00] =	vst v63  }
0x4a: {  	_ =	swait.ge [sflag:s24], $0x4000  }
0x4b: {  	[sflag:s24] =	ssyncset.done $0x0  }
0x4c: {  	s21 =	simm.s32 $0xA600;
	[sflag:s24] =	ssyncadd.s32 $0xFFFFC000  }
0x4d: {  	[tilespmem:s16], [sflag:$0x1] =	stream.indirect.gather [hbm4b:s4+s15], $0x40, s21, s15, $0xb8;
	[tilespmem:$0x1EE00] =	vst v63  }
0x4e: {  	_ =	swait.ge [sflag:s26], $0x4000  }
0x4f: {  	[sflag:s26] =	ssyncset.done $0x0  }
0x50: {  	s17 =	simm.s32 $0xCB00;
	[sflag:s26] =	ssyncadd.s32 $0xFFFFC000  }
0x51: {  	[spmem:s2] =	stream.indirect.scatter.add.f32 [tilespmem:s18], [sflag:$0x6], $0x40, s17, s15, $0xb8;
	[tilespmem:$0x1EE00] =	vst v63  }
0x52: {  	_ =	swait.ge [sflag:s29], $0x4000  }
0x53: {  	[sflag:s29] =	ssyncset.done $0x0  }
0x54: {  	s21 =	simm.s32 $0xA700;
	[sflag:s29] =	ssyncadd.s32 $0xFFFFC000  }
0x55: {  	[tilespmem:s18], [sflag:$0x2] =	stream.indirect.gather [hbm4b:s4+s15], $0x40, s21, s15, $0xb8;
	[tilespmem:$0x1EE00] =	vst v63  }
0x56: {  	_ =	swait.ge [sflag:s31], $0x4000  }
0x57: {  	[sflag:s31] =	ssyncset.done $0x0  }
0x58: {  	s17 =	simm.s32 $0xCC00;
	[sflag:s31] =	ssyncadd.s32 $0xFFFFC000  }
0x59: {  	[spmem:s2] =	stream.indirect.scatter.add.f32 [tilespmem:s20], [sflag:$0x7], $0x40, s17, s15, $0xb8;
	[tilespmem:$0x1EE00] =	vst v63  }
0x5a: {  	_ =	swait.ge [sflag:s0], $0x4000  }
0x5b: {  	[sflag:s0] =	ssyncset.done $0x0  }
0x5c: {  	s21 =	simm.s32 $0xA800;
	[sflag:s0] =	ssyncadd.s32 $0xFFFFC000  }
0x5d: {  	[tilespmem:s20], [sflag:$0x3] =	stream.indirect.gather [hbm4b:s4+s15], $0x40, s21, s15, $0xb8;
	[tilespmem:$0x1EE00] =	vst v63  }
0x5e: {  	_ =	swait.ge [sflag:s19], $0x4000  }
0x5f: {  	[sflag:s19] =	ssyncset.done $0x0  }
0x60: {  	s1 =	simm.s32 $0x1000;
	s17 =	simm.s32 $0xCD00;
	[sflag:s19] =	ssyncadd.s32 $0xFFFFC000  }
.LBB2_2:
0x61: {  	[spmem:s2] =	stream.indirect.scatter.add.f32 [tilespmem:s22], [sflag:$0x8], $0x40, s17, s15, $0xb8;
	[tilespmem:$0x1EE00] =	vst v63  }
0x62: {  	s17 =	smov.u32 s1  }
0x63: {  	p0 =	sne.s32 s1, $0x7000;
	s1 =	sadd.s32 $0x1000, s1;
	_ =	swait.ge [sflag:s25], $0x4000  }
0x64: {  	s17 =	sshra.s32 s17, $0x2;
	[sflag:s25] =	ssyncset.done $0x0  }
0x65: {  	s21 =	sadd.s32 $0xA500, s17;
	[sflag:s25] =	ssyncadd.s32 $0xFFFFC000  }
0x66: {  	[tilespmem:s22], [sflag:$0x4] =	stream.indirect.gather [hbm4b:s4+s15], $0x40, s21, s15, $0xb8;
	[tilespmem:$0x1EE00] =	vst v63  }
0x67: {  	_ =	swait.ge [sflag:s23], $0x4000  }
0x68: {  	[sflag:s23] =	ssyncset.done $0x0  }
0x69: {  	s21 =	sadd.s32 $0xCA00, s17;
	[sflag:s23] =	ssyncadd.s32 $0xFFFFC000  }
0x6a: {  	[spmem:s2] =	stream.indirect.scatter.add.f32 [tilespmem:s16], [sflag:$0x5], $0x40, s21, s15, $0xb8;
	[tilespmem:$0x1EE00] =	vst v63  }
0x6b: {  	_ =	swait.ge [sflag:s24], $0x4000  }
0x6c: {  	[sflag:s24] =	ssyncset.done $0x0  }
0x6d: {  	s21 =	sadd.s32 $0xA600, s17;
	[sflag:s24] =	ssyncadd.s32 $0xFFFFC000  }
0x6e: {  	[tilespmem:s16], [sflag:$0x1] =	stream.indirect.gather [hbm4b:s4+s15], $0x40, s21, s15, $0xb8;
	[tilespmem:$0x1EE00] =	vst v63  }
0x6f: {  	_ =	swait.ge [sflag:s26], $0x4000  }
0x70: {  	[sflag:s26] =	ssyncset.done $0x0  }
0x71: {  	s21 =	sadd.s32 $0xCB00, s17;
	[sflag:s26] =	ssyncadd.s32 $0xFFFFC000  }
0x72: {  	[spmem:s2] =	stream.indirect.scatter.add.f32 [tilespmem:s18], [sflag:$0x6], $0x40, s21, s15, $0xb8;
	[tilespmem:$0x1EE00] =	vst v63  }
0x73: {  	_ =	swait.ge [sflag:s29], $0x4000  }
0x74: {  	[sflag:s29] =	ssyncset.done $0x0  }
0x75: {  	s21 =	sadd.s32 $0xA700, s17;
	[sflag:s29] =	ssyncadd.s32 $0xFFFFC000  }
0x76: {  	[tilespmem:s18], [sflag:$0x2] =	stream.indirect.gather [hbm4b:s4+s15], $0x40, s21, s15, $0xb8;
	[tilespmem:$0x1EE00] =	vst v63  }
0x77: {  	_ =	swait.ge [sflag:s31], $0x4000  }
0x78: {  	[sflag:s31] =	ssyncset.done $0x0  }
0x79: {  	s21 =	sadd.s32 $0xCC00, s17;
	[sflag:s31] =	ssyncadd.s32 $0xFFFFC000  }
0x7a: {  	[spmem:s2] =	stream.indirect.scatter.add.f32 [tilespmem:s20], [sflag:$0x7], $0x40, s21, s15, $0xb8;
	[tilespmem:$0x1EE00] =	vst v63  }
0x7b: {  	_ =	swait.ge [sflag:s0], $0x4000  }
0x7c: {  	[sflag:s0] =	ssyncset.done $0x0  }
.Ltmp0:
0x7d: {  	s21 =	sadd.s32 $0xA800, s17;
	[sflag:s0] =	ssyncadd.s32 $0xFFFFC000;
	(pc) =	sbr.rel @p0 .LBB2_2-.Ltmp0, $4  }
0x7e: {  	[tilespmem:s20], [sflag:$0x3] =	stream.indirect.gather [hbm4b:s4+s15], $0x40, s21, s15, $0xb8;
	[tilespmem:$0x1EE00] =	vst v63  }
0x7f: {  	_ =	swait.ge [sflag:s19], $0x4000  }
0x80: {  	[sflag:s19] =	ssyncset.done $0x0  }
0x81: {  	s17 =	sadd.s32 $0xCD00, s17;
	[sflag:s19] =	ssyncadd.s32 $0xFFFFC000  }
0x82: {  	[spmem:s2] =	stream.indirect.scatter.add.f32 [tilespmem:s22], [sflag:$0x8], $0x40, s17, s15, $0xb8;
	[tilespmem:$0x1EE00] =	vst v63  }
0x83: {  	_ =	swait.ge [sflag:s25], $0x4000  }
0x84: {  	[sflag:s25] =	ssyncset.done $0x0  }
0x85: {  	s1 =	simm.s32 $0xC500;
	[sflag:s25] =	ssyncadd.s32 $0xFFFFC000  }
0x86: {  	[tilespmem:s22], [sflag:$0x4] =	stream.indirect.gather [hbm4b:s4+s15], $0x40, s1, s15, $0xb8;
	[tilespmem:$0x1EE00] =	vst v63  }
0x87: {  	_ =	swait.ge [sflag:s23], $0x4000  }
0x88: {  	[sflag:s23] =	ssyncset.done $0x0  }
0x89: {  	s17 =	simm.s32 $0xEA00;
	[sflag:s23] =	ssyncadd.s32 $0xFFFFC000  }
0x8a: {  	[spmem:s2] =	stream.indirect.scatter.add.f32 [tilespmem:s16], [sflag:$0x5], $0x40, s17, s15, $0xb8;
	[tilespmem:$0x1EE00] =	vst v63  }
0x8b: {  	_ =	swait.ge [sflag:s26], $0x4000  }
0x8c: {  	[sflag:s26] =	ssyncset.done $0x0  }
0x8d: {  	s21 =	simm.s32 $0xEB00;
	[sflag:s26] =	ssyncadd.s32 $0xFFFFC000  }
0x8e: {  	[spmem:s2] =	stream.indirect.scatter.add.f32 [tilespmem:s18], [sflag:$0x6], $0x40, s21, s15, $0xb8;
	[tilespmem:$0x1EE00] =	vst v63  }
0x8f: {  	_ =	swait.ge [sflag:s31], $0x4000  }
0x90: {  	[sflag:s31] =	ssyncset.done $0x0  }
0x91: {  	s17 =	simm.s32 $0xEC00;
	[sflag:s31] =	ssyncadd.s32 $0xFFFFC000  }
0x92: {  	[spmem:s2] =	stream.indirect.scatter.add.f32 [tilespmem:s20], [sflag:$0x7], $0x40, s17, s15, $0xb8;
	[tilespmem:$0x1EE00] =	vst v63  }
0x93: {  	_ =	swait.ge [sflag:s19], $0x4000  }
0x94: {  	[sflag:s19] =	ssyncset.done $0x0  }
0x95: {  	s21 =	simm.s32 $0xED00;
	[sflag:s19] =	ssyncadd.s32 $0xFFFFC000  }
0x96: {  	[spmem:s2] =	stream.indirect.scatter.add.f32 [tilespmem:s22], [sflag:$0x8], $0x40, s21, s15, $0xb8;
	[tilespmem:$0x1EE00] =	vst v63  }
0x97: {  	_ =	swait.ge [sflag:s24], $0x4000  }
0x98: {  	[sflag:s24] =	ssyncset.done $0x0  }
0x99: {  	[sflag:s24] =	ssyncadd.s32 $0xFFFFC000  }
0x9a: {  	_ =	swait.ge [sflag:s29], $0x4000  }
0x9b: {  	[sflag:s29] =	ssyncset.done $0x0  }
0x9c: {  	[sflag:s29] =	ssyncadd.s32 $0xFFFFC000  }
0x9d: {  	_ =	swait.ge [sflag:s0], $0x4000  }
0x9e: {  	[sflag:s0] =	ssyncset.done $0x0  }
0x9f: {  	[sflag:s0] =	ssyncadd.s32 $0xFFFFC000  }
0xa0: {  	_ =	swait.ge [sflag:s25], $0x4000  }
0xa1: {  	s30 =	sadd.s32 $0x1, s30;
	[sflag:s25] =	ssyncset.done $0x0  }
0xa2: {  	p0 =	sne.s32 s30, s10;
	[sflag:s25] =	ssyncadd.s32 $0xFFFFC000  }
.Ltmp1:
0xa3: {  	[bflag:$0x0] =	sbarrier.arrive $0xFFFF;
	(pc) =	sbr.rel @p0 .LBB2_1-.Ltmp1, $4  }
0xa4: {  	[hbm:s9@s28], [sflag:s6] =	dma.strided [spmem:s11@s25], $0x13C0, s23, $0x8   }
0xa5: {  	_ =	swait.ge [sflag:s12], $0x13C0  }
0xa6: {  	[sflag:s12] =	ssyncset.done $0x0  }
0xa7: {  	[sflag:s12] =	ssyncadd.s32 $0xFFFFEC40  }
0xa8: {  	_ =	sfence.sel $0x180000  }
0xa9: {  	[bflag:$0x0] =	sbarrier.arrive $0xFFFF  }
0xaa: {  	_ =	strace $0x90000050  }
0xab: {  	s0 =	stileid.u32;
	[bflag:$0x2] =	sbarrier.arrive $0xFFFF  }
0xac: {  	p0 =	sne.s32 s0, $0x0;
	s0 =	rddreg [dreg:$0x2]  }
0xad: {  	s0 =	sadd.s32 @!p0 $0x100000, s0  }
0xae: {  	[sflag:s0] =	ssyncadd.tile.s32 @!p0 $0x1;
	_ =	shalt  }
.Lfunc_end2:
_tile_overlayer_lowered:
.L_overlay_start_2:
0xaf: {  	(tag) =	ssettag $0x2  }
0xb0: {  	s0 =	rddreg [dreg:$0x0];
	s2 =	stileid.u32  }
0xb1: {  	s1 =	rddreg [dreg:$0x1];
	p0 =	sne.s32 s2, $0x0  }
0xb2: {  	s3 =	rddreg [dreg:$0x2];
	[bflag:$0x3] =	sbarrier.arrive $0xFFFF;
	s2 =	simm.s32 @!p0 $0x1C09  }
0xb3: {  	[timem:s3], [sflag:s2] =	dma.local @!p0 [hbm:s0], s1  }
0xb4: {  	s0 =	simm.s32 @!p0 $0x9  }
0xb5: {  	_ =	swait.ge @!p0 [sflag:s0], s1  }
0xb6: {  	s1 =	ssub.s32 @!p0 $0x0, s1;
	[sflag:s0] =	ssyncset.done @!p0 $0x0  }
0xb7: {  	[sflag:s0] =	ssyncadd.s32 @!p0 s1  }
0xb8: {  	[bflag:$0x3] =	sbarrier.arrive $0xFFFF  }
0xb9: {  	_ =	shalt  }

</sc_bundles>
